<compile_context>
chip_gen: v7x
topology: tpu7x:2x2x1
jax: 0.10.2.dev20260603
libtpu: 0.0.44.dev20260713+nightly
codegen_flags: <defaults>
</compile_context>

<pallas_src>
import functools

import jax
import jax.numpy as jnp
from jax import lax
from jax.experimental import pallas as pl
from jax.experimental.pallas import tpu as pltpu
from jax.experimental.pallas import tpu_sc as plsc

N_NODES = 10000
H = 256
HH = 128
NUM_ET = 16
CHUNK = 80
N_CHUNKS = 128
EDGES_PER_SUB = N_CHUNKS * CHUNK
E_PAD = 16 * EDGES_PER_SUB
N_PAD = 10240

_ROW_BLK = 1000
_DEG_BLK = 8000



def _pre_body(x_ref, w1_ref, emb_ref, w2_ref, bm_ref, dst_ref,
              y_ref, t_ref, deg_ref):
    b = pl.program_id(0)
    n = pl.num_programs(0)
    y_ref[...] = jnp.dot(x_ref[...], w1_ref[...],
                         preferred_element_type=jnp.float32)

    @pl.when(b % 10 == 0)
    def _():
        t_ref[...] = jnp.dot(emb_ref[...], w2_ref[...],
                             preferred_element_type=jnp.float32) + bm_ref[...]

    @pl.when(b == 0)
    def _():
        deg_ref[...] = jnp.zeros_like(deg_ref)

    d = dst_ref[...]
    hi = d // HH
    lo = d - hi * HH
    a = (hi == lax.broadcasted_iota(jnp.int32, (_DEG_BLK, N_PAD // HH), 1)
         ).astype(jnp.float32)
    bb = (lo == lax.broadcasted_iota(jnp.int32, (_DEG_BLK, HH), 1)
          ).astype(jnp.float32)
    deg_ref[...] += lax.dot_general(a, bb, (((0,), (0,)), ((), ())),
                                    preferred_element_type=jnp.float32)

    @pl.when(b == n - 1)
    def _():
        deg_ref[...] = 1.0 / jnp.maximum(deg_ref[...], 1.0)


_pre = pl.pallas_call(
    _pre_body,
    grid=(20,),
    in_specs=[
        pl.BlockSpec((_ROW_BLK, H), lambda b: (b % 10, 0)),
        pl.BlockSpec((H, HH), lambda b: (0, b // 10)),
        pl.BlockSpec((NUM_ET, NUM_ET), lambda b: (0, 0)),
        pl.BlockSpec((NUM_ET, HH), lambda b: (0, b // 10)),
        pl.BlockSpec((1, HH), lambda b: (0, b // 10)),
        pl.BlockSpec((_DEG_BLK, 1), lambda b: (b, 0)),
    ],
    out_specs=[
        pl.BlockSpec((_ROW_BLK, HH), lambda b: (b, 0)),
        pl.BlockSpec((NUM_ET, HH), lambda b: (b // 10, 0)),
        pl.BlockSpec((N_PAD // HH, HH), lambda b: (0, 0)),
    ],
    out_shape=[
        jax.ShapeDtypeStruct((2 * N_NODES, HH), jnp.float32),
        jax.ShapeDtypeStruct((2 * NUM_ET, HH), jnp.float32),
        jax.ShapeDtypeStruct((N_PAD // HH, HH), jnp.float32),
    ],
)



_SC_MESH = plsc.VectorSubcoreMesh(core_axis_name="c", subcore_axis_name="s")


@functools.partial(
    pl.kernel,
    mesh=_SC_MESH,
    out_type=jax.ShapeDtypeStruct((2 * N_NODES, HH), jnp.float32),
    scratch_types=[
        pltpu.VMEM((CHUNK, HH), jnp.float32),
        pltpu.VMEM((CHUNK, HH), jnp.float32),
        pltpu.VMEM((CHUNK, HH), jnp.float32),
        pltpu.VMEM((CHUNK, HH), jnp.float32),
        pltpu.VMEM((NUM_ET, HH), jnp.float32),
        pltpu.VMEM((CHUNK,), jnp.int32),
        pltpu.VMEM((CHUNK,), jnp.int32),
        pltpu.VMEM((CHUNK,), jnp.int32),
        pltpu.VMEM((CHUNK,), jnp.int32),
        pltpu.VMEM((CHUNK,), jnp.int32),
        pltpu.VMEM((CHUNK,), jnp.int32),
        pltpu.VMEM((CHUNK + 16,), jnp.int32),
        pltpu.VMEM((CHUNK + 16,), jnp.int32),
        pltpu.VMEM_SHARED((N_PAD, HH), jnp.float32),
        pltpu.SemaphoreType.DMA,
        pltpu.SemaphoreType.DMA,
        pltpu.SemaphoreType.DMA,
        pltpu.SemaphoreType.DMA,
        pltpu.SemaphoreType.DMA,
        pltpu.SemaphoreType.DMA,
    ],
)
def _sc_edges(y_hbm, t_hbm, src_hbm, dst_hbm, et_hbm, out_hbm,
              y0, y1, m0, m1, tloc, sb0, sb1, db0, db1, db2, db3,
              eb0, eb1, aggs, gs0, gs1, is0, is1, ss0, ss1):
    c = lax.axis_index("c")
    s = lax.axis_index("s")
    ybuf = (y0, y1)
    mbuf = (m0, m1)
    sbuf = (sb0, sb1)
    dbuf = (db0, db1, db2, db3)
    ebuf = (eb0, eb1)
    gsem = (gs0, gs1)
    isem = (is0, is1)
    ssem = (ss0, ss1)

    zero16 = jnp.zeros((16,), jnp.float32)

    def zrow(r, carry):
        for j in range(HH // 16):
            m0[r, pl.ds(j * 16, 16)] = zero16
            m1[r, pl.ds(j * 16, 16)] = zero16
        return carry

    lax.fori_loop(0, CHUNK, zrow, 0)

    rows_per_sub = N_PAD // 16
    for i in range(rows_per_sub // CHUNK):
        pltpu.sync_copy(m0, aggs.at[pl.ds(s * rows_per_sub + i * CHUNK,
                                          CHUNK)])

    pltpu.sync_copy(t_hbm.at[pl.ds(c * NUM_ET, NUM_ET)], tloc)
    plsc.subcore_barrier()

    def src_base(g):
        return ((c * 16 + s) * N_CHUNKS + g) * CHUNK

    def ds_base(g):
        return (s * N_CHUNKS + g) * CHUNK

    def ifetch(g, b, q):
        pltpu.async_copy(src_hbm.at[pl.ds(src_base(g), CHUNK)], sbuf[b],
                         isem[b])
        pltpu.async_copy(dst_hbm.at[pl.ds(ds_base(g), CHUNK)], dbuf[q],
                         isem[b])
        pltpu.async_copy(et_hbm.at[pl.ds(ds_base(g), CHUNK)],
                         ebuf[b].at[pl.ds(0, CHUNK)], isem[b])

    def iwait(g, b, q):
        pltpu.make_async_copy(src_hbm.at[pl.ds(src_base(g), CHUNK)], sbuf[b],
                              isem[b]).wait()
        pltpu.make_async_copy(dst_hbm.at[pl.ds(ds_base(g), CHUNK)], dbuf[q],
                              isem[b]).wait()
        pltpu.make_async_copy(et_hbm.at[pl.ds(ds_base(g), CHUNK)],
                              ebuf[b].at[pl.ds(0, CHUNK)], isem[b]).wait()

    def gather(b):
        pltpu.async_copy(y_hbm.at[sbuf[b]], ybuf[b], gsem[b])

    def gwait(b):
        pltpu.make_async_copy(y_hbm.at[sbuf[b]], ybuf[b], gsem[b]).wait()

    def scatter(b, q):
        pltpu.async_copy(mbuf[b], aggs.at[dbuf[q]], ssem[b], add=True)

    def swait(b, q):
        pltpu.make_async_copy(mbuf[b], aggs.at[dbuf[q]], ssem[b]).wait()

    def compute(b):
        yb = ybuf[b]
        eb = ebuf[b]
        mb = mbuf[b]

        @plsc.parallel_loop(0, CHUNK, unroll=4)
        def comp(r):
            e = eb[pl.ds(r, 16)][0]
            for j in range(HH // 16):
                sl = pl.ds(j * 16, 16)
                mb[r, sl] = jnp.maximum(yb[r, sl] + tloc[e, sl],
                                        jnp.float32(0.0))

    ifetch(0, 0, 0)
    ifetch(1, 1, 1)
    iwait(0, 0, 0)
    gather(0)
    full16 = jnp.full((16,), N_NODES, jnp.int32)
    for q in (2, 3):
        for j in range(CHUNK // 16):
            dbuf[q][pl.ds(j * 16, 16)] = full16
    scatter(0, 2)
    scatter(1, 3)

    def quad(i, cy):
        for k in range(4):
            g = 4 * i + k
            b = k % 2
            b1 = 1 - b
            iwait(lax.rem(g + 1, N_CHUNKS), b1, (k + 1) % 4)
            gather(b1)
            gwait(b)
            swait(b, (k + 2) % 4)
            compute(b)
            scatter(b, k)
            ifetch(lax.rem(g + 2, N_CHUNKS), b, (k + 2) % 4)
        return cy

    lax.fori_loop(0, N_CHUNKS // 4, quad, 0)

    gwait(0)
    iwait(1, 1, 1)
    swait(0, 2)
    swait(1, 3)

    plsc.subcore_barrier()

    out_rows = 624
    pltpu.sync_copy(aggs.at[pl.ds(s * out_rows, out_rows)],
                    out_hbm.at[pl.ds(c * N_NODES + s * out_rows, out_rows)])

    @pl.when(s == 15)
    def _():
        tail = 16 * out_rows
        pltpu.sync_copy(aggs.at[pl.ds(tail, N_NODES - tail)],
                        out_hbm.at[pl.ds(c * N_NODES + tail, N_NODES - tail)])



def _post_body(x_ref, a0_ref, a1_ref, r_ref, w_ref, b_ref, g_ref, be_ref,
               o_ref):
    inv = r_ref[...]
    out = jnp.dot(a0_ref[...] * inv, w_ref[:HH, :],
                  preferred_element_type=jnp.float32)
    out = out + jnp.dot(a1_ref[...] * inv, w_ref[HH:, :],
                        preferred_element_type=jnp.float32)
    h = x_ref[...] + out + b_ref[...]
    mu = jnp.mean(h, axis=1, keepdims=True)
    d = h - mu
    var = jnp.mean(d * d, axis=1, keepdims=True)
    o_ref[...] = d * lax.rsqrt(var + 1e-5) * g_ref[...] + be_ref[...]


_post = pl.pallas_call(
    _post_body,
    grid=(10,),
    in_specs=[
        pl.BlockSpec((_ROW_BLK, H), lambda i: (i, 0)),
        pl.BlockSpec((_ROW_BLK, HH), lambda i: (i, 0)),
        pl.BlockSpec((_ROW_BLK, HH), lambda i: (i, 0)),
        pl.BlockSpec((_ROW_BLK, 1), lambda i: (i, 0)),
        pl.BlockSpec((H, H), lambda i: (0, 0)),
        pl.BlockSpec((1, H), lambda i: (0, 0)),
        pl.BlockSpec((1, H), lambda i: (0, 0)),
        pl.BlockSpec((1, H), lambda i: (0, 0)),
    ],
    out_specs=pl.BlockSpec((_ROW_BLK, H), lambda i: (i, 0)),
    out_shape=jax.ShapeDtypeStruct((N_NODES, H), jnp.float32),
)



def kernel(x, edge_index, edge_type, edge_emb, W_msg, b_msg,
           W_upd, b_upd, ln_gamma, ln_beta):
    src = edge_index[0].astype(jnp.int32)
    dst = edge_index[1].astype(jnp.int32)
    et = edge_type.astype(jnp.int32)
    e = src.shape[0]
    pad = E_PAD - e
    pr = jnp.arange(pad, dtype=jnp.int32)
    src_f = jnp.concatenate([src, pr % N_NODES])
    src_p = jnp.concatenate([src_f, src_f + N_NODES])
    dst_p = jnp.concatenate([dst, N_NODES + pr % (N_PAD - N_NODES)])
    et_p = jnp.concatenate([et, pr % NUM_ET])

    y_comb, t_comb, deg_mat = _pre(x, W_msg[:H], edge_emb, W_msg[H:],
                                   b_msg.reshape(1, H), dst.reshape(e, 1))
    inv_deg = deg_mat.reshape(-1)[:N_NODES].reshape(N_NODES, 1)
    out_sc = _sc_edges(y_comb, t_comb, src_p, dst_p, et_p)
    return _post(x, out_sc[:N_NODES], out_sc[N_NODES:], inv_deg, W_upd,
                 b_upd.reshape(1, H), ln_gamma.reshape(1, H),
                 ln_beta.reshape(1, H))

# --- scband reference (transcript-rebuilt; emitter-appended) ---
"""Pipeline reference for scband-edge-type-gnnlayer-27762668601408 (READ-ONLY COPY).

The authoritative reference and input builder live on the scoring server;
editing this copy changes nothing except your own understanding.
"""

import jax, jax.numpy as jnp
import numpy as np

N = 10000
E = 160000
H = 256
ET_DIM = 16
NUM_ET = 16


def setup_inputs(seed: int = 0) -> dict:
    key = jax.random.key(seed)
    ks = jax.random.split(key, 10)
    x = jax.random.normal(ks[0], (N, H), dtype=jnp.float32)
    edge_index = jax.random.randint(ks[1], (2, E), 0, N, dtype=jnp.int64)
    edge_type = jax.random.randint(ks[2], (E,), 0, NUM_ET, dtype=jnp.int64)
    # learned parameters
    edge_emb = jax.random.normal(ks[3], (NUM_ET, ET_DIM), dtype=jnp.float32)
    W_msg = jax.random.normal(ks[4], (H + ET_DIM, H), dtype=jnp.float32) * (1.0 / np.sqrt(H + ET_DIM))
    b_msg = jnp.zeros((H,), dtype=jnp.float32)
    W_upd = jax.random.normal(ks[5], (H, H), dtype=jnp.float32) * (1.0 / np.sqrt(H))
    b_upd = jnp.zeros((H,), dtype=jnp.float32)
    ln_gamma = jnp.ones((H,), dtype=jnp.float32)
    ln_beta = jnp.zeros((H,), dtype=jnp.float32)
    return {"x": x, "edge_index": edge_index, "edge_type": edge_type,
            "edge_emb": edge_emb, "W_msg": W_msg, "b_msg": b_msg,
            "W_upd": W_upd, "b_upd": b_upd, "ln_gamma": ln_gamma, "ln_beta": ln_beta}


def _layernorm(h, gamma, beta, eps=1e-5):
    mean = jnp.mean(h, axis=-1, keepdims=True)
    var = jnp.mean((h - mean) ** 2, axis=-1, keepdims=True)
    return (h - mean) / jnp.sqrt(var + eps) * gamma + beta


def reference(x, edge_index, edge_type, edge_emb, W_msg, b_msg, W_upd, b_upd, ln_gamma, ln_beta):
    src = edge_index[0]
    dst = edge_index[1]
    et = jnp.take(edge_emb, edge_type, axis=0)          # embedding gather [E, ET_DIM]
    m_in = jnp.concatenate([jnp.take(x, src, axis=0), et], axis=-1)  # [E, H+ET_DIM]
    m = jax.nn.relu(m_in @ W_msg + b_msg)               # [E, H]
    agg = jnp.zeros_like(x).at[dst].add(m)              # scatter-add by dst
    deg = jnp.zeros((x.shape[0],), dtype=x.dtype).at[dst].add(jnp.ones((dst.shape[0],), dtype=x.dtype))
    deg = jnp.clip(deg, 1.0, None)[:, None]
    agg = agg / deg
    out = agg @ W_upd + b_upd                           # dropout p=0.0 -> identity
    x2 = _layernorm(x + out, ln_gamma, ln_beta)
    return x2

if __name__ == "__main__":
    import jax
    _d = setup_inputs()
    print(jax.jit(kernel)(*tuple(_d.values())))

</pallas_src>

<mosaic_0001>
#map = affine_map<(d0, d1) -> (0, 0)>
#map1 = affine_map<(d0, d1) -> (0)>
module attributes {stable_mosaic.version = 14 : i64} {
  func.func @_sc_edges(%arg0: i32, %arg1: i32, %arg2: memref<20000x128xf32, #tpu.memory_space<hbm>>, %arg3: memref<32x128xf32, #tpu.memory_space<hbm>>, %arg4: memref<327680xi32, #tpu.memory_space<hbm>>, %arg5: memref<163840xi32, #tpu.memory_space<hbm>>, %arg6: memref<163840xi32, #tpu.memory_space<hbm>>, %arg7: memref<20000x128xf32, #tpu.memory_space<hbm>>, %arg8: memref<80x128xf32, #tpu.memory_space<vmem>>, %arg9: memref<80x128xf32, #tpu.memory_space<vmem>>, %arg10: memref<80x128xf32, #tpu.memory_space<vmem>>, %arg11: memref<80x128xf32, #tpu.memory_space<vmem>>, %arg12: memref<16x128xf32, #tpu.memory_space<vmem>>, %arg13: memref<80xi32, #tpu.memory_space<vmem>>, %arg14: memref<80xi32, #tpu.memory_space<vmem>>, %arg15: memref<80xi32, #tpu.memory_space<vmem>>, %arg16: memref<80xi32, #tpu.memory_space<vmem>>, %arg17: memref<80xi32, #tpu.memory_space<vmem>>, %arg18: memref<80xi32, #tpu.memory_space<vmem>>, %arg19: memref<96xi32, #tpu.memory_space<vmem>>, %arg20: memref<96xi32, #tpu.memory_space<vmem>>, %arg21: memref<10240x128xf32, #tpu.memory_space<vmem_shared>>, %arg22: memref<!tpu.dma_semaphore, #tpu.memory_space<semaphore_mem>>, %arg23: memref<!tpu.dma_semaphore, #tpu.memory_space<semaphore_mem>>, %arg24: memref<!tpu.dma_semaphore, #tpu.memory_space<semaphore_mem>>, %arg25: memref<!tpu.dma_semaphore, #tpu.memory_space<semaphore_mem>>, %arg26: memref<!tpu.dma_semaphore, #tpu.memory_space<semaphore_mem>>, %arg27: memref<!tpu.dma_semaphore, #tpu.memory_space<semaphore_mem>>) attributes {dimension_semantics = [#tpu.dimension_semantics<core_parallel>, #tpu.dimension_semantics<subcore_parallel>], iteration_bounds = array<i64: 2, 16>, scalar_prefetch = 0 : i64, scratch_operands = 20 : i64, tpu.core_type = #tpu.core_type<sc_vector_subcore>, window_params = [{transform_indices = #map}, {transform_indices = #map}, {transform_indices = #map1}, {transform_indices = #map1}, {transform_indices = #map1}, {transform_indices = #map}]} {
    %broadcast_in_dim3A = arith.constant 0.000000e+00 : f32
    %broadcast_in_dim3A_0 = vector.broadcast %broadcast_in_dim3A : f32 to vector<16xf32>
    %scan3A = arith.constant 0 : i32
    %scan3A_1 = arith.constant 0 : i32
    %scan3A_2 = arith.constant 80 : i32
    %scan3A_3 = arith.addi %scan3A_1, %scan3A_2 : i32
    %scan3A_4 = arith.constant 1 : i32
    scf.for %scan3A_235 = %scan3A_1 to %scan3A_3 step %scan3A_4  : i32 {
      %swap3A_236 = arith.index_cast %scan3A_235 : i32 to index
      %swap3A_237 = arith.constant 0 : index
      %swap3A_238 = tpu.vector_load %arg10[%swap3A_236, %swap3A_237] {strides = array<i32>} : memref<80x128xf32, #tpu.memory_space<vmem>>, vector<1x16xf32>,
      %swap3A_239 = vector.shape_cast %swap3A_238 : vector<1x16xf32> to vector<16xf32>
      %swap3A_240 = vector.shape_cast %broadcast_in_dim3A_0 : vector<16xf32> to vector<1x16xf32>
      tpu.vector_store %arg10[%swap3A_236, %swap3A_237], %swap3A_240 {strides = array<i32>} : memref<80x128xf32, #tpu.memory_space<vmem>>, vector<1x16xf32>,
      %swap3A_241 = arith.index_cast %scan3A_235 : i32 to index
      %swap3A_242 = arith.constant 0 : index
      %swap3A_243 = tpu.vector_load %arg11[%swap3A_241, %swap3A_242] {strides = array<i32>} : memref<80x128xf32, #tpu.memory_space<vmem>>, vector<1x16xf32>,
      %swap3A_244 = vector.shape_cast %swap3A_243 : vector<1x16xf32> to vector<16xf32>
      %swap3A_245 = vector.shape_cast %broadcast_in_dim3A_0 : vector<16xf32> to vector<1x16xf32>
      tpu.vector_store %arg11[%swap3A_241, %swap3A_242], %swap3A_245 {strides = array<i32>} : memref<80x128xf32, #tpu.memory_space<vmem>>, vector<1x16xf32>,
      %swap3A_246 = arith.index_cast %scan3A_235 : i32 to index
      %swap3A_247 = arith.constant 16 : index
      %swap3A_248 = tpu.vector_load %arg10[%swap3A_246, %swap3A_247] {strides = array<i32>} : memref<80x128xf32, #tpu.memory_space<vmem>>, vector<1x16xf32>,
      %swap3A_249 = vector.shape_cast %swap3A_248 : vector<1x16xf32> to vector<16xf32>
      %swap3A_250 = vector.shape_cast %broadcast_in_dim3A_0 : vector<16xf32> to vector<1x16xf32>
      tpu.vector_store %arg10[%swap3A_246, %swap3A_247], %swap3A_250 {strides = array<i32>} : memref<80x128xf32, #tpu.memory_space<vmem>>, vector<1x16xf32>,
      %swap3A_251 = arith.index_cast %scan3A_235 : i32 to index
      %swap3A_252 = arith.constant 16 : index
      %swap3A_253 = tpu.vector_load %arg11[%swap3A_251, %swap3A_252] {strides = array<i32>} : memref<80x128xf32, #tpu.memory_space<vmem>>, vector<1x16xf32>,
      %swap3A_254 = vector.shape_cast %swap3A_253 : vector<1x16xf32> to vector<16xf32>
      %swap3A_255 = vector.shape_cast %broadcast_in_dim3A_0 : vector<16xf32> to vector<1x16xf32>
      tpu.vector_store %arg11[%swap3A_251, %swap3A_252], %swap3A_255 {strides = array<i32>} : memref<80x128xf32, #tpu.memory_space<vmem>>, vector<1x16xf32>,
      %swap3A_256 = arith.index_cast %scan3A_235 : i32 to index
      %swap3A_257 = arith.constant 32 : index
      %swap3A_258 = tpu.vector_load %arg10[%swap3A_256, %swap3A_257] {strides = array<i32>} : memref<80x128xf32, #tpu.memory_space<vmem>>, vector<1x16xf32>,
      %swap3A_259 = vector.shape_cast %swap3A_258 : vector<1x16xf32> to vector<16xf32>
      %swap3A_260 = vector.shape_cast %broadcast_in_dim3A_0 : vector<16xf32> to vector<1x16xf32>
      tpu.vector_store %arg10[%swap3A_256, %swap3A_257], %swap3A_260 {strides = array<i32>} : memref<80x128xf32, #tpu.memory_space<vmem>>, vector<1x16xf32>,
      %swap3A_261 = arith.index_cast %scan3A_235 : i32 to index
      %swap3A_262 = arith.constant 32 : index
      %swap3A_263 = tpu.vector_load %arg11[%swap3A_261, %swap3A_262] {strides = array<i32>} : memref<80x128xf32, #tpu.memory_space<vmem>>, vector<1x16xf32>,
      %swap3A_264 = vector.shape_cast %swap3A_263 : vector<1x16xf32> to vector<16xf32>
      %swap3A_265 = vector.shape_cast %broadcast_in_dim3A_0 : vector<16xf32> to vector<1x16xf32>
      tpu.vector_store %arg11[%swap3A_261, %swap3A_262], %swap3A_265 {strides = array<i32>} : memref<80x128xf32, #tpu.memory_space<vmem>>, vector<1x16xf32>,
      %swap3A_266 = arith.index_cast %scan3A_235 : i32 to index
      %swap3A_267 = arith.constant 48 : index
      %swap3A_268 = tpu.vector_load %arg10[%swap3A_266, %swap3A_267] {strides = array<i32>} : memref<80x128xf32, #tpu.memory_space<vmem>>, vector<1x16xf32>,
      %swap3A_269 = vector.shape_cast %swap3A_268 : vector<1x16xf32> to vector<16xf32>
      %swap3A_270 = vector.shape_cast %broadcast_in_dim3A_0 : vector<16xf32> to vector<1x16xf32>
      tpu.vector_store %arg10[%swap3A_266, %swap3A_267], %swap3A_270 {strides = array<i32>} : memref<80x128xf32, #tpu.memory_space<vmem>>, vector<1x16xf32>,
      %swap3A_271 = arith.index_cast %scan3A_235 : i32 to index
      %swap3A_272 = arith.constant 48 : index
      %swap3A_273 = tpu.vector_load %arg11[%swap3A_271, %swap3A_272] {strides = array<i32>} : memref<80x128xf32, #tpu.memory_space<vmem>>, vector<1x16xf32>,
      %swap3A_274 = vector.shape_cast %swap3A_273 : vector<1x16xf32> to vector<16xf32>
      %swap3A_275 = vector.shape_cast %broadcast_in_dim3A_0 : vector<16xf32> to vector<1x16xf32>
      tpu.vector_store %arg11[%swap3A_271, %swap3A_272], %swap3A_275 {strides = array<i32>} : memref<80x128xf32, #tpu.memory_space<vmem>>, vector<1x16xf32>,
      %swap3A_276 = arith.index_cast %scan3A_235 : i32 to index
      %swap3A_277 = arith.constant 64 : index
      %swap3A_278 = tpu.vector_load %arg10[%swap3A_276, %swap3A_277] {strides = array<i32>} : memref<80x128xf32, #tpu.memory_space<vmem>>, vector<1x16xf32>,
      %swap3A_279 = vector.shape_cast %swap3A_278 : vector<1x16xf32> to vector<16xf32>
      %swap3A_280 = vector.shape_cast %broadcast_in_dim3A_0 : vector<16xf32> to vector<1x16xf32>
      tpu.vector_store %arg10[%swap3A_276, %swap3A_277], %swap3A_280 {strides = array<i32>} : memref<80x128xf32, #tpu.memory_space<vmem>>, vector<1x16xf32>,
      %swap3A_281 = arith.index_cast %scan3A_235 : i32 to index
      %swap3A_282 = arith.constant 64 : index
      %swap3A_283 = tpu.vector_load %arg11[%swap3A_281, %swap3A_282] {strides = array<i32>} : memref<80x128xf32, #tpu.memory_space<vmem>>, vector<1x16xf32>,
      %swap3A_284 = vector.shape_cast %swap3A_283 : vector<1x16xf32> to vector<16xf32>
      %swap3A_285 = vector.shape_cast %broadcast_in_dim3A_0 : vector<16xf32> to vector<1x16xf32>
      tpu.vector_store %arg11[%swap3A_281, %swap3A_282], %swap3A_285 {strides = array<i32>} : memref<80x128xf32, #tpu.memory_space<vmem>>, vector<1x16xf32>,
      %swap3A_286 = arith.index_cast %scan3A_235 : i32 to index
      %swap3A_287 = arith.constant 80 : index
      %swap3A_288 = tpu.vector_load %arg10[%swap3A_286, %swap3A_287] {strides = array<i32>} : memref<80x128xf32, #tpu.memory_space<vmem>>, vector<1x16xf32>,
      %swap3A_289 = vector.shape_cast %swap3A_288 : vector<1x16xf32> to vector<16xf32>
      %swap3A_290 = vector.shape_cast %broadcast_in_dim3A_0 : vector<16xf32> to vector<1x16xf32>
      tpu.vector_store %arg10[%swap3A_286, %swap3A_287], %swap3A_290 {strides = array<i32>} : memref<80x128xf32, #tpu.memory_space<vmem>>, vector<1x16xf32>,
      %swap3A_291 = arith.index_cast %scan3A_235 : i32 to index
      %swap3A_292 = arith.constant 80 : index
      %swap3A_293 = tpu.vector_load %arg11[%swap3A_291, %swap3A_292] {strides = array<i32>} : memref<80x128xf32, #tpu.memory_space<vmem>>, vector<1x16xf32>,
      %swap3A_294 = vector.shape_cast %swap3A_293 : vector<1x16xf32> to vector<16xf32>
      %swap3A_295 = vector.shape_cast %broadcast_in_dim3A_0 : vector<16xf32> to vector<1x16xf32>
      tpu.vector_store %arg11[%swap3A_291, %swap3A_292], %swap3A_295 {strides = array<i32>} : memref<80x128xf32, #tpu.memory_space<vmem>>, vector<1x16xf32>,
      %swap3A_296 = arith.index_cast %scan3A_235 : i32 to index
      %swap3A_297 = arith.constant 96 : index
      %swap3A_298 = tpu.vector_load %arg10[%swap3A_296, %swap3A_297] {strides = array<i32>} : memref<80x128xf32, #tpu.memory_space<vmem>>, vector<1x16xf32>,
      %swap3A_299 = vector.shape_cast %swap3A_298 : vector<1x16xf32> to vector<16xf32>
      %swap3A_300 = vector.shape_cast %broadcast_in_dim3A_0 : vector<16xf32> to vector<1x16xf32>
      tpu.vector_store %arg10[%swap3A_296, %swap3A_297], %swap3A_300 {strides = array<i32>} : memref<80x128xf32, #tpu.memory_space<vmem>>, vector<1x16xf32>,
      %swap3A_301 = arith.index_cast %scan3A_235 : i32 to index
      %swap3A_302 = arith.constant 96 : index
      %swap3A_303 = tpu.vector_load %arg11[%swap3A_301, %swap3A_302] {strides = array<i32>} : memref<80x128xf32, #tpu.memory_space<vmem>>, vector<1x16xf32>,
      %swap3A_304 = vector.shape_cast %swap3A_303 : vector<1x16xf32> to vector<16xf32>
      %swap3A_305 = vector.shape_cast %broadcast_in_dim3A_0 : vector<16xf32> to vector<1x16xf32>
      tpu.vector_store %arg11[%swap3A_301, %swap3A_302], %swap3A_305 {strides = array<i32>} : memref<80x128xf32, #tpu.memory_space<vmem>>, vector<1x16xf32>,
      %swap3A_306 = arith.index_cast %scan3A_235 : i32 to index
      %swap3A_307 = arith.constant 112 : index
      %swap3A_308 = tpu.vector_load %arg10[%swap3A_306, %swap3A_307] {strides = array<i32>} : memref<80x128xf32, #tpu.memory_space<vmem>>, vector<1x16xf32>,
      %swap3A_309 = vector.shape_cast %swap3A_308 : vector<1x16xf32> to vector<16xf32>
      %swap3A_310 = vector.shape_cast %broadcast_in_dim3A_0 : vector<16xf32> to vector<1x16xf32>
      tpu.vector_store %arg10[%swap3A_306, %swap3A_307], %swap3A_310 {strides = array<i32>} : memref<80x128xf32, #tpu.memory_space<vmem>>, vector<1x16xf32>,
      %swap3A_311 = arith.index_cast %scan3A_235 : i32 to index
      %swap3A_312 = arith.constant 112 : index
      %swap3A_313 = tpu.vector_load %arg11[%swap3A_311, %swap3A_312] {strides = array<i32>} : memref<80x128xf32, #tpu.memory_space<vmem>>, vector<1x16xf32>,
      %swap3A_314 = vector.shape_cast %swap3A_313 : vector<1x16xf32> to vector<16xf32>
      %swap3A_315 = vector.shape_cast %broadcast_in_dim3A_0 : vector<16xf32> to vector<1x16xf32>
      tpu.vector_store %arg11[%swap3A_311, %swap3A_312], %swap3A_315 {strides = array<i32>} : memref<80x128xf32, #tpu.memory_space<vmem>>, vector<1x16xf32>,
    }
    %scan3A_5 = arith.constant 80 : i32
    %mul3A = arith.constant 640 : i32
    %mul3A_6 = arith.muli %arg1, %mul3A : i32
    %add3A = arith.constant 0 : i32
    %add3A_7 = arith.addi %mul3A_6, %add3A : i32
    "tpu.region"() ({
      %run_scoped3A = tpu.sem_alloc : memref<!tpu.dma_semaphore, #tpu.memory_space<semaphore_mem>>
      %dma_start3A_235 = arith.constant 0 : i32
      %dma_start3A_236 = tpu.memref_slice %arg21[%add3A_7, %dma_start3A_235] : memref<10240x128xf32, #tpu.memory_space<vmem_shared>> -> memref<80x128xf32, #tpu.memory_space<vmem_shared>>
      %dma_start3A_237 = arith.constant 0 : i32
      %dma_start3A_238 = tpu.memref_slice %arg21[%add3A_7, %dma_start3A_237] : memref<10240x128xf32, #tpu.memory_space<vmem_shared>> -> memref<80x128xf32, #tpu.memory_space<vmem_shared>>
      tpu.enqueue_dma source(%arg10 : memref<80x128xf32, #tpu.memory_space<vmem>>) target(%dma_start3A_238 : memref<80x128xf32, #tpu.memory_space<vmem_shared>>) target_semaphore(%run_scoped3A : memref<!tpu.dma_semaphore, #tpu.memory_space<semaphore_mem>>)
      %dma_wait3A_239 = arith.constant 0 : i32
      %dma_wait3A_240 = tpu.memref_slice %arg21[%add3A_7, %dma_wait3A_239] : memref<10240x128xf32, #tpu.memory_space<vmem_shared>> -> memref<80x128xf32, #tpu.memory_space<vmem_shared>>
      %dma_wait3A_241 = arith.constant 0 : i32
      %dma_wait3A_242 = tpu.memref_slice %arg21[%add3A_7, %dma_wait3A_241] : memref<10240x128xf32, #tpu.memory_space<vmem_shared>> -> memref<80x128xf32, #tpu.memory_space<vmem_shared>>
      tpu.wait_dma2 semaphore(%run_scoped3A : memref<!tpu.dma_semaphore, #tpu.memory_space<semaphore_mem>>) src(%arg10 : memref<80x128xf32, #tpu.memory_space<vmem>>) dst(%dma_wait3A_242 : memref<80x128xf32, #tpu.memory_space<vmem_shared>>)
      tpu.yield
    }) : () -> ()
    %mul3A_8 = arith.constant 640 : i32
    %mul3A_9 = arith.muli %arg1, %mul3A_8 : i32
    %add3A_10 = arith.constant 80 : i32
    %add3A_11 = arith.addi %mul3A_9, %add3A_10 : i32
    "tpu.region"() ({
      %run_scoped3A = tpu.sem_alloc : memref<!tpu.dma_semaphore, #tpu.memory_space<semaphore_mem>>
      %dma_start3A_235 = arith.constant 0 : i32
      %dma_start3A_236 = tpu.memref_slice %arg21[%add3A_11, %dma_start3A_235] : memref<10240x128xf32, #tpu.memory_space<vmem_shared>> -> memref<80x128xf32, #tpu.memory_space<vmem_shared>>
      %dma_start3A_237 = arith.constant 0 : i32
      %dma_start3A_238 = tpu.memref_slice %arg21[%add3A_11, %dma_start3A_237] : memref<10240x128xf32, #tpu.memory_space<vmem_shared>> -> memref<80x128xf32, #tpu.memory_space<vmem_shared>>
      tpu.enqueue_dma source(%arg10 : memref<80x128xf32, #tpu.memory_space<vmem>>) target(%dma_start3A_238 : memref<80x128xf32, #tpu.memory_space<vmem_shared>>) target_semaphore(%run_scoped3A : memref<!tpu.dma_semaphore, #tpu.memory_space<semaphore_mem>>)
      %dma_wait3A_239 = arith.constant 0 : i32
      %dma_wait3A_240 = tpu.memref_slice %arg21[%add3A_11, %dma_wait3A_239] : memref<10240x128xf32, #tpu.memory_space<vmem_shared>> -> memref<80x128xf32, #tpu.memory_space<vmem_shared>>
      %dma_wait3A_241 = arith.constant 0 : i32
      %dma_wait3A_242 = tpu.memref_slice %arg21[%add3A_11, %dma_wait3A_241] : memref<10240x128xf32, #tpu.memory_space<vmem_shared>> -> memref<80x128xf32, #tpu.memory_space<vmem_shared>>
      tpu.wait_dma2 semaphore(%run_scoped3A : memref<!tpu.dma_semaphore, #tpu.memory_space<semaphore_mem>>) src(%arg10 : memref<80x128xf32, #tpu.memory_space<vmem>>) dst(%dma_wait3A_242 : memref<80x128xf32, #tpu.memory_space<vmem_shared>>)
      tpu.yield
    }) : () -> ()
    %mul3A_12 = arith.constant 640 : i32
    %mul3A_13 = arith.muli %arg1, %mul3A_12 : i32
    %add3A_14 = arith.constant 160 : i32
    %add3A_15 = arith.addi %mul3A_13, %add3A_14 : i32
    "tpu.region"() ({
      %run_scoped3A = tpu.sem_alloc : memref<!tpu.dma_semaphore, #tpu.memory_space<semaphore_mem>>
      %dma_start3A_235 = arith.constant 0 : i32
      %dma_start3A_236 = tpu.memref_slice %arg21[%add3A_15, %dma_start3A_235] : memref<10240x128xf32, #tpu.memory_space<vmem_shared>> -> memref<80x128xf32, #tpu.memory_space<vmem_shared>>
      %dma_start3A_237 = arith.constant 0 : i32
      %dma_start3A_238 = tpu.memref_slice %arg21[%add3A_15, %dma_start3A_237] : memref<10240x128xf32, #tpu.memory_space<vmem_shared>> -> memref<80x128xf32, #tpu.memory_space<vmem_shared>>
      tpu.enqueue_dma source(%arg10 : memref<80x128xf32, #tpu.memory_space<vmem>>) target(%dma_start3A_238 : memref<80x128xf32, #tpu.memory_space<vmem_shared>>) target_semaphore(%run_scoped3A : memref<!tpu.dma_semaphore, #tpu.memory_space<semaphore_mem>>)
      %dma_wait3A_239 = arith.constant 0 : i32
      %dma_wait3A_240 = tpu.memref_slice %arg21[%add3A_15, %dma_wait3A_239] : memref<10240x128xf32, #tpu.memory_space<vmem_shared>> -> memref<80x128xf32, #tpu.memory_space<vmem_shared>>
      %dma_wait3A_241 = arith.constant 0 : i32
      %dma_wait3A_242 = tpu.memref_slice %arg21[%add3A_15, %dma_wait3A_241] : memref<10240x128xf32, #tpu.memory_space<vmem_shared>> -> memref<80x128xf32, #tpu.memory_space<vmem_shared>>
      tpu.wait_dma2 semaphore(%run_scoped3A : memref<!tpu.dma_semaphore, #tpu.memory_space<semaphore_mem>>) src(%arg10 : memref<80x128xf32, #tpu.memory_space<vmem>>) dst(%dma_wait3A_242 : memref<80x128xf32, #tpu.memory_space<vmem_shared>>)
      tpu.yield
    }) : () -> ()
    %mul3A_16 = arith.constant 640 : i32
    %mul3A_17 = arith.muli %arg1, %mul3A_16 : i32
    %add3A_18 = arith.constant 240 : i32
    %add3A_19 = arith.addi %mul3A_17, %add3A_18 : i32
    "tpu.region"() ({
      %run_scoped3A = tpu.sem_alloc : memref<!tpu.dma_semaphore, #tpu.memory_space<semaphore_mem>>
      %dma_start3A_235 = arith.constant 0 : i32
      %dma_start3A_236 = tpu.memref_slice %arg21[%add3A_19, %dma_start3A_235] : memref<10240x128xf32, #tpu.memory_space<vmem_shared>> -> memref<80x128xf32, #tpu.memory_space<vmem_shared>>
      %dma_start3A_237 = arith.constant 0 : i32
      %dma_start3A_238 = tpu.memref_slice %arg21[%add3A_19, %dma_start3A_237] : memref<10240x128xf32, #tpu.memory_space<vmem_shared>> -> memref<80x128xf32, #tpu.memory_space<vmem_shared>>
      tpu.enqueue_dma source(%arg10 : memref<80x128xf32, #tpu.memory_space<vmem>>) target(%dma_start3A_238 : memref<80x128xf32, #tpu.memory_space<vmem_shared>>) target_semaphore(%run_scoped3A : memref<!tpu.dma_semaphore, #tpu.memory_space<semaphore_mem>>)
      %dma_wait3A_239 = arith.constant 0 : i32
      %dma_wait3A_240 = tpu.memref_slice %arg21[%add3A_19, %dma_wait3A_239] : memref<10240x128xf32, #tpu.memory_space<vmem_shared>> -> memref<80x128xf32, #tpu.memory_space<vmem_shared>>
      %dma_wait3A_241 = arith.constant 0 : i32
      %dma_wait3A_242 = tpu.memref_slice %arg21[%add3A_19, %dma_wait3A_241] : memref<10240x128xf32, #tpu.memory_space<vmem_shared>> -> memref<80x128xf32, #tpu.memory_space<vmem_shared>>
      tpu.wait_dma2 semaphore(%run_scoped3A : memref<!tpu.dma_semaphore, #tpu.memory_space<semaphore_mem>>) src(%arg10 : memref<80x128xf32, #tpu.memory_space<vmem>>) dst(%dma_wait3A_242 : memref<80x128xf32, #tpu.memory_space<vmem_shared>>)
      tpu.yield
    }) : () -> ()
    %mul3A_20 = arith.constant 640 : i32
    %mul3A_21 = arith.muli %arg1, %mul3A_20 : i32
    %add3A_22 = arith.constant 320 : i32
    %add3A_23 = arith.addi %mul3A_21, %add3A_22 : i32
    "tpu.region"() ({
      %run_scoped3A = tpu.sem_alloc : memref<!tpu.dma_semaphore, #tpu.memory_space<semaphore_mem>>
      %dma_start3A_235 = arith.constant 0 : i32
      %dma_start3A_236 = tpu.memref_slice %arg21[%add3A_23, %dma_start3A_235] : memref<10240x128xf32, #tpu.memory_space<vmem_shared>> -> memref<80x128xf32, #tpu.memory_space<vmem_shared>>
      %dma_start3A_237 = arith.constant 0 : i32
      %dma_start3A_238 = tpu.memref_slice %arg21[%add3A_23, %dma_start3A_237] : memref<10240x128xf32, #tpu.memory_space<vmem_shared>> -> memref<80x128xf32, #tpu.memory_space<vmem_shared>>
      tpu.enqueue_dma source(%arg10 : memref<80x128xf32, #tpu.memory_space<vmem>>) target(%dma_start3A_238 : memref<80x128xf32, #tpu.memory_space<vmem_shared>>) target_semaphore(%run_scoped3A : memref<!tpu.dma_semaphore, #tpu.memory_space<semaphore_mem>>)
      %dma_wait3A_239 = arith.constant 0 : i32
      %dma_wait3A_240 = tpu.memref_slice %arg21[%add3A_23, %dma_wait3A_239] : memref<10240x128xf32, #tpu.memory_space<vmem_shared>> -> memref<80x128xf32, #tpu.memory_space<vmem_shared>>
      %dma_wait3A_241 = arith.constant 0 : i32
      %dma_wait3A_242 = tpu.memref_slice %arg21[%add3A_23, %dma_wait3A_241] : memref<10240x128xf32, #tpu.memory_space<vmem_shared>> -> memref<80x128xf32, #tpu.memory_space<vmem_shared>>
      tpu.wait_dma2 semaphore(%run_scoped3A : memref<!tpu.dma_semaphore, #tpu.memory_space<semaphore_mem>>) src(%arg10 : memref<80x128xf32, #tpu.memory_space<vmem>>) dst(%dma_wait3A_242 : memref<80x128xf32, #tpu.memory_space<vmem_shared>>)
      tpu.yield
    }) : () -> ()
    %mul3A_24 = arith.constant 640 : i32
    %mul3A_25 = arith.muli %arg1, %mul3A_24 : i32
    %add3A_26 = arith.constant 400 : i32
    %add3A_27 = arith.addi %mul3A_25, %add3A_26 : i32
    "tpu.region"() ({
      %run_scoped3A = tpu.sem_alloc : memref<!tpu.dma_semaphore, #tpu.memory_space<semaphore_mem>>
      %dma_start3A_235 = arith.constant 0 : i32
      %dma_start3A_236 = tpu.memref_slice %arg21[%add3A_27, %dma_start3A_235] : memref<10240x128xf32, #tpu.memory_space<vmem_shared>> -> memref<80x128xf32, #tpu.memory_space<vmem_shared>>
      %dma_start3A_237 = arith.constant 0 : i32
      %dma_start3A_238 = tpu.memref_slice %arg21[%add3A_27, %dma_start3A_237] : memref<10240x128xf32, #tpu.memory_space<vmem_shared>> -> memref<80x128xf32, #tpu.memory_space<vmem_shared>>
      tpu.enqueue_dma source(%arg10 : memref<80x128xf32, #tpu.memory_space<vmem>>) target(%dma_start3A_238 : memref<80x128xf32, #tpu.memory_space<vmem_shared>>) target_semaphore(%run_scoped3A : memref<!tpu.dma_semaphore, #tpu.memory_space<semaphore_mem>>)
      %dma_wait3A_239 = arith.constant 0 : i32
      %dma_wait3A_240 = tpu.memref_slice %arg21[%add3A_27, %dma_wait3A_239] : memref<10240x128xf32, #tpu.memory_space<vmem_shared>> -> memref<80x128xf32, #tpu.memory_space<vmem_shared>>
      %dma_wait3A_241 = arith.constant 0 : i32
      %dma_wait3A_242 = tpu.memref_slice %arg21[%add3A_27, %dma_wait3A_241] : memref<10240x128xf32, #tpu.memory_space<vmem_shared>> -> memref<80x128xf32, #tpu.memory_space<vmem_shared>>
      tpu.wait_dma2 semaphore(%run_scoped3A : memref<!tpu.dma_semaphore, #tpu.memory_space<semaphore_mem>>) src(%arg10 : memref<80x128xf32, #tpu.memory_space<vmem>>) dst(%dma_wait3A_242 : memref<80x128xf32, #tpu.memory_space<vmem_shared>>)
      tpu.yield
    }) : () -> ()
    %mul3A_28 = arith.constant 640 : i32
    %mul3A_29 = arith.muli %arg1, %mul3A_28 : i32
    %add3A_30 = arith.constant 480 : i32
    %add3A_31 = arith.addi %mul3A_29, %add3A_30 : i32
    "tpu.region"() ({
      %run_scoped3A = tpu.sem_alloc : memref<!tpu.dma_semaphore, #tpu.memory_space<semaphore_mem>>
      %dma_start3A_235 = arith.constant 0 : i32
      %dma_start3A_236 = tpu.memref_slice %arg21[%add3A_31, %dma_start3A_235] : memref<10240x128xf32, #tpu.memory_space<vmem_shared>> -> memref<80x128xf32, #tpu.memory_space<vmem_shared>>
      %dma_start3A_237 = arith.constant 0 : i32
      %dma_start3A_238 = tpu.memref_slice %arg21[%add3A_31, %dma_start3A_237] : memref<10240x128xf32, #tpu.memory_space<vmem_shared>> -> memref<80x128xf32, #tpu.memory_space<vmem_shared>>
      tpu.enqueue_dma source(%arg10 : memref<80x128xf32, #tpu.memory_space<vmem>>) target(%dma_start3A_238 : memref<80x128xf32, #tpu.memory_space<vmem_shared>>) target_semaphore(%run_scoped3A : memref<!tpu.dma_semaphore, #tpu.memory_space<semaphore_mem>>)
      %dma_wait3A_239 = arith.constant 0 : i32
      %dma_wait3A_240 = tpu.memref_slice %arg21[%add3A_31, %dma_wait3A_239] : memref<10240x128xf32, #tpu.memory_space<vmem_shared>> -> memref<80x128xf32, #tpu.memory_space<vmem_shared>>
      %dma_wait3A_241 = arith.constant 0 : i32
      %dma_wait3A_242 = tpu.memref_slice %arg21[%add3A_31, %dma_wait3A_241] : memref<10240x128xf32, #tpu.memory_space<vmem_shared>> -> memref<80x128xf32, #tpu.memory_space<vmem_shared>>
      tpu.wait_dma2 semaphore(%run_scoped3A : memref<!tpu.dma_semaphore, #tpu.memory_space<semaphore_mem>>) src(%arg10 : memref<80x128xf32, #tpu.memory_space<vmem>>) dst(%dma_wait3A_242 : memref<80x128xf32, #tpu.memory_space<vmem_shared>>)
      tpu.yield
    }) : () -> ()
    %mul3A_32 = arith.constant 640 : i32
    %mul3A_33 = arith.muli %arg1, %mul3A_32 : i32
    %add3A_34 = arith.constant 560 : i32
    %add3A_35 = arith.addi %mul3A_33, %add3A_34 : i32
    "tpu.region"() ({
      %run_scoped3A = tpu.sem_alloc : memref<!tpu.dma_semaphore, #tpu.memory_space<semaphore_mem>>
      %dma_start3A_235 = arith.constant 0 : i32
      %dma_start3A_236 = tpu.memref_slice %arg21[%add3A_35, %dma_start3A_235] : memref<10240x128xf32, #tpu.memory_space<vmem_shared>> -> memref<80x128xf32, #tpu.memory_space<vmem_shared>>
      %dma_start3A_237 = arith.constant 0 : i32
      %dma_start3A_238 = tpu.memref_slice %arg21[%add3A_35, %dma_start3A_237] : memref<10240x128xf32, #tpu.memory_space<vmem_shared>> -> memref<80x128xf32, #tpu.memory_space<vmem_shared>>
      tpu.enqueue_dma source(%arg10 : memref<80x128xf32, #tpu.memory_space<vmem>>) target(%dma_start3A_238 : memref<80x128xf32, #tpu.memory_space<vmem_shared>>) target_semaphore(%run_scoped3A : memref<!tpu.dma_semaphore, #tpu.memory_space<semaphore_mem>>)
      %dma_wait3A_239 = arith.constant 0 : i32
      %dma_wait3A_240 = tpu.memref_slice %arg21[%add3A_35, %dma_wait3A_239] : memref<10240x128xf32, #tpu.memory_space<vmem_shared>> -> memref<80x128xf32, #tpu.memory_space<vmem_shared>>
      %dma_wait3A_241 = arith.constant 0 : i32
      %dma_wait3A_242 = tpu.memref_slice %arg21[%add3A_35, %dma_wait3A_241] : memref<10240x128xf32, #tpu.memory_space<vmem_shared>> -> memref<80x128xf32, #tpu.memory_space<vmem_shared>>
      tpu.wait_dma2 semaphore(%run_scoped3A : memref<!tpu.dma_semaphore, #tpu.memory_space<semaphore_mem>>) src(%arg10 : memref<80x128xf32, #tpu.memory_space<vmem>>) dst(%dma_wait3A_242 : memref<80x128xf32, #tpu.memory_space<vmem_shared>>)
      tpu.yield
    }) : () -> ()
    %mul3A_36 = arith.constant 16 : i32
    %mul3A_37 = arith.muli %arg0, %mul3A_36 : i32
    "tpu.region"() ({
      %run_scoped3A = tpu.sem_alloc : memref<!tpu.dma_semaphore, #tpu.memory_space<semaphore_mem>>
      %dma_start3A_235 = arith.constant 0 : i32
      %dma_start3A_236 = tpu.memref_slice %arg3[%mul3A_37, %dma_start3A_235] : memref<32x128xf32, #tpu.memory_space<hbm>> -> memref<16x128xf32, #tpu.memory_space<hbm>>
      %dma_start3A_237 = arith.constant 0 : i32
      %dma_start3A_238 = tpu.memref_slice %arg3[%mul3A_37, %dma_start3A_237] : memref<32x128xf32, #tpu.memory_space<hbm>> -> memref<16x128xf32, #tpu.memory_space<hbm>>
      tpu.enqueue_dma source(%dma_start3A_238 : memref<16x128xf32, #tpu.memory_space<hbm>>) target(%arg12 : memref<16x128xf32, #tpu.memory_space<vmem>>) target_semaphore(%run_scoped3A : memref<!tpu.dma_semaphore, #tpu.memory_space<semaphore_mem>>)
      %dma_wait3A_239 = arith.constant 0 : i32
      %dma_wait3A_240 = tpu.memref_slice %arg3[%mul3A_37, %dma_wait3A_239] : memref<32x128xf32, #tpu.memory_space<hbm>> -> memref<16x128xf32, #tpu.memory_space<hbm>>
      %dma_wait3A_241 = arith.constant 0 : i32
      %dma_wait3A_242 = tpu.memref_slice %arg3[%mul3A_37, %dma_wait3A_241] : memref<32x128xf32, #tpu.memory_space<hbm>> -> memref<16x128xf32, #tpu.memory_space<hbm>>
      tpu.wait_dma2 semaphore(%run_scoped3A : memref<!tpu.dma_semaphore, #tpu.memory_space<semaphore_mem>>) src(%dma_wait3A_242 : memref<16x128xf32, #tpu.memory_space<hbm>>) dst(%arg12 : memref<16x128xf32, #tpu.memory_space<vmem>>)
      tpu.yield
    }) : () -> ()
    %barrier3A = arith.constant 0 : index
    tpu.barrier barrier_id(%barrier3A)
    %mul3A_38 = arith.constant 16 : i32
    %mul3A_39 = arith.muli %arg0, %mul3A_38 : i32
    %add3A_40 = arith.addi %mul3A_39, %arg1 : i32
    %mul3A_41 = arith.constant 128 : i32
    %mul3A_42 = arith.muli %add3A_40, %mul3A_41 : i32
    %add3A_43 = arith.constant 0 : i32
    %add3A_44 = arith.addi %mul3A_42, %add3A_43 : i32
    %mul3A_45 = arith.constant 80 : i32
    %mul3A_46 = arith.muli %add3A_44, %mul3A_45 : i32
    %dma_start3A = tpu.memref_slice %arg4[%mul3A_46] : memref<327680xi32, #tpu.memory_space<hbm>> -> memref<80xi32, #tpu.memory_space<hbm>>
    %dma_start3A_47 = tpu.memref_slice %arg4[%mul3A_46] : memref<327680xi32, #tpu.memory_space<hbm>> -> memref<80xi32, #tpu.memory_space<hbm>>
    tpu.enqueue_dma source(%dma_start3A_47 : memref<80xi32, #tpu.memory_space<hbm>>) target(%arg13 : memref<80xi32, #tpu.memory_space<vmem>>) target_semaphore(%arg24 : memref<!tpu.dma_semaphore, #tpu.memory_space<semaphore_mem>>)
    %mul3A_48 = arith.constant 128 : i32
    %mul3A_49 = arith.muli %arg1, %mul3A_48 : i32
    %add3A_50 = arith.constant 0 : i32
    %add3A_51 = arith.addi %mul3A_49, %add3A_50 : i32
    %mul3A_52 = arith.constant 80 : i32
    %mul3A_53 = arith.muli %add3A_51, %mul3A_52 : i32
    %dma_start3A_54 = tpu.memref_slice %arg5[%mul3A_53] : memref<163840xi32, #tpu.memory_space<hbm>> -> memref<80xi32, #tpu.memory_space<hbm>>
    %dma_start3A_55 = tpu.memref_slice %arg5[%mul3A_53] : memref<163840xi32, #tpu.memory_space<hbm>> -> memref<80xi32, #tpu.memory_space<hbm>>
    tpu.enqueue_dma source(%dma_start3A_55 : memref<80xi32, #tpu.memory_space<hbm>>) target(%arg15 : memref<80xi32, #tpu.memory_space<vmem>>) target_semaphore(%arg24 : memref<!tpu.dma_semaphore, #tpu.memory_space<semaphore_mem>>)
    %mul3A_56 = arith.constant 128 : i32
    %mul3A_57 = arith.muli %arg1, %mul3A_56 : i32
    %add3A_58 = arith.constant 0 : i32
    %add3A_59 = arith.addi %mul3A_57, %add3A_58 : i32
    %mul3A_60 = arith.constant 80 : i32
    %mul3A_61 = arith.muli %add3A_59, %mul3A_60 : i32
    %dma_start3A_62 = arith.constant 0 : i32
    %dma_start3A_63 = tpu.memref_slice %arg19[%dma_start3A_62] : memref<96xi32, #tpu.memory_space<vmem>> -> memref<80xi32, #tpu.memory_space<vmem>>
    %dma_start3A_64 = tpu.memref_slice %arg6[%mul3A_61] : memref<163840xi32, #tpu.memory_space<hbm>> -> memref<80xi32, #tpu.memory_space<hbm>>
    %dma_start3A_65 = arith.constant 0 : i32
    %dma_start3A_66 = tpu.memref_slice %arg19[%dma_start3A_65] : memref<96xi32, #tpu.memory_space<vmem>> -> memref<80xi32, #tpu.memory_space<vmem>>
    %dma_start3A_67 = tpu.memref_slice %arg6[%mul3A_61] : memref<163840xi32, #tpu.memory_space<hbm>> -> memref<80xi32, #tpu.memory_space<hbm>>
    tpu.enqueue_dma source(%dma_start3A_67 : memref<80xi32, #tpu.memory_space<hbm>>) target(%dma_start3A_66 : memref<80xi32, #tpu.memory_space<vmem>>) target_semaphore(%arg24 : memref<!tpu.dma_semaphore, #tpu.memory_space<semaphore_mem>>)
    %mul3A_68 = arith.constant 16 : i32
    %mul3A_69 = arith.muli %arg0, %mul3A_68 : i32
    %add3A_70 = arith.addi %mul3A_69, %arg1 : i32
    %mul3A_71 = arith.constant 128 : i32
    %mul3A_72 = arith.muli %add3A_70, %mul3A_71 : i32
    %add3A_73 = arith.constant 1 : i32
    %add3A_74 = arith.addi %mul3A_72, %add3A_73 : i32
    %mul3A_75 = arith.constant 80 : i32
    %mul3A_76 = arith.muli %add3A_74, %mul3A_75 : i32
    %dma_start3A_77 = tpu.memref_slice %arg4[%mul3A_76] : memref<327680xi32, #tpu.memory_space<hbm>> -> memref<80xi32, #tpu.memory_space<hbm>>
    %dma_start3A_78 = tpu.memref_slice %arg4[%mul3A_76] : memref<327680xi32, #tpu.memory_space<hbm>> -> memref<80xi32, #tpu.memory_space<hbm>>
    tpu.enqueue_dma source(%dma_start3A_78 : memref<80xi32, #tpu.memory_space<hbm>>) target(%arg14 : memref<80xi32, #tpu.memory_space<vmem>>) target_semaphore(%arg25 : memref<!tpu.dma_semaphore, #tpu.memory_space<semaphore_mem>>)
    %mul3A_79 = arith.constant 128 : i32
    %mul3A_80 = arith.muli %arg1, %mul3A_79 : i32
    %add3A_81 = arith.constant 1 : i32
    %add3A_82 = arith.addi %mul3A_80, %add3A_81 : i32
    %mul3A_83 = arith.constant 80 : i32
    %mul3A_84 = arith.muli %add3A_82, %mul3A_83 : i32
    %dma_start3A_85 = tpu.memref_slice %arg5[%mul3A_84] : memref<163840xi32, #tpu.memory_space<hbm>> -> memref<80xi32, #tpu.memory_space<hbm>>
    %dma_start3A_86 = tpu.memref_slice %arg5[%mul3A_84] : memref<163840xi32, #tpu.memory_space<hbm>> -> memref<80xi32, #tpu.memory_space<hbm>>
    tpu.enqueue_dma source(%dma_start3A_86 : memref<80xi32, #tpu.memory_space<hbm>>) target(%arg16 : memref<80xi32, #tpu.memory_space<vmem>>) target_semaphore(%arg25 : memref<!tpu.dma_semaphore, #tpu.memory_space<semaphore_mem>>)
    %mul3A_87 = arith.constant 128 : i32
    %mul3A_88 = arith.muli %arg1, %mul3A_87 : i32
    %add3A_89 = arith.constant 1 : i32
    %add3A_90 = arith.addi %mul3A_88, %add3A_89 : i32
    %mul3A_91 = arith.constant 80 : i32
    %mul3A_92 = arith.muli %add3A_90, %mul3A_91 : i32
    %dma_start3A_93 = arith.constant 0 : i32
    %dma_start3A_94 = tpu.memref_slice %arg20[%dma_start3A_93] : memref<96xi32, #tpu.memory_space<vmem>> -> memref<80xi32, #tpu.memory_space<vmem>>
    %dma_start3A_95 = tpu.memref_slice %arg6[%mul3A_92] : memref<163840xi32, #tpu.memory_space<hbm>> -> memref<80xi32, #tpu.memory_space<hbm>>
    %dma_start3A_96 = arith.constant 0 : i32
    %dma_start3A_97 = tpu.memref_slice %arg20[%dma_start3A_96] : memref<96xi32, #tpu.memory_space<vmem>> -> memref<80xi32, #tpu.memory_space<vmem>>
    %dma_start3A_98 = tpu.memref_slice %arg6[%mul3A_92] : memref<163840xi32, #tpu.memory_space<hbm>> -> memref<80xi32, #tpu.memory_space<hbm>>
    tpu.enqueue_dma source(%dma_start3A_98 : memref<80xi32, #tpu.memory_space<hbm>>) target(%dma_start3A_97 : memref<80xi32, #tpu.memory_space<vmem>>) target_semaphore(%arg25 : memref<!tpu.dma_semaphore, #tpu.memory_space<semaphore_mem>>)
    %mul3A_99 = arith.constant 16 : i32
    %mul3A_100 = arith.muli %arg0, %mul3A_99 : i32
    %add3A_101 = arith.addi %mul3A_100, %arg1 : i32
    %mul3A_102 = arith.constant 128 : i32
    %mul3A_103 = arith.muli %add3A_101, %mul3A_102 : i32
    %add3A_104 = arith.constant 0 : i32
    %add3A_105 = arith.addi %mul3A_103, %add3A_104 : i32
    %mul3A_106 = arith.constant 80 : i32
    %mul3A_107 = arith.muli %add3A_105, %mul3A_106 : i32
    %dma_wait3A = tpu.memref_slice %arg4[%mul3A_107] : memref<327680xi32, #tpu.memory_space<hbm>> -> memref<80xi32, #tpu.memory_space<hbm>>
    %dma_wait3A_108 = tpu.memref_slice %arg4[%mul3A_107] : memref<327680xi32, #tpu.memory_space<hbm>> -> memref<80xi32, #tpu.memory_space<hbm>>
    tpu.wait_dma2 semaphore(%arg24 : memref<!tpu.dma_semaphore, #tpu.memory_space<semaphore_mem>>) src(%dma_wait3A_108 : memref<80xi32, #tpu.memory_space<hbm>>) dst(%arg13 : memref<80xi32, #tpu.memory_space<vmem>>)
    %mul3A_109 = arith.constant 128 : i32
    %mul3A_110 = arith.muli %arg1, %mul3A_109 : i32
    %add3A_111 = arith.constant 0 : i32
    %add3A_112 = arith.addi %mul3A_110, %add3A_111 : i32
    %mul3A_113 = arith.constant 80 : i32
    %mul3A_114 = arith.muli %add3A_112, %mul3A_113 : i32
    %dma_wait3A_115 = tpu.memref_slice %arg5[%mul3A_114] : memref<163840xi32, #tpu.memory_space<hbm>> -> memref<80xi32, #tpu.memory_space<hbm>>
    %dma_wait3A_116 = tpu.memref_slice %arg5[%mul3A_114] : memref<163840xi32, #tpu.memory_space<hbm>> -> memref<80xi32, #tpu.memory_space<hbm>>
    tpu.wait_dma2 semaphore(%arg24 : memref<!tpu.dma_semaphore, #tpu.memory_space<semaphore_mem>>) src(%dma_wait3A_116 : memref<80xi32, #tpu.memory_space<hbm>>) dst(%arg15 : memref<80xi32, #tpu.memory_space<vmem>>)
    %mul3A_117 = arith.constant 128 : i32
    %mul3A_118 = arith.muli %arg1, %mul3A_117 : i32
    %add3A_119 = arith.constant 0 : i32
    %add3A_120 = arith.addi %mul3A_118, %add3A_119 : i32
    %mul3A_121 = arith.constant 80 : i32
    %mul3A_122 = arith.muli %add3A_120, %mul3A_121 : i32
    %dma_wait3A_123 = arith.constant 0 : i32
    %dma_wait3A_124 = tpu.memref_slice %arg19[%dma_wait3A_123] : memref<96xi32, #tpu.memory_space<vmem>> -> memref<80xi32, #tpu.memory_space<vmem>>
    %dma_wait3A_125 = tpu.memref_slice %arg6[%mul3A_122] : memref<163840xi32, #tpu.memory_space<hbm>> -> memref<80xi32, #tpu.memory_space<hbm>>
    %dma_wait3A_126 = arith.constant 0 : i32
    %dma_wait3A_127 = tpu.memref_slice %arg19[%dma_wait3A_126] : memref<96xi32, #tpu.memory_space<vmem>> -> memref<80xi32, #tpu.memory_space<vmem>>
    %dma_wait3A_128 = tpu.memref_slice %arg6[%mul3A_122] : memref<163840xi32, #tpu.memory_space<hbm>> -> memref<80xi32, #tpu.memory_space<hbm>>
    tpu.wait_dma2 semaphore(%arg24 : memref<!tpu.dma_semaphore, #tpu.memory_space<semaphore_mem>>) src(%dma_wait3A_128 : memref<80xi32, #tpu.memory_space<hbm>>) dst(%dma_wait3A_127 : memref<80xi32, #tpu.memory_space<vmem>>)
    %dma_start3A_129 = arith.constant 0 : i32
    %dma_start3A_130 = arith.constant 0 : i32
    %dma_start3A_131 = tpu.memref_slice %arg2[%dma_start3A_129, %dma_start3A_130] : memref<20000x128xf32, #tpu.memory_space<hbm>> -> memref<20000x128xf32, #tpu.memory_space<hbm>>
    tpu.enqueue_indirect_dma source(%dma_start3A_131 : memref<20000x128xf32, #tpu.memory_space<hbm>>) target(%arg8 : memref<80x128xf32, #tpu.memory_space<vmem>>) offsets(%arg13 : memref<80xi32, #tpu.memory_space<vmem>>) semaphore(%arg22 : memref<!tpu.dma_semaphore, #tpu.memory_space<semaphore_mem>>)
    %broadcast_in_dim3A_132 = arith.constant 10000 : i32
    %broadcast_in_dim3A_133 = vector.broadcast %broadcast_in_dim3A_132 : i32 to vector<16xi32>
    %swap3A = arith.constant 0 : index
    %swap3A_134 = tpu.vector_load %arg17[%swap3A] {strides = array<i32>} : memref<80xi32, #tpu.memory_space<vmem>>, vector<16xi32>,
    %swap3A_135 = vector.shape_cast %swap3A_134 : vector<16xi32> to vector<16xi32>
    %swap3A_136 = vector.shape_cast %broadcast_in_dim3A_133 : vector<16xi32> to vector<16xi32>
    tpu.vector_store %arg17[%swap3A], %swap3A_136 {strides = array<i32>} : memref<80xi32, #tpu.memory_space<vmem>>, vector<16xi32>,
    %swap3A_137 = arith.constant 16 : index
    %swap3A_138 = tpu.vector_load %arg17[%swap3A_137] {strides = array<i32>} : memref<80xi32, #tpu.memory_space<vmem>>, vector<16xi32>,
    %swap3A_139 = vector.shape_cast %swap3A_138 : vector<16xi32> to vector<16xi32>
    %swap3A_140 = vector.shape_cast %broadcast_in_dim3A_133 : vector<16xi32> to vector<16xi32>
    tpu.vector_store %arg17[%swap3A_137], %swap3A_140 {strides = array<i32>} : memref<80xi32, #tpu.memory_space<vmem>>, vector<16xi32>,
    %swap3A_141 = arith.constant 32 : index
    %swap3A_142 = tpu.vector_load %arg17[%swap3A_141] {strides = array<i32>} : memref<80xi32, #tpu.memory_space<vmem>>, vector<16xi32>,
    %swap3A_143 = vector.shape_cast %swap3A_142 : vector<16xi32> to vector<16xi32>
    %swap3A_144 = vector.shape_cast %broadcast_in_dim3A_133 : vector<16xi32> to vector<16xi32>
    tpu.vector_store %arg17[%swap3A_141], %swap3A_144 {strides = array<i32>} : memref<80xi32, #tpu.memory_space<vmem>>, vector<16xi32>,
    %swap3A_145 = arith.constant 48 : index
    %swap3A_146 = tpu.vector_load %arg17[%swap3A_145] {strides = array<i32>} : memref<80xi32, #tpu.memory_space<vmem>>, vector<16xi32>,
    %swap3A_147 = vector.shape_cast %swap3A_146 : vector<16xi32> to vector<16xi32>
    %swap3A_148 = vector.shape_cast %broadcast_in_dim3A_133 : vector<16xi32> to vector<16xi32>
    tpu.vector_store %arg17[%swap3A_145], %swap3A_148 {strides = array<i32>} : memref<80xi32, #tpu.memory_space<vmem>>, vector<16xi32>,
    %swap3A_149 = arith.constant 64 : index
    %swap3A_150 = tpu.vector_load %arg17[%swap3A_149] {strides = array<i32>} : memref<80xi32, #tpu.memory_space<vmem>>, vector<16xi32>,
    %swap3A_151 = vector.shape_cast %swap3A_150 : vector<16xi32> to vector<16xi32>
    %swap3A_152 = vector.shape_cast %broadcast_in_dim3A_133 : vector<16xi32> to vector<16xi32>
    tpu.vector_store %arg17[%swap3A_149], %swap3A_152 {strides = array<i32>} : memref<80xi32, #tpu.memory_space<vmem>>, vector<16xi32>,
    %swap3A_153 = arith.constant 0 : index
    %swap3A_154 = tpu.vector_load %arg18[%swap3A_153] {strides = array<i32>} : memref<80xi32, #tpu.memory_space<vmem>>, vector<16xi32>,
    %swap3A_155 = vector.shape_cast %swap3A_154 : vector<16xi32> to vector<16xi32>
    %swap3A_156 = vector.shape_cast %broadcast_in_dim3A_133 : vector<16xi32> to vector<16xi32>
    tpu.vector_store %arg18[%swap3A_153], %swap3A_156 {strides = array<i32>} : memref<80xi32, #tpu.memory_space<vmem>>, vector<16xi32>,
    %swap3A_157 = arith.constant 16 : index
    %swap3A_158 = tpu.vector_load %arg18[%swap3A_157] {strides = array<i32>} : memref<80xi32, #tpu.memory_space<vmem>>, vector<16xi32>,
    %swap3A_159 = vector.shape_cast %swap3A_158 : vector<16xi32> to vector<16xi32>
    %swap3A_160 = vector.shape_cast %broadcast_in_dim3A_133 : vector<16xi32> to vector<16xi32>
    tpu.vector_store %arg18[%swap3A_157], %swap3A_160 {strides = array<i32>} : memref<80xi32, #tpu.memory_space<vmem>>, vector<16xi32>,
    %swap3A_161 = arith.constant 32 : index
    %swap3A_162 = tpu.vector_load %arg18[%swap3A_161] {strides = array<i32>} : memref<80xi32, #tpu.memory_space<vmem>>, vector<16xi32>,
    %swap3A_163 = vector.shape_cast %swap3A_162 : vector<16xi32> to vector<16xi32>
    %swap3A_164 = vector.shape_cast %broadcast_in_dim3A_133 : vector<16xi32> to vector<16xi32>
    tpu.vector_store %arg18[%swap3A_161], %swap3A_164 {strides = array<i32>} : memref<80xi32, #tpu.memory_space<vmem>>, vector<16xi32>,
    %swap3A_165 = arith.constant 48 : index
    %swap3A_166 = tpu.vector_load %arg18[%swap3A_165] {strides = array<i32>} : memref<80xi32, #tpu.memory_space<vmem>>, vector<16xi32>,
    %swap3A_167 = vector.shape_cast %swap3A_166 : vector<16xi32> to vector<16xi32>
    %swap3A_168 = vector.shape_cast %broadcast_in_dim3A_133 : vector<16xi32> to vector<16xi32>
    tpu.vector_store %arg18[%swap3A_165], %swap3A_168 {strides = array<i32>} : memref<80xi32, #tpu.memory_space<vmem>>, vector<16xi32>,
    %swap3A_169 = arith.constant 64 : index
    %swap3A_170 = tpu.vector_load %arg18[%swap3A_169] {strides = array<i32>} : memref<80xi32, #tpu.memory_space<vmem>>, vector<16xi32>,
    %swap3A_171 = vector.shape_cast %swap3A_170 : vector<16xi32> to vector<16xi32>
    %swap3A_172 = vector.shape_cast %broadcast_in_dim3A_133 : vector<16xi32> to vector<16xi32>
    tpu.vector_store %arg18[%swap3A_169], %swap3A_172 {strides = array<i32>} : memref<80xi32, #tpu.memory_space<vmem>>, vector<16xi32>,
    %dma_start3A_173 = arith.constant 0 : i32
    %dma_start3A_174 = arith.constant 0 : i32
    %dma_start3A_175 = tpu.memref_slice %arg21[%dma_start3A_173, %dma_start3A_174] : memref<10240x128xf32, #tpu.memory_space<vmem_shared>> -> memref<10240x128xf32, #tpu.memory_space<vmem_shared>>
    tpu.enqueue_indirect_dma source(%arg10 : memref<80x128xf32, #tpu.memory_space<vmem>>) target(%dma_start3A_175 : memref<10240x128xf32, #tpu.memory_space<vmem_shared>>) offsets(%arg17 : memref<80xi32, #tpu.memory_space<vmem>>) semaphore(%arg26 : memref<!tpu.dma_semaphore, #tpu.memory_space<semaphore_mem>>) {add = true}
    %dma_start3A_176 = arith.constant 0 : i32
    %dma_start3A_177 = arith.constant 0 : i32
    %dma_start3A_178 = tpu.memref_slice %arg21[%dma_start3A_176, %dma_start3A_177] : memref<10240x128xf32, #tpu.memory_space<vmem_shared>> -> memref<10240x128xf32, #tpu.memory_space<vmem_shared>>
    tpu.enqueue_indirect_dma source(%arg11 : memref<80x128xf32, #tpu.memory_space<vmem>>) target(%dma_start3A_178 : memref<10240x128xf32, #tpu.memory_space<vmem_shared>>) offsets(%arg18 : memref<80xi32, #tpu.memory_space<vmem>>) semaphore(%arg27 : memref<!tpu.dma_semaphore, #tpu.memory_space<semaphore_mem>>) {add = true}
    %scan3A_179 = arith.constant 0 : i32
    %scan3A_180 = arith.constant 0 : i32
    %scan3A_181 = arith.constant 32 : i32
    %scan3A_182 = arith.addi %scan3A_180, %scan3A_181 : i32
    %scan3A_183 = arith.constant 1 : i32
    scf.for %scan3A_235 = %scan3A_180 to %scan3A_182 step %scan3A_183  : i32 {
      %mul3A_236 = arith.constant 4 : i32
      %mul3A_237 = arith.muli %mul3A_236, %scan3A_235 : i32
      %add3A_238 = arith.constant 0 : i32
      %add3A_239 = arith.addi %mul3A_237, %add3A_238 : i32
      %add3A_240 = arith.constant 1 : i32
      %add3A_241 = arith.addi %add3A_239, %add3A_240 : i32
      %rem3A = arith.constant 128 : i32
      %rem3A_242 = arith.remsi %add3A_241, %rem3A : i32
      %mul3A_243 = arith.constant 16 : i32
      %mul3A_244 = arith.muli %arg0, %mul3A_243 : i32
      %add3A_245 = arith.addi %mul3A_244, %arg1 : i32
      %mul3A_246 = arith.constant 128 : i32
      %mul3A_247 = arith.muli %add3A_245, %mul3A_246 : i32
      %add3A_248 = arith.addi %mul3A_247, %rem3A_242 : i32
      %mul3A_249 = arith.constant 80 : i32
      %mul3A_250 = arith.muli %add3A_248, %mul3A_249 : i32
      %dma_wait3A_251 = tpu.memref_slice %arg4[%mul3A_250] : memref<327680xi32, #tpu.memory_space<hbm>> -> memref<80xi32, #tpu.memory_space<hbm>>
      %dma_wait3A_252 = tpu.memref_slice %arg4[%mul3A_250] : memref<327680xi32, #tpu.memory_space<hbm>> -> memref<80xi32, #tpu.memory_space<hbm>>
      tpu.wait_dma2 semaphore(%arg25 : memref<!tpu.dma_semaphore, #tpu.memory_space<semaphore_mem>>) src(%dma_wait3A_252 : memref<80xi32, #tpu.memory_space<hbm>>) dst(%arg14 : memref<80xi32, #tpu.memory_space<vmem>>)
      %mul3A_253 = arith.constant 128 : i32
      %mul3A_254 = arith.muli %arg1, %mul3A_253 : i32
      %add3A_255 = arith.addi %mul3A_254, %rem3A_242 : i32
      %mul3A_256 = arith.constant 80 : i32
      %mul3A_257 = arith.muli %add3A_255, %mul3A_256 : i32
      %dma_wait3A_258 = tpu.memref_slice %arg5[%mul3A_257] : memref<163840xi32, #tpu.memory_space<hbm>> -> memref<80xi32, #tpu.memory_space<hbm>>
      %dma_wait3A_259 = tpu.memref_slice %arg5[%mul3A_257] : memref<163840xi32, #tpu.memory_space<hbm>> -> memref<80xi32, #tpu.memory_space<hbm>>
      tpu.wait_dma2 semaphore(%arg25 : memref<!tpu.dma_semaphore, #tpu.memory_space<semaphore_mem>>) src(%dma_wait3A_259 : memref<80xi32, #tpu.memory_space<hbm>>) dst(%arg16 : memref<80xi32, #tpu.memory_space<vmem>>)
      %mul3A_260 = arith.constant 128 : i32
      %mul3A_261 = arith.muli %arg1, %mul3A_260 : i32
      %add3A_262 = arith.addi %mul3A_261, %rem3A_242 : i32
      %mul3A_263 = arith.constant 80 : i32
      %mul3A_264 = arith.muli %add3A_262, %mul3A_263 : i32
      %dma_wait3A_265 = arith.constant 0 : i32
      %dma_wait3A_266 = tpu.memref_slice %arg20[%dma_wait3A_265] : memref<96xi32, #tpu.memory_space<vmem>> -> memref<80xi32, #tpu.memory_space<vmem>>
      %dma_wait3A_267 = tpu.memref_slice %arg6[%mul3A_264] : memref<163840xi32, #tpu.memory_space<hbm>> -> memref<80xi32, #tpu.memory_space<hbm>>
      %dma_wait3A_268 = arith.constant 0 : i32
      %dma_wait3A_269 = tpu.memref_slice %arg20[%dma_wait3A_268] : memref<96xi32, #tpu.memory_space<vmem>> -> memref<80xi32, #tpu.memory_space<vmem>>
      %dma_wait3A_270 = tpu.memref_slice %arg6[%mul3A_264] : memref<163840xi32, #tpu.memory_space<hbm>> -> memref<80xi32, #tpu.memory_space<hbm>>
      tpu.wait_dma2 semaphore(%arg25 : memref<!tpu.dma_semaphore, #tpu.memory_space<semaphore_mem>>) src(%dma_wait3A_270 : memref<80xi32, #tpu.memory_space<hbm>>) dst(%dma_wait3A_269 : memref<80xi32, #tpu.memory_space<vmem>>)
      %dma_start3A_271 = arith.constant 0 : i32
      %dma_start3A_272 = arith.constant 0 : i32
      %dma_start3A_273 = tpu.memref_slice %arg2[%dma_start3A_271, %dma_start3A_272] : memref<20000x128xf32, #tpu.memory_space<hbm>> -> memref<20000x128xf32, #tpu.memory_space<hbm>>
      tpu.enqueue_indirect_dma source(%dma_start3A_273 : memref<20000x128xf32, #tpu.memory_space<hbm>>) target(%arg9 : memref<80x128xf32, #tpu.memory_space<vmem>>) offsets(%arg14 : memref<80xi32, #tpu.memory_space<vmem>>) semaphore(%arg23 : memref<!tpu.dma_semaphore, #tpu.memory_space<semaphore_mem>>)
      %dma_wait3A_274 = arith.constant 0 : i32
      %dma_wait3A_275 = arith.constant 0 : i32
      %dma_wait3A_276 = tpu.memref_slice %arg2[%dma_wait3A_274, %dma_wait3A_275] : memref<20000x128xf32, #tpu.memory_space<hbm>> -> memref<20000x128xf32, #tpu.memory_space<hbm>>
      tpu.wait_indirect_dma semaphore(%arg22 : memref<!tpu.dma_semaphore, #tpu.memory_space<semaphore_mem>>) src(%dma_wait3A_276 : memref<20000x128xf32, #tpu.memory_space<hbm>>) dst(%arg8 : memref<80x128xf32, #tpu.memory_space<vmem>>)
      %dma_wait3A_277 = arith.constant 0 : i32
      %dma_wait3A_278 = arith.constant 0 : i32
      %dma_wait3A_279 = tpu.memref_slice %arg21[%dma_wait3A_277, %dma_wait3A_278] : memref<10240x128xf32, #tpu.memory_space<vmem_shared>> -> memref<10240x128xf32, #tpu.memory_space<vmem_shared>>
      tpu.wait_indirect_dma semaphore(%arg26 : memref<!tpu.dma_semaphore, #tpu.memory_space<semaphore_mem>>) src(%arg10 : memref<80x128xf32, #tpu.memory_space<vmem>>) dst(%dma_wait3A_279 : memref<10240x128xf32, #tpu.memory_space<vmem_shared>>)
      %parallel_loop3A = arith.constant 0 : i32
      %parallel_loop3A_280 = arith.constant 80 : i32
      %parallel_loop3A_281 = arith.constant 1 : i32
      scf.for %parallel_loop3A_566 = %parallel_loop3A to %parallel_loop3A_280 step %parallel_loop3A_281  : i32 {
        %parallel_loop3A_567 = arith.index_cast %parallel_loop3A_566 : i32 to index
        %parallel_loop3A_568 = tpu.vector_load %arg19[%parallel_loop3A_567] {strides = array<i32>} : memref<96xi32, #tpu.memory_space<vmem>>, vector<16xi32>,
        %parallel_loop3A_569 = vector.shape_cast %parallel_loop3A_568 : vector<16xi32> to vector<16xi32>
        %parallel_loop3A_570 = vector.extract_strided_slice %parallel_loop3A_569 {offsets = [0], sizes = [1], strides = [1]} : vector<16xi32> to vector<1xi32>
        %parallel_loop3A_571 = vector.extract %parallel_loop3A_570[0] : i32 from vector<1xi32>
        %parallel_loop3A_572 = arith.index_cast %parallel_loop3A_566 : i32 to index
        %parallel_loop3A_573 = arith.constant 0 : index
        %parallel_loop3A_574 = tpu.vector_load %arg8[%parallel_loop3A_572, %parallel_loop3A_573] {strides = array<i32>} : memref<80x128xf32, #tpu.memory_space<vmem>>, vector<1x16xf32>,
        %parallel_loop3A_575 = vector.shape_cast %parallel_loop3A_574 : vector<1x16xf32> to vector<16xf32>
        %parallel_loop3A_576 = arith.index_cast %parallel_loop3A_571 : i32 to index
        %parallel_loop3A_577 = arith.constant 0 : index
        %parallel_loop3A_578 = tpu.vector_load %arg12[%parallel_loop3A_576, %parallel_loop3A_577] {strides = array<i32>} : memref<16x128xf32, #tpu.memory_space<vmem>>, vector<1x16xf32>,
        %parallel_loop3A_579 = vector.shape_cast %parallel_loop3A_578 : vector<1x16xf32> to vector<16xf32>
        %parallel_loop3A_580 = arith.addf %parallel_loop3A_575, %parallel_loop3A_579 : vector<16xf32>
        %parallel_loop3A_581 = arith.constant 0.000000e+00 : f32
        %parallel_loop3A_582 = vector.broadcast %parallel_loop3A_581 : f32 to vector<16xf32>
        %parallel_loop3A_583 = arith.maximumf %parallel_loop3A_580, %parallel_loop3A_582 : vector<16xf32>
        %parallel_loop3A_584 = arith.index_cast %parallel_loop3A_566 : i32 to index
        %parallel_loop3A_585 = arith.constant 0 : index
        %parallel_loop3A_586 = tpu.vector_load %arg10[%parallel_loop3A_584, %parallel_loop3A_585] {strides = array<i32>} : memref<80x128xf32, #tpu.memory_space<vmem>>, vector<1x16xf32>,
        %parallel_loop3A_587 = vector.shape_cast %parallel_loop3A_586 : vector<1x16xf32> to vector<16xf32>
        %parallel_loop3A_588 = vector.shape_cast %parallel_loop3A_583 : vector<16xf32> to vector<1x16xf32>
        tpu.vector_store %arg10[%parallel_loop3A_584, %parallel_loop3A_585], %parallel_loop3A_588 {strides = array<i32>} : memref<80x128xf32, #tpu.memory_space<vmem>>, vector<1x16xf32>,
        %parallel_loop3A_589 = arith.index_cast %parallel_loop3A_566 : i32 to index
        %parallel_loop3A_590 = arith.constant 16 : index
        %parallel_loop3A_591 = tpu.vector_load %arg8[%parallel_loop3A_589, %parallel_loop3A_590] {strides = array<i32>} : memref<80x128xf32, #tpu.memory_space<vmem>>, vector<1x16xf32>,
        %parallel_loop3A_592 = vector.shape_cast %parallel_loop3A_591 : vector<1x16xf32> to vector<16xf32>
        %parallel_loop3A_593 = arith.index_cast %parallel_loop3A_571 : i32 to index
        %parallel_loop3A_594 = arith.constant 16 : index
        %parallel_loop3A_595 = tpu.vector_load %arg12[%parallel_loop3A_593, %parallel_loop3A_594] {strides = array<i32>} : memref<16x128xf32, #tpu.memory_space<vmem>>, vector<1x16xf32>,
        %parallel_loop3A_596 = vector.shape_cast %parallel_loop3A_595 : vector<1x16xf32> to vector<16xf32>
        %parallel_loop3A_597 = arith.addf %parallel_loop3A_592, %parallel_loop3A_596 : vector<16xf32>
        %parallel_loop3A_598 = arith.constant 0.000000e+00 : f32
        %parallel_loop3A_599 = vector.broadcast %parallel_loop3A_598 : f32 to vector<16xf32>
        %parallel_loop3A_600 = arith.maximumf %parallel_loop3A_597, %parallel_loop3A_599 : vector<16xf32>
        %parallel_loop3A_601 = arith.index_cast %parallel_loop3A_566 : i32 to index
        %parallel_loop3A_602 = arith.constant 16 : index
        %parallel_loop3A_603 = tpu.vector_load %arg10[%parallel_loop3A_601, %parallel_loop3A_602] {strides = array<i32>} : memref<80x128xf32, #tpu.memory_space<vmem>>, vector<1x16xf32>,
        %parallel_loop3A_604 = vector.shape_cast %parallel_loop3A_603 : vector<1x16xf32> to vector<16xf32>
        %parallel_loop3A_605 = vector.shape_cast %parallel_loop3A_600 : vector<16xf32> to vector<1x16xf32>
        tpu.vector_store %arg10[%parallel_loop3A_601, %parallel_loop3A_602], %parallel_loop3A_605 {strides = array<i32>} : memref<80x128xf32, #tpu.memory_space<vmem>>, vector<1x16xf32>,
        %parallel_loop3A_606 = arith.index_cast %parallel_loop3A_566 : i32 to index
        %parallel_loop3A_607 = arith.constant 32 : index
        %parallel_loop3A_608 = tpu.vector_load %arg8[%parallel_loop3A_606, %parallel_loop3A_607] {strides = array<i32>} : memref<80x128xf32, #tpu.memory_space<vmem>>, vector<1x16xf32>,
        %parallel_loop3A_609 = vector.shape_cast %parallel_loop3A_608 : vector<1x16xf32> to vector<16xf32>
        %parallel_loop3A_610 = arith.index_cast %parallel_loop3A_571 : i32 to index
        %parallel_loop3A_611 = arith.constant 32 : index
        %parallel_loop3A_612 = tpu.vector_load %arg12[%parallel_loop3A_610, %parallel_loop3A_611] {strides = array<i32>} : memref<16x128xf32, #tpu.memory_space<vmem>>, vector<1x16xf32>,
        %parallel_loop3A_613 = vector.shape_cast %parallel_loop3A_612 : vector<1x16xf32> to vector<16xf32>
        %parallel_loop3A_614 = arith.addf %parallel_loop3A_609, %parallel_loop3A_613 : vector<16xf32>
        %parallel_loop3A_615 = arith.constant 0.000000e+00 : f32
        %parallel_loop3A_616 = vector.broadcast %parallel_loop3A_615 : f32 to vector<16xf32>
        %parallel_loop3A_617 = arith.maximumf %parallel_loop3A_614, %parallel_loop3A_616 : vector<16xf32>
        %parallel_loop3A_618 = arith.index_cast %parallel_loop3A_566 : i32 to index
        %parallel_loop3A_619 = arith.constant 32 : index
        %parallel_loop3A_620 = tpu.vector_load %arg10[%parallel_loop3A_618, %parallel_loop3A_619] {strides = array<i32>} : memref<80x128xf32, #tpu.memory_space<vmem>>, vector<1x16xf32>,
        %parallel_loop3A_621 = vector.shape_cast %parallel_loop3A_620 : vector<1x16xf32> to vector<16xf32>
        %parallel_loop3A_622 = vector.shape_cast %parallel_loop3A_617 : vector<16xf32> to vector<1x16xf32>
        tpu.vector_store %arg10[%parallel_loop3A_618, %parallel_loop3A_619], %parallel_loop3A_622 {strides = array<i32>} : memref<80x128xf32, #tpu.memory_space<vmem>>, vector<1x16xf32>,
        %parallel_loop3A_623 = arith.index_cast %parallel_loop3A_566 : i32 to index
        %parallel_loop3A_624 = arith.constant 48 : index
        %parallel_loop3A_625 = tpu.vector_load %arg8[%parallel_loop3A_623, %parallel_loop3A_624] {strides = array<i32>} : memref<80x128xf32, #tpu.memory_space<vmem>>, vector<1x16xf32>,
        %parallel_loop3A_626 = vector.shape_cast %parallel_loop3A_625 : vector<1x16xf32> to vector<16xf32>
        %parallel_loop3A_627 = arith.index_cast %parallel_loop3A_571 : i32 to index
        %parallel_loop3A_628 = arith.constant 48 : index
        %parallel_loop3A_629 = tpu.vector_load %arg12[%parallel_loop3A_627, %parallel_loop3A_628] {strides = array<i32>} : memref<16x128xf32, #tpu.memory_space<vmem>>, vector<1x16xf32>,
        %parallel_loop3A_630 = vector.shape_cast %parallel_loop3A_629 : vector<1x16xf32> to vector<16xf32>
        %parallel_loop3A_631 = arith.addf %parallel_loop3A_626, %parallel_loop3A_630 : vector<16xf32>
        %parallel_loop3A_632 = arith.constant 0.000000e+00 : f32
        %parallel_loop3A_633 = vector.broadcast %parallel_loop3A_632 : f32 to vector<16xf32>
        %parallel_loop3A_634 = arith.maximumf %parallel_loop3A_631, %parallel_loop3A_633 : vector<16xf32>
        %parallel_loop3A_635 = arith.index_cast %parallel_loop3A_566 : i32 to index
        %parallel_loop3A_636 = arith.constant 48 : index
        %parallel_loop3A_637 = tpu.vector_load %arg10[%parallel_loop3A_635, %parallel_loop3A_636] {strides = array<i32>} : memref<80x128xf32, #tpu.memory_space<vmem>>, vector<1x16xf32>,
        %parallel_loop3A_638 = vector.shape_cast %parallel_loop3A_637 : vector<1x16xf32> to vector<16xf32>
        %parallel_loop3A_639 = vector.shape_cast %parallel_loop3A_634 : vector<16xf32> to vector<1x16xf32>
        tpu.vector_store %arg10[%parallel_loop3A_635, %parallel_loop3A_636], %parallel_loop3A_639 {strides = array<i32>} : memref<80x128xf32, #tpu.memory_space<vmem>>, vector<1x16xf32>,
        %parallel_loop3A_640 = arith.index_cast %parallel_loop3A_566 : i32 to index
        %parallel_loop3A_641 = arith.constant 64 : index
        %parallel_loop3A_642 = tpu.vector_load %arg8[%parallel_loop3A_640, %parallel_loop3A_641] {strides = array<i32>} : memref<80x128xf32, #tpu.memory_space<vmem>>, vector<1x16xf32>,
        %parallel_loop3A_643 = vector.shape_cast %parallel_loop3A_642 : vector<1x16xf32> to vector<16xf32>
        %parallel_loop3A_644 = arith.index_cast %parallel_loop3A_571 : i32 to index
        %parallel_loop3A_645 = arith.constant 64 : index
        %parallel_loop3A_646 = tpu.vector_load %arg12[%parallel_loop3A_644, %parallel_loop3A_645] {strides = array<i32>} : memref<16x128xf32, #tpu.memory_space<vmem>>, vector<1x16xf32>,
        %parallel_loop3A_647 = vector.shape_cast %parallel_loop3A_646 : vector<1x16xf32> to vector<16xf32>
        %parallel_loop3A_648 = arith.addf %parallel_loop3A_643, %parallel_loop3A_647 : vector<16xf32>
        %parallel_loop3A_649 = arith.constant 0.000000e+00 : f32
        %parallel_loop3A_650 = vector.broadcast %parallel_loop3A_649 : f32 to vector<16xf32>
        %parallel_loop3A_651 = arith.maximumf %parallel_loop3A_648, %parallel_loop3A_650 : vector<16xf32>
        %parallel_loop3A_652 = arith.index_cast %parallel_loop3A_566 : i32 to index
        %parallel_loop3A_653 = arith.constant 64 : index
        %parallel_loop3A_654 = tpu.vector_load %arg10[%parallel_loop3A_652, %parallel_loop3A_653] {strides = array<i32>} : memref<80x128xf32, #tpu.memory_space<vmem>>, vector<1x16xf32>,
        %parallel_loop3A_655 = vector.shape_cast %parallel_loop3A_654 : vector<1x16xf32> to vector<16xf32>
        %parallel_loop3A_656 = vector.shape_cast %parallel_loop3A_651 : vector<16xf32> to vector<1x16xf32>
        tpu.vector_store %arg10[%parallel_loop3A_652, %parallel_loop3A_653], %parallel_loop3A_656 {strides = array<i32>} : memref<80x128xf32, #tpu.memory_space<vmem>>, vector<1x16xf32>,
        %parallel_loop3A_657 = arith.index_cast %parallel_loop3A_566 : i32 to index
        %parallel_loop3A_658 = arith.constant 80 : index
        %parallel_loop3A_659 = tpu.vector_load %arg8[%parallel_loop3A_657, %parallel_loop3A_658] {strides = array<i32>} : memref<80x128xf32, #tpu.memory_space<vmem>>, vector<1x16xf32>,
        %parallel_loop3A_660 = vector.shape_cast %parallel_loop3A_659 : vector<1x16xf32> to vector<16xf32>
        %parallel_loop3A_661 = arith.index_cast %parallel_loop3A_571 : i32 to index
        %parallel_loop3A_662 = arith.constant 80 : index
        %parallel_loop3A_663 = tpu.vector_load %arg12[%parallel_loop3A_661, %parallel_loop3A_662] {strides = array<i32>} : memref<16x128xf32, #tpu.memory_space<vmem>>, vector<1x16xf32>,
        %parallel_loop3A_664 = vector.shape_cast %parallel_loop3A_663 : vector<1x16xf32> to vector<16xf32>
        %parallel_loop3A_665 = arith.addf %parallel_loop3A_660, %parallel_loop3A_664 : vector<16xf32>
        %parallel_loop3A_666 = arith.constant 0.000000e+00 : f32
        %parallel_loop3A_667 = vector.broadcast %parallel_loop3A_666 : f32 to vector<16xf32>
        %parallel_loop3A_668 = arith.maximumf %parallel_loop3A_665, %parallel_loop3A_667 : vector<16xf32>
        %parallel_loop3A_669 = arith.index_cast %parallel_loop3A_566 : i32 to index
        %parallel_loop3A_670 = arith.constant 80 : index
        %parallel_loop3A_671 = tpu.vector_load %arg10[%parallel_loop3A_669, %parallel_loop3A_670] {strides = array<i32>} : memref<80x128xf32, #tpu.memory_space<vmem>>, vector<1x16xf32>,
        %parallel_loop3A_672 = vector.shape_cast %parallel_loop3A_671 : vector<1x16xf32> to vector<16xf32>
        %parallel_loop3A_673 = vector.shape_cast %parallel_loop3A_668 : vector<16xf32> to vector<1x16xf32>
        tpu.vector_store %arg10[%parallel_loop3A_669, %parallel_loop3A_670], %parallel_loop3A_673 {strides = array<i32>} : memref<80x128xf32, #tpu.memory_space<vmem>>, vector<1x16xf32>,
        %parallel_loop3A_674 = arith.index_cast %parallel_loop3A_566 : i32 to index
        %parallel_loop3A_675 = arith.constant 96 : index
        %parallel_loop3A_676 = tpu.vector_load %arg8[%parallel_loop3A_674, %parallel_loop3A_675] {strides = array<i32>} : memref<80x128xf32, #tpu.memory_space<vmem>>, vector<1x16xf32>,
        %parallel_loop3A_677 = vector.shape_cast %parallel_loop3A_676 : vector<1x16xf32> to vector<16xf32>
        %parallel_loop3A_678 = arith.index_cast %parallel_loop3A_571 : i32 to index
        %parallel_loop3A_679 = arith.constant 96 : index
        %parallel_loop3A_680 = tpu.vector_load %arg12[%parallel_loop3A_678, %parallel_loop3A_679] {strides = array<i32>} : memref<16x128xf32, #tpu.memory_space<vmem>>, vector<1x16xf32>,
        %parallel_loop3A_681 = vector.shape_cast %parallel_loop3A_680 : vector<1x16xf32> to vector<16xf32>
        %parallel_loop3A_682 = arith.addf %parallel_loop3A_677, %parallel_loop3A_681 : vector<16xf32>
        %parallel_loop3A_683 = arith.constant 0.000000e+00 : f32
        %parallel_loop3A_684 = vector.broadcast %parallel_loop3A_683 : f32 to vector<16xf32>
        %parallel_loop3A_685 = arith.maximumf %parallel_loop3A_682, %parallel_loop3A_684 : vector<16xf32>
        %parallel_loop3A_686 = arith.index_cast %parallel_loop3A_566 : i32 to index
        %parallel_loop3A_687 = arith.constant 96 : index
        %parallel_loop3A_688 = tpu.vector_load %arg10[%parallel_loop3A_686, %parallel_loop3A_687] {strides = array<i32>} : memref<80x128xf32, #tpu.memory_space<vmem>>, vector<1x16xf32>,
        %parallel_loop3A_689 = vector.shape_cast %parallel_loop3A_688 : vector<1x16xf32> to vector<16xf32>
        %parallel_loop3A_690 = vector.shape_cast %parallel_loop3A_685 : vector<16xf32> to vector<1x16xf32>
        tpu.vector_store %arg10[%parallel_loop3A_686, %parallel_loop3A_687], %parallel_loop3A_690 {strides = array<i32>} : memref<80x128xf32, #tpu.memory_space<vmem>>, vector<1x16xf32>,
        %parallel_loop3A_691 = arith.index_cast %parallel_loop3A_566 : i32 to index
        %parallel_loop3A_692 = arith.constant 112 : index
        %parallel_loop3A_693 = tpu.vector_load %arg8[%parallel_loop3A_691, %parallel_loop3A_692] {strides = array<i32>} : memref<80x128xf32, #tpu.memory_space<vmem>>, vector<1x16xf32>,
        %parallel_loop3A_694 = vector.shape_cast %parallel_loop3A_693 : vector<1x16xf32> to vector<16xf32>
        %parallel_loop3A_695 = arith.index_cast %parallel_loop3A_571 : i32 to index
        %parallel_loop3A_696 = arith.constant 112 : index
        %parallel_loop3A_697 = tpu.vector_load %arg12[%parallel_loop3A_695, %parallel_loop3A_696] {strides = array<i32>} : memref<16x128xf32, #tpu.memory_space<vmem>>, vector<1x16xf32>,
        %parallel_loop3A_698 = vector.shape_cast %parallel_loop3A_697 : vector<1x16xf32> to vector<16xf32>
        %parallel_loop3A_699 = arith.addf %parallel_loop3A_694, %parallel_loop3A_698 : vector<16xf32>
        %parallel_loop3A_700 = arith.constant 0.000000e+00 : f32
        %parallel_loop3A_701 = vector.broadcast %parallel_loop3A_700 : f32 to vector<16xf32>
        %parallel_loop3A_702 = arith.maximumf %parallel_loop3A_699, %parallel_loop3A_701 : vector<16xf32>
        %parallel_loop3A_703 = arith.index_cast %parallel_loop3A_566 : i32 to index
        %parallel_loop3A_704 = arith.constant 112 : index
        %parallel_loop3A_705 = tpu.vector_load %arg10[%parallel_loop3A_703, %parallel_loop3A_704] {strides = array<i32>} : memref<80x128xf32, #tpu.memory_space<vmem>>, vector<1x16xf32>,
        %parallel_loop3A_706 = vector.shape_cast %parallel_loop3A_705 : vector<1x16xf32> to vector<16xf32>
        %parallel_loop3A_707 = vector.shape_cast %parallel_loop3A_702 : vector<16xf32> to vector<1x16xf32>
        tpu.vector_store %arg10[%parallel_loop3A_703, %parallel_loop3A_704], %parallel_loop3A_707 {strides = array<i32>} : memref<80x128xf32, #tpu.memory_space<vmem>>, vector<1x16xf32>,
      } {sc.loop_unroll_factor = 4 : i64, sc.parallel_access}
      %dma_start3A_282 = arith.constant 0 : i32
      %dma_start3A_283 = arith.constant 0 : i32
      %dma_start3A_284 = tpu.memref_slice %arg21[%dma_start3A_282, %dma_start3A_283] : memref<10240x128xf32, #tpu.memory_space<vmem_shared>> -> memref<10240x128xf32, #tpu.memory_space<vmem_shared>>
      tpu.enqueue_indirect_dma source(%arg10 : memref<80x128xf32, #tpu.memory_space<vmem>>) target(%dma_start3A_284 : memref<10240x128xf32, #tpu.memory_space<vmem_shared>>) offsets(%arg15 : memref<80xi32, #tpu.memory_space<vmem>>) semaphore(%arg26 : memref<!tpu.dma_semaphore, #tpu.memory_space<semaphore_mem>>) {add = true}
      %add3A_285 = arith.constant 2 : i32
      %add3A_286 = arith.addi %add3A_239, %add3A_285 : i32
      %rem3A_287 = arith.constant 128 : i32
      %rem3A_288 = arith.remsi %add3A_286, %rem3A_287 : i32
      %mul3A_289 = arith.constant 16 : i32
      %mul3A_290 = arith.muli %arg0, %mul3A_289 : i32
      %add3A_291 = arith.addi %mul3A_290, %arg1 : i32
      %mul3A_292 = arith.constant 128 : i32
      %mul3A_293 = arith.muli %add3A_291, %mul3A_292 : i32
      %add3A_294 = arith.addi %mul3A_293, %rem3A_288 : i32
      %mul3A_295 = arith.constant 80 : i32
      %mul3A_296 = arith.muli %add3A_294, %mul3A_295 : i32
      %dma_start3A_297 = tpu.memref_slice %arg4[%mul3A_296] : memref<327680xi32, #tpu.memory_space<hbm>> -> memref<80xi32, #tpu.memory_space<hbm>>
      %dma_start3A_298 = tpu.memref_slice %arg4[%mul3A_296] : memref<327680xi32, #tpu.memory_space<hbm>> -> memref<80xi32, #tpu.memory_space<hbm>>
      tpu.enqueue_dma source(%dma_start3A_298 : memref<80xi32, #tpu.memory_space<hbm>>) target(%arg13 : memref<80xi32, #tpu.memory_space<vmem>>) target_semaphore(%arg24 : memref<!tpu.dma_semaphore, #tpu.memory_space<semaphore_mem>>)
      %mul3A_299 = arith.constant 128 : i32
      %mul3A_300 = arith.muli %arg1, %mul3A_299 : i32
      %add3A_301 = arith.addi %mul3A_300, %rem3A_288 : i32
      %mul3A_302 = arith.constant 80 : i32
      %mul3A_303 = arith.muli %add3A_301, %mul3A_302 : i32
      %dma_start3A_304 = tpu.memref_slice %arg5[%mul3A_303] : memref<163840xi32, #tpu.memory_space<hbm>> -> memref<80xi32, #tpu.memory_space<hbm>>
      %dma_start3A_305 = tpu.memref_slice %arg5[%mul3A_303] : memref<163840xi32, #tpu.memory_space<hbm>> -> memref<80xi32, #tpu.memory_space<hbm>>
      tpu.enqueue_dma source(%dma_start3A_305 : memref<80xi32, #tpu.memory_space<hbm>>) target(%arg17 : memref<80xi32, #tpu.memory_space<vmem>>) target_semaphore(%arg24 : memref<!tpu.dma_semaphore, #tpu.memory_space<semaphore_mem>>)
      %mul3A_306 = arith.constant 128 : i32
      %mul3A_307 = arith.muli %arg1, %mul3A_306 : i32
      %add3A_308 = arith.addi %mul3A_307, %rem3A_288 : i32
      %mul3A_309 = arith.constant 80 : i32
      %mul3A_310 = arith.muli %add3A_308, %mul3A_309 : i32
      %dma_start3A_311 = arith.constant 0 : i32
      %dma_start3A_312 = tpu.memref_slice %arg19[%dma_start3A_311] : memref<96xi32, #tpu.memory_space<vmem>> -> memref<80xi32, #tpu.memory_space<vmem>>
      %dma_start3A_313 = tpu.memref_slice %arg6[%mul3A_310] : memref<163840xi32, #tpu.memory_space<hbm>> -> memref<80xi32, #tpu.memory_space<hbm>>
      %dma_start3A_314 = arith.constant 0 : i32
      %dma_start3A_315 = tpu.memref_slice %arg19[%dma_start3A_314] : memref<96xi32, #tpu.memory_space<vmem>> -> memref<80xi32, #tpu.memory_space<vmem>>
      %dma_start3A_316 = tpu.memref_slice %arg6[%mul3A_310] : memref<163840xi32, #tpu.memory_space<hbm>> -> memref<80xi32, #tpu.memory_space<hbm>>
      tpu.enqueue_dma source(%dma_start3A_316 : memref<80xi32, #tpu.memory_space<hbm>>) target(%dma_start3A_315 : memref<80xi32, #tpu.memory_space<vmem>>) target_semaphore(%arg24 : memref<!tpu.dma_semaphore, #tpu.memory_space<semaphore_mem>>)
      %mul3A_317 = arith.constant 4 : i32
      %mul3A_318 = arith.muli %mul3A_317, %scan3A_235 : i32
      %add3A_319 = arith.constant 1 : i32
      %add3A_320 = arith.addi %mul3A_318, %add3A_319 : i32
      %add3A_321 = arith.constant 1 : i32
      %add3A_322 = arith.addi %add3A_320, %add3A_321 : i32
      %rem3A_323 = arith.constant 128 : i32
      %rem3A_324 = arith.remsi %add3A_322, %rem3A_323 : i32
      %mul3A_325 = arith.constant 16 : i32
      %mul3A_326 = arith.muli %arg0, %mul3A_325 : i32
      %add3A_327 = arith.addi %mul3A_326, %arg1 : i32
      %mul3A_328 = arith.constant 128 : i32
      %mul3A_329 = arith.muli %add3A_327, %mul3A_328 : i32
      %add3A_330 = arith.addi %mul3A_329, %rem3A_324 : i32
      %mul3A_331 = arith.constant 80 : i32
      %mul3A_332 = arith.muli %add3A_330, %mul3A_331 : i32
      %dma_wait3A_333 = tpu.memref_slice %arg4[%mul3A_332] : memref<327680xi32, #tpu.memory_space<hbm>> -> memref<80xi32, #tpu.memory_space<hbm>>
      %dma_wait3A_334 = tpu.memref_slice %arg4[%mul3A_332] : memref<327680xi32, #tpu.memory_space<hbm>> -> memref<80xi32, #tpu.memory_space<hbm>>
      tpu.wait_dma2 semaphore(%arg24 : memref<!tpu.dma_semaphore, #tpu.memory_space<semaphore_mem>>) src(%dma_wait3A_334 : memref<80xi32, #tpu.memory_space<hbm>>) dst(%arg13 : memref<80xi32, #tpu.memory_space<vmem>>)
      %mul3A_335 = arith.constant 128 : i32
      %mul3A_336 = arith.muli %arg1, %mul3A_335 : i32
      %add3A_337 = arith.addi %mul3A_336, %rem3A_324 : i32
      %mul3A_338 = arith.constant 80 : i32
      %mul3A_339 = arith.muli %add3A_337, %mul3A_338 : i32
      %dma_wait3A_340 = tpu.memref_slice %arg5[%mul3A_339] : memref<163840xi32, #tpu.memory_space<hbm>> -> memref<80xi32, #tpu.memory_space<hbm>>
      %dma_wait3A_341 = tpu.memref_slice %arg5[%mul3A_339] : memref<163840xi32, #tpu.memory_space<hbm>> -> memref<80xi32, #tpu.memory_space<hbm>>
      tpu.wait_dma2 semaphore(%arg24 : memref<!tpu.dma_semaphore, #tpu.memory_space<semaphore_mem>>) src(%dma_wait3A_341 : memref<80xi32, #tpu.memory_space<hbm>>) dst(%arg17 : memref<80xi32, #tpu.memory_space<vmem>>)
      %mul3A_342 = arith.constant 128 : i32
      %mul3A_343 = arith.muli %arg1, %mul3A_342 : i32
      %add3A_344 = arith.addi %mul3A_343, %rem3A_324 : i32
      %mul3A_345 = arith.constant 80 : i32
      %mul3A_346 = arith.muli %add3A_344, %mul3A_345 : i32
      %dma_wait3A_347 = arith.constant 0 : i32
      %dma_wait3A_348 = tpu.memref_slice %arg19[%dma_wait3A_347] : memref<96xi32, #tpu.memory_space<vmem>> -> memref<80xi32, #tpu.memory_space<vmem>>
      %dma_wait3A_349 = tpu.memref_slice %arg6[%mul3A_346] : memref<163840xi32, #tpu.memory_space<hbm>> -> memref<80xi32, #tpu.memory_space<hbm>>
      %dma_wait3A_350 = arith.constant 0 : i32
      %dma_wait3A_351 = tpu.memref_slice %arg19[%dma_wait3A_350] : memref<96xi32, #tpu.memory_space<vmem>> -> memref<80xi32, #tpu.memory_space<vmem>>
      %dma_wait3A_352 = tpu.memref_slice %arg6[%mul3A_346] : memref<163840xi32, #tpu.memory_space<hbm>> -> memref<80xi32, #tpu.memory_space<hbm>>
      tpu.wait_dma2 semaphore(%arg24 : memref<!tpu.dma_semaphore, #tpu.memory_space<semaphore_mem>>) src(%dma_wait3A_352 : memref<80xi32, #tpu.memory_space<hbm>>) dst(%dma_wait3A_351 : memref<80xi32, #tpu.memory_space<vmem>>)
      %dma_start3A_353 = arith.constant 0 : i32
      %dma_start3A_354 = arith.constant 0 : i32
      %dma_start3A_355 = tpu.memref_slice %arg2[%dma_start3A_353, %dma_start3A_354] : memref<20000x128xf32, #tpu.memory_space<hbm>> -> memref<20000x128xf32, #tpu.memory_space<hbm>>
      tpu.enqueue_indirect_dma source(%dma_start3A_355 : memref<20000x128xf32, #tpu.memory_space<hbm>>) target(%arg8 : memref<80x128xf32, #tpu.memory_space<vmem>>) offsets(%arg13 : memref<80xi32, #tpu.memory_space<vmem>>) semaphore(%arg22 : memref<!tpu.dma_semaphore, #tpu.memory_space<semaphore_mem>>)
      %dma_wait3A_356 = arith.constant 0 : i32
      %dma_wait3A_357 = arith.constant 0 : i32
      %dma_wait3A_358 = tpu.memref_slice %arg2[%dma_wait3A_356, %dma_wait3A_357] : memref<20000x128xf32, #tpu.memory_space<hbm>> -> memref<20000x128xf32, #tpu.memory_space<hbm>>
      tpu.wait_indirect_dma semaphore(%arg23 : memref<!tpu.dma_semaphore, #tpu.memory_space<semaphore_mem>>) src(%dma_wait3A_358 : memref<20000x128xf32, #tpu.memory_space<hbm>>) dst(%arg9 : memref<80x128xf32, #tpu.memory_space<vmem>>)
      %dma_wait3A_359 = arith.constant 0 : i32
      %dma_wait3A_360 = arith.constant 0 : i32
      %dma_wait3A_361 = tpu.memref_slice %arg21[%dma_wait3A_359, %dma_wait3A_360] : memref<10240x128xf32, #tpu.memory_space<vmem_shared>> -> memref<10240x128xf32, #tpu.memory_space<vmem_shared>>
      tpu.wait_indirect_dma semaphore(%arg27 : memref<!tpu.dma_semaphore, #tpu.memory_space<semaphore_mem>>) src(%arg11 : memref<80x128xf32, #tpu.memory_space<vmem>>) dst(%dma_wait3A_361 : memref<10240x128xf32, #tpu.memory_space<vmem_shared>>)
      %parallel_loop3A_362 = arith.constant 0 : i32
      %parallel_loop3A_363 = arith.constant 80 : i32
      %parallel_loop3A_364 = arith.constant 1 : i32
      scf.for %parallel_loop3A_566 = %parallel_loop3A_362 to %parallel_loop3A_363 step %parallel_loop3A_364  : i32 {
        %parallel_loop3A_567 = arith.index_cast %parallel_loop3A_566 : i32 to index
        %parallel_loop3A_568 = tpu.vector_load %arg20[%parallel_loop3A_567] {strides = array<i32>} : memref<96xi32, #tpu.memory_space<vmem>>, vector<16xi32>,
        %parallel_loop3A_569 = vector.shape_cast %parallel_loop3A_568 : vector<16xi32> to vector<16xi32>
        %parallel_loop3A_570 = vector.extract_strided_slice %parallel_loop3A_569 {offsets = [0], sizes = [1], strides = [1]} : vector<16xi32> to vector<1xi32>
        %parallel_loop3A_571 = vector.extract %parallel_loop3A_570[0] : i32 from vector<1xi32>
        %parallel_loop3A_572 = arith.index_cast %parallel_loop3A_566 : i32 to index
        %parallel_loop3A_573 = arith.constant 0 : index
        %parallel_loop3A_574 = tpu.vector_load %arg9[%parallel_loop3A_572, %parallel_loop3A_573] {strides = array<i32>} : memref<80x128xf32, #tpu.memory_space<vmem>>, vector<1x16xf32>,
        %parallel_loop3A_575 = vector.shape_cast %parallel_loop3A_574 : vector<1x16xf32> to vector<16xf32>
        %parallel_loop3A_576 = arith.index_cast %parallel_loop3A_571 : i32 to index
        %parallel_loop3A_577 = arith.constant 0 : index
        %parallel_loop3A_578 = tpu.vector_load %arg12[%parallel_loop3A_576, %parallel_loop3A_577] {strides = array<i32>} : memref<16x128xf32, #tpu.memory_space<vmem>>, vector<1x16xf32>,
        %parallel_loop3A_579 = vector.shape_cast %parallel_loop3A_578 : vector<1x16xf32> to vector<16xf32>
        %parallel_loop3A_580 = arith.addf %parallel_loop3A_575, %parallel_loop3A_579 : vector<16xf32>
        %parallel_loop3A_581 = arith.constant 0.000000e+00 : f32
        %parallel_loop3A_582 = vector.broadcast %parallel_loop3A_581 : f32 to vector<16xf32>
        %parallel_loop3A_583 = arith.maximumf %parallel_loop3A_580, %parallel_loop3A_582 : vector<16xf32>
        %parallel_loop3A_584 = arith.index_cast %parallel_loop3A_566 : i32 to index
        %parallel_loop3A_585 = arith.constant 0 : index
        %parallel_loop3A_586 = tpu.vector_load %arg11[%parallel_loop3A_584, %parallel_loop3A_585] {strides = array<i32>} : memref<80x128xf32, #tpu.memory_space<vmem>>, vector<1x16xf32>,
        %parallel_loop3A_587 = vector.shape_cast %parallel_loop3A_586 : vector<1x16xf32> to vector<16xf32>
        %parallel_loop3A_588 = vector.shape_cast %parallel_loop3A_583 : vector<16xf32> to vector<1x16xf32>
        tpu.vector_store %arg11[%parallel_loop3A_584, %parallel_loop3A_585], %parallel_loop3A_588 {strides = array<i32>} : memref<80x128xf32, #tpu.memory_space<vmem>>, vector<1x16xf32>,
        %parallel_loop3A_589 = arith.index_cast %parallel_loop3A_566 : i32 to index
        %parallel_loop3A_590 = arith.constant 16 : index
        %parallel_loop3A_591 = tpu.vector_load %arg9[%parallel_loop3A_589, %parallel_loop3A_590] {strides = array<i32>} : memref<80x128xf32, #tpu.memory_space<vmem>>, vector<1x16xf32>,
        %parallel_loop3A_592 = vector.shape_cast %parallel_loop3A_591 : vector<1x16xf32> to vector<16xf32>
        %parallel_loop3A_593 = arith.index_cast %parallel_loop3A_571 : i32 to index
        %parallel_loop3A_594 = arith.constant 16 : index
        %parallel_loop3A_595 = tpu.vector_load %arg12[%parallel_loop3A_593, %parallel_loop3A_594] {strides = array<i32>} : memref<16x128xf32, #tpu.memory_space<vmem>>, vector<1x16xf32>,
        %parallel_loop3A_596 = vector.shape_cast %parallel_loop3A_595 : vector<1x16xf32> to vector<16xf32>
        %parallel_loop3A_597 = arith.addf %parallel_loop3A_592, %parallel_loop3A_596 : vector<16xf32>
        %parallel_loop3A_598 = arith.constant 0.000000e+00 : f32
        %parallel_loop3A_599 = vector.broadcast %parallel_loop3A_598 : f32 to vector<16xf32>
        %parallel_loop3A_600 = arith.maximumf %parallel_loop3A_597, %parallel_loop3A_599 : vector<16xf32>
        %parallel_loop3A_601 = arith.index_cast %parallel_loop3A_566 : i32 to index
        %parallel_loop3A_602 = arith.constant 16 : index
        %parallel_loop3A_603 = tpu.vector_load %arg11[%parallel_loop3A_601, %parallel_loop3A_602] {strides = array<i32>} : memref<80x128xf32, #tpu.memory_space<vmem>>, vector<1x16xf32>,
        %parallel_loop3A_604 = vector.shape_cast %parallel_loop3A_603 : vector<1x16xf32> to vector<16xf32>
        %parallel_loop3A_605 = vector.shape_cast %parallel_loop3A_600 : vector<16xf32> to vector<1x16xf32>
        tpu.vector_store %arg11[%parallel_loop3A_601, %parallel_loop3A_602], %parallel_loop3A_605 {strides = array<i32>} : memref<80x128xf32, #tpu.memory_space<vmem>>, vector<1x16xf32>,
        %parallel_loop3A_606 = arith.index_cast %parallel_loop3A_566 : i32 to index
        %parallel_loop3A_607 = arith.constant 32 : index
        %parallel_loop3A_608 = tpu.vector_load %arg9[%parallel_loop3A_606, %parallel_loop3A_607] {strides = array<i32>} : memref<80x128xf32, #tpu.memory_space<vmem>>, vector<1x16xf32>,
        %parallel_loop3A_609 = vector.shape_cast %parallel_loop3A_608 : vector<1x16xf32> to vector<16xf32>
        %parallel_loop3A_610 = arith.index_cast %parallel_loop3A_571 : i32 to index
        %parallel_loop3A_611 = arith.constant 32 : index
        %parallel_loop3A_612 = tpu.vector_load %arg12[%parallel_loop3A_610, %parallel_loop3A_611] {strides = array<i32>} : memref<16x128xf32, #tpu.memory_space<vmem>>, vector<1x16xf32>,
        %parallel_loop3A_613 = vector.shape_cast %parallel_loop3A_612 : vector<1x16xf32> to vector<16xf32>
        %parallel_loop3A_614 = arith.addf %parallel_loop3A_609, %parallel_loop3A_613 : vector<16xf32>
        %parallel_loop3A_615 = arith.constant 0.000000e+00 : f32
        %parallel_loop3A_616 = vector.broadcast %parallel_loop3A_615 : f32 to vector<16xf32>
        %parallel_loop3A_617 = arith.maximumf %parallel_loop3A_614, %parallel_loop3A_616 : vector<16xf32>
        %parallel_loop3A_618 = arith.index_cast %parallel_loop3A_566 : i32 to index
        %parallel_loop3A_619 = arith.constant 32 : index
        %parallel_loop3A_620 = tpu.vector_load %arg11[%parallel_loop3A_618, %parallel_loop3A_619] {strides = array<i32>} : memref<80x128xf32, #tpu.memory_space<vmem>>, vector<1x16xf32>,
        %parallel_loop3A_621 = vector.shape_cast %parallel_loop3A_620 : vector<1x16xf32> to vector<16xf32>
        %parallel_loop3A_622 = vector.shape_cast %parallel_loop3A_617 : vector<16xf32> to vector<1x16xf32>
        tpu.vector_store %arg11[%parallel_loop3A_618, %parallel_loop3A_619], %parallel_loop3A_622 {strides = array<i32>} : memref<80x128xf32, #tpu.memory_space<vmem>>, vector<1x16xf32>,
        %parallel_loop3A_623 = arith.index_cast %parallel_loop3A_566 : i32 to index
        %parallel_loop3A_624 = arith.constant 48 : index
        %parallel_loop3A_625 = tpu.vector_load %arg9[%parallel_loop3A_623, %parallel_loop3A_624] {strides = array<i32>} : memref<80x128xf32, #tpu.memory_space<vmem>>, vector<1x16xf32>,
        %parallel_loop3A_626 = vector.shape_cast %parallel_loop3A_625 : vector<1x16xf32> to vector<16xf32>
        %parallel_loop3A_627 = arith.index_cast %parallel_loop3A_571 : i32 to index
        %parallel_loop3A_628 = arith.constant 48 : index
        %parallel_loop3A_629 = tpu.vector_load %arg12[%parallel_loop3A_627, %parallel_loop3A_628] {strides = array<i32>} : memref<16x128xf32, #tpu.memory_space<vmem>>, vector<1x16xf32>,
        %parallel_loop3A_630 = vector.shape_cast %parallel_loop3A_629 : vector<1x16xf32> to vector<16xf32>
        %parallel_loop3A_631 = arith.addf %parallel_loop3A_626, %parallel_loop3A_630 : vector<16xf32>
        %parallel_loop3A_632 = arith.constant 0.000000e+00 : f32
        %parallel_loop3A_633 = vector.broadcast %parallel_loop3A_632 : f32 to vector<16xf32>
        %parallel_loop3A_634 = arith.maximumf %parallel_loop3A_631, %parallel_loop3A_633 : vector<16xf32>
        %parallel_loop3A_635 = arith.index_cast %parallel_loop3A_566 : i32 to index
        %parallel_loop3A_636 = arith.constant 48 : index
        %parallel_loop3A_637 = tpu.vector_load %arg11[%parallel_loop3A_635, %parallel_loop3A_636] {strides = array<i32>} : memref<80x128xf32, #tpu.memory_space<vmem>>, vector<1x16xf32>,
        %parallel_loop3A_638 = vector.shape_cast %parallel_loop3A_637 : vector<1x16xf32> to vector<16xf32>
        %parallel_loop3A_639 = vector.shape_cast %parallel_loop3A_634 : vector<16xf32> to vector<1x16xf32>
        tpu.vector_store %arg11[%parallel_loop3A_635, %parallel_loop3A_636], %parallel_loop3A_639 {strides = array<i32>} : memref<80x128xf32, #tpu.memory_space<vmem>>, vector<1x16xf32>,
        %parallel_loop3A_640 = arith.index_cast %parallel_loop3A_566 : i32 to index
        %parallel_loop3A_641 = arith.constant 64 : index
        %parallel_loop3A_642 = tpu.vector_load %arg9[%parallel_loop3A_640, %parallel_loop3A_641] {strides = array<i32>} : memref<80x128xf32, #tpu.memory_space<vmem>>, vector<1x16xf32>,
        %parallel_loop3A_643 = vector.shape_cast %parallel_loop3A_642 : vector<1x16xf32> to vector<16xf32>
        %parallel_loop3A_644 = arith.index_cast %parallel_loop3A_571 : i32 to index
        %parallel_loop3A_645 = arith.constant 64 : index
        %parallel_loop3A_646 = tpu.vector_load %arg12[%parallel_loop3A_644, %parallel_loop3A_645] {strides = array<i32>} : memref<16x128xf32, #tpu.memory_space<vmem>>, vector<1x16xf32>,
        %parallel_loop3A_647 = vector.shape_cast %parallel_loop3A_646 : vector<1x16xf32> to vector<16xf32>
        %parallel_loop3A_648 = arith.addf %parallel_loop3A_643, %parallel_loop3A_647 : vector<16xf32>
        %parallel_loop3A_649 = arith.constant 0.000000e+00 : f32
        %parallel_loop3A_650 = vector.broadcast %parallel_loop3A_649 : f32 to vector<16xf32>
        %parallel_loop3A_651 = arith.maximumf %parallel_loop3A_648, %parallel_loop3A_650 : vector<16xf32>
        %parallel_loop3A_652 = arith.index_cast %parallel_loop3A_566 : i32 to index
        %parallel_loop3A_653 = arith.constant 64 : index
        %parallel_loop3A_654 = tpu.vector_load %arg11[%parallel_loop3A_652, %parallel_loop3A_653] {strides = array<i32>} : memref<80x128xf32, #tpu.memory_space<vmem>>, vector<1x16xf32>,
        %parallel_loop3A_655 = vector.shape_cast %parallel_loop3A_654 : vector<1x16xf32> to vector<16xf32>
        %parallel_loop3A_656 = vector.shape_cast %parallel_loop3A_651 : vector<16xf32> to vector<1x16xf32>
        tpu.vector_store %arg11[%parallel_loop3A_652, %parallel_loop3A_653], %parallel_loop3A_656 {strides = array<i32>} : memref<80x128xf32, #tpu.memory_space<vmem>>, vector<1x16xf32>,
        %parallel_loop3A_657 = arith.index_cast %parallel_loop3A_566 : i32 to index
        %parallel_loop3A_658 = arith.constant 80 : index
        %parallel_loop3A_659 = tpu.vector_load %arg9[%parallel_loop3A_657, %parallel_loop3A_658] {strides = array<i32>} : memref<80x128xf32, #tpu.memory_space<vmem>>, vector<1x16xf32>,
        %parallel_loop3A_660 = vector.shape_cast %parallel_loop3A_659 : vector<1x16xf32> to vector<16xf32>
        %parallel_loop3A_661 = arith.index_cast %parallel_loop3A_571 : i32 to index
        %parallel_loop3A_662 = arith.constant 80 : index
        %parallel_loop3A_663 = tpu.vector_load %arg12[%parallel_loop3A_661, %parallel_loop3A_662] {strides = array<i32>} : memref<16x128xf32, #tpu.memory_space<vmem>>, vector<1x16xf32>,
        %parallel_loop3A_664 = vector.shape_cast %parallel_loop3A_663 : vector<1x16xf32> to vector<16xf32>
        %parallel_loop3A_665 = arith.addf %parallel_loop3A_660, %parallel_loop3A_664 : vector<16xf32>
        %parallel_loop3A_666 = arith.constant 0.000000e+00 : f32
        %parallel_loop3A_667 = vector.broadcast %parallel_loop3A_666 : f32 to vector<16xf32>
        %parallel_loop3A_668 = arith.maximumf %parallel_loop3A_665, %parallel_loop3A_667 : vector<16xf32>
        %parallel_loop3A_669 = arith.index_cast %parallel_loop3A_566 : i32 to index
        %parallel_loop3A_670 = arith.constant 80 : index
        %parallel_loop3A_671 = tpu.vector_load %arg11[%parallel_loop3A_669, %parallel_loop3A_670] {strides = array<i32>} : memref<80x128xf32, #tpu.memory_space<vmem>>, vector<1x16xf32>,
        %parallel_loop3A_672 = vector.shape_cast %parallel_loop3A_671 : vector<1x16xf32> to vector<16xf32>
        %parallel_loop3A_673 = vector.shape_cast %parallel_loop3A_668 : vector<16xf32> to vector<1x16xf32>
        tpu.vector_store %arg11[%parallel_loop3A_669, %parallel_loop3A_670], %parallel_loop3A_673 {strides = array<i32>} : memref<80x128xf32, #tpu.memory_space<vmem>>, vector<1x16xf32>,
        %parallel_loop3A_674 = arith.index_cast %parallel_loop3A_566 : i32 to index
        %parallel_loop3A_675 = arith.constant 96 : index
        %parallel_loop3A_676 = tpu.vector_load %arg9[%parallel_loop3A_674, %parallel_loop3A_675] {strides = array<i32>} : memref<80x128xf32, #tpu.memory_space<vmem>>, vector<1x16xf32>,
        %parallel_loop3A_677 = vector.shape_cast %parallel_loop3A_676 : vector<1x16xf32> to vector<16xf32>
        %parallel_loop3A_678 = arith.index_cast %parallel_loop3A_571 : i32 to index
        %parallel_loop3A_679 = arith.constant 96 : index
        %parallel_loop3A_680 = tpu.vector_load %arg12[%parallel_loop3A_678, %parallel_loop3A_679] {strides = array<i32>} : memref<16x128xf32, #tpu.memory_space<vmem>>, vector<1x16xf32>,
        %parallel_loop3A_681 = vector.shape_cast %parallel_loop3A_680 : vector<1x16xf32> to vector<16xf32>
        %parallel_loop3A_682 = arith.addf %parallel_loop3A_677, %parallel_loop3A_681 : vector<16xf32>
        %parallel_loop3A_683 = arith.constant 0.000000e+00 : f32
        %parallel_loop3A_684 = vector.broadcast %parallel_loop3A_683 : f32 to vector<16xf32>
        %parallel_loop3A_685 = arith.maximumf %parallel_loop3A_682, %parallel_loop3A_684 : vector<16xf32>
        %parallel_loop3A_686 = arith.index_cast %parallel_loop3A_566 : i32 to index
        %parallel_loop3A_687 = arith.constant 96 : index
        %parallel_loop3A_688 = tpu.vector_load %arg11[%parallel_loop3A_686, %parallel_loop3A_687] {strides = array<i32>} : memref<80x128xf32, #tpu.memory_space<vmem>>, vector<1x16xf32>,
        %parallel_loop3A_689 = vector.shape_cast %parallel_loop3A_688 : vector<1x16xf32> to vector<16xf32>
        %parallel_loop3A_690 = vector.shape_cast %parallel_loop3A_685 : vector<16xf32> to vector<1x16xf32>
        tpu.vector_store %arg11[%parallel_loop3A_686, %parallel_loop3A_687], %parallel_loop3A_690 {strides = array<i32>} : memref<80x128xf32, #tpu.memory_space<vmem>>, vector<1x16xf32>,
        %parallel_loop3A_691 = arith.index_cast %parallel_loop3A_566 : i32 to index
        %parallel_loop3A_692 = arith.constant 112 : index
        %parallel_loop3A_693 = tpu.vector_load %arg9[%parallel_loop3A_691, %parallel_loop3A_692] {strides = array<i32>} : memref<80x128xf32, #tpu.memory_space<vmem>>, vector<1x16xf32>,
        %parallel_loop3A_694 = vector.shape_cast %parallel_loop3A_693 : vector<1x16xf32> to vector<16xf32>
        %parallel_loop3A_695 = arith.index_cast %parallel_loop3A_571 : i32 to index
        %parallel_loop3A_696 = arith.constant 112 : index
        %parallel_loop3A_697 = tpu.vector_load %arg12[%parallel_loop3A_695, %parallel_loop3A_696] {strides = array<i32>} : memref<16x128xf32, #tpu.memory_space<vmem>>, vector<1x16xf32>,
        %parallel_loop3A_698 = vector.shape_cast %parallel_loop3A_697 : vector<1x16xf32> to vector<16xf32>
        %parallel_loop3A_699 = arith.addf %parallel_loop3A_694, %parallel_loop3A_698 : vector<16xf32>
        %parallel_loop3A_700 = arith.constant 0.000000e+00 : f32
        %parallel_loop3A_701 = vector.broadcast %parallel_loop3A_700 : f32 to vector<16xf32>
        %parallel_loop3A_702 = arith.maximumf %parallel_loop3A_699, %parallel_loop3A_701 : vector<16xf32>
        %parallel_loop3A_703 = arith.index_cast %parallel_loop3A_566 : i32 to index
        %parallel_loop3A_704 = arith.constant 112 : index
        %parallel_loop3A_705 = tpu.vector_load %arg11[%parallel_loop3A_703, %parallel_loop3A_704] {strides = array<i32>} : memref<80x128xf32, #tpu.memory_space<vmem>>, vector<1x16xf32>,
        %parallel_loop3A_706 = vector.shape_cast %parallel_loop3A_705 : vector<1x16xf32> to vector<16xf32>
        %parallel_loop3A_707 = vector.shape_cast %parallel_loop3A_702 : vector<16xf32> to vector<1x16xf32>
        tpu.vector_store %arg11[%parallel_loop3A_703, %parallel_loop3A_704], %parallel_loop3A_707 {strides = array<i32>} : memref<80x128xf32, #tpu.memory_space<vmem>>, vector<1x16xf32>,
      } {sc.loop_unroll_factor = 4 : i64, sc.parallel_access}
      %dma_start3A_365 = arith.constant 0 : i32
      %dma_start3A_366 = arith.constant 0 : i32
      %dma_start3A_367 = tpu.memref_slice %arg21[%dma_start3A_365, %dma_start3A_366] : memref<10240x128xf32, #tpu.memory_space<vmem_shared>> -> memref<10240x128xf32, #tpu.memory_space<vmem_shared>>
      tpu.enqueue_indirect_dma source(%arg11 : memref<80x128xf32, #tpu.memory_space<vmem>>) target(%dma_start3A_367 : memref<10240x128xf32, #tpu.memory_space<vmem_shared>>) offsets(%arg16 : memref<80xi32, #tpu.memory_space<vmem>>) semaphore(%arg27 : memref<!tpu.dma_semaphore, #tpu.memory_space<semaphore_mem>>) {add = true}
      %add3A_368 = arith.constant 2 : i32
      %add3A_369 = arith.addi %add3A_320, %add3A_368 : i32
      %rem3A_370 = arith.constant 128 : i32
      %rem3A_371 = arith.remsi %add3A_369, %rem3A_370 : i32
      %mul3A_372 = arith.constant 16 : i32
      %mul3A_373 = arith.muli %arg0, %mul3A_372 : i32
      %add3A_374 = arith.addi %mul3A_373, %arg1 : i32
      %mul3A_375 = arith.constant 128 : i32
      %mul3A_376 = arith.muli %add3A_374, %mul3A_375 : i32
      %add3A_377 = arith.addi %mul3A_376, %rem3A_371 : i32
      %mul3A_378 = arith.constant 80 : i32
      %mul3A_379 = arith.muli %add3A_377, %mul3A_378 : i32
      %dma_start3A_380 = tpu.memref_slice %arg4[%mul3A_379] : memref<327680xi32, #tpu.memory_space<hbm>> -> memref<80xi32, #tpu.memory_space<hbm>>
      %dma_start3A_381 = tpu.memref_slice %arg4[%mul3A_379] : memref<327680xi32, #tpu.memory_space<hbm>> -> memref<80xi32, #tpu.memory_space<hbm>>
      tpu.enqueue_dma source(%dma_start3A_381 : memref<80xi32, #tpu.memory_space<hbm>>) target(%arg14 : memref<80xi32, #tpu.memory_space<vmem>>) target_semaphore(%arg25 : memref<!tpu.dma_semaphore, #tpu.memory_space<semaphore_mem>>)
      %mul3A_382 = arith.constant 128 : i32
      %mul3A_383 = arith.muli %arg1, %mul3A_382 : i32
      %add3A_384 = arith.addi %mul3A_383, %rem3A_371 : i32
      %mul3A_385 = arith.constant 80 : i32
      %mul3A_386 = arith.muli %add3A_384, %mul3A_385 : i32
      %dma_start3A_387 = tpu.memref_slice %arg5[%mul3A_386] : memref<163840xi32, #tpu.memory_space<hbm>> -> memref<80xi32, #tpu.memory_space<hbm>>
      %dma_start3A_388 = tpu.memref_slice %arg5[%mul3A_386] : memref<163840xi32, #tpu.memory_space<hbm>> -> memref<80xi32, #tpu.memory_space<hbm>>
      tpu.enqueue_dma source(%dma_start3A_388 : memref<80xi32, #tpu.memory_space<hbm>>) target(%arg18 : memref<80xi32, #tpu.memory_space<vmem>>) target_semaphore(%arg25 : memref<!tpu.dma_semaphore, #tpu.memory_space<semaphore_mem>>)
      %mul3A_389 = arith.constant 128 : i32
      %mul3A_390 = arith.muli %arg1, %mul3A_389 : i32
      %add3A_391 = arith.addi %mul3A_390, %rem3A_371 : i32
      %mul3A_392 = arith.constant 80 : i32
      %mul3A_393 = arith.muli %add3A_391, %mul3A_392 : i32
      %dma_start3A_394 = arith.constant 0 : i32
      %dma_start3A_395 = tpu.memref_slice %arg20[%dma_start3A_394] : memref<96xi32, #tpu.memory_space<vmem>> -> memref<80xi32, #tpu.memory_space<vmem>>
      %dma_start3A_396 = tpu.memref_slice %arg6[%mul3A_393] : memref<163840xi32, #tpu.memory_space<hbm>> -> memref<80xi32, #tpu.memory_space<hbm>>
      %dma_start3A_397 = arith.constant 0 : i32
      %dma_start3A_398 = tpu.memref_slice %arg20[%dma_start3A_397] : memref<96xi32, #tpu.memory_space<vmem>> -> memref<80xi32, #tpu.memory_space<vmem>>
      %dma_start3A_399 = tpu.memref_slice %arg6[%mul3A_393] : memref<163840xi32, #tpu.memory_space<hbm>> -> memref<80xi32, #tpu.memory_space<hbm>>
      tpu.enqueue_dma source(%dma_start3A_399 : memref<80xi32, #tpu.memory_space<hbm>>) target(%dma_start3A_398 : memref<80xi32, #tpu.memory_space<vmem>>) target_semaphore(%arg25 : memref<!tpu.dma_semaphore, #tpu.memory_space<semaphore_mem>>)
      %mul3A_400 = arith.constant 4 : i32
      %mul3A_401 = arith.muli %mul3A_400, %scan3A_235 : i32
      %add3A_402 = arith.constant 2 : i32
      %add3A_403 = arith.addi %mul3A_401, %add3A_402 : i32
      %add3A_404 = arith.constant 1 : i32
      %add3A_405 = arith.addi %add3A_403, %add3A_404 : i32
      %rem3A_406 = arith.constant 128 : i32
      %rem3A_407 = arith.remsi %add3A_405, %rem3A_406 : i32
      %mul3A_408 = arith.constant 16 : i32
      %mul3A_409 = arith.muli %arg0, %mul3A_408 : i32
      %add3A_410 = arith.addi %mul3A_409, %arg1 : i32
      %mul3A_411 = arith.constant 128 : i32
      %mul3A_412 = arith.muli %add3A_410, %mul3A_411 : i32
      %add3A_413 = arith.addi %mul3A_412, %rem3A_407 : i32
      %mul3A_414 = arith.constant 80 : i32
      %mul3A_415 = arith.muli %add3A_413, %mul3A_414 : i32
      %dma_wait3A_416 = tpu.memref_slice %arg4[%mul3A_415] : memref<327680xi32, #tpu.memory_space<hbm>> -> memref<80xi32, #tpu.memory_space<hbm>>
      %dma_wait3A_417 = tpu.memref_slice %arg4[%mul3A_415] : memref<327680xi32, #tpu.memory_space<hbm>> -> memref<80xi32, #tpu.memory_space<hbm>>
      tpu.wait_dma2 semaphore(%arg25 : memref<!tpu.dma_semaphore, #tpu.memory_space<semaphore_mem>>) src(%dma_wait3A_417 : memref<80xi32, #tpu.memory_space<hbm>>) dst(%arg14 : memref<80xi32, #tpu.memory_space<vmem>>)
      %mul3A_418 = arith.constant 128 : i32
      %mul3A_419 = arith.muli %arg1, %mul3A_418 : i32
      %add3A_420 = arith.addi %mul3A_419, %rem3A_407 : i32
      %mul3A_421 = arith.constant 80 : i32
      %mul3A_422 = arith.muli %add3A_420, %mul3A_421 : i32
      %dma_wait3A_423 = tpu.memref_slice %arg5[%mul3A_422] : memref<163840xi32, #tpu.memory_space<hbm>> -> memref<80xi32, #tpu.memory_space<hbm>>
      %dma_wait3A_424 = tpu.memref_slice %arg5[%mul3A_422] : memref<163840xi32, #tpu.memory_space<hbm>> -> memref<80xi32, #tpu.memory_space<hbm>>
      tpu.wait_dma2 semaphore(%arg25 : memref<!tpu.dma_semaphore, #tpu.memory_space<semaphore_mem>>) src(%dma_wait3A_424 : memref<80xi32, #tpu.memory_space<hbm>>) dst(%arg18 : memref<80xi32, #tpu.memory_space<vmem>>)
      %mul3A_425 = arith.constant 128 : i32
      %mul3A_426 = arith.muli %arg1, %mul3A_425 : i32
      %add3A_427 = arith.addi %mul3A_426, %rem3A_407 : i32
      %mul3A_428 = arith.constant 80 : i32
      %mul3A_429 = arith.muli %add3A_427, %mul3A_428 : i32
      %dma_wait3A_430 = arith.constant 0 : i32
      %dma_wait3A_431 = tpu.memref_slice %arg20[%dma_wait3A_430] : memref<96xi32, #tpu.memory_space<vmem>> -> memref<80xi32, #tpu.memory_space<vmem>>
      %dma_wait3A_432 = tpu.memref_slice %arg6[%mul3A_429] : memref<163840xi32, #tpu.memory_space<hbm>> -> memref<80xi32, #tpu.memory_space<hbm>>
      %dma_wait3A_433 = arith.constant 0 : i32
      %dma_wait3A_434 = tpu.memref_slice %arg20[%dma_wait3A_433] : memref<96xi32, #tpu.memory_space<vmem>> -> memref<80xi32, #tpu.memory_space<vmem>>
      %dma_wait3A_435 = tpu.memref_slice %arg6[%mul3A_429] : memref<163840xi32, #tpu.memory_space<hbm>> -> memref<80xi32, #tpu.memory_space<hbm>>
      tpu.wait_dma2 semaphore(%arg25 : memref<!tpu.dma_semaphore, #tpu.memory_space<semaphore_mem>>) src(%dma_wait3A_435 : memref<80xi32, #tpu.memory_space<hbm>>) dst(%dma_wait3A_434 : memref<80xi32, #tpu.memory_space<vmem>>)
      %dma_start3A_436 = arith.constant 0 : i32
      %dma_start3A_437 = arith.constant 0 : i32
      %dma_start3A_438 = tpu.memref_slice %arg2[%dma_start3A_436, %dma_start3A_437] : memref<20000x128xf32, #tpu.memory_space<hbm>> -> memref<20000x128xf32, #tpu.memory_space<hbm>>
      tpu.enqueue_indirect_dma source(%dma_start3A_438 : memref<20000x128xf32, #tpu.memory_space<hbm>>) target(%arg9 : memref<80x128xf32, #tpu.memory_space<vmem>>) offsets(%arg14 : memref<80xi32, #tpu.memory_space<vmem>>) semaphore(%arg23 : memref<!tpu.dma_semaphore, #tpu.memory_space<semaphore_mem>>)
      %dma_wait3A_439 = arith.constant 0 : i32
      %dma_wait3A_440 = arith.constant 0 : i32
      %dma_wait3A_441 = tpu.memref_slice %arg2[%dma_wait3A_439, %dma_wait3A_440] : memref<20000x128xf32, #tpu.memory_space<hbm>> -> memref<20000x128xf32, #tpu.memory_space<hbm>>
      tpu.wait_indirect_dma semaphore(%arg22 : memref<!tpu.dma_semaphore, #tpu.memory_space<semaphore_mem>>) src(%dma_wait3A_441 : memref<20000x128xf32, #tpu.memory_space<hbm>>) dst(%arg8 : memref<80x128xf32, #tpu.memory_space<vmem>>)
      %dma_wait3A_442 = arith.constant 0 : i32
      %dma_wait3A_443 = arith.constant 0 : i32
      %dma_wait3A_444 = tpu.memref_slice %arg21[%dma_wait3A_442, %dma_wait3A_443] : memref<10240x128xf32, #tpu.memory_space<vmem_shared>> -> memref<10240x128xf32, #tpu.memory_space<vmem_shared>>
      tpu.wait_indirect_dma semaphore(%arg26 : memref<!tpu.dma_semaphore, #tpu.memory_space<semaphore_mem>>) src(%arg10 : memref<80x128xf32, #tpu.memory_space<vmem>>) dst(%dma_wait3A_444 : memref<10240x128xf32, #tpu.memory_space<vmem_shared>>)
      %parallel_loop3A_445 = arith.constant 0 : i32
      %parallel_loop3A_446 = arith.constant 80 : i32
      %parallel_loop3A_447 = arith.constant 1 : i32
      scf.for %parallel_loop3A_566 = %parallel_loop3A_445 to %parallel_loop3A_446 step %parallel_loop3A_447  : i32 {
        %parallel_loop3A_567 = arith.index_cast %parallel_loop3A_566 : i32 to index
        %parallel_loop3A_568 = tpu.vector_load %arg19[%parallel_loop3A_567] {strides = array<i32>} : memref<96xi32, #tpu.memory_space<vmem>>, vector<16xi32>,
        %parallel_loop3A_569 = vector.shape_cast %parallel_loop3A_568 : vector<16xi32> to vector<16xi32>
        %parallel_loop3A_570 = vector.extract_strided_slice %parallel_loop3A_569 {offsets = [0], sizes = [1], strides = [1]} : vector<16xi32> to vector<1xi32>
        %parallel_loop3A_571 = vector.extract %parallel_loop3A_570[0] : i32 from vector<1xi32>
        %parallel_loop3A_572 = arith.index_cast %parallel_loop3A_566 : i32 to index
        %parallel_loop3A_573 = arith.constant 0 : index
        %parallel_loop3A_574 = tpu.vector_load %arg8[%parallel_loop3A_572, %parallel_loop3A_573] {strides = array<i32>} : memref<80x128xf32, #tpu.memory_space<vmem>>, vector<1x16xf32>,
        %parallel_loop3A_575 = vector.shape_cast %parallel_loop3A_574 : vector<1x16xf32> to vector<16xf32>
        %parallel_loop3A_576 = arith.index_cast %parallel_loop3A_571 : i32 to index
        %parallel_loop3A_577 = arith.constant 0 : index
        %parallel_loop3A_578 = tpu.vector_load %arg12[%parallel_loop3A_576, %parallel_loop3A_577] {strides = array<i32>} : memref<16x128xf32, #tpu.memory_space<vmem>>, vector<1x16xf32>,
        %parallel_loop3A_579 = vector.shape_cast %parallel_loop3A_578 : vector<1x16xf32> to vector<16xf32>
        %parallel_loop3A_580 = arith.addf %parallel_loop3A_575, %parallel_loop3A_579 : vector<16xf32>
        %parallel_loop3A_581 = arith.constant 0.000000e+00 : f32
        %parallel_loop3A_582 = vector.broadcast %parallel_loop3A_581 : f32 to vector<16xf32>
        %parallel_loop3A_583 = arith.maximumf %parallel_loop3A_580, %parallel_loop3A_582 : vector<16xf32>
        %parallel_loop3A_584 = arith.index_cast %parallel_loop3A_566 : i32 to index
        %parallel_loop3A_585 = arith.constant 0 : index
        %parallel_loop3A_586 = tpu.vector_load %arg10[%parallel_loop3A_584, %parallel_loop3A_585] {strides = array<i32>} : memref<80x128xf32, #tpu.memory_space<vmem>>, vector<1x16xf32>,
        %parallel_loop3A_587 = vector.shape_cast %parallel_loop3A_586 : vector<1x16xf32> to vector<16xf32>
        %parallel_loop3A_588 = vector.shape_cast %parallel_loop3A_583 : vector<16xf32> to vector<1x16xf32>
        tpu.vector_store %arg10[%parallel_loop3A_584, %parallel_loop3A_585], %parallel_loop3A_588 {strides = array<i32>} : memref<80x128xf32, #tpu.memory_space<vmem>>, vector<1x16xf32>,
        %parallel_loop3A_589 = arith.index_cast %parallel_loop3A_566 : i32 to index
        %parallel_loop3A_590 = arith.constant 16 : index
        %parallel_loop3A_591 = tpu.vector_load %arg8[%parallel_loop3A_589, %parallel_loop3A_590] {strides = array<i32>} : memref<80x128xf32, #tpu.memory_space<vmem>>, vector<1x16xf32>,
        %parallel_loop3A_592 = vector.shape_cast %parallel_loop3A_591 : vector<1x16xf32> to vector<16xf32>
        %parallel_loop3A_593 = arith.index_cast %parallel_loop3A_571 : i32 to index
        %parallel_loop3A_594 = arith.constant 16 : index
        %parallel_loop3A_595 = tpu.vector_load %arg12[%parallel_loop3A_593, %parallel_loop3A_594] {strides = array<i32>} : memref<16x128xf32, #tpu.memory_space<vmem>>, vector<1x16xf32>,
        %parallel_loop3A_596 = vector.shape_cast %parallel_loop3A_595 : vector<1x16xf32> to vector<16xf32>
        %parallel_loop3A_597 = arith.addf %parallel_loop3A_592, %parallel_loop3A_596 : vector<16xf32>
        %parallel_loop3A_598 = arith.constant 0.000000e+00 : f32
        %parallel_loop3A_599 = vector.broadcast %parallel_loop3A_598 : f32 to vector<16xf32>
        %parallel_loop3A_600 = arith.maximumf %parallel_loop3A_597, %parallel_loop3A_599 : vector<16xf32>
        %parallel_loop3A_601 = arith.index_cast %parallel_loop3A_566 : i32 to index
        %parallel_loop3A_602 = arith.constant 16 : index
        %parallel_loop3A_603 = tpu.vector_load %arg10[%parallel_loop3A_601, %parallel_loop3A_602] {strides = array<i32>} : memref<80x128xf32, #tpu.memory_space<vmem>>, vector<1x16xf32>,
        %parallel_loop3A_604 = vector.shape_cast %parallel_loop3A_603 : vector<1x16xf32> to vector<16xf32>
        %parallel_loop3A_605 = vector.shape_cast %parallel_loop3A_600 : vector<16xf32> to vector<1x16xf32>
        tpu.vector_store %arg10[%parallel_loop3A_601, %parallel_loop3A_602], %parallel_loop3A_605 {strides = array<i32>} : memref<80x128xf32, #tpu.memory_space<vmem>>, vector<1x16xf32>,
        %parallel_loop3A_606 = arith.index_cast %parallel_loop3A_566 : i32 to index
        %parallel_loop3A_607 = arith.constant 32 : index
        %parallel_loop3A_608 = tpu.vector_load %arg8[%parallel_loop3A_606, %parallel_loop3A_607] {strides = array<i32>} : memref<80x128xf32, #tpu.memory_space<vmem>>, vector<1x16xf32>,
        %parallel_loop3A_609 = vector.shape_cast %parallel_loop3A_608 : vector<1x16xf32> to vector<16xf32>
        %parallel_loop3A_610 = arith.index_cast %parallel_loop3A_571 : i32 to index
        %parallel_loop3A_611 = arith.constant 32 : index
        %parallel_loop3A_612 = tpu.vector_load %arg12[%parallel_loop3A_610, %parallel_loop3A_611] {strides = array<i32>} : memref<16x128xf32, #tpu.memory_space<vmem>>, vector<1x16xf32>,
        %parallel_loop3A_613 = vector.shape_cast %parallel_loop3A_612 : vector<1x16xf32> to vector<16xf32>
        %parallel_loop3A_614 = arith.addf %parallel_loop3A_609, %parallel_loop3A_613 : vector<16xf32>
        %parallel_loop3A_615 = arith.constant 0.000000e+00 : f32
        %parallel_loop3A_616 = vector.broadcast %parallel_loop3A_615 : f32 to vector<16xf32>
        %parallel_loop3A_617 = arith.maximumf %parallel_loop3A_614, %parallel_loop3A_616 : vector<16xf32>
        %parallel_loop3A_618 = arith.index_cast %parallel_loop3A_566 : i32 to index
        %parallel_loop3A_619 = arith.constant 32 : index
        %parallel_loop3A_620 = tpu.vector_load %arg10[%parallel_loop3A_618, %parallel_loop3A_619] {strides = array<i32>} : memref<80x128xf32, #tpu.memory_space<vmem>>, vector<1x16xf32>,
        %parallel_loop3A_621 = vector.shape_cast %parallel_loop3A_620 : vector<1x16xf32> to vector<16xf32>
        %parallel_loop3A_622 = vector.shape_cast %parallel_loop3A_617 : vector<16xf32> to vector<1x16xf32>
        tpu.vector_store %arg10[%parallel_loop3A_618, %parallel_loop3A_619], %parallel_loop3A_622 {strides = array<i32>} : memref<80x128xf32, #tpu.memory_space<vmem>>, vector<1x16xf32>,
        %parallel_loop3A_623 = arith.index_cast %parallel_loop3A_566 : i32 to index
        %parallel_loop3A_624 = arith.constant 48 : index
        %parallel_loop3A_625 = tpu.vector_load %arg8[%parallel_loop3A_623, %parallel_loop3A_624] {strides = array<i32>} : memref<80x128xf32, #tpu.memory_space<vmem>>, vector<1x16xf32>,
        %parallel_loop3A_626 = vector.shape_cast %parallel_loop3A_625 : vector<1x16xf32> to vector<16xf32>
        %parallel_loop3A_627 = arith.index_cast %parallel_loop3A_571 : i32 to index
        %parallel_loop3A_628 = arith.constant 48 : index
        %parallel_loop3A_629 = tpu.vector_load %arg12[%parallel_loop3A_627, %parallel_loop3A_628] {strides = array<i32>} : memref<16x128xf32, #tpu.memory_space<vmem>>, vector<1x16xf32>,
        %parallel_loop3A_630 = vector.shape_cast %parallel_loop3A_629 : vector<1x16xf32> to vector<16xf32>
        %parallel_loop3A_631 = arith.addf %parallel_loop3A_626, %parallel_loop3A_630 : vector<16xf32>
        %parallel_loop3A_632 = arith.constant 0.000000e+00 : f32
        %parallel_loop3A_633 = vector.broadcast %parallel_loop3A_632 : f32 to vector<16xf32>
        %parallel_loop3A_634 = arith.maximumf %parallel_loop3A_631, %parallel_loop3A_633 : vector<16xf32>
        %parallel_loop3A_635 = arith.index_cast %parallel_loop3A_566 : i32 to index
        %parallel_loop3A_636 = arith.constant 48 : index
        %parallel_loop3A_637 = tpu.vector_load %arg10[%parallel_loop3A_635, %parallel_loop3A_636] {strides = array<i32>} : memref<80x128xf32, #tpu.memory_space<vmem>>, vector<1x16xf32>,
        %parallel_loop3A_638 = vector.shape_cast %parallel_loop3A_637 : vector<1x16xf32> to vector<16xf32>
        %parallel_loop3A_639 = vector.shape_cast %parallel_loop3A_634 : vector<16xf32> to vector<1x16xf32>
        tpu.vector_store %arg10[%parallel_loop3A_635, %parallel_loop3A_636], %parallel_loop3A_639 {strides = array<i32>} : memref<80x128xf32, #tpu.memory_space<vmem>>, vector<1x16xf32>,
        %parallel_loop3A_640 = arith.index_cast %parallel_loop3A_566 : i32 to index
        %parallel_loop3A_641 = arith.constant 64 : index
        %parallel_loop3A_642 = tpu.vector_load %arg8[%parallel_loop3A_640, %parallel_loop3A_641] {strides = array<i32>} : memref<80x128xf32, #tpu.memory_space<vmem>>, vector<1x16xf32>,
        %parallel_loop3A_643 = vector.shape_cast %parallel_loop3A_642 : vector<1x16xf32> to vector<16xf32>
        %parallel_loop3A_644 = arith.index_cast %parallel_loop3A_571 : i32 to index
        %parallel_loop3A_645 = arith.constant 64 : index
        %parallel_loop3A_646 = tpu.vector_load %arg12[%parallel_loop3A_644, %parallel_loop3A_645] {strides = array<i32>} : memref<16x128xf32, #tpu.memory_space<vmem>>, vector<1x16xf32>,
        %parallel_loop3A_647 = vector.shape_cast %parallel_loop3A_646 : vector<1x16xf32> to vector<16xf32>
        %parallel_loop3A_648 = arith.addf %parallel_loop3A_643, %parallel_loop3A_647 : vector<16xf32>
        %parallel_loop3A_649 = arith.constant 0.000000e+00 : f32
        %parallel_loop3A_650 = vector.broadcast %parallel_loop3A_649 : f32 to vector<16xf32>
        %parallel_loop3A_651 = arith.maximumf %parallel_loop3A_648, %parallel_loop3A_650 : vector<16xf32>
        %parallel_loop3A_652 = arith.index_cast %parallel_loop3A_566 : i32 to index
        %parallel_loop3A_653 = arith.constant 64 : index
        %parallel_loop3A_654 = tpu.vector_load %arg10[%parallel_loop3A_652, %parallel_loop3A_653] {strides = array<i32>} : memref<80x128xf32, #tpu.memory_space<vmem>>, vector<1x16xf32>,
        %parallel_loop3A_655 = vector.shape_cast %parallel_loop3A_654 : vector<1x16xf32> to vector<16xf32>
        %parallel_loop3A_656 = vector.shape_cast %parallel_loop3A_651 : vector<16xf32> to vector<1x16xf32>
        tpu.vector_store %arg10[%parallel_loop3A_652, %parallel_loop3A_653], %parallel_loop3A_656 {strides = array<i32>} : memref<80x128xf32, #tpu.memory_space<vmem>>, vector<1x16xf32>,
        %parallel_loop3A_657 = arith.index_cast %parallel_loop3A_566 : i32 to index
        %parallel_loop3A_658 = arith.constant 80 : index
        %parallel_loop3A_659 = tpu.vector_load %arg8[%parallel_loop3A_657, %parallel_loop3A_658] {strides = array<i32>} : memref<80x128xf32, #tpu.memory_space<vmem>>, vector<1x16xf32>,
        %parallel_loop3A_660 = vector.shape_cast %parallel_loop3A_659 : vector<1x16xf32> to vector<16xf32>
        %parallel_loop3A_661 = arith.index_cast %parallel_loop3A_571 : i32 to index
        %parallel_loop3A_662 = arith.constant 80 : index
        %parallel_loop3A_663 = tpu.vector_load %arg12[%parallel_loop3A_661, %parallel_loop3A_662] {strides = array<i32>} : memref<16x128xf32, #tpu.memory_space<vmem>>, vector<1x16xf32>,
        %parallel_loop3A_664 = vector.shape_cast %parallel_loop3A_663 : vector<1x16xf32> to vector<16xf32>
        %parallel_loop3A_665 = arith.addf %parallel_loop3A_660, %parallel_loop3A_664 : vector<16xf32>
        %parallel_loop3A_666 = arith.constant 0.000000e+00 : f32
        %parallel_loop3A_667 = vector.broadcast %parallel_loop3A_666 : f32 to vector<16xf32>
        %parallel_loop3A_668 = arith.maximumf %parallel_loop3A_665, %parallel_loop3A_667 : vector<16xf32>
        %parallel_loop3A_669 = arith.index_cast %parallel_loop3A_566 : i32 to index
        %parallel_loop3A_670 = arith.constant 80 : index
        %parallel_loop3A_671 = tpu.vector_load %arg10[%parallel_loop3A_669, %parallel_loop3A_670] {strides = array<i32>} : memref<80x128xf32, #tpu.memory_space<vmem>>, vector<1x16xf32>,
        %parallel_loop3A_672 = vector.shape_cast %parallel_loop3A_671 : vector<1x16xf32> to vector<16xf32>
        %parallel_loop3A_673 = vector.shape_cast %parallel_loop3A_668 : vector<16xf32> to vector<1x16xf32>
        tpu.vector_store %arg10[%parallel_loop3A_669, %parallel_loop3A_670], %parallel_loop3A_673 {strides = array<i32>} : memref<80x128xf32, #tpu.memory_space<vmem>>, vector<1x16xf32>,
        %parallel_loop3A_674 = arith.index_cast %parallel_loop3A_566 : i32 to index
        %parallel_loop3A_675 = arith.constant 96 : index
        %parallel_loop3A_676 = tpu.vector_load %arg8[%parallel_loop3A_674, %parallel_loop3A_675] {strides = array<i32>} : memref<80x128xf32, #tpu.memory_space<vmem>>, vector<1x16xf32>,
        %parallel_loop3A_677 = vector.shape_cast %parallel_loop3A_676 : vector<1x16xf32> to vector<16xf32>
        %parallel_loop3A_678 = arith.index_cast %parallel_loop3A_571 : i32 to index
        %parallel_loop3A_679 = arith.constant 96 : index
        %parallel_loop3A_680 = tpu.vector_load %arg12[%parallel_loop3A_678, %parallel_loop3A_679] {strides = array<i32>} : memref<16x128xf32, #tpu.memory_space<vmem>>, vector<1x16xf32>,
        %parallel_loop3A_681 = vector.shape_cast %parallel_loop3A_680 : vector<1x16xf32> to vector<16xf32>
        %parallel_loop3A_682 = arith.addf %parallel_loop3A_677, %parallel_loop3A_681 : vector<16xf32>
        %parallel_loop3A_683 = arith.constant 0.000000e+00 : f32
        %parallel_loop3A_684 = vector.broadcast %parallel_loop3A_683 : f32 to vector<16xf32>
        %parallel_loop3A_685 = arith.maximumf %parallel_loop3A_682, %parallel_loop3A_684 : vector<16xf32>
        %parallel_loop3A_686 = arith.index_cast %parallel_loop3A_566 : i32 to index
        %parallel_loop3A_687 = arith.constant 96 : index
        %parallel_loop3A_688 = tpu.vector_load %arg10[%parallel_loop3A_686, %parallel_loop3A_687] {strides = array<i32>} : memref<80x128xf32, #tpu.memory_space<vmem>>, vector<1x16xf32>,
        %parallel_loop3A_689 = vector.shape_cast %parallel_loop3A_688 : vector<1x16xf32> to vector<16xf32>
        %parallel_loop3A_690 = vector.shape_cast %parallel_loop3A_685 : vector<16xf32> to vector<1x16xf32>
        tpu.vector_store %arg10[%parallel_loop3A_686, %parallel_loop3A_687], %parallel_loop3A_690 {strides = array<i32>} : memref<80x128xf32, #tpu.memory_space<vmem>>, vector<1x16xf32>,
        %parallel_loop3A_691 = arith.index_cast %parallel_loop3A_566 : i32 to index
        %parallel_loop3A_692 = arith.constant 112 : index
        %parallel_loop3A_693 = tpu.vector_load %arg8[%parallel_loop3A_691, %parallel_loop3A_692] {strides = array<i32>} : memref<80x128xf32, #tpu.memory_space<vmem>>, vector<1x16xf32>,
        %parallel_loop3A_694 = vector.shape_cast %parallel_loop3A_693 : vector<1x16xf32> to vector<16xf32>
        %parallel_loop3A_695 = arith.index_cast %parallel_loop3A_571 : i32 to index
        %parallel_loop3A_696 = arith.constant 112 : index
        %parallel_loop3A_697 = tpu.vector_load %arg12[%parallel_loop3A_695, %parallel_loop3A_696] {strides = array<i32>} : memref<16x128xf32, #tpu.memory_space<vmem>>, vector<1x16xf32>,
        %parallel_loop3A_698 = vector.shape_cast %parallel_loop3A_697 : vector<1x16xf32> to vector<16xf32>
        %parallel_loop3A_699 = arith.addf %parallel_loop3A_694, %parallel_loop3A_698 : vector<16xf32>
        %parallel_loop3A_700 = arith.constant 0.000000e+00 : f32
        %parallel_loop3A_701 = vector.broadcast %parallel_loop3A_700 : f32 to vector<16xf32>
        %parallel_loop3A_702 = arith.maximumf %parallel_loop3A_699, %parallel_loop3A_701 : vector<16xf32>
        %parallel_loop3A_703 = arith.index_cast %parallel_loop3A_566 : i32 to index
        %parallel_loop3A_704 = arith.constant 112 : index
        %parallel_loop3A_705 = tpu.vector_load %arg10[%parallel_loop3A_703, %parallel_loop3A_704] {strides = array<i32>} : memref<80x128xf32, #tpu.memory_space<vmem>>, vector<1x16xf32>,
        %parallel_loop3A_706 = vector.shape_cast %parallel_loop3A_705 : vector<1x16xf32> to vector<16xf32>
        %parallel_loop3A_707 = vector.shape_cast %parallel_loop3A_702 : vector<16xf32> to vector<1x16xf32>
        tpu.vector_store %arg10[%parallel_loop3A_703, %parallel_loop3A_704], %parallel_loop3A_707 {strides = array<i32>} : memref<80x128xf32, #tpu.memory_space<vmem>>, vector<1x16xf32>,
      } {sc.loop_unroll_factor = 4 : i64, sc.parallel_access}
      %dma_start3A_448 = arith.constant 0 : i32
      %dma_start3A_449 = arith.constant 0 : i32
      %dma_start3A_450 = tpu.memref_slice %arg21[%dma_start3A_448, %dma_start3A_449] : memref<10240x128xf32, #tpu.memory_space<vmem_shared>> -> memref<10240x128xf32, #tpu.memory_space<vmem_shared>>
      tpu.enqueue_indirect_dma source(%arg10 : memref<80x128xf32, #tpu.memory_space<vmem>>) target(%dma_start3A_450 : memref<10240x128xf32, #tpu.memory_space<vmem_shared>>) offsets(%arg17 : memref<80xi32, #tpu.memory_space<vmem>>) semaphore(%arg26 : memref<!tpu.dma_semaphore, #tpu.memory_space<semaphore_mem>>) {add = true}
      %add3A_451 = arith.constant 2 : i32
      %add3A_452 = arith.addi %add3A_403, %add3A_451 : i32
      %rem3A_453 = arith.constant 128 : i32
      %rem3A_454 = arith.remsi %add3A_452, %rem3A_453 : i32
      %mul3A_455 = arith.constant 16 : i32
      %mul3A_456 = arith.muli %arg0, %mul3A_455 : i32
      %add3A_457 = arith.addi %mul3A_456, %arg1 : i32
      %mul3A_458 = arith.constant 128 : i32
      %mul3A_459 = arith.muli %add3A_457, %mul3A_458 : i32
      %add3A_460 = arith.addi %mul3A_459, %rem3A_454 : i32
      %mul3A_461 = arith.constant 80 : i32
      %mul3A_462 = arith.muli %add3A_460, %mul3A_461 : i32
      %dma_start3A_463 = tpu.memref_slice %arg4[%mul3A_462] : memref<327680xi32, #tpu.memory_space<hbm>> -> memref<80xi32, #tpu.memory_space<hbm>>
      %dma_start3A_464 = tpu.memref_slice %arg4[%mul3A_462] : memref<327680xi32, #tpu.memory_space<hbm>> -> memref<80xi32, #tpu.memory_space<hbm>>
      tpu.enqueue_dma source(%dma_start3A_464 : memref<80xi32, #tpu.memory_space<hbm>>) target(%arg13 : memref<80xi32, #tpu.memory_space<vmem>>) target_semaphore(%arg24 : memref<!tpu.dma_semaphore, #tpu.memory_space<semaphore_mem>>)
      %mul3A_465 = arith.constant 128 : i32
      %mul3A_466 = arith.muli %arg1, %mul3A_465 : i32
      %add3A_467 = arith.addi %mul3A_466, %rem3A_454 : i32
      %mul3A_468 = arith.constant 80 : i32
      %mul3A_469 = arith.muli %add3A_467, %mul3A_468 : i32
      %dma_start3A_470 = tpu.memref_slice %arg5[%mul3A_469] : memref<163840xi32, #tpu.memory_space<hbm>> -> memref<80xi32, #tpu.memory_space<hbm>>
      %dma_start3A_471 = tpu.memref_slice %arg5[%mul3A_469] : memref<163840xi32, #tpu.memory_space<hbm>> -> memref<80xi32, #tpu.memory_space<hbm>>
      tpu.enqueue_dma source(%dma_start3A_471 : memref<80xi32, #tpu.memory_space<hbm>>) target(%arg15 : memref<80xi32, #tpu.memory_space<vmem>>) target_semaphore(%arg24 : memref<!tpu.dma_semaphore, #tpu.memory_space<semaphore_mem>>)
      %mul3A_472 = arith.constant 128 : i32
      %mul3A_473 = arith.muli %arg1, %mul3A_472 : i32
      %add3A_474 = arith.addi %mul3A_473, %rem3A_454 : i32
      %mul3A_475 = arith.constant 80 : i32
      %mul3A_476 = arith.muli %add3A_474, %mul3A_475 : i32
      %dma_start3A_477 = arith.constant 0 : i32
      %dma_start3A_478 = tpu.memref_slice %arg19[%dma_start3A_477] : memref<96xi32, #tpu.memory_space<vmem>> -> memref<80xi32, #tpu.memory_space<vmem>>
      %dma_start3A_479 = tpu.memref_slice %arg6[%mul3A_476] : memref<163840xi32, #tpu.memory_space<hbm>> -> memref<80xi32, #tpu.memory_space<hbm>>
      %dma_start3A_480 = arith.constant 0 : i32
      %dma_start3A_481 = tpu.memref_slice %arg19[%dma_start3A_480] : memref<96xi32, #tpu.memory_space<vmem>> -> memref<80xi32, #tpu.memory_space<vmem>>
      %dma_start3A_482 = tpu.memref_slice %arg6[%mul3A_476] : memref<163840xi32, #tpu.memory_space<hbm>> -> memref<80xi32, #tpu.memory_space<hbm>>
      tpu.enqueue_dma source(%dma_start3A_482 : memref<80xi32, #tpu.memory_space<hbm>>) target(%dma_start3A_481 : memref<80xi32, #tpu.memory_space<vmem>>) target_semaphore(%arg24 : memref<!tpu.dma_semaphore, #tpu.memory_space<semaphore_mem>>)
      %mul3A_483 = arith.constant 4 : i32
      %mul3A_484 = arith.muli %mul3A_483, %scan3A_235 : i32
      %add3A_485 = arith.constant 3 : i32
      %add3A_486 = arith.addi %mul3A_484, %add3A_485 : i32
      %add3A_487 = arith.constant 1 : i32
      %add3A_488 = arith.addi %add3A_486, %add3A_487 : i32
      %rem3A_489 = arith.constant 128 : i32
      %rem3A_490 = arith.remsi %add3A_488, %rem3A_489 : i32
      %mul3A_491 = arith.constant 16 : i32
      %mul3A_492 = arith.muli %arg0, %mul3A_491 : i32
      %add3A_493 = arith.addi %mul3A_492, %arg1 : i32
      %mul3A_494 = arith.constant 128 : i32
      %mul3A_495 = arith.muli %add3A_493, %mul3A_494 : i32
      %add3A_496 = arith.addi %mul3A_495, %rem3A_490 : i32
      %mul3A_497 = arith.constant 80 : i32
      %mul3A_498 = arith.muli %add3A_496, %mul3A_497 : i32
      %dma_wait3A_499 = tpu.memref_slice %arg4[%mul3A_498] : memref<327680xi32, #tpu.memory_space<hbm>> -> memref<80xi32, #tpu.memory_space<hbm>>
      %dma_wait3A_500 = tpu.memref_slice %arg4[%mul3A_498] : memref<327680xi32, #tpu.memory_space<hbm>> -> memref<80xi32, #tpu.memory_space<hbm>>
      tpu.wait_dma2 semaphore(%arg24 : memref<!tpu.dma_semaphore, #tpu.memory_space<semaphore_mem>>) src(%dma_wait3A_500 : memref<80xi32, #tpu.memory_space<hbm>>) dst(%arg13 : memref<80xi32, #tpu.memory_space<vmem>>)
      %mul3A_501 = arith.constant 128 : i32
      %mul3A_502 = arith.muli %arg1, %mul3A_501 : i32
      %add3A_503 = arith.addi %mul3A_502, %rem3A_490 : i32
      %mul3A_504 = arith.constant 80 : i32
      %mul3A_505 = arith.muli %add3A_503, %mul3A_504 : i32
      %dma_wait3A_506 = tpu.memref_slice %arg5[%mul3A_505] : memref<163840xi32, #tpu.memory_space<hbm>> -> memref<80xi32, #tpu.memory_space<hbm>>
      %dma_wait3A_507 = tpu.memref_slice %arg5[%mul3A_505] : memref<163840xi32, #tpu.memory_space<hbm>> -> memref<80xi32, #tpu.memory_space<hbm>>
      tpu.wait_dma2 semaphore(%arg24 : memref<!tpu.dma_semaphore, #tpu.memory_space<semaphore_mem>>) src(%dma_wait3A_507 : memref<80xi32, #tpu.memory_space<hbm>>) dst(%arg15 : memref<80xi32, #tpu.memory_space<vmem>>)
      %mul3A_508 = arith.constant 128 : i32
      %mul3A_509 = arith.muli %arg1, %mul3A_508 : i32
      %add3A_510 = arith.addi %mul3A_509, %rem3A_490 : i32
      %mul3A_511 = arith.constant 80 : i32
      %mul3A_512 = arith.muli %add3A_510, %mul3A_511 : i32
      %dma_wait3A_513 = arith.constant 0 : i32
      %dma_wait3A_514 = tpu.memref_slice %arg19[%dma_wait3A_513] : memref<96xi32, #tpu.memory_space<vmem>> -> memref<80xi32, #tpu.memory_space<vmem>>
      %dma_wait3A_515 = tpu.memref_slice %arg6[%mul3A_512] : memref<163840xi32, #tpu.memory_space<hbm>> -> memref<80xi32, #tpu.memory_space<hbm>>
      %dma_wait3A_516 = arith.constant 0 : i32
      %dma_wait3A_517 = tpu.memref_slice %arg19[%dma_wait3A_516] : memref<96xi32, #tpu.memory_space<vmem>> -> memref<80xi32, #tpu.memory_space<vmem>>
      %dma_wait3A_518 = tpu.memref_slice %arg6[%mul3A_512] : memref<163840xi32, #tpu.memory_space<hbm>> -> memref<80xi32, #tpu.memory_space<hbm>>
      tpu.wait_dma2 semaphore(%arg24 : memref<!tpu.dma_semaphore, #tpu.memory_space<semaphore_mem>>) src(%dma_wait3A_518 : memref<80xi32, #tpu.memory_space<hbm>>) dst(%dma_wait3A_517 : memref<80xi32, #tpu.memory_space<vmem>>)
      %dma_start3A_519 = arith.constant 0 : i32
      %dma_start3A_520 = arith.constant 0 : i32
      %dma_start3A_521 = tpu.memref_slice %arg2[%dma_start3A_519, %dma_start3A_520] : memref<20000x128xf32, #tpu.memory_space<hbm>> -> memref<20000x128xf32, #tpu.memory_space<hbm>>
      tpu.enqueue_indirect_dma source(%dma_start3A_521 : memref<20000x128xf32, #tpu.memory_space<hbm>>) target(%arg8 : memref<80x128xf32, #tpu.memory_space<vmem>>) offsets(%arg13 : memref<80xi32, #tpu.memory_space<vmem>>) semaphore(%arg22 : memref<!tpu.dma_semaphore, #tpu.memory_space<semaphore_mem>>)
      %dma_wait3A_522 = arith.constant 0 : i32
      %dma_wait3A_523 = arith.constant 0 : i32
      %dma_wait3A_524 = tpu.memref_slice %arg2[%dma_wait3A_522, %dma_wait3A_523] : memref<20000x128xf32, #tpu.memory_space<hbm>> -> memref<20000x128xf32, #tpu.memory_space<hbm>>
      tpu.wait_indirect_dma semaphore(%arg23 : memref<!tpu.dma_semaphore, #tpu.memory_space<semaphore_mem>>) src(%dma_wait3A_524 : memref<20000x128xf32, #tpu.memory_space<hbm>>) dst(%arg9 : memref<80x128xf32, #tpu.memory_space<vmem>>)
      %dma_wait3A_525 = arith.constant 0 : i32
      %dma_wait3A_526 = arith.constant 0 : i32
      %dma_wait3A_527 = tpu.memref_slice %arg21[%dma_wait3A_525, %dma_wait3A_526] : memref<10240x128xf32, #tpu.memory_space<vmem_shared>> -> memref<10240x128xf32, #tpu.memory_space<vmem_shared>>
      tpu.wait_indirect_dma semaphore(%arg27 : memref<!tpu.dma_semaphore, #tpu.memory_space<semaphore_mem>>) src(%arg11 : memref<80x128xf32, #tpu.memory_space<vmem>>) dst(%dma_wait3A_527 : memref<10240x128xf32, #tpu.memory_space<vmem_shared>>)
      %parallel_loop3A_528 = arith.constant 0 : i32
      %parallel_loop3A_529 = arith.constant 80 : i32
      %parallel_loop3A_530 = arith.constant 1 : i32
      scf.for %parallel_loop3A_566 = %parallel_loop3A_528 to %parallel_loop3A_529 step %parallel_loop3A_530  : i32 {
        %parallel_loop3A_567 = arith.index_cast %parallel_loop3A_566 : i32 to index
        %parallel_loop3A_568 = tpu.vector_load %arg20[%parallel_loop3A_567] {strides = array<i32>} : memref<96xi32, #tpu.memory_space<vmem>>, vector<16xi32>,
        %parallel_loop3A_569 = vector.shape_cast %parallel_loop3A_568 : vector<16xi32> to vector<16xi32>
        %parallel_loop3A_570 = vector.extract_strided_slice %parallel_loop3A_569 {offsets = [0], sizes = [1], strides = [1]} : vector<16xi32> to vector<1xi32>
        %parallel_loop3A_571 = vector.extract %parallel_loop3A_570[0] : i32 from vector<1xi32>
        %parallel_loop3A_572 = arith.index_cast %parallel_loop3A_566 : i32 to index
        %parallel_loop3A_573 = arith.constant 0 : index
        %parallel_loop3A_574 = tpu.vector_load %arg9[%parallel_loop3A_572, %parallel_loop3A_573] {strides = array<i32>} : memref<80x128xf32, #tpu.memory_space<vmem>>, vector<1x16xf32>,
        %parallel_loop3A_575 = vector.shape_cast %parallel_loop3A_574 : vector<1x16xf32> to vector<16xf32>
        %parallel_loop3A_576 = arith.index_cast %parallel_loop3A_571 : i32 to index
        %parallel_loop3A_577 = arith.constant 0 : index
        %parallel_loop3A_578 = tpu.vector_load %arg12[%parallel_loop3A_576, %parallel_loop3A_577] {strides = array<i32>} : memref<16x128xf32, #tpu.memory_space<vmem>>, vector<1x16xf32>,
        %parallel_loop3A_579 = vector.shape_cast %parallel_loop3A_578 : vector<1x16xf32> to vector<16xf32>
        %parallel_loop3A_580 = arith.addf %parallel_loop3A_575, %parallel_loop3A_579 : vector<16xf32>
        %parallel_loop3A_581 = arith.constant 0.000000e+00 : f32
        %parallel_loop3A_582 = vector.broadcast %parallel_loop3A_581 : f32 to vector<16xf32>
        %parallel_loop3A_583 = arith.maximumf %parallel_loop3A_580, %parallel_loop3A_582 : vector<16xf32>
        %parallel_loop3A_584 = arith.index_cast %parallel_loop3A_566 : i32 to index
        %parallel_loop3A_585 = arith.constant 0 : index
        %parallel_loop3A_586 = tpu.vector_load %arg11[%parallel_loop3A_584, %parallel_loop3A_585] {strides = array<i32>} : memref<80x128xf32, #tpu.memory_space<vmem>>, vector<1x16xf32>,
        %parallel_loop3A_587 = vector.shape_cast %parallel_loop3A_586 : vector<1x16xf32> to vector<16xf32>
        %parallel_loop3A_588 = vector.shape_cast %parallel_loop3A_583 : vector<16xf32> to vector<1x16xf32>
        tpu.vector_store %arg11[%parallel_loop3A_584, %parallel_loop3A_585], %parallel_loop3A_588 {strides = array<i32>} : memref<80x128xf32, #tpu.memory_space<vmem>>, vector<1x16xf32>,
        %parallel_loop3A_589 = arith.index_cast %parallel_loop3A_566 : i32 to index
        %parallel_loop3A_590 = arith.constant 16 : index
        %parallel_loop3A_591 = tpu.vector_load %arg9[%parallel_loop3A_589, %parallel_loop3A_590] {strides = array<i32>} : memref<80x128xf32, #tpu.memory_space<vmem>>, vector<1x16xf32>,
        %parallel_loop3A_592 = vector.shape_cast %parallel_loop3A_591 : vector<1x16xf32> to vector<16xf32>
        %parallel_loop3A_593 = arith.index_cast %parallel_loop3A_571 : i32 to index
        %parallel_loop3A_594 = arith.constant 16 : index
        %parallel_loop3A_595 = tpu.vector_load %arg12[%parallel_loop3A_593, %parallel_loop3A_594] {strides = array<i32>} : memref<16x128xf32, #tpu.memory_space<vmem>>, vector<1x16xf32>,
        %parallel_loop3A_596 = vector.shape_cast %parallel_loop3A_595 : vector<1x16xf32> to vector<16xf32>
        %parallel_loop3A_597 = arith.addf %parallel_loop3A_592, %parallel_loop3A_596 : vector<16xf32>
        %parallel_loop3A_598 = arith.constant 0.000000e+00 : f32
        %parallel_loop3A_599 = vector.broadcast %parallel_loop3A_598 : f32 to vector<16xf32>
        %parallel_loop3A_600 = arith.maximumf %parallel_loop3A_597, %parallel_loop3A_599 : vector<16xf32>
        %parallel_loop3A_601 = arith.index_cast %parallel_loop3A_566 : i32 to index
        %parallel_loop3A_602 = arith.constant 16 : index
        %parallel_loop3A_603 = tpu.vector_load %arg11[%parallel_loop3A_601, %parallel_loop3A_602] {strides = array<i32>} : memref<80x128xf32, #tpu.memory_space<vmem>>, vector<1x16xf32>,
        %parallel_loop3A_604 = vector.shape_cast %parallel_loop3A_603 : vector<1x16xf32> to vector<16xf32>
        %parallel_loop3A_605 = vector.shape_cast %parallel_loop3A_600 : vector<16xf32> to vector<1x16xf32>
        tpu.vector_store %arg11[%parallel_loop3A_601, %parallel_loop3A_602], %parallel_loop3A_605 {strides = array<i32>} : memref<80x128xf32, #tpu.memory_space<vmem>>, vector<1x16xf32>,
        %parallel_loop3A_606 = arith.index_cast %parallel_loop3A_566 : i32 to index
        %parallel_loop3A_607 = arith.constant 32 : index
        %parallel_loop3A_608 = tpu.vector_load %arg9[%parallel_loop3A_606, %parallel_loop3A_607] {strides = array<i32>} : memref<80x128xf32, #tpu.memory_space<vmem>>, vector<1x16xf32>,
        %parallel_loop3A_609 = vector.shape_cast %parallel_loop3A_608 : vector<1x16xf32> to vector<16xf32>
        %parallel_loop3A_610 = arith.index_cast %parallel_loop3A_571 : i32 to index
        %parallel_loop3A_611 = arith.constant 32 : index
        %parallel_loop3A_612 = tpu.vector_load %arg12[%parallel_loop3A_610, %parallel_loop3A_611] {strides = array<i32>} : memref<16x128xf32, #tpu.memory_space<vmem>>, vector<1x16xf32>,
        %parallel_loop3A_613 = vector.shape_cast %parallel_loop3A_612 : vector<1x16xf32> to vector<16xf32>
        %parallel_loop3A_614 = arith.addf %parallel_loop3A_609, %parallel_loop3A_613 : vector<16xf32>
        %parallel_loop3A_615 = arith.constant 0.000000e+00 : f32
        %parallel_loop3A_616 = vector.broadcast %parallel_loop3A_615 : f32 to vector<16xf32>
        %parallel_loop3A_617 = arith.maximumf %parallel_loop3A_614, %parallel_loop3A_616 : vector<16xf32>
        %parallel_loop3A_618 = arith.index_cast %parallel_loop3A_566 : i32 to index
        %parallel_loop3A_619 = arith.constant 32 : index
        %parallel_loop3A_620 = tpu.vector_load %arg11[%parallel_loop3A_618, %parallel_loop3A_619] {strides = array<i32>} : memref<80x128xf32, #tpu.memory_space<vmem>>, vector<1x16xf32>,
        %parallel_loop3A_621 = vector.shape_cast %parallel_loop3A_620 : vector<1x16xf32> to vector<16xf32>
        %parallel_loop3A_622 = vector.shape_cast %parallel_loop3A_617 : vector<16xf32> to vector<1x16xf32>
        tpu.vector_store %arg11[%parallel_loop3A_618, %parallel_loop3A_619], %parallel_loop3A_622 {strides = array<i32>} : memref<80x128xf32, #tpu.memory_space<vmem>>, vector<1x16xf32>,
        %parallel_loop3A_623 = arith.index_cast %parallel_loop3A_566 : i32 to index
        %parallel_loop3A_624 = arith.constant 48 : index
        %parallel_loop3A_625 = tpu.vector_load %arg9[%parallel_loop3A_623, %parallel_loop3A_624] {strides = array<i32>} : memref<80x128xf32, #tpu.memory_space<vmem>>, vector<1x16xf32>,
        %parallel_loop3A_626 = vector.shape_cast %parallel_loop3A_625 : vector<1x16xf32> to vector<16xf32>
        %parallel_loop3A_627 = arith.index_cast %parallel_loop3A_571 : i32 to index
        %parallel_loop3A_628 = arith.constant 48 : index
        %parallel_loop3A_629 = tpu.vector_load %arg12[%parallel_loop3A_627, %parallel_loop3A_628] {strides = array<i32>} : memref<16x128xf32, #tpu.memory_space<vmem>>, vector<1x16xf32>,
        %parallel_loop3A_630 = vector.shape_cast %parallel_loop3A_629 : vector<1x16xf32> to vector<16xf32>
        %parallel_loop3A_631 = arith.addf %parallel_loop3A_626, %parallel_loop3A_630 : vector<16xf32>
        %parallel_loop3A_632 = arith.constant 0.000000e+00 : f32
        %parallel_loop3A_633 = vector.broadcast %parallel_loop3A_632 : f32 to vector<16xf32>
        %parallel_loop3A_634 = arith.maximumf %parallel_loop3A_631, %parallel_loop3A_633 : vector<16xf32>
        %parallel_loop3A_635 = arith.index_cast %parallel_loop3A_566 : i32 to index
        %parallel_loop3A_636 = arith.constant 48 : index
        %parallel_loop3A_637 = tpu.vector_load %arg11[%parallel_loop3A_635, %parallel_loop3A_636] {strides = array<i32>} : memref<80x128xf32, #tpu.memory_space<vmem>>, vector<1x16xf32>,
        %parallel_loop3A_638 = vector.shape_cast %parallel_loop3A_637 : vector<1x16xf32> to vector<16xf32>
        %parallel_loop3A_639 = vector.shape_cast %parallel_loop3A_634 : vector<16xf32> to vector<1x16xf32>
        tpu.vector_store %arg11[%parallel_loop3A_635, %parallel_loop3A_636], %parallel_loop3A_639 {strides = array<i32>} : memref<80x128xf32, #tpu.memory_space<vmem>>, vector<1x16xf32>,
        %parallel_loop3A_640 = arith.index_cast %parallel_loop3A_566 : i32 to index
        %parallel_loop3A_641 = arith.constant 64 : index
        %parallel_loop3A_642 = tpu.vector_load %arg9[%parallel_loop3A_640, %parallel_loop3A_641] {strides = array<i32>} : memref<80x128xf32, #tpu.memory_space<vmem>>, vector<1x16xf32>,
        %parallel_loop3A_643 = vector.shape_cast %parallel_loop3A_642 : vector<1x16xf32> to vector<16xf32>
        %parallel_loop3A_644 = arith.index_cast %parallel_loop3A_571 : i32 to index
        %parallel_loop3A_645 = arith.constant 64 : index
        %parallel_loop3A_646 = tpu.vector_load %arg12[%parallel_loop3A_644, %parallel_loop3A_645] {strides = array<i32>} : memref<16x128xf32, #tpu.memory_space<vmem>>, vector<1x16xf32>,
        %parallel_loop3A_647 = vector.shape_cast %parallel_loop3A_646 : vector<1x16xf32> to vector<16xf32>
        %parallel_loop3A_648 = arith.addf %parallel_loop3A_643, %parallel_loop3A_647 : vector<16xf32>
        %parallel_loop3A_649 = arith.constant 0.000000e+00 : f32
        %parallel_loop3A_650 = vector.broadcast %parallel_loop3A_649 : f32 to vector<16xf32>
        %parallel_loop3A_651 = arith.maximumf %parallel_loop3A_648, %parallel_loop3A_650 : vector<16xf32>
        %parallel_loop3A_652 = arith.index_cast %parallel_loop3A_566 : i32 to index
        %parallel_loop3A_653 = arith.constant 64 : index
        %parallel_loop3A_654 = tpu.vector_load %arg11[%parallel_loop3A_652, %parallel_loop3A_653] {strides = array<i32>} : memref<80x128xf32, #tpu.memory_space<vmem>>, vector<1x16xf32>,
        %parallel_loop3A_655 = vector.shape_cast %parallel_loop3A_654 : vector<1x16xf32> to vector<16xf32>
        %parallel_loop3A_656 = vector.shape_cast %parallel_loop3A_651 : vector<16xf32> to vector<1x16xf32>
        tpu.vector_store %arg11[%parallel_loop3A_652, %parallel_loop3A_653], %parallel_loop3A_656 {strides = array<i32>} : memref<80x128xf32, #tpu.memory_space<vmem>>, vector<1x16xf32>,
        %parallel_loop3A_657 = arith.index_cast %parallel_loop3A_566 : i32 to index
        %parallel_loop3A_658 = arith.constant 80 : index
        %parallel_loop3A_659 = tpu.vector_load %arg9[%parallel_loop3A_657, %parallel_loop3A_658] {strides = array<i32>} : memref<80x128xf32, #tpu.memory_space<vmem>>, vector<1x16xf32>,
        %parallel_loop3A_660 = vector.shape_cast %parallel_loop3A_659 : vector<1x16xf32> to vector<16xf32>
        %parallel_loop3A_661 = arith.index_cast %parallel_loop3A_571 : i32 to index
        %parallel_loop3A_662 = arith.constant 80 : index
        %parallel_loop3A_663 = tpu.vector_load %arg12[%parallel_loop3A_661, %parallel_loop3A_662] {strides = array<i32>} : memref<16x128xf32, #tpu.memory_space<vmem>>, vector<1x16xf32>,
        %parallel_loop3A_664 = vector.shape_cast %parallel_loop3A_663 : vector<1x16xf32> to vector<16xf32>
        %parallel_loop3A_665 = arith.addf %parallel_loop3A_660, %parallel_loop3A_664 : vector<16xf32>
        %parallel_loop3A_666 = arith.constant 0.000000e+00 : f32
        %parallel_loop3A_667 = vector.broadcast %parallel_loop3A_666 : f32 to vector<16xf32>
        %parallel_loop3A_668 = arith.maximumf %parallel_loop3A_665, %parallel_loop3A_667 : vector<16xf32>
        %parallel_loop3A_669 = arith.index_cast %parallel_loop3A_566 : i32 to index
        %parallel_loop3A_670 = arith.constant 80 : index
        %parallel_loop3A_671 = tpu.vector_load %arg11[%parallel_loop3A_669, %parallel_loop3A_670] {strides = array<i32>} : memref<80x128xf32, #tpu.memory_space<vmem>>, vector<1x16xf32>,
        %parallel_loop3A_672 = vector.shape_cast %parallel_loop3A_671 : vector<1x16xf32> to vector<16xf32>
        %parallel_loop3A_673 = vector.shape_cast %parallel_loop3A_668 : vector<16xf32> to vector<1x16xf32>
        tpu.vector_store %arg11[%parallel_loop3A_669, %parallel_loop3A_670], %parallel_loop3A_673 {strides = array<i32>} : memref<80x128xf32, #tpu.memory_space<vmem>>, vector<1x16xf32>,
        %parallel_loop3A_674 = arith.index_cast %parallel_loop3A_566 : i32 to index
        %parallel_loop3A_675 = arith.constant 96 : index
        %parallel_loop3A_676 = tpu.vector_load %arg9[%parallel_loop3A_674, %parallel_loop3A_675] {strides = array<i32>} : memref<80x128xf32, #tpu.memory_space<vmem>>, vector<1x16xf32>,
        %parallel_loop3A_677 = vector.shape_cast %parallel_loop3A_676 : vector<1x16xf32> to vector<16xf32>
        %parallel_loop3A_678 = arith.index_cast %parallel_loop3A_571 : i32 to index
        %parallel_loop3A_679 = arith.constant 96 : index
        %parallel_loop3A_680 = tpu.vector_load %arg12[%parallel_loop3A_678, %parallel_loop3A_679] {strides = array<i32>} : memref<16x128xf32, #tpu.memory_space<vmem>>, vector<1x16xf32>,
        %parallel_loop3A_681 = vector.shape_cast %parallel_loop3A_680 : vector<1x16xf32> to vector<16xf32>
        %parallel_loop3A_682 = arith.addf %parallel_loop3A_677, %parallel_loop3A_681 : vector<16xf32>
        %parallel_loop3A_683 = arith.constant 0.000000e+00 : f32
        %parallel_loop3A_684 = vector.broadcast %parallel_loop3A_683 : f32 to vector<16xf32>
        %parallel_loop3A_685 = arith.maximumf %parallel_loop3A_682, %parallel_loop3A_684 : vector<16xf32>
        %parallel_loop3A_686 = arith.index_cast %parallel_loop3A_566 : i32 to index
        %parallel_loop3A_687 = arith.constant 96 : index
        %parallel_loop3A_688 = tpu.vector_load %arg11[%parallel_loop3A_686, %parallel_loop3A_687] {strides = array<i32>} : memref<80x128xf32, #tpu.memory_space<vmem>>, vector<1x16xf32>,
        %parallel_loop3A_689 = vector.shape_cast %parallel_loop3A_688 : vector<1x16xf32> to vector<16xf32>
        %parallel_loop3A_690 = vector.shape_cast %parallel_loop3A_685 : vector<16xf32> to vector<1x16xf32>
        tpu.vector_store %arg11[%parallel_loop3A_686, %parallel_loop3A_687], %parallel_loop3A_690 {strides = array<i32>} : memref<80x128xf32, #tpu.memory_space<vmem>>, vector<1x16xf32>,
        %parallel_loop3A_691 = arith.index_cast %parallel_loop3A_566 : i32 to index
        %parallel_loop3A_692 = arith.constant 112 : index
        %parallel_loop3A_693 = tpu.vector_load %arg9[%parallel_loop3A_691, %parallel_loop3A_692] {strides = array<i32>} : memref<80x128xf32, #tpu.memory_space<vmem>>, vector<1x16xf32>,
        %parallel_loop3A_694 = vector.shape_cast %parallel_loop3A_693 : vector<1x16xf32> to vector<16xf32>
        %parallel_loop3A_695 = arith.index_cast %parallel_loop3A_571 : i32 to index
        %parallel_loop3A_696 = arith.constant 112 : index
        %parallel_loop3A_697 = tpu.vector_load %arg12[%parallel_loop3A_695, %parallel_loop3A_696] {strides = array<i32>} : memref<16x128xf32, #tpu.memory_space<vmem>>, vector<1x16xf32>,
        %parallel_loop3A_698 = vector.shape_cast %parallel_loop3A_697 : vector<1x16xf32> to vector<16xf32>
        %parallel_loop3A_699 = arith.addf %parallel_loop3A_694, %parallel_loop3A_698 : vector<16xf32>
        %parallel_loop3A_700 = arith.constant 0.000000e+00 : f32
        %parallel_loop3A_701 = vector.broadcast %parallel_loop3A_700 : f32 to vector<16xf32>
        %parallel_loop3A_702 = arith.maximumf %parallel_loop3A_699, %parallel_loop3A_701 : vector<16xf32>
        %parallel_loop3A_703 = arith.index_cast %parallel_loop3A_566 : i32 to index
        %parallel_loop3A_704 = arith.constant 112 : index
        %parallel_loop3A_705 = tpu.vector_load %arg11[%parallel_loop3A_703, %parallel_loop3A_704] {strides = array<i32>} : memref<80x128xf32, #tpu.memory_space<vmem>>, vector<1x16xf32>,
        %parallel_loop3A_706 = vector.shape_cast %parallel_loop3A_705 : vector<1x16xf32> to vector<16xf32>
        %parallel_loop3A_707 = vector.shape_cast %parallel_loop3A_702 : vector<16xf32> to vector<1x16xf32>
        tpu.vector_store %arg11[%parallel_loop3A_703, %parallel_loop3A_704], %parallel_loop3A_707 {strides = array<i32>} : memref<80x128xf32, #tpu.memory_space<vmem>>, vector<1x16xf32>,
      } {sc.loop_unroll_factor = 4 : i64, sc.parallel_access}
      %dma_start3A_531 = arith.constant 0 : i32
      %dma_start3A_532 = arith.constant 0 : i32
      %dma_start3A_533 = tpu.memref_slice %arg21[%dma_start3A_531, %dma_start3A_532] : memref<10240x128xf32, #tpu.memory_space<vmem_shared>> -> memref<10240x128xf32, #tpu.memory_space<vmem_shared>>
      tpu.enqueue_indirect_dma source(%arg11 : memref<80x128xf32, #tpu.memory_space<vmem>>) target(%dma_start3A_533 : memref<10240x128xf32, #tpu.memory_space<vmem_shared>>) offsets(%arg18 : memref<80xi32, #tpu.memory_space<vmem>>) semaphore(%arg27 : memref<!tpu.dma_semaphore, #tpu.memory_space<semaphore_mem>>) {add = true}
      %add3A_534 = arith.constant 2 : i32
      %add3A_535 = arith.addi %add3A_486, %add3A_534 : i32
      %rem3A_536 = arith.constant 128 : i32
      %rem3A_537 = arith.remsi %add3A_535, %rem3A_536 : i32
      %mul3A_538 = arith.constant 16 : i32
      %mul3A_539 = arith.muli %arg0, %mul3A_538 : i32
      %add3A_540 = arith.addi %mul3A_539, %arg1 : i32
      %mul3A_541 = arith.constant 128 : i32
      %mul3A_542 = arith.muli %add3A_540, %mul3A_541 : i32
      %add3A_543 = arith.addi %mul3A_542, %rem3A_537 : i32
      %mul3A_544 = arith.constant 80 : i32
      %mul3A_545 = arith.muli %add3A_543, %mul3A_544 : i32
      %dma_start3A_546 = tpu.memref_slice %arg4[%mul3A_545] : memref<327680xi32, #tpu.memory_space<hbm>> -> memref<80xi32, #tpu.memory_space<hbm>>
      %dma_start3A_547 = tpu.memref_slice %arg4[%mul3A_545] : memref<327680xi32, #tpu.memory_space<hbm>> -> memref<80xi32, #tpu.memory_space<hbm>>
      tpu.enqueue_dma source(%dma_start3A_547 : memref<80xi32, #tpu.memory_space<hbm>>) target(%arg14 : memref<80xi32, #tpu.memory_space<vmem>>) target_semaphore(%arg25 : memref<!tpu.dma_semaphore, #tpu.memory_space<semaphore_mem>>)
      %mul3A_548 = arith.constant 128 : i32
      %mul3A_549 = arith.muli %arg1, %mul3A_548 : i32
      %add3A_550 = arith.addi %mul3A_549, %rem3A_537 : i32
      %mul3A_551 = arith.constant 80 : i32
      %mul3A_552 = arith.muli %add3A_550, %mul3A_551 : i32
      %dma_start3A_553 = tpu.memref_slice %arg5[%mul3A_552] : memref<163840xi32, #tpu.memory_space<hbm>> -> memref<80xi32, #tpu.memory_space<hbm>>
      %dma_start3A_554 = tpu.memref_slice %arg5[%mul3A_552] : memref<163840xi32, #tpu.memory_space<hbm>> -> memref<80xi32, #tpu.memory_space<hbm>>
      tpu.enqueue_dma source(%dma_start3A_554 : memref<80xi32, #tpu.memory_space<hbm>>) target(%arg16 : memref<80xi32, #tpu.memory_space<vmem>>) target_semaphore(%arg25 : memref<!tpu.dma_semaphore, #tpu.memory_space<semaphore_mem>>)
      %mul3A_555 = arith.constant 128 : i32
      %mul3A_556 = arith.muli %arg1, %mul3A_555 : i32
      %add3A_557 = arith.addi %mul3A_556, %rem3A_537 : i32
      %mul3A_558 = arith.constant 80 : i32
      %mul3A_559 = arith.muli %add3A_557, %mul3A_558 : i32
      %dma_start3A_560 = arith.constant 0 : i32
      %dma_start3A_561 = tpu.memref_slice %arg20[%dma_start3A_560] : memref<96xi32, #tpu.memory_space<vmem>> -> memref<80xi32, #tpu.memory_space<vmem>>
      %dma_start3A_562 = tpu.memref_slice %arg6[%mul3A_559] : memref<163840xi32, #tpu.memory_space<hbm>> -> memref<80xi32, #tpu.memory_space<hbm>>
      %dma_start3A_563 = arith.constant 0 : i32
      %dma_start3A_564 = tpu.memref_slice %arg20[%dma_start3A_563] : memref<96xi32, #tpu.memory_space<vmem>> -> memref<80xi32, #tpu.memory_space<vmem>>
      %dma_start3A_565 = tpu.memref_slice %arg6[%mul3A_559] : memref<163840xi32, #tpu.memory_space<hbm>> -> memref<80xi32, #tpu.memory_space<hbm>>
      tpu.enqueue_dma source(%dma_start3A_565 : memref<80xi32, #tpu.memory_space<hbm>>) target(%dma_start3A_564 : memref<80xi32, #tpu.memory_space<vmem>>) target_semaphore(%arg25 : memref<!tpu.dma_semaphore, #tpu.memory_space<semaphore_mem>>)
    }
    %scan3A_184 = arith.constant 32 : i32
    %dma_wait3A_185 = arith.constant 0 : i32
    %dma_wait3A_186 = arith.constant 0 : i32
    %dma_wait3A_187 = tpu.memref_slice %arg2[%dma_wait3A_185, %dma_wait3A_186] : memref<20000x128xf32, #tpu.memory_space<hbm>> -> memref<20000x128xf32, #tpu.memory_space<hbm>>
    tpu.wait_indirect_dma semaphore(%arg22 : memref<!tpu.dma_semaphore, #tpu.memory_space<semaphore_mem>>) src(%dma_wait3A_187 : memref<20000x128xf32, #tpu.memory_space<hbm>>) dst(%arg8 : memref<80x128xf32, #tpu.memory_space<vmem>>)
    %mul3A_188 = arith.constant 16 : i32
    %mul3A_189 = arith.muli %arg0, %mul3A_188 : i32
    %add3A_190 = arith.addi %mul3A_189, %arg1 : i32
    %mul3A_191 = arith.constant 128 : i32
    %mul3A_192 = arith.muli %add3A_190, %mul3A_191 : i32
    %add3A_193 = arith.constant 1 : i32
    %add3A_194 = arith.addi %mul3A_192, %add3A_193 : i32
    %mul3A_195 = arith.constant 80 : i32
    %mul3A_196 = arith.muli %add3A_194, %mul3A_195 : i32
    %dma_wait3A_197 = tpu.memref_slice %arg4[%mul3A_196] : memref<327680xi32, #tpu.memory_space<hbm>> -> memref<80xi32, #tpu.memory_space<hbm>>
    %dma_wait3A_198 = tpu.memref_slice %arg4[%mul3A_196] : memref<327680xi32, #tpu.memory_space<hbm>> -> memref<80xi32, #tpu.memory_space<hbm>>
    tpu.wait_dma2 semaphore(%arg25 : memref<!tpu.dma_semaphore, #tpu.memory_space<semaphore_mem>>) src(%dma_wait3A_198 : memref<80xi32, #tpu.memory_space<hbm>>) dst(%arg14 : memref<80xi32, #tpu.memory_space<vmem>>)
    %mul3A_199 = arith.constant 128 : i32
    %mul3A_200 = arith.muli %arg1, %mul3A_199 : i32
    %add3A_201 = arith.constant 1 : i32
    %add3A_202 = arith.addi %mul3A_200, %add3A_201 : i32
    %mul3A_203 = arith.constant 80 : i32
    %mul3A_204 = arith.muli %add3A_202, %mul3A_203 : i32
    %dma_wait3A_205 = tpu.memref_slice %arg5[%mul3A_204] : memref<163840xi32, #tpu.memory_space<hbm>> -> memref<80xi32, #tpu.memory_space<hbm>>
    %dma_wait3A_206 = tpu.memref_slice %arg5[%mul3A_204] : memref<163840xi32, #tpu.memory_space<hbm>> -> memref<80xi32, #tpu.memory_space<hbm>>
    tpu.wait_dma2 semaphore(%arg25 : memref<!tpu.dma_semaphore, #tpu.memory_space<semaphore_mem>>) src(%dma_wait3A_206 : memref<80xi32, #tpu.memory_space<hbm>>) dst(%arg16 : memref<80xi32, #tpu.memory_space<vmem>>)
    %mul3A_207 = arith.constant 128 : i32
    %mul3A_208 = arith.muli %arg1, %mul3A_207 : i32
    %add3A_209 = arith.constant 1 : i32
    %add3A_210 = arith.addi %mul3A_208, %add3A_209 : i32
    %mul3A_211 = arith.constant 80 : i32
    %mul3A_212 = arith.muli %add3A_210, %mul3A_211 : i32
    %dma_wait3A_213 = arith.constant 0 : i32
    %dma_wait3A_214 = tpu.memref_slice %arg20[%dma_wait3A_213] : memref<96xi32, #tpu.memory_space<vmem>> -> memref<80xi32, #tpu.memory_space<vmem>>
    %dma_wait3A_215 = tpu.memref_slice %arg6[%mul3A_212] : memref<163840xi32, #tpu.memory_space<hbm>> -> memref<80xi32, #tpu.memory_space<hbm>>
    %dma_wait3A_216 = arith.constant 0 : i32
    %dma_wait3A_217 = tpu.memref_slice %arg20[%dma_wait3A_216] : memref<96xi32, #tpu.memory_space<vmem>> -> memref<80xi32, #tpu.memory_space<vmem>>
    %dma_wait3A_218 = tpu.memref_slice %arg6[%mul3A_212] : memref<163840xi32, #tpu.memory_space<hbm>> -> memref<80xi32, #tpu.memory_space<hbm>>
    tpu.wait_dma2 semaphore(%arg25 : memref<!tpu.dma_semaphore, #tpu.memory_space<semaphore_mem>>) src(%dma_wait3A_218 : memref<80xi32, #tpu.memory_space<hbm>>) dst(%dma_wait3A_217 : memref<80xi32, #tpu.memory_space<vmem>>)
    %dma_wait3A_219 = arith.constant 0 : i32
    %dma_wait3A_220 = arith.constant 0 : i32
    %dma_wait3A_221 = tpu.memref_slice %arg21[%dma_wait3A_219, %dma_wait3A_220] : memref<10240x128xf32, #tpu.memory_space<vmem_shared>> -> memref<10240x128xf32, #tpu.memory_space<vmem_shared>>
    tpu.wait_indirect_dma semaphore(%arg26 : memref<!tpu.dma_semaphore, #tpu.memory_space<semaphore_mem>>) src(%arg10 : memref<80x128xf32, #tpu.memory_space<vmem>>) dst(%dma_wait3A_221 : memref<10240x128xf32, #tpu.memory_space<vmem_shared>>)
    %dma_wait3A_222 = arith.constant 0 : i32
    %dma_wait3A_223 = arith.constant 0 : i32
    %dma_wait3A_224 = tpu.memref_slice %arg21[%dma_wait3A_222, %dma_wait3A_223] : memref<10240x128xf32, #tpu.memory_space<vmem_shared>> -> memref<10240x128xf32, #tpu.memory_space<vmem_shared>>
    tpu.wait_indirect_dma semaphore(%arg27 : memref<!tpu.dma_semaphore, #tpu.memory_space<semaphore_mem>>) src(%arg11 : memref<80x128xf32, #tpu.memory_space<vmem>>) dst(%dma_wait3A_224 : memref<10240x128xf32, #tpu.memory_space<vmem_shared>>)
    %barrier3A_225 = arith.constant 0 : index
    tpu.barrier barrier_id(%barrier3A_225)
    %mul3A_226 = arith.constant 624 : i32
    %mul3A_227 = arith.muli %arg1, %mul3A_226 : i32
    %mul3A_228 = arith.constant 10000 : i32
    %mul3A_229 = arith.muli %arg0, %mul3A_228 : i32
    %mul3A_230 = arith.constant 624 : i32
    %mul3A_231 = arith.muli %arg1, %mul3A_230 : i32
    %add3A_232 = arith.addi %mul3A_229, %mul3A_231 : i32
    "tpu.region"() ({
      %run_scoped3A = tpu.sem_alloc : memref<!tpu.dma_semaphore, #tpu.memory_space<semaphore_mem>>
      %dma_start3A_235 = arith.constant 0 : i32
      %dma_start3A_236 = tpu.memref_slice %arg7[%add3A_232, %dma_start3A_235] : memref<20000x128xf32, #tpu.memory_space<hbm>> -> memref<624x128xf32, #tpu.memory_space<hbm>>
      %dma_start3A_237 = arith.constant 0 : i32
      %dma_start3A_238 = tpu.memref_slice %arg21[%mul3A_227, %dma_start3A_237] : memref<10240x128xf32, #tpu.memory_space<vmem_shared>> -> memref<624x128xf32, #tpu.memory_space<vmem_shared>>
      tpu.enqueue_dma source(%dma_start3A_238 : memref<624x128xf32, #tpu.memory_space<vmem_shared>>) target(%dma_start3A_236 : memref<624x128xf32, #tpu.memory_space<hbm>>) target_semaphore(%run_scoped3A : memref<!tpu.dma_semaphore, #tpu.memory_space<semaphore_mem>>)
      %dma_wait3A_239 = arith.constant 0 : i32
      %dma_wait3A_240 = tpu.memref_slice %arg7[%add3A_232, %dma_wait3A_239] : memref<20000x128xf32, #tpu.memory_space<hbm>> -> memref<624x128xf32, #tpu.memory_space<hbm>>
      %dma_wait3A_241 = arith.constant 0 : i32
      %dma_wait3A_242 = tpu.memref_slice %arg21[%mul3A_227, %dma_wait3A_241] : memref<10240x128xf32, #tpu.memory_space<vmem_shared>> -> memref<624x128xf32, #tpu.memory_space<vmem_shared>>
      tpu.wait_dma2 semaphore(%run_scoped3A : memref<!tpu.dma_semaphore, #tpu.memory_space<semaphore_mem>>) src(%dma_wait3A_242 : memref<624x128xf32, #tpu.memory_space<vmem_shared>>) dst(%dma_wait3A_240 : memref<624x128xf32, #tpu.memory_space<hbm>>)
      tpu.yield
    }) : () -> ()
    %eq3A = arith.constant 15 : i32
    %eq3A_233 = arith.cmpi eq, %arg1, %eq3A : i32
    %convert_element_type3A = arith.extui %eq3A_233 : i1 to i32
    %cond3A = arith.constant 0 : i32
    %cond3A_234 = arith.cmpi ne, %convert_element_type3A, %cond3A : i32
    scf.if %cond3A_234 {
      %mul3A_235 = arith.constant 10000 : i32
      %mul3A_236 = arith.muli %arg0, %mul3A_235 : i32
      %add3A_237 = arith.constant 9984 : i32
      %add3A_238 = arith.addi %mul3A_236, %add3A_237 : i32
      "tpu.region"() ({
        %run_scoped3A = tpu.sem_alloc : memref<!tpu.dma_semaphore, #tpu.memory_space<semaphore_mem>>
        %dma_start3A_239 = arith.constant 0 : i32
        %dma_start3A_240 = tpu.memref_slice %arg7[%add3A_238, %dma_start3A_239] : memref<20000x128xf32, #tpu.memory_space<hbm>> -> memref<16x128xf32, #tpu.memory_space<hbm>>
        %dma_start3A_241 = arith.constant 9984 : i32
        %dma_start3A_242 = arith.constant 0 : i32
        %dma_start3A_243 = tpu.memref_slice %arg21[%dma_start3A_241, %dma_start3A_242] : memref<10240x128xf32, #tpu.memory_space<vmem_shared>> -> memref<16x128xf32, #tpu.memory_space<vmem_shared>>
        tpu.enqueue_dma source(%dma_start3A_243 : memref<16x128xf32, #tpu.memory_space<vmem_shared>>) target(%dma_start3A_240 : memref<16x128xf32, #tpu.memory_space<hbm>>) target_semaphore(%run_scoped3A : memref<!tpu.dma_semaphore, #tpu.memory_space<semaphore_mem>>)
        %dma_wait3A_244 = arith.constant 0 : i32
        %dma_wait3A_245 = tpu.memref_slice %arg7[%add3A_238, %dma_wait3A_244] : memref<20000x128xf32, #tpu.memory_space<hbm>> -> memref<16x128xf32, #tpu.memory_space<hbm>>
        %dma_wait3A_246 = arith.constant 9984 : i32
        %dma_wait3A_247 = arith.constant 0 : i32
        %dma_wait3A_248 = tpu.memref_slice %arg21[%dma_wait3A_246, %dma_wait3A_247] : memref<10240x128xf32, #tpu.memory_space<vmem_shared>> -> memref<16x128xf32, #tpu.memory_space<vmem_shared>>
        tpu.wait_dma2 semaphore(%run_scoped3A : memref<!tpu.dma_semaphore, #tpu.memory_space<semaphore_mem>>) src(%dma_wait3A_248 : memref<16x128xf32, #tpu.memory_space<vmem_shared>>) dst(%dma_wait3A_245 : memref<16x128xf32, #tpu.memory_space<hbm>>)
        tpu.yield
      }) : () -> ()
    } else {
    }
    return
  }
}

module attributes {stable_mosaic.version = 14 : i64} {
  func.func @_pre_body(%arg0: i32, %arg1: memref<1000x256xf32, #tpu.memory_space<vmem>>, %arg2: memref<256x128xf32, #tpu.memory_space<vmem>>, %arg3: memref<16x16xf32, #tpu.memory_space<vmem>>, %arg4: memref<16x128xf32, #tpu.memory_space<vmem>>, %arg5: memref<1x128xf32, #tpu.memory_space<vmem>>, %arg6: memref<8000x1xi32, #tpu.memory_space<vmem>>, %arg7: memref<1000x128xf32, #tpu.memory_space<vmem>>, %arg8: memref<16x128xf32, #tpu.memory_space<vmem>>, %arg9: memref<80x128xf32, #tpu.memory_space<vmem>>) attributes {dimension_semantics = [#tpu.dimension_semantics<arbitrary>], iteration_bounds = array<i64: 20>, scalar_prefetch = 0 : i64, scratch_operands = 0 : i64, tpu.core_type = #tpu.core_type<tc>, window_params = [{transform_indices = @transform_0, window_bounds = array<i64: 1000, 256>}, {transform_indices = @transform_1, window_bounds = array<i64: 256, 128>}, {pipeline_mode = #tpu.pipeline_mode<synchronous>, transform_indices = @transform_2, window_bounds = array<i64: 16, 16>}, {transform_indices = @transform_3, window_bounds = array<i64: 16, 128>}, {transform_indices = @transform_4, window_bounds = array<i64: 1, 128>}, {transform_indices = @transform_5, window_bounds = array<i64: 8000, 1>}, {transform_indices = @transform_6, window_bounds = array<i64: 1000, 128>}, {transform_indices = @transform_7, window_bounds = array<i64: 16, 128>}, {pipeline_mode = #tpu.pipeline_mode<synchronous>, transform_indices = @transform_8, window_bounds = array<i64: 80, 128>}]} {
    %get3A = arith.constant 0 : index
    %get3A_0 = arith.constant 0 : index
    %get3A_1 = vector.load %arg1[%get3A, %get3A_0] : memref<1000x256xf32, #tpu.memory_space<vmem>>, vector<1000x256xf32>
    %get3A_2 = arith.constant 0 : index
    %get3A_3 = arith.constant 0 : index
    %get3A_4 = vector.load %arg2[%get3A_2, %get3A_3] : memref<256x128xf32, #tpu.memory_space<vmem>>, vector<256x128xf32>
    %dot_general3A = arith.constant dense<0.000000e+00> : vector<1000x128xf32>
    %dot_general3A_5 = tpu.matmul %get3A_1, %get3A_4, %dot_general3A {dimension_numbers = #tpu.dot_dimension_numbers<[1], [0], [0], [1], [0, 0, 1, 1], [], []>, transpose_lhs_hint = false} : vector<1000x256xf32>, vector<256x128xf32>, vector<1000x128xf32> -> vector<1000x128xf32>
    %swap3A = arith.constant 0 : index
    %swap3A_6 = arith.constant 0 : index
    %swap3A_7 = vector.load %arg7[%swap3A, %swap3A_6] : memref<1000x128xf32, #tpu.memory_space<vmem>>, vector<1000x128xf32>
    tpu.vector_store %arg7[%swap3A, %swap3A_6], %dot_general3A_5 {strides = array<i32>} : memref<1000x128xf32, #tpu.memory_space<vmem>>, vector<1000x128xf32>,
    %jit3A = arith.constant 10 : i32
    %eq3A = arith.constant 0 : i32
    %eq3A_8 = arith.cmpi eq, %jit3A, %eq3A : i32
    %jit3A_9 = arith.constant 1 : i32
    %select_n3A = arith.select %eq3A_8, %jit3A_9, %jit3A : i32
    %rem3A = arith.remsi %arg0, %select_n3A : i32
    %ne3A = arith.constant 0 : i32
    %ne3A_10 = arith.cmpi ne, %rem3A, %ne3A : i32
    %lt3A = arith.constant 0 : i32
    %lt3A_11 = arith.cmpi slt, %rem3A, %lt3A : i32
    %lt3A_12 = arith.constant 0 : i32
    %lt3A_13 = arith.cmpi slt, %select_n3A, %lt3A_12 : i32
    %ne3A_14 = arith.xori %lt3A_11, %lt3A_13 : i1
    %and3A = arith.andi %ne3A_14, %ne3A_10 : i1
    %add3A = arith.addi %rem3A, %select_n3A : i32
    %select_n3A_15 = arith.select %and3A, %add3A, %rem3A : i32
    %eq3A_16 = arith.constant 0 : i32
    %eq3A_17 = arith.cmpi eq, %select_n3A_15, %eq3A_16 : i32
    %convert_element_type3A = arith.extui %eq3A_17 : i1 to i32
    %cond3A = arith.constant 0 : i32
    %cond3A_18 = arith.cmpi ne, %convert_element_type3A, %cond3A : i32
    scf.if %cond3A_18 {
      %get3A_81 = arith.constant 0 : index
      %get3A_82 = arith.constant 0 : index
      %get3A_83 = vector.load %arg3[%get3A_81, %get3A_82] : memref<16x16xf32, #tpu.memory_space<vmem>>, vector<16x16xf32>
      %get3A_84 = arith.constant 0 : index
      %get3A_85 = arith.constant 0 : index
      %get3A_86 = vector.load %arg4[%get3A_84, %get3A_85] : memref<16x128xf32, #tpu.memory_space<vmem>>, vector<16x128xf32>
      %dot_general3A_87 = arith.constant dense<0.000000e+00> : vector<16x128xf32>
      %dot_general3A_88 = tpu.matmul %get3A_83, %get3A_86, %dot_general3A_87 {dimension_numbers = #tpu.dot_dimension_numbers<[1], [0], [0], [1], [0, 0, 1, 1], [], []>, transpose_lhs_hint = false} : vector<16x16xf32>, vector<16x128xf32>, vector<16x128xf32> -> vector<16x128xf32>
      %get3A_89 = arith.constant 0 : index
      %get3A_90 = arith.constant 0 : index
      %get3A_91 = vector.load %arg5[%get3A_89, %get3A_90] : memref<1x128xf32, #tpu.memory_space<vmem>>, vector<1x128xf32>
      %add3A_92 = vector.broadcast %get3A_91 : vector<1x128xf32> to vector<16x128xf32>
      %add3A_93 = arith.addf %dot_general3A_88, %add3A_92 : vector<16x128xf32>
      %swap3A_94 = arith.constant 0 : index
      %swap3A_95 = arith.constant 0 : index
      %swap3A_96 = vector.load %arg8[%swap3A_94, %swap3A_95] : memref<16x128xf32, #tpu.memory_space<vmem>>, vector<16x128xf32>
      tpu.vector_store %arg8[%swap3A_94, %swap3A_95], %add3A_93 {strides = array<i32>} : memref<16x128xf32, #tpu.memory_space<vmem>>, vector<16x128xf32>,
    } else {
    }
    %eq3A_19 = arith.constant 0 : i32
    %eq3A_20 = arith.cmpi eq, %arg0, %eq3A_19 : i32
    %convert_element_type3A_21 = arith.extui %eq3A_20 : i1 to i32
    %cond3A_22 = arith.constant 0 : i32
    %cond3A_23 = arith.cmpi ne, %convert_element_type3A_21, %cond3A_22 : i32
    scf.if %cond3A_23 {
      %broadcast_in_dim3A = arith.constant 0.000000e+00 : f32
      %broadcast_in_dim3A_81 = vector.broadcast %broadcast_in_dim3A : f32 to vector<80x128xf32>
      %swap3A_82 = arith.constant 0 : index
      %swap3A_83 = arith.constant 0 : index
      %swap3A_84 = vector.load %arg9[%swap3A_82, %swap3A_83] : memref<80x128xf32, #tpu.memory_space<vmem>>, vector<80x128xf32>
      tpu.vector_store %arg9[%swap3A_82, %swap3A_83], %broadcast_in_dim3A_81 {strides = array<i32>} : memref<80x128xf32, #tpu.memory_space<vmem>>, vector<80x128xf32>,
    } else {
    }
    %get3A_24 = arith.constant 0 : index
    %get3A_25 = arith.constant 0 : index
    %get3A_26 = vector.load %arg6[%get3A_24, %get3A_25] : memref<8000x1xi32, #tpu.memory_space<vmem>>, vector<8000x1xi32>
    %jit3A_27 = arith.constant 128 : i32
    %div3A = vector.broadcast %jit3A_27 : i32 to vector<8000x1xi32>
    %div3A_28 = arith.divsi %get3A_26, %div3A : vector<8000x1xi32>
    %sign3A = arith.constant 0 : i32
    %sign3A_29 = vector.broadcast %sign3A : i32 to vector<8000x1xi32>
    %sign3A_30 = arith.cmpi sgt, %get3A_26, %sign3A_29 : vector<8000x1xi32>
    %sign3A_31 = arith.extui %sign3A_30 : vector<8000x1xi1> to vector<8000x1xi32>
    %sign3A_32 = arith.constant 0 : i32
    %sign3A_33 = vector.broadcast %sign3A_32 : i32 to vector<8000x1xi32>
    %sign3A_34 = arith.cmpi slt, %get3A_26, %sign3A_33 : vector<8000x1xi32>
    %sign3A_35 = arith.extui %sign3A_34 : vector<8000x1xi1> to vector<8000x1xi32>
    %sign3A_36 = arith.subi %sign3A_31, %sign3A_35 : vector<8000x1xi32>
    %sign3A_37 = arith.constant 0 : i32
    %sign3A_38 = arith.cmpi sgt, %jit3A_27, %sign3A_37 : i32
    %sign3A_39 = arith.extui %sign3A_38 : i1 to i32
    %sign3A_40 = arith.constant 0 : i32
    %sign3A_41 = arith.cmpi slt, %jit3A_27, %sign3A_40 : i32
    %sign3A_42 = arith.extui %sign3A_41 : i1 to i32
    %sign3A_43 = arith.subi %sign3A_39, %sign3A_42 : i32
    %ne3A_44 = vector.broadcast %sign3A_43 : i32 to vector<8000x1xi32>
    %ne3A_45 = arith.cmpi ne, %sign3A_36, %ne3A_44 : vector<8000x1xi32>
    %rem3A_46 = vector.broadcast %jit3A_27 : i32 to vector<8000x1xi32>
    %rem3A_47 = arith.remsi %get3A_26, %rem3A_46 : vector<8000x1xi32>
    %ne3A_48 = arith.constant 0 : i32
    %ne3A_49 = vector.broadcast %ne3A_48 : i32 to vector<8000x1xi32>
    %ne3A_50 = arith.cmpi ne, %rem3A_47, %ne3A_49 : vector<8000x1xi32>
    %and3A_51 = arith.andi %ne3A_45, %ne3A_50 : vector<8000x1xi1>
    %sub3A = arith.constant 1 : i32
    %sub3A_52 = vector.broadcast %sub3A : i32 to vector<8000x1xi32>
    %sub3A_53 = arith.subi %div3A_28, %sub3A_52 : vector<8000x1xi32>
    %select_n3A_54 = arith.select %and3A_51, %sub3A_53, %div3A_28 : vector<8000x1xi1>, vector<8000x1xi32>
    %mul3A = arith.constant 128 : i32
    %mul3A_55 = vector.broadcast %mul3A : i32 to vector<8000x1xi32>
    %mul3A_56 = arith.muli %select_n3A_54, %mul3A_55 : vector<8000x1xi32>
    %sub3A_57 = arith.subi %get3A_26, %mul3A_56 : vector<8000x1xi32>
    %iota3A = tpu.iota {dimensions = array<i32: 1>} : vector<8000x80xi32>
    %eq3A_58 = vector.broadcast %select_n3A_54 : vector<8000x1xi32> to vector<8000x80xi32>
    %eq3A_59 = arith.cmpi eq, %eq3A_58, %iota3A : vector<8000x80xi32>
    %convert_element_type3A_60 = arith.extui %eq3A_59 : vector<8000x80xi1> to vector<8000x80xi32>
    %convert_element_type3A_61 = arith.sitofp %convert_element_type3A_60 : vector<8000x80xi32> to vector<8000x80xf32>
    %iota3A_62 = tpu.iota {dimensions = array<i32: 1>} : vector<8000x128xi32>
    %eq3A_63 = vector.broadcast %sub3A_57 : vector<8000x1xi32> to vector<8000x128xi32>
    %eq3A_64 = arith.cmpi eq, %eq3A_63, %iota3A_62 : vector<8000x128xi32>
    %convert_element_type3A_65 = arith.extui %eq3A_64 : vector<8000x128xi1> to vector<8000x128xi32>
    %convert_element_type3A_66 = arith.sitofp %convert_element_type3A_65 : vector<8000x128xi32> to vector<8000x128xf32>
    %get3A_67 = arith.constant 0 : index
    %get3A_68 = arith.constant 0 : index
    %get3A_69 = vector.load %arg9[%get3A_67, %get3A_68] : memref<80x128xf32, #tpu.memory_space<vmem>>, vector<80x128xf32>
    %dot_general3A_70 = arith.constant dense<0.000000e+00> : vector<80x128xf32>
    %dot_general3A_71 = tpu.matmul %convert_element_type3A_61, %convert_element_type3A_66, %dot_general3A_70 {dimension_numbers = #tpu.dot_dimension_numbers<[0], [0], [1], [1], [0, 1, 1, 1], [], []>, transpose_lhs_hint = false} : vector<8000x80xf32>, vector<8000x128xf32>, vector<80x128xf32> -> vector<80x128xf32>
    %add3A_72 = arith.addf %get3A_69, %dot_general3A_71 : vector<80x128xf32>
    %swap3A_73 = arith.constant 0 : index
    %swap3A_74 = arith.constant 0 : index
    %swap3A_75 = vector.load %arg9[%swap3A_73, %swap3A_74] : memref<80x128xf32, #tpu.memory_space<vmem>>, vector<80x128xf32>
    tpu.vector_store %arg9[%swap3A_73, %swap3A_74], %add3A_72 {strides = array<i32>} : memref<80x128xf32, #tpu.memory_space<vmem>>, vector<80x128xf32>,
    %eq3A_76 = arith.constant 19 : i32
    %eq3A_77 = arith.cmpi eq, %arg0, %eq3A_76 : i32
    %convert_element_type3A_78 = arith.extui %eq3A_77 : i1 to i32
    %cond3A_79 = arith.constant 0 : i32
    %cond3A_80 = arith.cmpi ne, %convert_element_type3A_78, %cond3A_79 : i32
    scf.if %cond3A_80 {
      %get3A_81 = arith.constant 0 : index
      %get3A_82 = arith.constant 0 : index
      %get3A_83 = vector.load %arg9[%get3A_81, %get3A_82] : memref<80x128xf32, #tpu.memory_space<vmem>>, vector<80x128xf32>
      %max3A = arith.constant 1.000000e+00 : f32
      %max3A_84 = vector.broadcast %max3A : f32 to vector<80x128xf32>
      %max3A_85 = arith.maximumf %get3A_83, %max3A_84 : vector<80x128xf32>
      %div3A_86 = arith.constant 1.000000e+00 : f32
      %div3A_87 = vector.broadcast %div3A_86 : f32 to vector<80x128xf32>
      %div3A_88 = arith.divf %div3A_87, %max3A_85 : vector<80x128xf32>
      %swap3A_89 = arith.constant 0 : index
      %swap3A_90 = arith.constant 0 : index
      %swap3A_91 = vector.load %arg9[%swap3A_89, %swap3A_90] : memref<80x128xf32, #tpu.memory_space<vmem>>, vector<80x128xf32>
      tpu.vector_store %arg9[%swap3A_89, %swap3A_90], %div3A_88 {strides = array<i32>} : memref<80x128xf32, #tpu.memory_space<vmem>>, vector<80x128xf32>,
    } else {
    }
    return
  }
  func.func @transform_0(%arg0: i32) -> (i32, i32) {
    %jit3A = arith.constant 10 : i32
    %eq3A = arith.constant 0 : i32
    %eq3A_0 = arith.cmpi eq, %jit3A, %eq3A : i32
    %jit3A_1 = arith.constant 1 : i32
    %select_n3A = arith.select %eq3A_0, %jit3A_1, %jit3A : i32
    %rem3A = arith.remsi %arg0, %select_n3A : i32
    %ne3A = arith.constant 0 : i32
    %ne3A_2 = arith.cmpi ne, %rem3A, %ne3A : i32
    %lt3A = arith.constant 0 : i32
    %lt3A_3 = arith.cmpi slt, %rem3A, %lt3A : i32
    %lt3A_4 = arith.constant 0 : i32
    %lt3A_5 = arith.cmpi slt, %select_n3A, %lt3A_4 : i32
    %ne3A_6 = arith.xori %lt3A_3, %lt3A_5 : i1
    %and3A = arith.andi %ne3A_6, %ne3A_2 : i1
    %add3A = arith.addi %rem3A, %select_n3A : i32
    %select_n3A_7 = arith.select %and3A, %add3A, %rem3A : i32
    %c0_i32 = arith.constant 0 : i32
    %c0_i32_8 = arith.constant 0 : i32
    return %select_n3A_7, %c0_i32 : i32, i32
  }
  func.func @transform_1(%arg0: i32) -> (i32, i32) {
    %jit3A = arith.constant 10 : i32
    %div3A = arith.divsi %arg0, %jit3A : i32
    %sign3A = arith.constant 0 : i32
    %sign3A_0 = arith.cmpi sgt, %arg0, %sign3A : i32
    %sign3A_1 = arith.extui %sign3A_0 : i1 to i32
    %sign3A_2 = arith.constant 0 : i32
    %sign3A_3 = arith.cmpi slt, %arg0, %sign3A_2 : i32
    %sign3A_4 = arith.extui %sign3A_3 : i1 to i32
    %sign3A_5 = arith.subi %sign3A_1, %sign3A_4 : i32
    %sign3A_6 = arith.constant 0 : i32
    %sign3A_7 = arith.cmpi sgt, %jit3A, %sign3A_6 : i32
    %sign3A_8 = arith.extui %sign3A_7 : i1 to i32
    %sign3A_9 = arith.constant 0 : i32
    %sign3A_10 = arith.cmpi slt, %jit3A, %sign3A_9 : i32
    %sign3A_11 = arith.extui %sign3A_10 : i1 to i32
    %sign3A_12 = arith.subi %sign3A_8, %sign3A_11 : i32
    %ne3A = arith.cmpi ne, %sign3A_5, %sign3A_12 : i32
    %rem3A = arith.remsi %arg0, %jit3A : i32
    %ne3A_13 = arith.constant 0 : i32
    %ne3A_14 = arith.cmpi ne, %rem3A, %ne3A_13 : i32
    %and3A = arith.andi %ne3A, %ne3A_14 : i1
    %sub3A = arith.constant 1 : i32
    %sub3A_15 = arith.subi %div3A, %sub3A : i32
    %select_n3A = arith.select %and3A, %sub3A_15, %div3A : i32
    %c0_i32 = arith.constant 0 : i32
    %c0_i32_16 = arith.constant 0 : i32
    return %c0_i32, %select_n3A : i32, i32
  }
  func.func @transform_2(%arg0: i32) -> (i32, i32) {
    %c0_i32 = arith.constant 0 : i32
    %c0_i32_0 = arith.constant 0 : i32
    %c0_i32_1 = arith.constant 0 : i32
    return %c0_i32, %c0_i32_0 : i32, i32
  }
  func.func @transform_3(%arg0: i32) -> (i32, i32) {
    %jit3A = arith.constant 10 : i32
    %div3A = arith.divsi %arg0, %jit3A : i32
    %sign3A = arith.constant 0 : i32
    %sign3A_0 = arith.cmpi sgt, %arg0, %sign3A : i32
    %sign3A_1 = arith.extui %sign3A_0 : i1 to i32
    %sign3A_2 = arith.constant 0 : i32
    %sign3A_3 = arith.cmpi slt, %arg0, %sign3A_2 : i32
    %sign3A_4 = arith.extui %sign3A_3 : i1 to i32
    %sign3A_5 = arith.subi %sign3A_1, %sign3A_4 : i32
    %sign3A_6 = arith.constant 0 : i32
    %sign3A_7 = arith.cmpi sgt, %jit3A, %sign3A_6 : i32
    %sign3A_8 = arith.extui %sign3A_7 : i1 to i32
    %sign3A_9 = arith.constant 0 : i32
    %sign3A_10 = arith.cmpi slt, %jit3A, %sign3A_9 : i32
    %sign3A_11 = arith.extui %sign3A_10 : i1 to i32
    %sign3A_12 = arith.subi %sign3A_8, %sign3A_11 : i32
    %ne3A = arith.cmpi ne, %sign3A_5, %sign3A_12 : i32
    %rem3A = arith.remsi %arg0, %jit3A : i32
    %ne3A_13 = arith.constant 0 : i32
    %ne3A_14 = arith.cmpi ne, %rem3A, %ne3A_13 : i32
    %and3A = arith.andi %ne3A, %ne3A_14 : i1
    %sub3A = arith.constant 1 : i32
    %sub3A_15 = arith.subi %div3A, %sub3A : i32
    %select_n3A = arith.select %and3A, %sub3A_15, %div3A : i32
    %c0_i32 = arith.constant 0 : i32
    %c0_i32_16 = arith.constant 0 : i32
    return %c0_i32, %select_n3A : i32, i32
  }
  func.func @transform_4(%arg0: i32) -> (i32, i32) {
    %jit3A = arith.constant 10 : i32
    %div3A = arith.divsi %arg0, %jit3A : i32
    %sign3A = arith.constant 0 : i32
    %sign3A_0 = arith.cmpi sgt, %arg0, %sign3A : i32
    %sign3A_1 = arith.extui %sign3A_0 : i1 to i32
    %sign3A_2 = arith.constant 0 : i32
    %sign3A_3 = arith.cmpi slt, %arg0, %sign3A_2 : i32
    %sign3A_4 = arith.extui %sign3A_3 : i1 to i32
    %sign3A_5 = arith.subi %sign3A_1, %sign3A_4 : i32
    %sign3A_6 = arith.constant 0 : i32
    %sign3A_7 = arith.cmpi sgt, %jit3A, %sign3A_6 : i32
    %sign3A_8 = arith.extui %sign3A_7 : i1 to i32
    %sign3A_9 = arith.constant 0 : i32
    %sign3A_10 = arith.cmpi slt, %jit3A, %sign3A_9 : i32
    %sign3A_11 = arith.extui %sign3A_10 : i1 to i32
    %sign3A_12 = arith.subi %sign3A_8, %sign3A_11 : i32
    %ne3A = arith.cmpi ne, %sign3A_5, %sign3A_12 : i32
    %rem3A = arith.remsi %arg0, %jit3A : i32
    %ne3A_13 = arith.constant 0 : i32
    %ne3A_14 = arith.cmpi ne, %rem3A, %ne3A_13 : i32
    %and3A = arith.andi %ne3A, %ne3A_14 : i1
    %sub3A = arith.constant 1 : i32
    %sub3A_15 = arith.subi %div3A, %sub3A : i32
    %select_n3A = arith.select %and3A, %sub3A_15, %div3A : i32
    %c0_i32 = arith.constant 0 : i32
    %c0_i32_16 = arith.constant 0 : i32
    return %c0_i32, %select_n3A : i32, i32
  }
  func.func @transform_5(%arg0: i32) -> (i32, i32) {
    %c0_i32 = arith.constant 0 : i32
    %c0_i32_0 = arith.constant 0 : i32
    return %arg0, %c0_i32 : i32, i32
  }
  func.func @transform_6(%arg0: i32) -> (i32, i32) {
    %c0_i32 = arith.constant 0 : i32
    %c0_i32_0 = arith.constant 0 : i32
    return %arg0, %c0_i32 : i32, i32
  }
  func.func @transform_7(%arg0: i32) -> (i32, i32) {
    %jit3A = arith.constant 10 : i32
    %div3A = arith.divsi %arg0, %jit3A : i32
    %sign3A = arith.constant 0 : i32
    %sign3A_0 = arith.cmpi sgt, %arg0, %sign3A : i32
    %sign3A_1 = arith.extui %sign3A_0 : i1 to i32
    %sign3A_2 = arith.constant 0 : i32
    %sign3A_3 = arith.cmpi slt, %arg0, %sign3A_2 : i32
    %sign3A_4 = arith.extui %sign3A_3 : i1 to i32
    %sign3A_5 = arith.subi %sign3A_1, %sign3A_4 : i32
    %sign3A_6 = arith.constant 0 : i32
    %sign3A_7 = arith.cmpi sgt, %jit3A, %sign3A_6 : i32
    %sign3A_8 = arith.extui %sign3A_7 : i1 to i32
    %sign3A_9 = arith.constant 0 : i32
    %sign3A_10 = arith.cmpi slt, %jit3A, %sign3A_9 : i32
    %sign3A_11 = arith.extui %sign3A_10 : i1 to i32
    %sign3A_12 = arith.subi %sign3A_8, %sign3A_11 : i32
    %ne3A = arith.cmpi ne, %sign3A_5, %sign3A_12 : i32
    %rem3A = arith.remsi %arg0, %jit3A : i32
    %ne3A_13 = arith.constant 0 : i32
    %ne3A_14 = arith.cmpi ne, %rem3A, %ne3A_13 : i32
    %and3A = arith.andi %ne3A, %ne3A_14 : i1
    %sub3A = arith.constant 1 : i32
    %sub3A_15 = arith.subi %div3A, %sub3A : i32
    %select_n3A = arith.select %and3A, %sub3A_15, %div3A : i32
    %c0_i32 = arith.constant 0 : i32
    %c0_i32_16 = arith.constant 0 : i32
    return %select_n3A, %c0_i32 : i32, i32
  }
  func.func @transform_8(%arg0: i32) -> (i32, i32) {
    %c0_i32 = arith.constant 0 : i32
    %c0_i32_0 = arith.constant 0 : i32
    %c0_i32_1 = arith.constant 0 : i32
    return %c0_i32, %c0_i32_0 : i32, i32
  }
}

module attributes {stable_mosaic.version = 14 : i64} {
  func.func @_post_body(%arg0: i32, %arg1: memref<1000x256xf32, #tpu.memory_space<vmem>>, %arg2: memref<1000x128xf32, #tpu.memory_space<vmem>>, %arg3: memref<1000x128xf32, #tpu.memory_space<vmem>>, %arg4: memref<1000x1xf32, #tpu.memory_space<vmem>>, %arg5: memref<256x256xf32, #tpu.memory_space<vmem>>, %arg6: memref<1x256xf32, #tpu.memory_space<vmem>>, %arg7: memref<1x256xf32, #tpu.memory_space<vmem>>, %arg8: memref<1x256xf32, #tpu.memory_space<vmem>>, %arg9: memref<1000x256xf32, #tpu.memory_space<vmem>>) attributes {dimension_semantics = [#tpu.dimension_semantics<arbitrary>], iteration_bounds = array<i64: 10>, scalar_prefetch = 0 : i64, scratch_operands = 0 : i64, tpu.core_type = #tpu.core_type<tc>, window_params = [{transform_indices = @transform_0, window_bounds = array<i64: 1000, 256>}, {transform_indices = @transform_1, window_bounds = array<i64: 1000, 128>}, {transform_indices = @transform_2, window_bounds = array<i64: 1000, 128>}, {transform_indices = @transform_3, window_bounds = array<i64: 1000, 1>}, {pipeline_mode = #tpu.pipeline_mode<synchronous>, transform_indices = @transform_4, window_bounds = array<i64: 256, 256>}, {pipeline_mode = #tpu.pipeline_mode<synchronous>, transform_indices = @transform_5, window_bounds = array<i64: 1, 256>}, {pipeline_mode = #tpu.pipeline_mode<synchronous>, transform_indices = @transform_6, window_bounds = array<i64: 1, 256>}, {pipeline_mode = #tpu.pipeline_mode<synchronous>, transform_indices = @transform_7, window_bounds = array<i64: 1, 256>}, {transform_indices = @transform_8, window_bounds = array<i64: 1000, 256>}]} {
    %get3A = arith.constant 0 : index
    %get3A_0 = arith.constant 0 : index
    %get3A_1 = vector.load %arg4[%get3A, %get3A_0] : memref<1000x1xf32, #tpu.memory_space<vmem>>, vector<1000x1xf32>
    %get3A_2 = arith.constant 0 : index
    %get3A_3 = arith.constant 0 : index
    %get3A_4 = vector.load %arg2[%get3A_2, %get3A_3] : memref<1000x128xf32, #tpu.memory_space<vmem>>, vector<1000x128xf32>
    %mul3A = vector.broadcast %get3A_1 : vector<1000x1xf32> to vector<1000x128xf32>
    %mul3A_5 = arith.mulf %get3A_4, %mul3A : vector<1000x128xf32>
    %get3A_6 = arith.constant 0 : index
    %get3A_7 = arith.constant 0 : index
    %get3A_8 = vector.load %arg5[%get3A_6, %get3A_7] : memref<256x256xf32, #tpu.memory_space<vmem>>, vector<128x256xf32>
    %dot_general3A = arith.constant dense<0.000000e+00> : vector<1000x256xf32>
    %dot_general3A_9 = tpu.matmul %mul3A_5, %get3A_8, %dot_general3A {dimension_numbers = #tpu.dot_dimension_numbers<[1], [0], [0], [1], [0, 0, 1, 1], [], []>, transpose_lhs_hint = false} : vector<1000x128xf32>, vector<128x256xf32>, vector<1000x256xf32> -> vector<1000x256xf32>
    %get3A_10 = arith.constant 0 : index
    %get3A_11 = arith.constant 0 : index
    %get3A_12 = vector.load %arg3[%get3A_10, %get3A_11] : memref<1000x128xf32, #tpu.memory_space<vmem>>, vector<1000x128xf32>
    %mul3A_13 = vector.broadcast %get3A_1 : vector<1000x1xf32> to vector<1000x128xf32>
    %mul3A_14 = arith.mulf %get3A_12, %mul3A_13 : vector<1000x128xf32>
    %get3A_15 = arith.constant 128 : index
    %get3A_16 = arith.constant 0 : index
    %get3A_17 = vector.load %arg5[%get3A_15, %get3A_16] : memref<256x256xf32, #tpu.memory_space<vmem>>, vector<128x256xf32>
    %dot_general3A_18 = arith.constant dense<0.000000e+00> : vector<1000x256xf32>
    %dot_general3A_19 = tpu.matmul %mul3A_14, %get3A_17, %dot_general3A_18 {dimension_numbers = #tpu.dot_dimension_numbers<[1], [0], [0], [1], [0, 0, 1, 1], [], []>, transpose_lhs_hint = false} : vector<1000x128xf32>, vector<128x256xf32>, vector<1000x256xf32> -> vector<1000x256xf32>
    %add3A = arith.addf %dot_general3A_9, %dot_general3A_19 : vector<1000x256xf32>
    %get3A_20 = arith.constant 0 : index
    %get3A_21 = arith.constant 0 : index
    %get3A_22 = vector.load %arg1[%get3A_20, %get3A_21] : memref<1000x256xf32, #tpu.memory_space<vmem>>, vector<1000x256xf32>
    %add3A_23 = arith.addf %get3A_22, %add3A : vector<1000x256xf32>
    %get3A_24 = arith.constant 0 : index
    %get3A_25 = arith.constant 0 : index
    %get3A_26 = vector.load %arg6[%get3A_24, %get3A_25] : memref<1x256xf32, #tpu.memory_space<vmem>>, vector<1x256xf32>
    %add3A_27 = vector.broadcast %get3A_26 : vector<1x256xf32> to vector<1000x256xf32>
    %add3A_28 = arith.addf %add3A_23, %add3A_27 : vector<1000x256xf32>
    %reduce_sum3A = arith.constant dense<0.000000e+00> : vector<1000xf32>
    %reduce_sum3A_29 = vector.multi_reduction <add>, %add3A_28, %reduce_sum3A [1] : vector<1000x256xf32> to vector<1000xf32>
    %broadcast_in_dim3A = vector.shape_cast %reduce_sum3A_29 : vector<1000xf32> to vector<1000x1xf32>
    %div3A = arith.constant 2.560000e+02 : f32
    %div3A_30 = vector.broadcast %div3A : f32 to vector<1000x1xf32>
    %div3A_31 = arith.divf %broadcast_in_dim3A, %div3A_30 : vector<1000x1xf32>
    %sub3A = vector.broadcast %div3A_31 : vector<1000x1xf32> to vector<1000x256xf32>
    %sub3A_32 = arith.subf %add3A_28, %sub3A : vector<1000x256xf32>
    %mul3A_33 = arith.mulf %sub3A_32, %sub3A_32 : vector<1000x256xf32>
    %reduce_sum3A_34 = arith.constant dense<0.000000e+00> : vector<1000xf32>
    %reduce_sum3A_35 = vector.multi_reduction <add>, %mul3A_33, %reduce_sum3A_34 [1] : vector<1000x256xf32> to vector<1000xf32>
    %broadcast_in_dim3A_36 = vector.shape_cast %reduce_sum3A_35 : vector<1000xf32> to vector<1000x1xf32>
    %div3A_37 = arith.constant 2.560000e+02 : f32
    %div3A_38 = vector.broadcast %div3A_37 : f32 to vector<1000x1xf32>
    %div3A_39 = arith.divf %broadcast_in_dim3A_36, %div3A_38 : vector<1000x1xf32>
    %add3A_40 = arith.constant 9.99999974E-6 : f32
    %add3A_41 = vector.broadcast %add3A_40 : f32 to vector<1000x1xf32>
    %add3A_42 = arith.addf %div3A_39, %add3A_41 : vector<1000x1xf32>
    %rsqrt3A = math.rsqrt %add3A_42 : vector<1000x1xf32>
    %mul3A_43 = vector.broadcast %rsqrt3A : vector<1000x1xf32> to vector<1000x256xf32>
    %mul3A_44 = arith.mulf %sub3A_32, %mul3A_43 : vector<1000x256xf32>
    %get3A_45 = arith.constant 0 : index
    %get3A_46 = arith.constant 0 : index
    %get3A_47 = vector.load %arg7[%get3A_45, %get3A_46] : memref<1x256xf32, #tpu.memory_space<vmem>>, vector<1x256xf32>
    %mul3A_48 = vector.broadcast %get3A_47 : vector<1x256xf32> to vector<1000x256xf32>
    %mul3A_49 = arith.mulf %mul3A_44, %mul3A_48 : vector<1000x256xf32>
    %get3A_50 = arith.constant 0 : index
    %get3A_51 = arith.constant 0 : index
    %get3A_52 = vector.load %arg8[%get3A_50, %get3A_51] : memref<1x256xf32, #tpu.memory_space<vmem>>, vector<1x256xf32>
    %add3A_53 = vector.broadcast %get3A_52 : vector<1x256xf32> to vector<1000x256xf32>
    %add3A_54 = arith.addf %mul3A_49, %add3A_53 : vector<1000x256xf32>
    %swap3A = arith.constant 0 : index
    %swap3A_55 = arith.constant 0 : index
    %swap3A_56 = vector.load %arg9[%swap3A, %swap3A_55] : memref<1000x256xf32, #tpu.memory_space<vmem>>, vector<1000x256xf32>
    tpu.vector_store %arg9[%swap3A, %swap3A_55], %add3A_54 {strides = array<i32>} : memref<1000x256xf32, #tpu.memory_space<vmem>>, vector<1000x256xf32>,
    return
  }
  func.func @transform_0(%arg0: i32) -> (i32, i32) {
    %c0_i32 = arith.constant 0 : i32
    %c0_i32_0 = arith.constant 0 : i32
    return %arg0, %c0_i32 : i32, i32
  }
  func.func @transform_1(%arg0: i32) -> (i32, i32) {
    %c0_i32 = arith.constant 0 : i32
    %c0_i32_0 = arith.constant 0 : i32
    return %arg0, %c0_i32 : i32, i32
  }
  func.func @transform_2(%arg0: i32) -> (i32, i32) {
    %c0_i32 = arith.constant 0 : i32
    %c0_i32_0 = arith.constant 0 : i32
    return %arg0, %c0_i32 : i32, i32
  }
  func.func @transform_3(%arg0: i32) -> (i32, i32) {
    %c0_i32 = arith.constant 0 : i32
    %c0_i32_0 = arith.constant 0 : i32
    return %arg0, %c0_i32 : i32, i32
  }
  func.func @transform_4(%arg0: i32) -> (i32, i32) {
    %c0_i32 = arith.constant 0 : i32
    %c0_i32_0 = arith.constant 0 : i32
    %c0_i32_1 = arith.constant 0 : i32
    return %c0_i32, %c0_i32_0 : i32, i32
  }
  func.func @transform_5(%arg0: i32) -> (i32, i32) {
    %c0_i32 = arith.constant 0 : i32
    %c0_i32_0 = arith.constant 0 : i32
    %c0_i32_1 = arith.constant 0 : i32
    return %c0_i32, %c0_i32_0 : i32, i32
  }
  func.func @transform_6(%arg0: i32) -> (i32, i32) {
    %c0_i32 = arith.constant 0 : i32
    %c0_i32_0 = arith.constant 0 : i32
    %c0_i32_1 = arith.constant 0 : i32
    return %c0_i32, %c0_i32_0 : i32, i32
  }
  func.func @transform_7(%arg0: i32) -> (i32, i32) {
    %c0_i32 = arith.constant 0 : i32
    %c0_i32_0 = arith.constant 0 : i32
    %c0_i32_1 = arith.constant 0 : i32
    return %c0_i32, %c0_i32_0 : i32, i32
  }
  func.func @transform_8(%arg0: i32) -> (i32, i32) {
    %c0_i32 = arith.constant 0 : i32
    %c0_i32_0 = arith.constant 0 : i32
    return %arg0, %c0_i32 : i32, i32
  }
}

</mosaic_0001>

<sc_bundles>
// kernel: kernel.5.cloned.1.call-start
scs
__scs_entry_jumppad:
0x0: {  	(pc) =	sbr.rel $0x88, $3  }
0x1: {  	(tag) =	ssettag $0x0;
	lr =	simm.s32 $0x1  }
0x2: {  	[smem:$0x3F97] =	sst lr;
	_ =	strace $0xD0000000  }
0x3: {  	_ = 	snop  }
0x4: {  	_ = 	snop  }
0x5: {  	_ = 	snop  }
0x6: {  	_ = 	snop  }
0x7: {  	_ = 	snop  }
__scs_overlays_trampoline_lowered:
0x8: {  	[smem:$0x3FA6] =	sst s0  }
0x9: {  	[smem:$0x3FA7] =	sst s1  }
0xa: {  	[smem:$0x3FA8] =	sst s2  }
0xb: {  	[smem:$0x3FA9] =	sst s3  }
0xc: {  	[smem:$0x3FAA] =	sst s4  }
0xd: {  	[smem:$0x3FAB] =	sst s5  }
0xe: {  	[smem:$0x3FAC] =	sst s6  }
0xf: {  	[smem:$0x3FAD] =	sst s7  }
0x10: {  	[smem:$0x3FAE] =	sst s8  }
0x11: {  	[smem:$0x3FAF] =	sst s9;
	s0 =	simm.s32 @!p0 $0x0  }
0x12: {  	s1 =	sld [smem:$0x3F95];
	s0 =	simm.s32 @p0 $0x1  }
0x13: {  	[smem:$0x3FB0] =	sst s0;
	s0 =	simm.s32 @!p1 $0x0  }
0x14: {  	s2 =	sld [smem:$0x3F94];
	s0 =	simm.s32 @p1 $0x1  }
0x15: {  	[smem:$0x3FB1] =	sst s0;
	s0 =	simm.s32 @!p2 $0x0  }
0x16: {  	s3 =	sld [smem:$0x3FDB];
	s0 =	simm.s32 @p2 $0x1  }
0x17: {  	s4 =	simm.s32 $0x1BF5;
	[smem:$0x3FB3] =	sst s0  }
0x18: {  	s0 =	sld [smem:$0x3F96];
	_ =	swait.ge [sflag:s4], $0x0  }
0x19: {  	s7 =	sld [smem:$0x3F97]  }
0x1a: {  	s8 =	sadd.s32 $0xFFFFE003, lr  }
0x1b: {  	s9 =	sadd.s32 $0xFFFFFEF7, lr;
	s5 =	simm.s32 $0xFFFFFFFF;
	p2 =	slt.u32 s8, $0xFFFFF086  }
0x1c: {  	p1 =	slt.u32 s9, $0xF7A;
	s5 =	simm.s32 @!p2 $0x0  }
0x1d: {  	s5 =	simm.s32 @p1 $0x1;
	p0 =	seq.s32 s7, s2  }
0x1e: {  	s7 =	smul.u32 @!p0 $0xF7A, s2;
	p2 =	seq.s32 @!p0 s5, $0x0  }
0x1f: {  	s9 =	smul.u32 $0xF7A, s1;
	s8 =	simm.s32 @!p0 $0x1BF5;
	p2 =	por !p2, p0  }
0x20: {  	[sflag:s8] =	ssyncset.s32 @!p0 $0xFFFFF086;
	s6 =	sadd.s32 @!p0 s3, s7;
	s7 =	simm.s32 @!p0 $0x108  }
0x21: {  	s3 =	sadd.s32 s3, s9;
	s6 =	sadd.s32 @!p0 $0x88, s6;
	s7 =	simm.s32 @p2 $0x1082  }
0x22: {  	[simem:s7], [sflag:s8] =	dma.local @!p0 [hbm:s6], $0xF7A  }
0x23: {  	s9 =	sor.u32 $0xD0000000, s2;
	s6 =	simm.s32 $0x108;
	_ =	swait.ge @!p0 [sflag:s8], $0x0  }
0x24: {  	s3 =	sadd.s32 $0x88, s3;
	s6 =	simm.s32 @!p1 $0x1082;
	[sflag:s4] =	ssyncset.s32 $0xFFFFF086  }
0x25: {  	[simem:s6], [sflag:s4] =	dma.local [hbm:s3], $0xF7A  }
0x26: {  	[smem:$0x3F97] =	sst s1;
	(tag) =	ssettag s2;
	_ =	strace s9  }
0x27: {  	s1 =	sld [smem:$0x3FA7]  }
0x28: {  	s2 =	sld [smem:$0x3FA8]  }
0x29: {  	s4 =	sld [smem:$0x3FAA]  }
0x2a: {  	p0 =	seq.s32 s5, $0x0;
	s5 =	sld [smem:$0x3FAB]  }
0x2b: {  	s6 =	sld [smem:$0x3FAC]  }
0x2c: {  	s7 =	sld [smem:$0x3FAD]  }
0x2d: {  	s3 =	simm.s32 $0x108;
	s8 =	sld [smem:$0x3FAE]  }
0x2e: {  	s3 =	simm.s32 @!p0 $0x1082;
	s9 =	sld [smem:$0x3FAF]  }
0x2f: {  	lr =	sadd.s32 s0, s3;
	s0 =	sld [smem:$0x3FA6]  }
0x30: {  	s3 =	sld [smem:$0x3FA9]  }
0x31: {  	[smem:$0x3FB2] =	sst s10  }
0x32: {  	s10 =	sld [smem:$0x3FB0];
	_ =	sdelay $0x3  }
0x33: {  	p0 =	seq.s32 s10, $0x1;
	s10 =	sld [smem:$0x3FB2];
	_ =	sdelay $0x3  }
0x34: {  	[smem:$0x3FB2] =	sst s10  }
0x35: {  	s10 =	sld [smem:$0x3FB1];
	_ =	sdelay $0x3  }
0x36: {  	p1 =	seq.s32 s10, $0x1;
	s10 =	sld [smem:$0x3FB2];
	_ =	sdelay $0x3  }
0x37: {  	[smem:$0x3FB2] =	sst s10  }
0x38: {  	s10 =	sld [smem:$0x3FB3]  }
0x39: {  	_ = 	snop;
	(pc) =	sbr.ind lr, $3  }
0x3a: {  	_ = 	snop  }
0x3b: {  	_ = 	snop  }
0x3c: {  	p2 =	seq.s32 s10, $0x1;
	s10 =	sld [smem:$0x3FB2]  }
0x3d: {  	_ =	shalt  }
0x3e: {  	_ =	shalt  }
0x3f: {  	_ =	shalt  }
0x40: {  	_ =	shalt  }
0x41: {  	_ =	shalt  }
0x42: {  	_ =	shalt  }
0x43: {  	_ =	shalt  }
0x44: {  	_ =	shalt  }
0x45: {  	_ =	shalt  }
0x46: {  	_ =	shalt  }
0x47: {  	_ =	shalt  }
0x48: {  	_ =	shalt  }
0x49: {  	_ =	shalt  }
0x4a: {  	_ =	shalt  }
0x4b: {  	_ =	shalt  }
0x4c: {  	_ =	shalt  }
0x4d: {  	_ =	shalt  }
0x4e: {  	_ =	shalt  }
0x4f: {  	_ =	shalt  }
0x50: {  	_ =	shalt  }
0x51: {  	_ =	shalt  }
0x52: {  	_ =	shalt  }
0x53: {  	_ =	shalt  }
0x54: {  	_ =	shalt  }
0x55: {  	_ =	shalt  }
0x56: {  	_ =	shalt  }
0x57: {  	_ =	shalt  }
0x58: {  	_ =	shalt  }
0x59: {  	_ =	shalt  }
0x5a: {  	_ =	shalt  }
0x5b: {  	_ =	shalt  }
0x5c: {  	_ =	shalt  }
0x5d: {  	_ =	shalt  }
0x5e: {  	_ =	shalt  }
0x5f: {  	_ =	shalt  }
0x60: {  	_ =	shalt  }
0x61: {  	_ =	shalt  }
0x62: {  	_ =	shalt  }
0x63: {  	_ =	shalt  }
0x64: {  	_ =	shalt  }
0x65: {  	_ =	shalt  }
0x66: {  	_ =	shalt  }
0x67: {  	_ =	shalt  }
0x68: {  	_ =	shalt  }
0x69: {  	_ =	shalt  }
0x6a: {  	_ =	shalt  }
0x6b: {  	_ =	shalt  }
0x6c: {  	_ =	shalt  }
0x6d: {  	_ =	shalt  }
0x6e: {  	_ =	shalt  }
0x6f: {  	_ =	shalt  }
0x70: {  	_ =	shalt  }
0x71: {  	_ =	shalt  }
0x72: {  	_ =	shalt  }
0x73: {  	_ =	shalt  }
0x74: {  	_ =	shalt  }
0x75: {  	_ =	shalt  }
0x76: {  	_ =	shalt  }
0x77: {  	_ =	shalt  }
0x78: {  	_ =	shalt  }
0x79: {  	_ =	shalt  }
0x7a: {  	_ =	shalt  }
0x7b: {  	_ =	shalt  }
0x7c: {  	_ =	shalt  }
0x7d: {  	_ =	shalt  }
0x7e: {  	_ =	shalt  }
0x7f: {  	_ =	shalt  }
0x80: {  	_ =	shalt  }
0x81: {  	_ =	shalt  }
0x82: {  	_ =	shalt  }
0x83: {  	_ =	shalt  }
0x84: {  	_ =	shalt  }
0x85: {  	_ =	shalt  }
0x86: {  	_ =	shalt  }
0x87: {  	_ =	shalt  }
.Lfunc_end0:
.L_simem_size_0:
called_computation_lowered:
.L_overlay_start_0:
0x88: {  	s2 =	sld [smem:$0x3FD9]  }
0x89: {  	s3 =	sld [smem:$0x3FFE];
	_ =	sdelay $0x1  }
0x8a: {  	s1 =	srdreg.scid  }
0x8b: {  	s0 =	sand.u32 $0x1, s1  }
0x8c: {  	s17 =	sshll.u32 s0, $0xA;
	s2 =	sadd.s32 s3, s2  }
0x8d: {  	s2 =	sadd.s32 s2, s17  }
0x8e: {  	[smem:$0x3FBE] =	sst s2  }
0x8f: {  	_ = 	snop  }
0x90: {  	s2 =	sld [smem:$0x3FD0];
	(tm) =	ssettm $0x1  }
0x91: {  	s18 =	sld [smem:$0x3FFB];
	_ =	sdelay $0x3  }
0x92: {  	_ =	strace s18  }
0x93: {  	s3 =	sld [smem:$0x3FFC];
	_ =	sdelay $0x3  }
0x94: {  	_ =	strace s3  }
0x95: {  	s3 =	sld [smem:$0x3FFD];
	_ =	sdelay $0x3  }
0x96: {  	_ =	strace s3  }
0x97: {  	_ =	strace $0x8FFFFFFF  }
0x98: {  	s19 =	sld [smem:$0x3FDB];
	_ =	sdelay $0x1  }
0x99: {  	s4 =	simm.s32 $_scs_section_size  }
0x9a: {  	s5 =	simm.s32 $_size__tile_overlayer_lowered;
	s6 =	simm.s32 $_tile_overlayer_lowered  }
0x9b: {  	s22 =	simm.s32 $0x1BFF;
	s21 =	sshll.u32 s6, $0x1;
	s3 =	sadd.s32 s4, s19  }
0x9c: {  	s7 =	simm.s32 $0x0;
	s20 =	sshll.u32 s5, $0x1;
	s5 =	sadd.s32 s21, s3  }
0x9d: {  	[timem:s7], [sflag:s22] =	dma.local [hbm:s5], s20  }
0x9e: {  	_ =	swait.ge [sflag:s22], s20  }
0x9f: {  	s4 =	ssub.s32 $0x0, s20;
	[sflag:s22] =	ssyncset.done $0x0  }
0xa0: {  	[sflag:s22] =	ssyncadd.s32 s4;
	_ =	sdelay $0x1  }
0xa1: {  	s23 =	simm.s32 $0x1B8B  }
0xa2: {  	_ =	swait.ge [sflag:s23], $0x1  }
0xa3: {  	[sflag:s23] =	ssyncset.done $0x0  }
0xa4: {  	s25 =	simm.s32 $0x1B8E;
	s24 =	sld [smem:$0x3FFE];
	[sflag:s23] =	ssyncadd.s32 $0xFFFFFFFF  }
0xa5: {  	s26 =	simm.s32 $execute0_lowered;
	[smem:$0x3FD2] =	sst s25  }
0xa6: {  	s5 =	sshll.u32 s26, $0x1;
	_ =	strace $0x80000046;
	[dreg:$0x1] =	wrdreg $0xFFFFFFFF  }
0xa7: {  	s28 =	simm.s32 $_size_execute0_lowered;
	s3 =	sadd.s32 s3, s5;
	[dreg:$0x0] =	wrdreg $0x0  }
0xa8: {  	s5 =	sshll.u32 s28, $0x1;
	[dreg:$0x2] =	wrdreg s3  }
0xa9: {  	[dreg:$0x3] =	wrdreg s5  }
0xaa: {  	[dreg:$0x4] =	wrdreg $0xC0  }
0xab: {  	_ =	task [dreg:s7], $0x5FFFF  }
0xac: {  	[dreg:$0x1] =	wrdreg $0xFFFFFFFF  }
0xad: {  	[dreg:$0x0] =	wrdreg $0x60  }
0xae: {  	[dreg:$0x2] =	wrdreg s2  }
0xaf: {  	[dreg:$0x3] =	wrdreg s24  }
0xb0: {  	[dreg:$0x4] =	wrdreg $0xAC000  }
0xb1: {  	[dreg:$0x5] =	wrdreg $0x9  }
0xb2: {  	_ =	task.clear_ibuf [dreg:s7], $0x6FFFF;
	_ =	strace $0x90000046  }
0xb3: {  	s29 =	simm.s32 $0x9;
	_ =	strace $0x80000048  }
0xb4: {  	_ =	swait.ge [sflag:s29], $0x1  }
0xb5: {  	[sflag:s29] =	ssyncadd.s32 $0xFFFFFFFF  }
0xb6: {  	_ =	strace $0x90000048  }
0xb7: {  	_ =	sfence  }
0xb8: {  	s30 =	sld [smem:$0x0];
	_ =	sdelay $0x2  }
0xb9: {  	s31 =	sshll.u32 s1, $0xD;
	s1 =	sshrl.u32 s1, $0x2  }
0xba: {  	s3 =	sand.u32 $0x4000, s31;
	s1 =	sadd.s32 s1, s30  }
0xbb: {  	s0 =	sor.u32 s3, s0;
	s1 =	sshll.u32 s1, $0x11  }
0xbc: {  	s0 =	sor.u32 s1, s0  }
0xbd: {  	s0 =	sadd.s32 $0x8F2B, s0  }
0xbe: {  	[sflag:s0] =	ssyncadd.remote.s32 $0x1  }
0xbf: {  	_ =	sfence.sel $0xFFFF  }
0xc0: {  	[dreg:$0x0] =	wrdreg $0xFFFFFFFF;
	(pc) =	sbr.abs _section_cstart, $3  }
0xc1: {  	[dreg:$0x1] =	wrdreg $0xFFFFFFFF  }
0xc2: {  	_ =	task.clear_ibuf [dreg:s7], $0x2FFFF;
	_ =	strace $0x9FFFFFFF  }
0xc3: {  	(tm) =	ssettm $0x7FFFFFFF  }
tec
execute0_lowered:
.L_overlay_start_1:
0x0: {  	(tag) =	ssettag $0x1  }
0x1: {  	s0 =	rddreg [dreg:$0x1]  }
0x2: {  	s2 =	rddreg [dreg:$0x2]  }
0x3: {  	s3 =	simm.s32 $0x0;
	s1 =	srdreg.scid;
	s13 =	stileid.u32  }
0x4: {  	[smem:$0x7FF] =	sst s3;
	s8 =	smul.u32 $0x50000, s13  }
0x5: {  	s1 =	sand.u32 $0x1, s1;
	s5 =	sadd.s32 $0x278000, s0;
	s31 =	smul.u32 $0x500, s13  }
0x6: {  	s6 =	sadd.s32 $0x273000, s0;
	s7 =	sadd.s32 $0x282000, s0;
	s16 =	smul.u32 $0x4E000, s13  }
0x7: {  	s20 =	smul.u32 $0x2700, s13;
	p0 =	sne.s32 s13, $0xF;
	s30 =	sshll.u32 s13, $0x7  }
0x8: {  	_ =	strace $0x80000047;
	s4 =	sshll.u32 s1, $0x8;
	s17 =	smul.u32 $0x27100, s1  }
0x9: {  	s9 =	ssub.s32 $0x2, s1;
	s10 =	sshll.u32 s1, $0x4;
	s1 =	smul.u32 $0x138800, s1  }
0xa: {  	s4 =	sadd.s32 s4, s0;
	s0 =	sadd.s32 $0x2200, s0;
	s8 =	sshrl.u32 s8, $0x2  }
0xb: {  	s11 =	sshrl.u32 s9, $0x1;
	s24 =	sor.u32 s13, s10;
	s18 =	sadd.s32 s6, s31  }
0xc: {  	s19 =	sadd.s32 s7, s31;
	s21 =	sor.u32 $0xA, s31;
	[dreg:$0xc] =	wrdreg s18  }
0xd: {  	s23 =	sshrl.u32 s16, $0x2;
	s4 =	sadd.s32 $0x2000, s4;
	[dreg:$0xd] =	wrdreg s19  }
0xe: {  	s16 =	simm.s32 $0x50;
	s22 =	sadd.s32 s6, s21;
	[dreg:$0xa] =	wrdreg s4  }
0xf: {  	s14 =	sadd.s32 s8, s2;
	s8 =	sadd.s32 s7, s21;
	[dreg:$0xe] =	wrdreg s22  }
0x10: {  	s9 =	ssub.s32 s9, s11;
	s26 =	smul.u32 $0x500, s24;
	[dreg:$0xf] =	wrdreg s8  }
0x11: {  	s18 =	sshll.u32 s24, $0x7;
	s25 =	sadd.s32 $0x2800, s14;
	[dreg:$0x4] =	wrdreg s14  }
0x12: {  	s24 =	sadd.s32 s23, s2;
	s28 =	sadd.s32 $0x5000, s14;
	[dreg:$0x5] =	wrdreg s25  }
0x13: {  	s1 =	sshrl.u32 s1, $0x3;
	s29 =	sadd.s32 $0x7800, s14;
	[dreg:$0x6] =	wrdreg s28  }
0x14: {  	s21 =	simm.s32 $0x4;
	s12 =	sadd.s32 $0xA000, s14;
	[dreg:$0x7] =	wrdreg s29  }
0x15: {  	s15 =	sadd.s32 $0xC800, s14;
	s4 =	sadd.s32 s20, s17;
	[dreg:$0x8] =	wrdreg s12  }
0x16: {  	s23 =	simm.s32 $0x1;
	[dreg:$0x9] =	wrdreg s15;
	s4 =	sadd.s32 s0, s4  }
0x17: {  	s8 =	simm.s32 $0x7;
	s25 =	smax.u32 s9, $0x1;
	[dreg:$0x10] =	wrdreg s4  }
0x18: {  	s15 =	sadd.s32 s5, s26;
	s26 =	sshrl.u32 s24, $0x3;
	[dreg:$0x12] =	wrdreg s25  }
0x19: {  	s0 =	sadd.s32 s0, s1;
	s28 =	sadd.s32 $0xF000, s14;
	[dreg:$0x13] =	wrdreg s26  }
0x1a: {  	s1 =	sadd.s32 $0x138000, s2;
	s29 =	sadd.s32 $0x11800, s14;
	[dreg:$0x15] =	wrdreg s28  }
0x1b: {  	s9 =	simm.s32 $0xA880;
	s14 =	simm.s32 $0x3;
	[dreg:$0x16] =	wrdreg s29  }
0x1c: {  	s24 =	simm.s32 $0x5;
	s0 =	sadd.s32 $0x27000, s0;
	[dreg:$0xb] =	wrdreg s15  }
0x1d: {  	s2 =	simm.s32 $0x0;
	s31 =	sadd.s32 $0xA, s15;
	[dreg:$0x11] =	wrdreg s0  }
0x1e: {  	s4 =	simm.s32 $0xA800;
	s0 =	sshrl.u32 @!p0 s1, $0x3;
	[dreg:$0x17] =	wrdreg s31  }
0x1f: {  	v0 =	vimm.f32 $0.0e+00;
	v1 =	vimm.s32 $0x2710;
	s25 =	simm.s32 $0x2;
	s26 =	simm.s32 $0x6;
	[dreg:$0x14] =	wrdreg s0  }
.LBB2_1:
0x20: {  	[dreg:$0x18] =	wrdreg s2;
	s0 =	simm.s32 $0x0;
	s1 =	simm.s32 $0x200  }
.LBB2_2:
0x21: {  	p1 =	sne.s32 s1, $0x9E00;
	[tilespmem:s0+$0x7870] =	vst v0  }
0x22: {  	[tilespmem:s0+$0x5000] =	vst v0  }
0x23: {  	[tilespmem:s0+$0x7800] =	vst v0  }
0x24: {  	[tilespmem:s0+$0x5010] =	vst v0  }
0x25: {  	[tilespmem:s0+$0x7810] =	vst v0  }
0x26: {  	[tilespmem:s0+$0x5020] =	vst v0  }
0x27: {  	[tilespmem:s0+$0x7820] =	vst v0  }
0x28: {  	[tilespmem:s0+$0x5030] =	vst v0  }
0x29: {  	[tilespmem:s0+$0x7830] =	vst v0  }
0x2a: {  	[tilespmem:s0+$0x5040] =	vst v0  }
0x2b: {  	[tilespmem:s0+$0x7840] =	vst v0  }
.Ltmp0:
0x2c: {  	[tilespmem:s0+$0x5050] =	vst v0;
	(pc) =	sbr.rel @p1 .LBB2_2-.Ltmp0, $4  }
0x2d: {  	[tilespmem:s0+$0x7850] =	vst v0  }
0x2e: {  	[tilespmem:s0+$0x5060] =	vst v0  }
0x2f: {  	[tilespmem:s0+$0x7860] =	vst v0  }
0x30: {  	[tilespmem:s0+$0x5070] =	vst v0;
	s0 =	sshra.s32 s1, $0x2;
	s1 =	sadd.s32 $0x200, s1  }
0x31: {  	[tilespmem:s0+$0x7870] =	vst v0  }
0x32: {  	[tilespmem:s0+$0x5000] =	vst v0  }
0x33: {  	[tilespmem:s0+$0x7800] =	vst v0  }
0x34: {  	[tilespmem:s0+$0x5010] =	vst v0  }
0x35: {  	[tilespmem:s0+$0x7810] =	vst v0  }
0x36: {  	[tilespmem:s0+$0x5020] =	vst v0  }
0x37: {  	[tilespmem:s0+$0x7820] =	vst v0  }
0x38: {  	[tilespmem:s0+$0x5030] =	vst v0  }
0x39: {  	[tilespmem:s0+$0x7830] =	vst v0  }
0x3a: {  	[tilespmem:s0+$0x5040] =	vst v0  }
0x3b: {  	[tilespmem:s0+$0x7840] =	vst v0  }
0x3c: {  	[tilespmem:s0+$0x5050] =	vst v0  }
0x3d: {  	[tilespmem:s0+$0x7850] =	vst v0  }
0x3e: {  	[tilespmem:s0+$0x5060] =	vst v0  }
0x3f: {  	[tilespmem:s0+$0x7860] =	vst v0  }
0x40: {  	[tilespmem:s0+$0x5070] =	vst v0;
	s2 =	rddreg [dreg:$0x4];
	s1 =	simm.s32 $0x5000  }
0x41: {  	[spmem:s2] =	stream.linear.scatter [tilespmem:s1], [sflag:$0x7], $0x2800, $0x38;
	[tilespmem:$0x1EC00] =	vst v63  }
0x42: {  	_ =	swait.ge [sflag:s8], $0x2800  }
0x43: {  	[sflag:s8] =	ssyncset.done $0x0  }
0x44: {  	s10 =	rddreg [dreg:$0x5];
	[sflag:s8] =	ssyncadd.s32 $0xFFFFD800  }
0x45: {  	[spmem:s10] =	stream.linear.scatter [tilespmem:s1], [sflag:$0x7], $0x2800, $0x38;
	[tilespmem:$0x1EC00] =	vst v63  }
0x46: {  	_ =	swait.ge [sflag:s8], $0x2800  }
0x47: {  	[sflag:s8] =	ssyncset.done $0x0  }
0x48: {  	s11 =	rddreg [dreg:$0x6];
	[sflag:s8] =	ssyncadd.s32 $0xFFFFD800  }
0x49: {  	[spmem:s11] =	stream.linear.scatter [tilespmem:s1], [sflag:$0x7], $0x2800, $0x38;
	[tilespmem:$0x1EC00] =	vst v63  }
0x4a: {  	_ =	swait.ge [sflag:s8], $0x2800  }
0x4b: {  	[sflag:s8] =	ssyncset.done $0x0  }
0x4c: {  	s12 =	rddreg [dreg:$0x7];
	[sflag:s8] =	ssyncadd.s32 $0xFFFFD800  }
0x4d: {  	[spmem:s12] =	stream.linear.scatter [tilespmem:s1], [sflag:$0x7], $0x2800, $0x38;
	[tilespmem:$0x1EC00] =	vst v63  }
0x4e: {  	_ =	swait.ge [sflag:s8], $0x2800  }
0x4f: {  	[sflag:s8] =	ssyncset.done $0x0  }
0x50: {  	s13 =	rddreg [dreg:$0x8];
	[sflag:s8] =	ssyncadd.s32 $0xFFFFD800  }
0x51: {  	[spmem:s13] =	stream.linear.scatter [tilespmem:s1], [sflag:$0x7], $0x2800, $0x38;
	[tilespmem:$0x1EC00] =	vst v63  }
0x52: {  	_ =	swait.ge [sflag:s8], $0x2800  }
0x53: {  	[sflag:s8] =	ssyncset.done $0x0  }
0x54: {  	s15 =	rddreg [dreg:$0x9];
	[sflag:s8] =	ssyncadd.s32 $0xFFFFD800  }
0x55: {  	[spmem:s15] =	stream.linear.scatter [tilespmem:s1], [sflag:$0x7], $0x2800, $0x38;
	[tilespmem:$0x1EC00] =	vst v63  }
0x56: {  	_ =	swait.ge [sflag:s8], $0x2800  }
0x57: {  	[sflag:s8] =	ssyncset.done $0x0  }
0x58: {  	s17 =	rddreg [dreg:$0x15];
	[sflag:s8] =	ssyncadd.s32 $0xFFFFD800  }
0x59: {  	[spmem:s17] =	stream.linear.scatter [tilespmem:s1], [sflag:$0x7], $0x2800, $0x38;
	[tilespmem:$0x1EC00] =	vst v63  }
0x5a: {  	_ =	swait.ge [sflag:s8], $0x2800  }
0x5b: {  	[sflag:s8] =	ssyncset.done $0x0  }
0x5c: {  	s19 =	rddreg [dreg:$0x16];
	[sflag:s8] =	ssyncadd.s32 $0xFFFFD800  }
0x5d: {  	[spmem:s19] =	stream.linear.scatter [tilespmem:s1], [sflag:$0x7], $0x2800, $0x38;
	[tilespmem:$0x1EC00] =	vst v63  }
0x5e: {  	_ =	swait.ge [sflag:s8], $0x2800  }
0x5f: {  	s29 =	simm.s32 $0x0;
	[sflag:s8] =	ssyncset.done $0x0  }
0x60: {  	s2 =	simm.s32 $0xA000;
	s20 =	rddreg [dreg:$0xa];
	[sflag:s8] =	ssyncadd.s32 $0xFFFFD800  }
0x61: {  	[tilespmem:s2], [sflag:$0x7] =	stream.linear.gather [hbm4b:s20+s29], $0x800, $0x38;
	[tilespmem:$0x1EC00] =	vst v63  }
0x62: {  	_ =	swait.ge [sflag:s8], $0x800  }
0x63: {  	[sflag:s8] =	ssyncset.done $0x0  }
0x64: {  	[sflag:s8] =	ssyncadd.s32 $0xFFFFF800  }
0x65: {  	[bflag:$0x0] =	sbarrier.arrive $0xFFFF  }
0x66: {  	s22 =	rddreg [dreg:$0xb]  }
0x67: {  	[tilespmem:s4], [sflag:$0x3] =	stream.linear.gather [hbm4b:s22+s29], $0x50, $0x38;
	[tilespmem:$0x1EC00] =	vst v63  }
0x68: {  	s31 =	simm.s32 $0xA900;
	s28 =	rddreg [dreg:$0xc]  }
0x69: {  	[tilespmem:s31], [sflag:$0x3] =	stream.linear.gather [hbm4b:s28+s29], $0x50, $0x38;
	[tilespmem:$0x1EC00] =	vst v63  }
0x6a: {  	s10 =	simm.s32 $0xAB00;
	s8 =	rddreg [dreg:$0xd]  }
0x6b: {  	[tilespmem:s10], [sflag:$0x3] =	stream.linear.gather [hbm4b:s8+s29], $0x50, $0x38;
	[tilespmem:$0x1EC00] =	vst v63  }
0x6c: {  	s11 =	rddreg [dreg:$0x17]  }
0x6d: {  	[tilespmem:s9], [sflag:$0x4] =	stream.linear.gather [hbm4b:s11+s29], $0x50, $0x38;
	[tilespmem:$0x1EC00] =	vst v63  }
0x6e: {  	s13 =	simm.s32 $0xA980;
	s12 =	rddreg [dreg:$0xe]  }
0x6f: {  	[tilespmem:s13], [sflag:$0x4] =	stream.linear.gather [hbm4b:s12+s29], $0x50, $0x38;
	[tilespmem:$0x1EC00] =	vst v63  }
0x70: {  	s17 =	simm.s32 $0xAB80;
	s15 =	rddreg [dreg:$0xf]  }
0x71: {  	[tilespmem:s17], [sflag:$0x4] =	stream.linear.gather [hbm4b:s15+s29], $0x50, $0x38;
	[tilespmem:$0x1EC00] =	vst v63  }
0x72: {  	_ =	swait.ge [sflag:s14], $0x50  }
0x73: {  	[sflag:s14] =	ssyncset.done $0x0  }
0x74: {  	[sflag:s14] =	ssyncadd.s32 $0xFFFFFFB0  }
0x75: {  	_ =	swait.ge [sflag:s14], $0x50  }
0x76: {  	[sflag:s14] =	ssyncset.done $0x0  }
0x77: {  	[sflag:s14] =	ssyncadd.s32 $0xFFFFFFB0  }
0x78: {  	_ =	swait.ge [sflag:s14], $0x50  }
0x79: {  	[sflag:s14] =	ssyncset.done $0x0  }
0x7a: {  	[sflag:s14] =	ssyncadd.s32 $0xFFFFFFB0  }
0x7b: {  	s19 =	rddreg [dreg:$0x0]  }
0x7c: {  	[tilespmem:s29], [sflag:$0x1] =	stream.indirect.gather [hbm4b:s19+s16], $0x80, s4, s16, $0xb8;
	[tilespmem:$0x1EC00] =	vst v63  }
0x7d: {  	[tilespmem:$0xAA00] =	vst v1  }
0x7e: {  	[tilespmem:$0xAA10] =	vst v1  }
0x7f: {  	[tilespmem:$0xAA20] =	vst v1  }
0x80: {  	[tilespmem:$0xAA30] =	vst v1  }
0x81: {  	[tilespmem:$0xAA40] =	vst v1  }
0x82: {  	[tilespmem:$0xAA80] =	vst v1  }
0x83: {  	[tilespmem:$0xAA90] =	vst v1  }
0x84: {  	[tilespmem:$0xAAA0] =	vst v1  }
0x85: {  	[tilespmem:$0xAAB0] =	vst v1  }
0x86: {  	s22 =	simm.s32 $0xAA00;
	s20 =	rddreg [dreg:$0x2];
	[tilespmem:$0xAAC0] =	vst v1  }
0x87: {  	[spmem:s20] =	stream.indirect.scatter.add.f32 [tilespmem:s1], [sflag:$0x5], $0x80, s22, s16, $0xb8;
	[tilespmem:$0x1EC00] =	vst v63  }
0x88: {  	s28 =	simm.s32 $0xAA80;
	s31 =	simm.s32 $0x7800  }
0x89: {  	[spmem:s20] =	stream.indirect.scatter.add.f32 [tilespmem:s31], [sflag:$0x6], $0x80, s28, s16, $0xb8;
	[tilespmem:$0x1EC00] =	vst v63  }
.LBB2_4:
0x8a: {  	_ =	swait.ge [sflag:s21], $0x50  }
0x8b: {  	[sflag:s21] =	ssyncset.done $0x0  }
0x8c: {  	[sflag:s21] =	ssyncadd.s32 $0xFFFFFFB0  }
0x8d: {  	_ =	swait.ge [sflag:s21], $0x50  }
0x8e: {  	[sflag:s21] =	ssyncset.done $0x0  }
0x8f: {  	[sflag:s21] =	ssyncadd.s32 $0xFFFFFFB0  }
0x90: {  	_ =	swait.ge [sflag:s21], $0x50  }
0x91: {  	[sflag:s21] =	ssyncset.done $0x0  }
0x92: {  	[sflag:s21] =	ssyncadd.s32 $0xFFFFFFB0  }
0x93: {  	s1 =	simm.s32 $0x2800;
	s0 =	rddreg [dreg:$0x0]  }
0x94: {  	[tilespmem:s1], [sflag:$0x2] =	stream.indirect.gather [hbm4b:s0+s16], $0x80, s9, s16, $0xb8;
	[tilespmem:$0x1EC00] =	vst v63  }
0x95: {  	_ =	swait.ge [sflag:s23], $0x2800  }
0x96: {  	[sflag:s23] =	ssyncset.done $0x0  }
0x97: {  	[sflag:s23] =	ssyncadd.s32 $0xFFFFD800  }
0x98: {  	_ =	swait.ge [sflag:s24], $0x2800  }
0x99: {  	[sflag:s24] =	ssyncset.done $0x0  }
0x9a: {  	s2 =	simm.s32 $0xAB02;
	[sflag:s24] =	ssyncadd.s32 $0xFFFFD800  }
0x9b: {  	v2 =	vld [tilespmem:s2+$0x1];
	_ =	sdelay $0x4  }
0x9c: {  	(v2sf) =	vpush v2, $0x0  }
0x9d: {  	v3 =	vld [tilespmem:s2+$0xFFFFFFFF]  }
0x9e: {  	v2 =	vld [tilespmem:s2+$0x0]  }
0x9f: {  	v4 =	vld [tilespmem:s2+$0xFFFFFFFE];
	_ =	sdelay $0x2  }
0xa0: {  	(v2sf) =	vpush v3, $0x0  }
0xa1: {  	(v2sf) =	vpush v2, $0x0  }
0xa2: {  	(v2sf) =	vpush v4, $0x0;
	_ =	sdelay $0x6  }
0xa3: {  	s8 =	spop (v2sf)  }
0xa4: {  	s15 =	simm.s32 $0x100;
	s0 =	sshll.u32 s8, $0x9  }
0xa5: {  	v2 =	vld [tilespmem:s15+$0x80];
	s10 =	sshra.s32 s0, $0x2  }
0xa6: {  	v3 =	vld [tilespmem:s10+$0xA000];
	_ =	sdelay $0x2  }
0xa7: {  	s9 =	spop (v2sf)  }
0xa8: {  	s11 =	spop (v2sf)  }
0xa9: {  	s8 =	spop (v2sf);
	v2 =	vadd.f32 v3, v2  }
0xaa: {  	s8 =	sshll.u32 s8, $0x9  }
0xab: {  	v4 =	vld [tilespmem:s15+$0xFFFFFF00];
	s17 =	sshra.s32 s8, $0x2;
	s8 =	simm.s32 $0x5100;
	v2 =	vmax.f32 v2, $0.0e+00  }
0xac: {  	v3 =	vld [tilespmem:s17+$0xA000];
	[tilespmem:s8+$0x80] =	vst v2  }
0xad: {  	v2 =	vld [tilespmem:s15+$0x90]  }
0xae: {  	s0 =	sshll.u32 s9, $0x9;
	v5 =	vld [tilespmem:s10+$0xA010]  }
0xaf: {  	v7 =	vld [tilespmem:s15+$0xFFFFFF80];
	s20 =	sshra.s32 s0, $0x2;
	s12 =	sshll.u32 s11, $0x9  }
0xb0: {  	v6 =	vld [tilespmem:s20+$0xA000];
	s28 =	sshra.s32 s12, $0x2  }
0xb1: {  	v8 =	vld [tilespmem:s28+$0xA000];
	v3 =	vadd.f32 v3, v4  }
0xb2: {  	v4 =	vld [tilespmem:s15+$0x0]  }
0xb3: {  	v3 =	vmax.f32 v3, $0.0e+00;
	v2 =	vadd.f32 v5, v2  }
0xb4: {  	[tilespmem:s8+$0xFFFFFF00] =	vst v3  }
0xb5: {  	v3 =	vadd.f32 v6, v7;
	v5 =	vld [tilespmem:s15+$0xFFFFFF10];
	v2 =	vmax.f32 v2, $0.0e+00  }
0xb6: {  	v6 =	vld [tilespmem:s17+$0xA010];
	[tilespmem:s8+$0x90] =	vst v2  }
0xb7: {  	v3 =	vmax.f32 v3, $0.0e+00;
	v2 =	vadd.f32 v8, v4;
	v4 =	vld [tilespmem:s15+$0xA0]  }
0xb8: {  	[tilespmem:s8+$0xFFFFFF80] =	vst v3;
	v3 =	vld [tilespmem:s10+$0xA020]  }
0xb9: {  	v7 =	vld [tilespmem:s15+$0xFFFFFF90];
	v2 =	vmax.f32 v2, $0.0e+00  }
0xba: {  	[tilespmem:s8+$0x0] =	vst v2;
	v2 =	vld [tilespmem:s20+$0xA010]  }
0xbb: {  	v5 =	vadd.f32 v6, v5;
	v6 =	vld [tilespmem:s15+$0x10]  }
0xbc: {  	v8 =	vld [tilespmem:s28+$0xA010]  }
0xbd: {  	s13 =	simm.s32 $0xAB06;
	v5 =	vmax.f32 v5, $0.0e+00;
	v3 =	vadd.f32 v3, v4  }
0xbe: {  	v10 =	vld [tilespmem:s13+$0x1];
	[tilespmem:s8+$0xFFFFFF10] =	vst v5  }
0xbf: {  	v4 =	vld [tilespmem:s15+$0xFFFFFF20];
	v2 =	vadd.f32 v2, v7;
	v3 =	vmax.f32 v3, $0.0e+00  }
0xc0: {  	v5 =	vld [tilespmem:s17+$0xA020];
	[tilespmem:s8+$0xA0] =	vst v3  }
0xc1: {  	v3 =	vadd.f32 v8, v6;
	v2 =	vmax.f32 v2, $0.0e+00;
	v6 =	vld [tilespmem:s15+$0xB0]  }
0xc2: {  	[tilespmem:s8+$0xFFFFFF90] =	vst v2;
	v2 =	vld [tilespmem:s10+$0xA030]  }
0xc3: {  	v3 =	vmax.f32 v3, $0.0e+00;
	v7 =	vld [tilespmem:s15+$0xFFFFFFA0]  }
0xc4: {  	v8 =	vld [tilespmem:s20+$0xA020];
	[tilespmem:s8+$0x10] =	vst v3  }
0xc5: {  	v3 =	vadd.f32 v5, v4;
	v4 =	vld [tilespmem:s15+$0x20]  }
0xc6: {  	v5 =	vld [tilespmem:s28+$0xA020]  }
0xc7: {  	v3 =	vmax.f32 v3, $0.0e+00;
	v2 =	vadd.f32 v2, v6  }
0xc8: {  	(v2sf) =	vpush v10, $0x0;
	[tilespmem:s8+$0xFFFFFF20] =	vst v3  }
0xc9: {  	v6 =	vld [tilespmem:s15+$0xFFFFFF30];
	v3 =	vadd.f32 v8, v7;
	v2 =	vmax.f32 v2, $0.0e+00  }
0xca: {  	v7 =	vld [tilespmem:s17+$0xA030];
	[tilespmem:s8+$0xB0] =	vst v2  }
0xcb: {  	v2 =	vmax.f32 v3, $0.0e+00;
	v3 =	vadd.f32 v5, v4;
	v4 =	vld [tilespmem:s15+$0xC0]  }
0xcc: {  	[tilespmem:s8+$0xFFFFFFA0] =	vst v2;
	v2 =	vld [tilespmem:s10+$0xA040];
	_ =	sdelay $0x1  }
0xcd: {  	v11 =	vld [tilespmem:s13+$0xFFFFFFFE]  }
0xce: {  	v5 =	vld [tilespmem:s15+$0xFFFFFFB0]  }
0xcf: {  	v8 =	vld [tilespmem:s20+$0xA030]  }
0xd0: {  	v3 =	vmax.f32 v3, $0.0e+00;
	v6 =	vadd.f32 v7, v6;
	v7 =	vld [tilespmem:s13+$0x0];
	v2 =	vadd.f32 v2, v4  }
0xd1: {  	[tilespmem:s8+$0x20] =	vst v3;
	v4 =	vld [tilespmem:s13+$0xFFFFFFFF]  }
0xd2: {  	v3 =	vld [tilespmem:s15+$0x30];
	v2 =	vmax.f32 v2, $0.0e+00  }
0xd3: {  	v9 =	vld [tilespmem:s28+$0xA030];
	[tilespmem:s8+$0xC0] =	vst v2  }
0xd4: {  	v5 =	vadd.f32 v8, v5;
	v2 =	vmax.f32 v6, $0.0e+00;
	v6 =	vld [tilespmem:s15+$0xD0]  }
0xd5: {  	[tilespmem:s8+$0xFFFFFF30] =	vst v2;
	v2 =	vld [tilespmem:s10+$0xA050]  }
0xd6: {  	s19 =	spop (v2sf);
	v5 =	vmax.f32 v5, $0.0e+00;
	(v2sf) =	vpush v4, $0x0;
	v4 =	vld [tilespmem:s15+$0xFFFFFF40]  }
0xd7: {  	s22 =	sshll.u32 s19, $0x9;
	[tilespmem:s8+$0xFFFFFFB0] =	vst v5;
	v5 =	vld [tilespmem:s17+$0xA040]  }
0xd8: {  	s9 =	sshra.s32 s22, $0x2;
	v3 =	vadd.f32 v9, v3  }
0xd9: {  	v10 =	vld [tilespmem:s9+$0xA000];
	(v2sf) =	vpush v7, $0x0  }
0xda: {  	v3 =	vmax.f32 v3, $0.0e+00;
	v7 =	vld [tilespmem:s15+$0xFFFFFFC0];
	(v2sf) =	vpush v11, $0x0;
	v2 =	vadd.f32 v2, v6  }
0xdb: {  	s0 =	simm.s32 $0x300;
	[tilespmem:s8+$0x30] =	vst v3;
	v3 =	vld [tilespmem:s20+$0xA040]  }
0xdc: {  	v9 =	vld [tilespmem:s0+$0x80];
	v4 =	vadd.f32 v5, v4;
	v2 =	vmax.f32 v2, $0.0e+00  }
0xdd: {  	v8 =	vld [tilespmem:s15+$0x40];
	[tilespmem:s8+$0xD0] =	vst v2  }
0xde: {  	v2 =	vmax.f32 v4, $0.0e+00;
	v4 =	vld [tilespmem:s15+$0xE0]  }
0xdf: {  	[tilespmem:s8+$0xFFFFFF40] =	vst v2;
	v2 =	vld [tilespmem:s10+$0xA060]  }
0xe0: {  	v6 =	vld [tilespmem:s28+$0xA040];
	v3 =	vadd.f32 v3, v7  }
0xe1: {  	v5 =	vld [tilespmem:s15+$0xFFFFFF50]  }
0xe2: {  	v3 =	vmax.f32 v3, $0.0e+00;
	v7 =	vld [tilespmem:s17+$0xA050]  }
0xe3: {  	v9 =	vadd.f32 v10, v9;
	v10 =	vld [tilespmem:s0+$0xFFFFFF00];
	[tilespmem:s8+$0xFFFFFFC0] =	vst v3  }
0xe4: {  	v3 =	vld [tilespmem:s15+$0xFFFFFFD0];
	v2 =	vadd.f32 v2, v4  }
0xe5: {  	s22 =	simm.s32 $0x5300;
	v9 =	vmax.f32 v9, $0.0e+00;
	v6 =	vadd.f32 v6, v8;
	v8 =	vld [tilespmem:s20+$0xA050]  }
0xe6: {  	[tilespmem:s22+$0x80] =	vst v9;
	v9 =	vld [tilespmem:s0+$0x0];
	s12 =	spop (v2sf);
	v2 =	vmax.f32 v2, $0.0e+00  }
0xe7: {  	v5 =	vadd.f32 v7, v5;
	v7 =	vld [tilespmem:s0+$0xFFFFFF80];
	[tilespmem:s8+$0xE0] =	vst v2;
	s19 =	sshll.u32 s12, $0x9  }
0xe8: {  	s31 =	spop (v2sf);
	v11 =	vld [tilespmem:s10+$0xA070];
	s10 =	sshra.s32 s19, $0x2  }
0xe9: {  	s13 =	spop (v2sf);
	v13 =	vld [tilespmem:s10+$0xA000]  }
0xea: {  	v3 =	vadd.f32 v8, v3;
	v8 =	vld [tilespmem:s0+$0x90];
	v5 =	vmax.f32 v5, $0.0e+00;
	s13 =	sshll.u32 s13, $0x9  }
0xeb: {  	s1 =	sshll.u32 s31, $0x9;
	[tilespmem:s8+$0xFFFFFF50] =	vst v5;
	v5 =	vld [tilespmem:s9+$0xA010];
	s12 =	sshra.s32 s13, $0x2  }
0xec: {  	v6 =	vmax.f32 v6, $0.0e+00;
	s13 =	sshra.s32 s1, $0x2;
	v12 =	vld [tilespmem:s12+$0xA000]  }
0xed: {  	[tilespmem:s8+$0x40] =	vst v6;
	v14 =	vld [tilespmem:s13+$0xA000]  }
0xee: {  	v6 =	vld [tilespmem:s15+$0x50];
	v7 =	vadd.f32 v13, v7  }
0xef: {  	v4 =	vld [tilespmem:s28+$0xA050]  }
0xf0: {  	v5 =	vadd.f32 v5, v8;
	v7 =	vmax.f32 v7, $0.0e+00  }
0xf1: {  	v2 =	vld [tilespmem:s15+$0xF0];
	v10 =	vadd.f32 v12, v10;
	[tilespmem:s22+$0xFFFFFF80] =	vst v7  }
0xf2: {  	v5 =	vmax.f32 v5, $0.0e+00;
	v9 =	vadd.f32 v14, v9;
	v60 =	vld [tilespmem:s0+$0xFFFFFF90]  }
0xf3: {  	[tilespmem:s22+$0x90] =	vst v5;
	v10 =	vmax.f32 v10, $0.0e+00;
	v5 =	vld [tilespmem:s10+$0xA010]  }
0xf4: {  	v4 =	vadd.f32 v4, v6;
	v6 =	vmax.f32 v9, $0.0e+00;
	v9 =	vld [tilespmem:s0+$0xA0];
	[tilespmem:s22+$0xFFFFFF00] =	vst v10  }
0xf5: {  	[tilespmem:s22+$0x0] =	vst v6;
	v6 =	vld [tilespmem:s9+$0xA020]  }
0xf6: {  	v8 =	vld [tilespmem:s0+$0xFFFFFF10]  }
0xf7: {  	v7 =	vld [tilespmem:s12+$0xA010]  }
0xf8: {  	v3 =	vmax.f32 v3, $0.0e+00;
	v58 =	vld [tilespmem:s15+$0xFFFFFF60]  }
0xf9: {  	[tilespmem:s8+$0xFFFFFFD0] =	vst v3;
	v3 =	vld [tilespmem:s17+$0xA060];
	v4 =	vmax.f32 v4, $0.0e+00  }
0xfa: {  	v59 =	vld [tilespmem:s15+$0xFFFFFFE0];
	[tilespmem:s8+$0x50] =	vst v4;
	v5 =	vadd.f32 v5, v60  }
0xfb: {  	v61 =	vld [tilespmem:s15+$0x60];
	v6 =	vadd.f32 v6, v9  }
0xfc: {  	v4 =	vld [tilespmem:s13+$0xA010];
	v7 =	vadd.f32 v7, v8;
	v5 =	vmax.f32 v5, $0.0e+00  }
0xfd: {  	v8 =	vld [tilespmem:s0+$0x10];
	[tilespmem:s22+$0xFFFFFF90] =	vst v5;
	v6 =	vmax.f32 v6, $0.0e+00  }
0xfe: {  	v10 =	vld [tilespmem:s20+$0xA060];
	v7 =	vmax.f32 v7, $0.0e+00;
	[tilespmem:s22+$0xA0] =	vst v6  }
0xff: {  	v6 =	vld [tilespmem:s10+$0xA020];
	[tilespmem:s22+$0xFFFFFF10] =	vst v7  }
0x100: {  	v9 =	vld [tilespmem:s0+$0xFFFFFF20]  }
0x101: {  	v5 =	vld [tilespmem:s12+$0xA020]  }
0x102: {  	v7 =	vld [tilespmem:s28+$0xA060];
	v4 =	vadd.f32 v4, v8  }
0x103: {  	v8 =	vld [tilespmem:s0+$0xFFFFFFA0]  }
0x104: {  	v3 =	vadd.f32 v3, v58;
	v62 =	vld [tilespmem:s0+$0xB0];
	v4 =	vmax.f32 v4, $0.0e+00  }
0x105: {  	[tilespmem:s22+$0x10] =	vst v4;
	v4 =	vld [tilespmem:s9+$0xA030]  }
0x106: {  	v3 =	vmax.f32 v3, $0.0e+00;
	v5 =	vadd.f32 v5, v9;
	v9 =	vld [tilespmem:s0+$0x20]  }
0x107: {  	[tilespmem:s8+$0xFFFFFF60] =	vst v3;
	v3 =	vld [tilespmem:s13+$0xA020]  }
0x108: {  	v6 =	vadd.f32 v6, v8;
	v8 =	vld [tilespmem:s15+$0xFFFFFF70];
	v5 =	vmax.f32 v5, $0.0e+00  }
0x109: {  	v2 =	vadd.f32 v11, v2;
	[tilespmem:s22+$0xFFFFFF20] =	vst v5;
	v5 =	vld [tilespmem:s17+$0xA070]  }
0x10a: {  	v6 =	vmax.f32 v6, $0.0e+00;
	v4 =	vadd.f32 v4, v62;
	v63 =	vld [tilespmem:s0+$0xFFFFFF30]  }
0x10b: {  	v2 =	vmax.f32 v2, $0.0e+00;
	[tilespmem:s22+$0xFFFFFFA0] =	vst v6;
	v6 =	vld [tilespmem:s12+$0xA030]  }
0x10c: {  	[tilespmem:s8+$0xF0] =	vst v2;
	v3 =	vadd.f32 v3, v9;
	v9 =	vld [tilespmem:s0+$0xFFFFFFB0];
	v4 =	vmax.f32 v4, $0.0e+00  }
0x10d: {  	v2 =	vadd.f32 v7, v61;
	v11 =	vld [tilespmem:s10+$0xA030];
	[tilespmem:s22+$0xB0] =	vst v4  }
0x10e: {  	v10 =	vadd.f32 v10, v59;
	v3 =	vmax.f32 v3, $0.0e+00;
	v4 =	vld [tilespmem:s0+$0xC0]  }
0x10f: {  	v2 =	vmax.f32 v2, $0.0e+00;
	v7 =	vadd.f32 v5, v8;
	[tilespmem:s22+$0x20] =	vst v3;
	v5 =	vld [tilespmem:s9+$0xA040]  }
0x110: {  	[tilespmem:s8+$0x60] =	vst v2;
	v8 =	vmax.f32 v10, $0.0e+00;
	v3 =	vadd.f32 v6, v63;
	v6 =	vld [tilespmem:s0+$0x30]  }
0x111: {  	[tilespmem:s8+$0xFFFFFFE0] =	vst v8;
	v2 =	vmax.f32 v7, $0.0e+00;
	v7 =	vld [tilespmem:s13+$0xA030]  }
0x112: {  	v8 =	vadd.f32 v11, v9;
	[tilespmem:s8+$0xFFFFFF70] =	vst v2;
	v3 =	vmax.f32 v3, $0.0e+00;
	v2 =	vld [tilespmem:s15+$0xFFFFFFF0]  }
0x113: {  	s19 =	simm.s32 $0xAB0A;
	s17 =	simm.s32 $0x4;
	[tilespmem:s22+$0xFFFFFF30] =	vst v3;
	v3 =	vld [tilespmem:s20+$0xA070]  }
.LBB2_5:
0x114: {  	v9 =	vld [tilespmem:s19+$0x1];
	v8 =	vmax.f32 v8, $0.0e+00;
	v4 =	vadd.f32 v5, v4  }
0x115: {  	v5 =	vld [tilespmem:s19+$0xFFFFFFFF];
	[tilespmem:s22+$0xFFFFFFB0] =	vst v8  }
0x116: {  	v8 =	vld [tilespmem:s19+$0x0];
	v6 =	vadd.f32 v7, v6;
	v4 =	vmax.f32 v4, $0.0e+00  }
0x117: {  	v7 =	vld [tilespmem:s19+$0xFFFFFFFE];
	[tilespmem:s22+$0xC0] =	vst v4  }
0x118: {  	v4 =	vmax.f32 v6, $0.0e+00;
	v6 =	vld [tilespmem:s0+$0xD0];
	v2 =	vadd.f32 v3, v2  }
0x119: {  	(v2sf) =	vpush v9, $0x0;
	[tilespmem:s22+$0x30] =	vst v4;
	v3 =	vld [tilespmem:s9+$0xA050]  }
0x11a: {  	(v2sf) =	vpush v5, $0x0;
	v4 =	vld [tilespmem:s0+$0xFFFFFF40];
	v2 =	vmax.f32 v2, $0.0e+00  }
0x11b: {  	s17 =	sadd.s32 $0x4, s17;
	(v2sf) =	vpush v8, $0x0;
	v5 =	vld [tilespmem:s12+$0xA040];
	[tilespmem:s8+$0xFFFFFFF0] =	vst v2  }
0x11c: {  	p1 =	slt.u32 s17, $0x4C;
	(v2sf) =	vpush v7, $0x0;
	v2 =	vld [tilespmem:s0+$0xFFFFFFC0]  }
0x11d: {  	v7 =	vld [tilespmem:s10+$0xA040]  }
0x11e: {  	v8 =	vld [tilespmem:s0+$0x40];
	v3 =	vadd.f32 v3, v6  }
0x11f: {  	v6 =	vld [tilespmem:s13+$0xA040]  }
0x120: {  	v4 =	vadd.f32 v5, v4;
	v3 =	vmax.f32 v3, $0.0e+00;
	v5 =	vld [tilespmem:s15+$0x70];
	s15 =	smov.u32 s0  }
0x121: {  	[tilespmem:s22+$0xD0] =	vst v3;
	v3 =	vld [tilespmem:s28+$0xA070];
	s28 =	smov.u32 s13  }
0x122: {  	v4 =	vmax.f32 v4, $0.0e+00;
	v2 =	vadd.f32 v7, v2;
	v7 =	vld [tilespmem:s0+$0xE0]  }
0x123: {  	[tilespmem:s22+$0xFFFFFF40] =	vst v4;
	v4 =	vld [tilespmem:s9+$0xA060]  }
0x124: {  	v9 =	vld [tilespmem:s0+$0xFFFFFF50];
	v2 =	vmax.f32 v2, $0.0e+00;
	v6 =	vadd.f32 v6, v8  }
0x125: {  	v8 =	vld [tilespmem:s12+$0xA050];
	[tilespmem:s22+$0xFFFFFFC0] =	vst v2  }
0x126: {  	v2 =	vld [tilespmem:s0+$0xFFFFFFD0];
	v6 =	vmax.f32 v6, $0.0e+00;
	v3 =	vadd.f32 v3, v5  }
0x127: {  	v5 =	vld [tilespmem:s10+$0xA050];
	[tilespmem:s22+$0x40] =	vst v6  }
0x128: {  	s1 =	spop (v2sf);
	v6 =	vld [tilespmem:s0+$0x50];
	v4 =	vadd.f32 v4, v7;
	v3 =	vmax.f32 v3, $0.0e+00  }
0x129: {  	s0 =	sadd.s32 $0x200, s0;
	s1 =	sshll.u32 s1, $0x9;
	s13 =	spop (v2sf);
	v7 =	vld [tilespmem:s28+$0xA050];
	[tilespmem:s8+$0x70] =	vst v3  }
0x12a: {  	s8 =	sshll.u32 s13, $0x9;
	v3 =	vld [tilespmem:s0+$0x80];
	s1 =	sshra.s32 s1, $0x2;
	s13 =	spop (v2sf);
	v8 =	vadd.f32 v8, v9;
	v4 =	vmax.f32 v4, $0.0e+00  }
0x12b: {  	s20 =	sshra.s32 s8, $0x2;
	s8 =	sshll.u32 s13, $0x9;
	v9 =	vld [tilespmem:s1+$0xA000];
	s13 =	spop (v2sf);
	[tilespmem:s22+$0xE0] =	vst v4  }
0x12c: {  	s31 =	sshll.u32 s13, $0x9;
	s13 =	sshra.s32 s8, $0x2;
	v4 =	vmax.f32 v8, $0.0e+00;
	v2 =	vadd.f32 v5, v2;
	v5 =	vld [tilespmem:s15+$0xF0];
	s8 =	smov.u32 s22  }
0x12d: {  	s31 =	sshra.s32 s31, $0x2;
	[tilespmem:s22+$0xFFFFFF50] =	vst v4;
	v4 =	vld [tilespmem:s9+$0xA070];
	s9 =	smov.u32 s1  }
0x12e: {  	v8 =	vld [tilespmem:s31+$0xA000];
	v2 =	vmax.f32 v2, $0.0e+00;
	v6 =	vadd.f32 v7, v6  }
0x12f: {  	v7 =	vld [tilespmem:s20+$0xA000];
	[tilespmem:s22+$0xFFFFFFD0] =	vst v2  }
0x130: {  	v2 =	vld [tilespmem:s13+$0xA000];
	v3 =	vadd.f32 v9, v3;
	v6 =	vmax.f32 v6, $0.0e+00  }
0x131: {  	v9 =	vld [tilespmem:s0+$0xFFFFFF00];
	[tilespmem:s22+$0x50] =	vst v6  }
0x132: {  	s22 =	sadd.s32 $0x200, s22;
	v6 =	vld [tilespmem:s0+$0xFFFFFF80];
	v3 =	vmax.f32 v3, $0.0e+00;
	v4 =	vadd.f32 v4, v5  }
0x133: {  	v5 =	vld [tilespmem:s0+$0x0];
	[tilespmem:s22+$0x80] =	vst v3  }
0x134: {  	v3 =	vld [tilespmem:s0+$0x90];
	v4 =	vmax.f32 v4, $0.0e+00  }
0x135: {  	v10 =	vld [tilespmem:s9+$0xA010];
	[tilespmem:s8+$0xF0] =	vst v4  }
0x136: {  	v4 =	vadd.f32 v8, v9;
	v8 =	vld [tilespmem:s15+$0xFFFFFF60]  }
0x137: {  	v6 =	vadd.f32 v7, v6;
	v7 =	vld [tilespmem:s12+$0xA060]  }
0x138: {  	v4 =	vmax.f32 v4, $0.0e+00;
	v2 =	vadd.f32 v2, v5;
	v5 =	vld [tilespmem:s15+$0xFFFFFFE0]  }
0x139: {  	[tilespmem:s22+$0xFFFFFF00] =	vst v4;
	v4 =	vmax.f32 v6, $0.0e+00;
	v6 =	vld [tilespmem:s10+$0xA060]  }
0x13a: {  	v9 =	vld [tilespmem:s0+$0xFFFFFF10];
	[tilespmem:s22+$0xFFFFFF80] =	vst v4;
	v2 =	vmax.f32 v2, $0.0e+00;
	v3 =	vadd.f32 v10, v3  }
0x13b: {  	v4 =	vld [tilespmem:s31+$0xA010];
	[tilespmem:s22+$0x0] =	vst v2  }
0x13c: {  	v2 =	vld [tilespmem:s0+$0xFFFFFF90];
	v3 =	vmax.f32 v3, $0.0e+00;
	v7 =	vadd.f32 v7, v8  }
0x13d: {  	v8 =	vld [tilespmem:s20+$0xA010];
	[tilespmem:s22+$0x90] =	vst v3  }
0x13e: {  	v3 =	vld [tilespmem:s0+$0xA0];
	v7 =	vmax.f32 v7, $0.0e+00;
	v5 =	vadd.f32 v6, v5  }
0x13f: {  	v6 =	vld [tilespmem:s9+$0xA020];
	[tilespmem:s8+$0xFFFFFF60] =	vst v7  }
0x140: {  	v4 =	vadd.f32 v4, v9;
	v7 =	vld [tilespmem:s0+$0x10];
	v5 =	vmax.f32 v5, $0.0e+00  }
0x141: {  	v9 =	vld [tilespmem:s13+$0xA010];
	[tilespmem:s8+$0xFFFFFFE0] =	vst v5  }
0x142: {  	v4 =	vmax.f32 v4, $0.0e+00;
	v2 =	vadd.f32 v8, v2;
	v5 =	vld [tilespmem:s15+$0x60]  }
0x143: {  	[tilespmem:s22+$0xFFFFFF10] =	vst v4;
	v4 =	vld [tilespmem:s28+$0xA060]  }
0x144: {  	v8 =	vld [tilespmem:s0+$0xFFFFFF20];
	v2 =	vmax.f32 v2, $0.0e+00;
	v3 =	vadd.f32 v6, v3  }
0x145: {  	v6 =	vld [tilespmem:s31+$0xA020];
	[tilespmem:s22+$0xFFFFFF90] =	vst v2  }
0x146: {  	v2 =	vld [tilespmem:s0+$0xFFFFFFA0];
	v7 =	vadd.f32 v9, v7;
	v3 =	vmax.f32 v3, $0.0e+00  }
0x147: {  	v9 =	vld [tilespmem:s20+$0xA020];
	[tilespmem:s22+$0xA0] =	vst v3  }
0x148: {  	v3 =	vmax.f32 v7, $0.0e+00;
	v7 =	vld [tilespmem:s0+$0xB0];
	v4 =	vadd.f32 v4, v5  }
0x149: {  	[tilespmem:s22+$0x10] =	vst v3;
	v3 =	vld [tilespmem:s9+$0xA030]  }
0x14a: {  	v5 =	vadd.f32 v6, v8;
	v6 =	vld [tilespmem:s0+$0x20];
	v4 =	vmax.f32 v4, $0.0e+00  }
0x14b: {  	v8 =	vld [tilespmem:s13+$0xA020];
	[tilespmem:s8+$0x60] =	vst v4  }
0x14c: {  	v4 =	vmax.f32 v5, $0.0e+00;
	v2 =	vadd.f32 v9, v2;
	v5 =	vld [tilespmem:s15+$0xFFFFFF70]  }
0x14d: {  	[tilespmem:s22+$0xFFFFFF20] =	vst v4;
	v9 =	vld [tilespmem:s12+$0xA070];
	s12 =	smov.u32 s31  }
0x14e: {  	v10 =	vld [tilespmem:s0+$0xFFFFFF30];
	v2 =	vmax.f32 v2, $0.0e+00;
	v3 =	vadd.f32 v3, v7  }
0x14f: {  	v7 =	vld [tilespmem:s12+$0xA030];
	[tilespmem:s22+$0xFFFFFFA0] =	vst v2  }
0x150: {  	v2 =	vld [tilespmem:s0+$0xFFFFFFB0];
	v4 =	vadd.f32 v8, v6;
	v3 =	vmax.f32 v3, $0.0e+00  }
0x151: {  	v8 =	vld [tilespmem:s20+$0xA030];
	[tilespmem:s22+$0xB0] =	vst v3  }
0x152: {  	v3 =	vmax.f32 v4, $0.0e+00;
	v4 =	vld [tilespmem:s0+$0xC0];
	v9 =	vadd.f32 v9, v5  }
.Ltmp1:
0x153: {  	[tilespmem:s22+$0x20] =	vst v3;
	v5 =	vld [tilespmem:s9+$0xA040];
	(pc) =	sbr.rel @p1 .LBB2_5-.Ltmp1, $4  }
0x154: {  	v3 =	vadd.f32 v7, v10;
	v6 =	vld [tilespmem:s0+$0x30];
	v9 =	vmax.f32 v9, $0.0e+00  }
0x155: {  	v7 =	vld [tilespmem:s13+$0xA030];
	[tilespmem:s8+$0xFFFFFF70] =	vst v9  }
0x156: {  	v3 =	vmax.f32 v3, $0.0e+00;
	v8 =	vadd.f32 v8, v2;
	v2 =	vld [tilespmem:s15+$0xFFFFFFF0]  }
0x157: {  	s19 =	sadd.s32 $0x4, s19;
	[tilespmem:s22+$0xFFFFFF30] =	vst v3;
	v3 =	vld [tilespmem:s10+$0xA070];
	s10 =	smov.u32 s20  }
0x158: {  	_ = 	snop  }
0x159: {  	v8 =	vmax.f32 v8, $0.0e+00  }
0x15a: {  	[tilespmem:s22+$0xFFFFFFB0] =	vst v8;
	v8 =	vld [tilespmem:s12+$0xA040];
	v6 =	vadd.f32 v7, v6  }
0x15b: {  	v7 =	vld [tilespmem:s0+$0xFFFFFF40]  }
0x15c: {  	v9 =	vld [tilespmem:s0+$0xFFFFFFC0];
	v6 =	vmax.f32 v6, $0.0e+00  }
0x15d: {  	v4 =	vadd.f32 v5, v4;
	[tilespmem:s22+$0x30] =	vst v6;
	v6 =	vld [tilespmem:s10+$0xA040]  }
0x15e: {  	v5 =	vld [tilespmem:s0+$0x40]  }
0x15f: {  	v4 =	vmax.f32 v4, $0.0e+00;
	v10 =	vld [tilespmem:s13+$0xA040]  }
0x160: {  	[tilespmem:s22+$0xC0] =	vst v4;
	v7 =	vadd.f32 v8, v7  }
0x161: {  	v4 =	vld [tilespmem:s0+$0xD0]  }
0x162: {  	v8 =	vld [tilespmem:s9+$0xA050];
	v7 =	vmax.f32 v7, $0.0e+00;
	v6 =	vadd.f32 v6, v9  }
0x163: {  	[tilespmem:s22+$0xFFFFFF40] =	vst v7  }
0x164: {  	v7 =	vld [tilespmem:s0+$0xFFFFFF50];
	v5 =	vadd.f32 v10, v5;
	v6 =	vmax.f32 v6, $0.0e+00  }
0x165: {  	v9 =	vld [tilespmem:s12+$0xA050];
	[tilespmem:s22+$0xFFFFFFC0] =	vst v6  }
0x166: {  	v5 =	vmax.f32 v5, $0.0e+00;
	v6 =	vld [tilespmem:s0+$0xFFFFFFD0]  }
0x167: {  	v4 =	vadd.f32 v8, v4;
	v10 =	vld [tilespmem:s10+$0xA050];
	[tilespmem:s22+$0x40] =	vst v5  }
0x168: {  	v5 =	vld [tilespmem:s0+$0x50]  }
0x169: {  	v4 =	vmax.f32 v4, $0.0e+00;
	v8 =	vld [tilespmem:s13+$0xA050]  }
0x16a: {  	[tilespmem:s22+$0xD0] =	vst v4;
	v7 =	vadd.f32 v9, v7  }
0x16b: {  	v4 =	vld [tilespmem:s0+$0xE0]  }
0x16c: {  	v9 =	vld [tilespmem:s9+$0xA060];
	v7 =	vmax.f32 v7, $0.0e+00;
	v6 =	vadd.f32 v10, v6  }
0x16d: {  	[tilespmem:s22+$0xFFFFFF50] =	vst v7  }
0x16e: {  	v5 =	vadd.f32 v8, v5;
	v7 =	vld [tilespmem:s0+$0xFFFFFF60];
	v6 =	vmax.f32 v6, $0.0e+00  }
0x16f: {  	[tilespmem:s22+$0xFFFFFFD0] =	vst v6;
	v6 =	vld [tilespmem:s12+$0xA060]  }
0x170: {  	v5 =	vmax.f32 v5, $0.0e+00;
	v8 =	vld [tilespmem:s0+$0xFFFFFFE0]  }
0x171: {  	v4 =	vadd.f32 v9, v4;
	[tilespmem:s22+$0x50] =	vst v5;
	v5 =	vld [tilespmem:s10+$0xA060]  }
0x172: {  	v9 =	vld [tilespmem:s0+$0x60]  }
0x173: {  	v4 =	vmax.f32 v4, $0.0e+00;
	v10 =	vld [tilespmem:s13+$0xA060]  }
0x174: {  	v11 =	vld [tilespmem:s15+$0x70];
	[tilespmem:s22+$0xE0] =	vst v4;
	v6 =	vadd.f32 v6, v7  }
0x175: {  	v4 =	vld [tilespmem:s0+$0xF0]  }
0x176: {  	v7 =	vld [tilespmem:s28+$0xA070];
	v5 =	vadd.f32 v5, v8;
	v6 =	vmax.f32 v6, $0.0e+00  }
0x177: {  	v8 =	vld [tilespmem:s9+$0xA070];
	[tilespmem:s22+$0xFFFFFF60] =	vst v6  }
0x178: {  	v5 =	vmax.f32 v5, $0.0e+00;
	v6 =	vadd.f32 v10, v9;
	v9 =	vld [tilespmem:s0+$0xFFFFFF70]  }
0x179: {  	[tilespmem:s22+$0xFFFFFFE0] =	vst v5;
	v5 =	vld [tilespmem:s12+$0xA070]  }
0x17a: {  	v6 =	vmax.f32 v6, $0.0e+00;
	v10 =	vld [tilespmem:s0+$0xFFFFFFF0]  }
0x17b: {  	[tilespmem:s22+$0x60] =	vst v6;
	v6 =	vld [tilespmem:s10+$0xA070]  }
0x17c: {  	v12 =	vld [tilespmem:s0+$0x70]  }
0x17d: {  	v2 =	vadd.f32 v3, v2;
	v3 =	vld [tilespmem:s13+$0xA070]  }
0x17e: {  	v7 =	vadd.f32 v7, v11  }
0x17f: {  	v2 =	vmax.f32 v2, $0.0e+00;
	v4 =	vadd.f32 v8, v4  }
0x180: {  	[tilespmem:s8+$0xFFFFFFF0] =	vst v2;
	v2 =	vmax.f32 v7, $0.0e+00;
	v5 =	vadd.f32 v5, v9  }
0x181: {  	[tilespmem:s8+$0x70] =	vst v2;
	v2 =	vmax.f32 v4, $0.0e+00;
	v4 =	vadd.f32 v6, v10  }
0x182: {  	[tilespmem:s22+$0xF0] =	vst v2;
	v2 =	vmax.f32 v5, $0.0e+00;
	v3 =	vadd.f32 v3, v12  }
0x183: {  	s15 =	sshll.u32 s29, $0x2;
	[tilespmem:s22+$0xFFFFFF70] =	vst v2;
	v2 =	vmax.f32 v4, $0.0e+00  }
0x184: {  	s31 =	rddreg [dreg:$0x2];
	s8 =	sor.u32 $0x2, s15;
	[tilespmem:s22+$0xFFFFFFF0] =	vst v2;
	v2 =	vmax.f32 v3, $0.0e+00  }
0x185: {  	s1 =	simm.s32 $0x5000;
	s2 =	simm.s32 $0xA900;
	s9 =	sadd.s32 s18, s8;
	[tilespmem:s22+$0x70] =	vst v2  }
0x186: {  	[spmem:s31] =	stream.indirect.scatter.add.f32 [tilespmem:s1], [sflag:$0x5], $0x80, s2, s16, $0xb8;
	[tilespmem:$0x1EC00] =	vst v63  }
0x187: {  	s1 =	smul.u32 $0xA, s9  }
0x188: {  	s0 =	sor.u32 s30, s8  }
0x189: {  	s0 =	smul.u32 $0xA, s0;
	s1 =	sadd.s32 s5, s1  }
0x18a: {  	[tilespmem:s4], [sflag:$0x3] =	stream.linear.gather [hbm4b:s1+s3], $0x50, $0x38;
	[tilespmem:$0x1EC00] =	vst v63  }
0x18b: {  	s11 =	simm.s32 $0xAA00;
	s10 =	sadd.s32 s6, s0  }
0x18c: {  	[tilespmem:s11], [sflag:$0x3] =	stream.linear.gather [hbm4b:s10+s3], $0x50, $0x38;
	[tilespmem:$0x1EC00] =	vst v63  }
0x18d: {  	s12 =	simm.s32 $0xAB00;
	s0 =	sadd.s32 s7, s0  }
0x18e: {  	[tilespmem:s12], [sflag:$0x3] =	stream.linear.gather [hbm4b:s0+s3], $0x50, $0x38;
	[tilespmem:$0x1EC00] =	vst v63  }
0x18f: {  	_ =	swait.ge [sflag:s14], $0x50  }
0x190: {  	[sflag:s14] =	ssyncset.done $0x0  }
0x191: {  	[sflag:s14] =	ssyncadd.s32 $0xFFFFFFB0  }
0x192: {  	_ =	swait.ge [sflag:s14], $0x50  }
0x193: {  	[sflag:s14] =	ssyncset.done $0x0  }
0x194: {  	[sflag:s14] =	ssyncadd.s32 $0xFFFFFFB0  }
0x195: {  	_ =	swait.ge [sflag:s14], $0x50  }
0x196: {  	[sflag:s14] =	ssyncset.done $0x0  }
0x197: {  	[sflag:s14] =	ssyncadd.s32 $0xFFFFFFB0  }
0x198: {  	s13 =	rddreg [dreg:$0x0]  }
0x199: {  	[tilespmem:s3], [sflag:$0x1] =	stream.indirect.gather [hbm4b:s13+s16], $0x80, s4, s16, $0xb8;
	[tilespmem:$0x1EC00] =	vst v63  }
0x19a: {  	_ =	swait.ge [sflag:s25], $0x2800  }
0x19b: {  	[sflag:s25] =	ssyncset.done $0x0  }
0x19c: {  	[sflag:s25] =	ssyncadd.s32 $0xFFFFD800  }
0x19d: {  	_ =	swait.ge [sflag:s26], $0x2800  }
0x19e: {  	[sflag:s26] =	ssyncset.done $0x0  }
0x19f: {  	s17 =	simm.s32 $0xAB82;
	[sflag:s26] =	ssyncadd.s32 $0xFFFFD800  }
0x1a0: {  	v2 =	vld [tilespmem:s17+$0x1];
	_ =	sdelay $0x4  }
0x1a1: {  	(v2sf) =	vpush v2, $0x0  }
0x1a2: {  	v3 =	vld [tilespmem:s17+$0xFFFFFFFF]  }
0x1a3: {  	v2 =	vld [tilespmem:s17+$0x0]  }
0x1a4: {  	v4 =	vld [tilespmem:s17+$0xFFFFFFFE];
	_ =	sdelay $0x2  }
0x1a5: {  	(v2sf) =	vpush v3, $0x0  }
0x1a6: {  	(v2sf) =	vpush v2, $0x0  }
0x1a7: {  	(v2sf) =	vpush v4, $0x0;
	_ =	sdelay $0x6  }
0x1a8: {  	s19 =	spop (v2sf)  }
0x1a9: {  	s8 =	simm.s32 $0x2900;
	s0 =	sshll.u32 s19, $0x9  }
0x1aa: {  	v2 =	vld [tilespmem:s8+$0x80];
	s9 =	sshra.s32 s0, $0x2  }
0x1ab: {  	v3 =	vld [tilespmem:s9+$0xA000];
	_ =	sdelay $0x2  }
0x1ac: {  	s20 =	spop (v2sf)  }
0x1ad: {  	s22 =	spop (v2sf)  }
0x1ae: {  	s31 =	spop (v2sf);
	v2 =	vadd.f32 v3, v2  }
0x1af: {  	s10 =	sshll.u32 s31, $0x9  }
0x1b0: {  	s28 =	simm.s32 $0x7900;
	v4 =	vld [tilespmem:s8+$0xFFFFFF00];
	s19 =	sshra.s32 s10, $0x2;
	v2 =	vmax.f32 v2, $0.0e+00  }
0x1b1: {  	v3 =	vld [tilespmem:s19+$0xA000];
	[tilespmem:s28+$0x80] =	vst v2  }
0x1b2: {  	v2 =	vld [tilespmem:s8+$0x90]  }
0x1b3: {  	s0 =	sshll.u32 s20, $0x9;
	v5 =	vld [tilespmem:s9+$0xA010]  }
0x1b4: {  	v7 =	vld [tilespmem:s8+$0xFFFFFF80];
	s20 =	sshra.s32 s0, $0x2;
	s1 =	sshll.u32 s22, $0x9  }
0x1b5: {  	v6 =	vld [tilespmem:s20+$0xA000];
	s0 =	sshra.s32 s1, $0x2  }
0x1b6: {  	v8 =	vld [tilespmem:s0+$0xA000];
	v3 =	vadd.f32 v3, v4  }
0x1b7: {  	v4 =	vld [tilespmem:s8+$0x0]  }
0x1b8: {  	v3 =	vmax.f32 v3, $0.0e+00;
	v2 =	vadd.f32 v5, v2  }
0x1b9: {  	[tilespmem:s28+$0xFFFFFF00] =	vst v3  }
0x1ba: {  	v3 =	vadd.f32 v6, v7;
	v5 =	vld [tilespmem:s8+$0xFFFFFF10];
	v2 =	vmax.f32 v2, $0.0e+00  }
0x1bb: {  	v6 =	vld [tilespmem:s19+$0xA010];
	[tilespmem:s28+$0x90] =	vst v2  }
0x1bc: {  	v3 =	vmax.f32 v3, $0.0e+00;
	v2 =	vadd.f32 v8, v4;
	v4 =	vld [tilespmem:s8+$0xA0]  }
0x1bd: {  	[tilespmem:s28+$0xFFFFFF80] =	vst v3;
	v3 =	vld [tilespmem:s9+$0xA020]  }
0x1be: {  	v7 =	vld [tilespmem:s8+$0xFFFFFF90];
	v2 =	vmax.f32 v2, $0.0e+00  }
0x1bf: {  	[tilespmem:s28+$0x0] =	vst v2;
	v2 =	vld [tilespmem:s20+$0xA010]  }
0x1c0: {  	v5 =	vadd.f32 v6, v5;
	v6 =	vld [tilespmem:s8+$0x10]  }
0x1c1: {  	v8 =	vld [tilespmem:s0+$0xA010]  }
0x1c2: {  	s2 =	simm.s32 $0xAB86;
	v5 =	vmax.f32 v5, $0.0e+00;
	v3 =	vadd.f32 v3, v4  }
0x1c3: {  	v10 =	vld [tilespmem:s2+$0x1];
	[tilespmem:s28+$0xFFFFFF10] =	vst v5  }
0x1c4: {  	v4 =	vld [tilespmem:s8+$0xFFFFFF20];
	v2 =	vadd.f32 v2, v7;
	v3 =	vmax.f32 v3, $0.0e+00  }
0x1c5: {  	v5 =	vld [tilespmem:s19+$0xA020];
	[tilespmem:s28+$0xA0] =	vst v3  }
0x1c6: {  	v3 =	vadd.f32 v8, v6;
	v2 =	vmax.f32 v2, $0.0e+00;
	v6 =	vld [tilespmem:s8+$0xB0]  }
0x1c7: {  	[tilespmem:s28+$0xFFFFFF90] =	vst v2;
	v2 =	vld [tilespmem:s9+$0xA030]  }
0x1c8: {  	v3 =	vmax.f32 v3, $0.0e+00;
	v7 =	vld [tilespmem:s8+$0xFFFFFFA0]  }
0x1c9: {  	v8 =	vld [tilespmem:s20+$0xA020];
	[tilespmem:s28+$0x10] =	vst v3  }
0x1ca: {  	v3 =	vadd.f32 v5, v4;
	v4 =	vld [tilespmem:s8+$0x20]  }
0x1cb: {  	v5 =	vld [tilespmem:s0+$0xA020]  }
0x1cc: {  	(v2sf) =	vpush v10, $0x0;
	v3 =	vmax.f32 v3, $0.0e+00;
	v2 =	vadd.f32 v2, v6  }
0x1cd: {  	[tilespmem:s28+$0xFFFFFF20] =	vst v3  }
0x1ce: {  	v6 =	vld [tilespmem:s8+$0xFFFFFF30];
	v3 =	vadd.f32 v8, v7;
	v2 =	vmax.f32 v2, $0.0e+00  }
0x1cf: {  	v7 =	vld [tilespmem:s19+$0xA030];
	[tilespmem:s28+$0xB0] =	vst v2  }
0x1d0: {  	v2 =	vmax.f32 v3, $0.0e+00;
	v3 =	vadd.f32 v5, v4;
	v4 =	vld [tilespmem:s8+$0xC0]  }
0x1d1: {  	[tilespmem:s28+$0xFFFFFFA0] =	vst v2;
	v2 =	vld [tilespmem:s9+$0xA040];
	_ =	sdelay $0x1  }
0x1d2: {  	v11 =	vld [tilespmem:s2+$0xFFFFFFFE]  }
0x1d3: {  	v5 =	vld [tilespmem:s8+$0xFFFFFFB0]  }
0x1d4: {  	v8 =	vld [tilespmem:s20+$0xA030]  }
0x1d5: {  	v3 =	vmax.f32 v3, $0.0e+00;
	v6 =	vadd.f32 v7, v6;
	v7 =	vld [tilespmem:s2+$0x0];
	v2 =	vadd.f32 v2, v4  }
0x1d6: {  	[tilespmem:s28+$0x20] =	vst v3;
	v4 =	vld [tilespmem:s2+$0xFFFFFFFF]  }
0x1d7: {  	v3 =	vld [tilespmem:s8+$0x30];
	v2 =	vmax.f32 v2, $0.0e+00  }
0x1d8: {  	v9 =	vld [tilespmem:s0+$0xA030];
	[tilespmem:s28+$0xC0] =	vst v2  }
0x1d9: {  	v5 =	vadd.f32 v8, v5;
	v2 =	vmax.f32 v6, $0.0e+00;
	v6 =	vld [tilespmem:s8+$0xD0]  }
0x1da: {  	s10 =	spop (v2sf);
	[tilespmem:s28+$0xFFFFFF30] =	vst v2;
	v2 =	vld [tilespmem:s9+$0xA050]  }
0x1db: {  	s1 =	sshll.u32 s10, $0x9;
	v5 =	vmax.f32 v5, $0.0e+00;
	(v2sf) =	vpush v4, $0x0;
	v4 =	vld [tilespmem:s8+$0xFFFFFF40]  }
0x1dc: {  	s10 =	sshra.s32 s1, $0x2;
	[tilespmem:s28+$0xFFFFFFB0] =	vst v5;
	v5 =	vld [tilespmem:s19+$0xA040]  }
0x1dd: {  	s22 =	simm.s32 $0x2B00;
	v10 =	vld [tilespmem:s10+$0xA000];
	v3 =	vadd.f32 v9, v3  }
0x1de: {  	v9 =	vld [tilespmem:s22+$0x80]  }
0x1df: {  	v3 =	vmax.f32 v3, $0.0e+00;
	(v2sf) =	vpush v7, $0x0;
	v7 =	vld [tilespmem:s8+$0xFFFFFFC0];
	v2 =	vadd.f32 v2, v6  }
0x1e0: {  	[tilespmem:s28+$0x30] =	vst v3;
	v3 =	vld [tilespmem:s20+$0xA040]  }
0x1e1: {  	(v2sf) =	vpush v11, $0x0;
	v8 =	vld [tilespmem:s8+$0x40];
	v4 =	vadd.f32 v5, v4;
	v2 =	vmax.f32 v2, $0.0e+00  }
0x1e2: {  	v6 =	vld [tilespmem:s0+$0xA040];
	[tilespmem:s28+$0xD0] =	vst v2  }
0x1e3: {  	v2 =	vmax.f32 v4, $0.0e+00;
	v4 =	vld [tilespmem:s8+$0xE0]  }
0x1e4: {  	[tilespmem:s28+$0xFFFFFF40] =	vst v2;
	v2 =	vld [tilespmem:s9+$0xA060]  }
0x1e5: {  	v3 =	vadd.f32 v3, v7  }
0x1e6: {  	v5 =	vld [tilespmem:s8+$0xFFFFFF50]  }
0x1e7: {  	v3 =	vmax.f32 v3, $0.0e+00;
	v6 =	vadd.f32 v6, v8;
	v7 =	vld [tilespmem:s19+$0xA050]  }
0x1e8: {  	v9 =	vadd.f32 v10, v9;
	v10 =	vld [tilespmem:s22+$0xFFFFFF00];
	[tilespmem:s28+$0xFFFFFFC0] =	vst v3  }
0x1e9: {  	v3 =	vld [tilespmem:s8+$0xFFFFFFD0];
	v6 =	vmax.f32 v6, $0.0e+00;
	v2 =	vadd.f32 v2, v4  }
0x1ea: {  	v8 =	vld [tilespmem:s20+$0xA050];
	[tilespmem:s28+$0x40] =	vst v6  }
0x1eb: {  	v6 =	vld [tilespmem:s8+$0x50];
	s11 =	spop (v2sf);
	v2 =	vmax.f32 v2, $0.0e+00  }
0x1ec: {  	v5 =	vadd.f32 v7, v5;
	v7 =	vld [tilespmem:s22+$0xFFFFFF80];
	[tilespmem:s28+$0xE0] =	vst v2;
	s12 =	sshll.u32 s11, $0x9  }
0x1ed: {  	v11 =	vld [tilespmem:s9+$0xA070];
	s12 =	sshra.s32 s12, $0x2  }
0x1ee: {  	v9 =	vmax.f32 v9, $0.0e+00;
	s9 =	simm.s32 $0x7B00;
	v13 =	vld [tilespmem:s12+$0xA000]  }
0x1ef: {  	s17 =	spop (v2sf);
	[tilespmem:s9+$0x80] =	vst v9;
	v9 =	vld [tilespmem:s22+$0x0]  }
0x1f0: {  	v3 =	vadd.f32 v8, v3;
	v5 =	vmax.f32 v5, $0.0e+00;
	s31 =	spop (v2sf);
	s1 =	sshll.u32 s17, $0x9;
	v8 =	vld [tilespmem:s22+$0x90]  }
0x1f1: {  	[tilespmem:s28+$0xFFFFFF50] =	vst v5;
	s13 =	sshll.u32 s31, $0x9;
	s17 =	sshra.s32 s1, $0x2;
	v5 =	vld [tilespmem:s10+$0xA010]  }
0x1f2: {  	s13 =	sshra.s32 s13, $0x2;
	v14 =	vld [tilespmem:s17+$0xA000]  }
0x1f3: {  	v57 =	vld [tilespmem:s13+$0xA000]  }
0x1f4: {  	v4 =	vld [tilespmem:s0+$0xA050];
	v7 =	vadd.f32 v13, v7;
	_ =	sdelay $0x1  }
0x1f5: {  	v5 =	vadd.f32 v5, v8;
	v7 =	vmax.f32 v7, $0.0e+00  }
0x1f6: {  	v2 =	vld [tilespmem:s8+$0xF0];
	v9 =	vadd.f32 v14, v9;
	[tilespmem:s9+$0xFFFFFF80] =	vst v7  }
0x1f7: {  	v10 =	vadd.f32 v57, v10;
	v5 =	vmax.f32 v5, $0.0e+00;
	v60 =	vld [tilespmem:s22+$0xFFFFFF90]  }
0x1f8: {  	v4 =	vadd.f32 v4, v6;
	v6 =	vmax.f32 v9, $0.0e+00;
	[tilespmem:s9+$0x90] =	vst v5;
	v5 =	vld [tilespmem:s12+$0xA010]  }
0x1f9: {  	v10 =	vmax.f32 v10, $0.0e+00;
	[tilespmem:s9+$0x0] =	vst v6;
	v9 =	vld [tilespmem:s22+$0xA0]  }
0x1fa: {  	[tilespmem:s9+$0xFFFFFF00] =	vst v10;
	v6 =	vld [tilespmem:s10+$0xA020]  }
0x1fb: {  	v8 =	vld [tilespmem:s22+$0xFFFFFF10]  }
0x1fc: {  	v7 =	vld [tilespmem:s13+$0xA010]  }
0x1fd: {  	v3 =	vmax.f32 v3, $0.0e+00;
	v58 =	vld [tilespmem:s8+$0xFFFFFF60]  }
0x1fe: {  	[tilespmem:s28+$0xFFFFFFD0] =	vst v3;
	v3 =	vld [tilespmem:s19+$0xA060];
	v4 =	vmax.f32 v4, $0.0e+00  }
0x1ff: {  	v59 =	vld [tilespmem:s8+$0xFFFFFFE0];
	[tilespmem:s28+$0x50] =	vst v4;
	v5 =	vadd.f32 v5, v60  }
0x200: {  	v61 =	vld [tilespmem:s8+$0x60];
	v6 =	vadd.f32 v6, v9  }
0x201: {  	v4 =	vld [tilespmem:s17+$0xA010];
	v7 =	vadd.f32 v7, v8;
	v5 =	vmax.f32 v5, $0.0e+00  }
0x202: {  	v8 =	vld [tilespmem:s22+$0x10];
	[tilespmem:s9+$0xFFFFFF90] =	vst v5;
	v6 =	vmax.f32 v6, $0.0e+00  }
0x203: {  	v10 =	vld [tilespmem:s20+$0xA060];
	v7 =	vmax.f32 v7, $0.0e+00;
	[tilespmem:s9+$0xA0] =	vst v6  }
0x204: {  	v6 =	vld [tilespmem:s12+$0xA020];
	[tilespmem:s9+$0xFFFFFF10] =	vst v7  }
0x205: {  	v9 =	vld [tilespmem:s22+$0xFFFFFF20]  }
0x206: {  	v5 =	vld [tilespmem:s13+$0xA020]  }
0x207: {  	v7 =	vld [tilespmem:s0+$0xA060];
	v4 =	vadd.f32 v4, v8  }
0x208: {  	v8 =	vld [tilespmem:s22+$0xFFFFFFA0]  }
0x209: {  	v3 =	vadd.f32 v3, v58;
	v62 =	vld [tilespmem:s22+$0xB0];
	v4 =	vmax.f32 v4, $0.0e+00  }
0x20a: {  	[tilespmem:s9+$0x10] =	vst v4;
	v4 =	vld [tilespmem:s10+$0xA030]  }
0x20b: {  	v3 =	vmax.f32 v3, $0.0e+00;
	v5 =	vadd.f32 v5, v9;
	v9 =	vld [tilespmem:s22+$0x20]  }
0x20c: {  	[tilespmem:s28+$0xFFFFFF60] =	vst v3;
	v3 =	vld [tilespmem:s17+$0xA020]  }
0x20d: {  	v6 =	vadd.f32 v6, v8;
	v8 =	vld [tilespmem:s8+$0xFFFFFF70];
	v5 =	vmax.f32 v5, $0.0e+00  }
0x20e: {  	v2 =	vadd.f32 v11, v2;
	[tilespmem:s9+$0xFFFFFF20] =	vst v5;
	v5 =	vld [tilespmem:s19+$0xA070]  }
0x20f: {  	v6 =	vmax.f32 v6, $0.0e+00;
	v4 =	vadd.f32 v4, v62;
	v63 =	vld [tilespmem:s22+$0xFFFFFF30]  }
0x210: {  	v2 =	vmax.f32 v2, $0.0e+00;
	[tilespmem:s9+$0xFFFFFFA0] =	vst v6;
	v6 =	vld [tilespmem:s13+$0xA030]  }
0x211: {  	[tilespmem:s28+$0xF0] =	vst v2;
	v3 =	vadd.f32 v3, v9;
	v9 =	vld [tilespmem:s22+$0xFFFFFFB0];
	v4 =	vmax.f32 v4, $0.0e+00  }
0x212: {  	v2 =	vadd.f32 v7, v61;
	v11 =	vld [tilespmem:s12+$0xA030];
	[tilespmem:s9+$0xB0] =	vst v4  }
0x213: {  	v10 =	vadd.f32 v10, v59;
	v3 =	vmax.f32 v3, $0.0e+00;
	v4 =	vld [tilespmem:s22+$0xC0]  }
0x214: {  	v2 =	vmax.f32 v2, $0.0e+00;
	v7 =	vadd.f32 v5, v8;
	[tilespmem:s9+$0x20] =	vst v3;
	v5 =	vld [tilespmem:s10+$0xA040]  }
0x215: {  	[tilespmem:s28+$0x60] =	vst v2;
	v8 =	vmax.f32 v10, $0.0e+00;
	v3 =	vadd.f32 v6, v63;
	v6 =	vld [tilespmem:s22+$0x30]  }
0x216: {  	[tilespmem:s28+$0xFFFFFFE0] =	vst v8;
	v2 =	vmax.f32 v7, $0.0e+00;
	v7 =	vld [tilespmem:s17+$0xA030]  }
0x217: {  	v8 =	vadd.f32 v11, v9;
	[tilespmem:s28+$0xFFFFFF70] =	vst v2;
	v3 =	vmax.f32 v3, $0.0e+00;
	v2 =	vld [tilespmem:s8+$0xFFFFFFF0]  }
0x218: {  	s19 =	simm.s32 $0x4;
	[tilespmem:s9+$0xFFFFFF30] =	vst v3;
	v3 =	vld [tilespmem:s20+$0xA070];
	s20 =	simm.s32 $0xAB8A  }
.LBB2_7:
0x219: {  	v9 =	vld [tilespmem:s20+$0x1];
	v8 =	vmax.f32 v8, $0.0e+00;
	v4 =	vadd.f32 v5, v4  }
0x21a: {  	v5 =	vld [tilespmem:s20+$0xFFFFFFFF];
	[tilespmem:s9+$0xFFFFFFB0] =	vst v8  }
0x21b: {  	v8 =	vld [tilespmem:s20+$0x0];
	v6 =	vadd.f32 v7, v6;
	v4 =	vmax.f32 v4, $0.0e+00  }
0x21c: {  	v7 =	vld [tilespmem:s20+$0xFFFFFFFE];
	[tilespmem:s9+$0xC0] =	vst v4  }
0x21d: {  	v4 =	vmax.f32 v6, $0.0e+00;
	v6 =	vld [tilespmem:s22+$0xD0];
	v2 =	vadd.f32 v3, v2  }
0x21e: {  	(v2sf) =	vpush v9, $0x0;
	[tilespmem:s9+$0x30] =	vst v4;
	v3 =	vld [tilespmem:s10+$0xA050]  }
0x21f: {  	(v2sf) =	vpush v5, $0x0;
	v4 =	vld [tilespmem:s22+$0xFFFFFF40];
	v2 =	vmax.f32 v2, $0.0e+00  }
0x220: {  	s19 =	sadd.s32 $0x4, s19;
	(v2sf) =	vpush v8, $0x0;
	v5 =	vld [tilespmem:s13+$0xA040];
	[tilespmem:s28+$0xFFFFFFF0] =	vst v2  }
0x221: {  	p1 =	slt.u32 s19, $0x4C;
	(v2sf) =	vpush v7, $0x0;
	v2 =	vld [tilespmem:s22+$0xFFFFFFC0]  }
0x222: {  	v7 =	vld [tilespmem:s12+$0xA040]  }
0x223: {  	v8 =	vld [tilespmem:s22+$0x40];
	v3 =	vadd.f32 v3, v6  }
0x224: {  	v6 =	vld [tilespmem:s17+$0xA040]  }
0x225: {  	v4 =	vadd.f32 v5, v4;
	v3 =	vmax.f32 v3, $0.0e+00;
	v5 =	vld [tilespmem:s8+$0x70];
	s8 =	smov.u32 s22  }
0x226: {  	[tilespmem:s9+$0xD0] =	vst v3;
	v3 =	vld [tilespmem:s0+$0xA070];
	s0 =	smov.u32 s17  }
0x227: {  	v4 =	vmax.f32 v4, $0.0e+00;
	v2 =	vadd.f32 v7, v2;
	v7 =	vld [tilespmem:s22+$0xE0]  }
0x228: {  	[tilespmem:s9+$0xFFFFFF40] =	vst v4;
	v4 =	vld [tilespmem:s10+$0xA060]  }
0x229: {  	v9 =	vld [tilespmem:s22+$0xFFFFFF50];
	v2 =	vmax.f32 v2, $0.0e+00;
	v6 =	vadd.f32 v6, v8  }
0x22a: {  	v8 =	vld [tilespmem:s13+$0xA050];
	[tilespmem:s9+$0xFFFFFFC0] =	vst v2  }
0x22b: {  	v2 =	vld [tilespmem:s22+$0xFFFFFFD0];
	v6 =	vmax.f32 v6, $0.0e+00;
	v3 =	vadd.f32 v3, v5  }
0x22c: {  	v5 =	vld [tilespmem:s12+$0xA050];
	[tilespmem:s9+$0x40] =	vst v6  }
0x22d: {  	s1 =	spop (v2sf);
	v6 =	vld [tilespmem:s22+$0x50];
	v4 =	vadd.f32 v4, v7;
	v3 =	vmax.f32 v3, $0.0e+00  }
0x22e: {  	s22 =	sadd.s32 $0x200, s22;
	s1 =	sshll.u32 s1, $0x9;
	s17 =	spop (v2sf);
	v7 =	vld [tilespmem:s0+$0xA050];
	[tilespmem:s28+$0x70] =	vst v3  }
0x22f: {  	s17 =	sshll.u32 s17, $0x9;
	v3 =	vld [tilespmem:s22+$0x80];
	s2 =	sshra.s32 s1, $0x2;
	s1 =	spop (v2sf);
	v8 =	vadd.f32 v8, v9;
	v4 =	vmax.f32 v4, $0.0e+00  }
0x230: {  	s31 =	sshra.s32 s17, $0x2;
	s1 =	sshll.u32 s1, $0x9;
	v9 =	vld [tilespmem:s2+$0xA000];
	s17 =	spop (v2sf);
	[tilespmem:s9+$0xE0] =	vst v4  }
0x231: {  	s28 =	smov.u32 s9;
	s11 =	sshll.u32 s17, $0x9;
	s17 =	sshra.s32 s1, $0x2;
	v4 =	vmax.f32 v8, $0.0e+00;
	v2 =	vadd.f32 v5, v2;
	v5 =	vld [tilespmem:s8+$0xF0]  }
0x232: {  	s1 =	sshra.s32 s11, $0x2;
	[tilespmem:s9+$0xFFFFFF50] =	vst v4;
	v4 =	vld [tilespmem:s10+$0xA070];
	s10 =	smov.u32 s2  }
0x233: {  	v8 =	vld [tilespmem:s1+$0xA000];
	v2 =	vmax.f32 v2, $0.0e+00;
	v6 =	vadd.f32 v7, v6  }
0x234: {  	v7 =	vld [tilespmem:s31+$0xA000];
	[tilespmem:s9+$0xFFFFFFD0] =	vst v2  }
0x235: {  	v2 =	vld [tilespmem:s17+$0xA000];
	v3 =	vadd.f32 v9, v3;
	v6 =	vmax.f32 v6, $0.0e+00  }
0x236: {  	v9 =	vld [tilespmem:s22+$0xFFFFFF00];
	[tilespmem:s9+$0x50] =	vst v6  }
0x237: {  	s9 =	sadd.s32 $0x200, s9;
	v6 =	vld [tilespmem:s22+$0xFFFFFF80];
	v3 =	vmax.f32 v3, $0.0e+00;
	v4 =	vadd.f32 v4, v5  }
0x238: {  	v5 =	vld [tilespmem:s22+$0x0];
	[tilespmem:s9+$0x80] =	vst v3  }
0x239: {  	v3 =	vld [tilespmem:s22+$0x90];
	v4 =	vmax.f32 v4, $0.0e+00  }
0x23a: {  	v10 =	vld [tilespmem:s10+$0xA010];
	[tilespmem:s28+$0xF0] =	vst v4  }
0x23b: {  	v4 =	vadd.f32 v8, v9;
	v8 =	vld [tilespmem:s8+$0xFFFFFF60]  }
0x23c: {  	v6 =	vadd.f32 v7, v6;
	v7 =	vld [tilespmem:s13+$0xA060]  }
0x23d: {  	v4 =	vmax.f32 v4, $0.0e+00;
	v2 =	vadd.f32 v2, v5;
	v5 =	vld [tilespmem:s8+$0xFFFFFFE0]  }
0x23e: {  	[tilespmem:s9+$0xFFFFFF00] =	vst v4;
	v4 =	vmax.f32 v6, $0.0e+00;
	v6 =	vld [tilespmem:s12+$0xA060]  }
0x23f: {  	v9 =	vld [tilespmem:s22+$0xFFFFFF10];
	[tilespmem:s9+$0xFFFFFF80] =	vst v4;
	v2 =	vmax.f32 v2, $0.0e+00;
	v3 =	vadd.f32 v10, v3  }
0x240: {  	v4 =	vld [tilespmem:s1+$0xA010];
	[tilespmem:s9+$0x0] =	vst v2  }
0x241: {  	v2 =	vld [tilespmem:s22+$0xFFFFFF90];
	v3 =	vmax.f32 v3, $0.0e+00;
	v7 =	vadd.f32 v7, v8  }
0x242: {  	v8 =	vld [tilespmem:s31+$0xA010];
	[tilespmem:s9+$0x90] =	vst v3  }
0x243: {  	v3 =	vld [tilespmem:s22+$0xA0];
	v7 =	vmax.f32 v7, $0.0e+00;
	v5 =	vadd.f32 v6, v5  }
0x244: {  	v6 =	vld [tilespmem:s10+$0xA020];
	[tilespmem:s28+$0xFFFFFF60] =	vst v7  }
0x245: {  	v4 =	vadd.f32 v4, v9;
	v7 =	vld [tilespmem:s22+$0x10];
	v5 =	vmax.f32 v5, $0.0e+00  }
0x246: {  	v9 =	vld [tilespmem:s17+$0xA010];
	[tilespmem:s28+$0xFFFFFFE0] =	vst v5  }
0x247: {  	v4 =	vmax.f32 v4, $0.0e+00;
	v2 =	vadd.f32 v8, v2;
	v5 =	vld [tilespmem:s8+$0x60]  }
0x248: {  	[tilespmem:s9+$0xFFFFFF10] =	vst v4;
	v4 =	vld [tilespmem:s0+$0xA060]  }
0x249: {  	v8 =	vld [tilespmem:s22+$0xFFFFFF20];
	v2 =	vmax.f32 v2, $0.0e+00;
	v3 =	vadd.f32 v6, v3  }
0x24a: {  	v6 =	vld [tilespmem:s1+$0xA020];
	[tilespmem:s9+$0xFFFFFF90] =	vst v2  }
0x24b: {  	v2 =	vld [tilespmem:s22+$0xFFFFFFA0];
	v7 =	vadd.f32 v9, v7;
	v3 =	vmax.f32 v3, $0.0e+00  }
0x24c: {  	v9 =	vld [tilespmem:s31+$0xA020];
	[tilespmem:s9+$0xA0] =	vst v3  }
0x24d: {  	v3 =	vmax.f32 v7, $0.0e+00;
	v7 =	vld [tilespmem:s22+$0xB0];
	v4 =	vadd.f32 v4, v5  }
0x24e: {  	[tilespmem:s9+$0x10] =	vst v3;
	v3 =	vld [tilespmem:s10+$0xA030]  }
0x24f: {  	v5 =	vadd.f32 v6, v8;
	v6 =	vld [tilespmem:s22+$0x20];
	v4 =	vmax.f32 v4, $0.0e+00  }
0x250: {  	v8 =	vld [tilespmem:s17+$0xA020];
	[tilespmem:s28+$0x60] =	vst v4  }
0x251: {  	v4 =	vmax.f32 v5, $0.0e+00;
	v2 =	vadd.f32 v9, v2;
	v5 =	vld [tilespmem:s8+$0xFFFFFF70]  }
0x252: {  	[tilespmem:s9+$0xFFFFFF20] =	vst v4;
	v9 =	vld [tilespmem:s13+$0xA070];
	s13 =	smov.u32 s1  }
0x253: {  	v10 =	vld [tilespmem:s22+$0xFFFFFF30];
	v2 =	vmax.f32 v2, $0.0e+00;
	v3 =	vadd.f32 v3, v7  }
0x254: {  	v7 =	vld [tilespmem:s13+$0xA030];
	[tilespmem:s9+$0xFFFFFFA0] =	vst v2  }
0x255: {  	v2 =	vld [tilespmem:s22+$0xFFFFFFB0];
	v4 =	vadd.f32 v8, v6;
	v3 =	vmax.f32 v3, $0.0e+00  }
0x256: {  	v8 =	vld [tilespmem:s31+$0xA030];
	[tilespmem:s9+$0xB0] =	vst v3  }
0x257: {  	v3 =	vmax.f32 v4, $0.0e+00;
	v4 =	vld [tilespmem:s22+$0xC0];
	v9 =	vadd.f32 v9, v5  }
.Ltmp2:
0x258: {  	[tilespmem:s9+$0x20] =	vst v3;
	v5 =	vld [tilespmem:s10+$0xA040];
	(pc) =	sbr.rel @p1 .LBB2_7-.Ltmp2, $4  }
0x259: {  	v3 =	vadd.f32 v7, v10;
	v6 =	vld [tilespmem:s22+$0x30];
	v9 =	vmax.f32 v9, $0.0e+00  }
0x25a: {  	v7 =	vld [tilespmem:s17+$0xA030];
	[tilespmem:s28+$0xFFFFFF70] =	vst v9  }
0x25b: {  	v3 =	vmax.f32 v3, $0.0e+00;
	v8 =	vadd.f32 v8, v2;
	v2 =	vld [tilespmem:s8+$0xFFFFFFF0]  }
0x25c: {  	s20 =	sadd.s32 $0x4, s20;
	[tilespmem:s9+$0xFFFFFF30] =	vst v3;
	v3 =	vld [tilespmem:s12+$0xA070];
	s12 =	smov.u32 s31  }
0x25d: {  	_ = 	snop  }
0x25e: {  	v8 =	vmax.f32 v8, $0.0e+00  }
0x25f: {  	[tilespmem:s9+$0xFFFFFFB0] =	vst v8;
	v8 =	vld [tilespmem:s13+$0xA040];
	v6 =	vadd.f32 v7, v6  }
0x260: {  	v7 =	vld [tilespmem:s22+$0xFFFFFF40]  }
0x261: {  	v9 =	vld [tilespmem:s22+$0xFFFFFFC0];
	v6 =	vmax.f32 v6, $0.0e+00  }
0x262: {  	v4 =	vadd.f32 v5, v4;
	[tilespmem:s9+$0x30] =	vst v6;
	v6 =	vld [tilespmem:s12+$0xA040]  }
0x263: {  	v5 =	vld [tilespmem:s22+$0x40]  }
0x264: {  	v4 =	vmax.f32 v4, $0.0e+00;
	v10 =	vld [tilespmem:s17+$0xA040]  }
0x265: {  	[tilespmem:s9+$0xC0] =	vst v4;
	v7 =	vadd.f32 v8, v7  }
0x266: {  	v4 =	vld [tilespmem:s22+$0xD0]  }
0x267: {  	v8 =	vld [tilespmem:s10+$0xA050];
	v7 =	vmax.f32 v7, $0.0e+00;
	v6 =	vadd.f32 v6, v9  }
0x268: {  	[tilespmem:s9+$0xFFFFFF40] =	vst v7  }
0x269: {  	v7 =	vld [tilespmem:s22+$0xFFFFFF50];
	v5 =	vadd.f32 v10, v5;
	v6 =	vmax.f32 v6, $0.0e+00  }
0x26a: {  	v9 =	vld [tilespmem:s13+$0xA050];
	[tilespmem:s9+$0xFFFFFFC0] =	vst v6  }
0x26b: {  	v5 =	vmax.f32 v5, $0.0e+00;
	v6 =	vld [tilespmem:s22+$0xFFFFFFD0]  }
0x26c: {  	v4 =	vadd.f32 v8, v4;
	v10 =	vld [tilespmem:s12+$0xA050];
	[tilespmem:s9+$0x40] =	vst v5  }
0x26d: {  	v5 =	vld [tilespmem:s22+$0x50]  }
0x26e: {  	v4 =	vmax.f32 v4, $0.0e+00;
	v8 =	vld [tilespmem:s17+$0xA050]  }
0x26f: {  	[tilespmem:s9+$0xD0] =	vst v4;
	v7 =	vadd.f32 v9, v7  }
0x270: {  	v4 =	vld [tilespmem:s22+$0xE0]  }
0x271: {  	v9 =	vld [tilespmem:s10+$0xA060];
	v7 =	vmax.f32 v7, $0.0e+00;
	v6 =	vadd.f32 v10, v6  }
0x272: {  	[tilespmem:s9+$0xFFFFFF50] =	vst v7  }
0x273: {  	v5 =	vadd.f32 v8, v5;
	v7 =	vld [tilespmem:s22+$0xFFFFFF60];
	v6 =	vmax.f32 v6, $0.0e+00  }
0x274: {  	[tilespmem:s9+$0xFFFFFFD0] =	vst v6;
	v6 =	vld [tilespmem:s13+$0xA060]  }
0x275: {  	v5 =	vmax.f32 v5, $0.0e+00;
	v8 =	vld [tilespmem:s22+$0xFFFFFFE0]  }
0x276: {  	v4 =	vadd.f32 v9, v4;
	[tilespmem:s9+$0x50] =	vst v5;
	v5 =	vld [tilespmem:s12+$0xA060]  }
0x277: {  	v9 =	vld [tilespmem:s22+$0x60]  }
0x278: {  	v4 =	vmax.f32 v4, $0.0e+00;
	v10 =	vld [tilespmem:s17+$0xA060]  }
0x279: {  	v11 =	vld [tilespmem:s8+$0x70];
	[tilespmem:s9+$0xE0] =	vst v4;
	v6 =	vadd.f32 v6, v7  }
0x27a: {  	v4 =	vld [tilespmem:s22+$0xF0]  }
0x27b: {  	v7 =	vld [tilespmem:s0+$0xA070];
	v5 =	vadd.f32 v5, v8;
	v6 =	vmax.f32 v6, $0.0e+00  }
0x27c: {  	v8 =	vld [tilespmem:s10+$0xA070];
	[tilespmem:s9+$0xFFFFFF60] =	vst v6  }
0x27d: {  	v5 =	vmax.f32 v5, $0.0e+00;
	v6 =	vadd.f32 v10, v9;
	v9 =	vld [tilespmem:s22+$0xFFFFFF70]  }
0x27e: {  	[tilespmem:s9+$0xFFFFFFE0] =	vst v5;
	v5 =	vld [tilespmem:s13+$0xA070]  }
0x27f: {  	v6 =	vmax.f32 v6, $0.0e+00;
	v10 =	vld [tilespmem:s22+$0xFFFFFFF0]  }
0x280: {  	[tilespmem:s9+$0x60] =	vst v6;
	v6 =	vld [tilespmem:s12+$0xA070]  }
0x281: {  	v12 =	vld [tilespmem:s22+$0x70]  }
0x282: {  	v2 =	vadd.f32 v3, v2;
	v3 =	vld [tilespmem:s17+$0xA070]  }
0x283: {  	v7 =	vadd.f32 v7, v11  }
0x284: {  	v2 =	vmax.f32 v2, $0.0e+00;
	v4 =	vadd.f32 v8, v4  }
0x285: {  	[tilespmem:s28+$0xFFFFFFF0] =	vst v2;
	v2 =	vmax.f32 v7, $0.0e+00;
	v5 =	vadd.f32 v5, v9  }
0x286: {  	[tilespmem:s28+$0x70] =	vst v2;
	v2 =	vmax.f32 v4, $0.0e+00;
	v4 =	vadd.f32 v6, v10  }
0x287: {  	[tilespmem:s9+$0xF0] =	vst v2;
	v2 =	vmax.f32 v5, $0.0e+00;
	v3 =	vadd.f32 v3, v12  }
0x288: {  	[tilespmem:s9+$0xFFFFFF70] =	vst v2;
	v2 =	vmax.f32 v4, $0.0e+00  }
0x289: {  	[tilespmem:s9+$0xFFFFFFF0] =	vst v2;
	v2 =	vmax.f32 v3, $0.0e+00  }
0x28a: {  	s31 =	rddreg [dreg:$0x2];
	s1 =	simm.s32 $0xA980;
	s2 =	simm.s32 $0x7800;
	[tilespmem:s9+$0x70] =	vst v2  }
0x28b: {  	[spmem:s31] =	stream.indirect.scatter.add.f32 [tilespmem:s2], [sflag:$0x6], $0x80, s1, s16, $0xb8;
	[tilespmem:$0x1EC00] =	vst v63  }
0x28c: {  	s2 =	sor.u32 $0x3, s15  }
0x28d: {  	s8 =	sadd.s32 s18, s2  }
0x28e: {  	s1 =	smul.u32 $0xA, s8  }
0x28f: {  	s0 =	sor.u32 s30, s2  }
0x290: {  	s9 =	simm.s32 $0xA880;
	s0 =	smul.u32 $0xA, s0;
	s1 =	sadd.s32 s5, s1  }
0x291: {  	[tilespmem:s9], [sflag:$0x4] =	stream.linear.gather [hbm4b:s1+s3], $0x50, $0x38;
	[tilespmem:$0x1EC00] =	vst v63  }
0x292: {  	s11 =	simm.s32 $0xAA80;
	s10 =	sadd.s32 s6, s0  }
0x293: {  	[tilespmem:s11], [sflag:$0x4] =	stream.linear.gather [hbm4b:s10+s3], $0x50, $0x38;
	[tilespmem:$0x1EC00] =	vst v63  }
0x294: {  	s12 =	simm.s32 $0xAB80;
	s0 =	sadd.s32 s7, s0  }
0x295: {  	[tilespmem:s12], [sflag:$0x4] =	stream.linear.gather [hbm4b:s0+s3], $0x50, $0x38;
	[tilespmem:$0x1EC00] =	vst v63  }
0x296: {  	_ =	swait.ge [sflag:s21], $0x50  }
0x297: {  	[sflag:s21] =	ssyncset.done $0x0  }
0x298: {  	[sflag:s21] =	ssyncadd.s32 $0xFFFFFFB0  }
0x299: {  	_ =	swait.ge [sflag:s21], $0x50  }
0x29a: {  	[sflag:s21] =	ssyncset.done $0x0  }
0x29b: {  	[sflag:s21] =	ssyncadd.s32 $0xFFFFFFB0  }
0x29c: {  	_ =	swait.ge [sflag:s21], $0x50  }
0x29d: {  	[sflag:s21] =	ssyncset.done $0x0  }
0x29e: {  	[sflag:s21] =	ssyncadd.s32 $0xFFFFFFB0  }
0x29f: {  	s17 =	simm.s32 $0x2800;
	s13 =	rddreg [dreg:$0x0]  }
0x2a0: {  	[tilespmem:s17], [sflag:$0x2] =	stream.indirect.gather [hbm4b:s13+s16], $0x80, s9, s16, $0xb8;
	[tilespmem:$0x1EC00] =	vst v63  }
0x2a1: {  	_ =	swait.ge [sflag:s23], $0x2800  }
0x2a2: {  	[sflag:s23] =	ssyncset.done $0x0  }
0x2a3: {  	[sflag:s23] =	ssyncadd.s32 $0xFFFFD800  }
0x2a4: {  	_ =	swait.ge [sflag:s24], $0x2800  }
0x2a5: {  	[sflag:s24] =	ssyncset.done $0x0  }
0x2a6: {  	s19 =	simm.s32 $0xAB02;
	[sflag:s24] =	ssyncadd.s32 $0xFFFFD800  }
0x2a7: {  	v2 =	vld [tilespmem:s19+$0x1];
	_ =	sdelay $0x4  }
0x2a8: {  	(v2sf) =	vpush v2, $0x0  }
0x2a9: {  	v3 =	vld [tilespmem:s19+$0xFFFFFFFF]  }
0x2aa: {  	v2 =	vld [tilespmem:s19+$0x0]  }
0x2ab: {  	v4 =	vld [tilespmem:s19+$0xFFFFFFFE];
	_ =	sdelay $0x2  }
0x2ac: {  	(v2sf) =	vpush v3, $0x0  }
0x2ad: {  	(v2sf) =	vpush v2, $0x0  }
0x2ae: {  	(v2sf) =	vpush v4, $0x0;
	_ =	sdelay $0x6  }
0x2af: {  	s20 =	spop (v2sf)  }
0x2b0: {  	s8 =	simm.s32 $0x100;
	s0 =	sshll.u32 s20, $0x9  }
0x2b1: {  	v2 =	vld [tilespmem:s8+$0x80];
	s9 =	sshra.s32 s0, $0x2  }
0x2b2: {  	v3 =	vld [tilespmem:s9+$0xA000];
	_ =	sdelay $0x2  }
0x2b3: {  	s22 =	spop (v2sf)  }
0x2b4: {  	s31 =	spop (v2sf)  }
0x2b5: {  	s10 =	spop (v2sf);
	v2 =	vadd.f32 v3, v2  }
0x2b6: {  	s2 =	sshll.u32 s10, $0x9  }
0x2b7: {  	s28 =	simm.s32 $0x5100;
	v4 =	vld [tilespmem:s8+$0xFFFFFF00];
	s19 =	sshra.s32 s2, $0x2;
	v2 =	vmax.f32 v2, $0.0e+00  }
0x2b8: {  	v3 =	vld [tilespmem:s19+$0xA000];
	[tilespmem:s28+$0x80] =	vst v2  }
0x2b9: {  	v2 =	vld [tilespmem:s8+$0x90]  }
0x2ba: {  	s0 =	sshll.u32 s22, $0x9;
	v5 =	vld [tilespmem:s9+$0xA010]  }
0x2bb: {  	v7 =	vld [tilespmem:s8+$0xFFFFFF80];
	s20 =	sshra.s32 s0, $0x2;
	s11 =	sshll.u32 s31, $0x9  }
0x2bc: {  	v6 =	vld [tilespmem:s20+$0xA000];
	s0 =	sshra.s32 s11, $0x2  }
0x2bd: {  	v8 =	vld [tilespmem:s0+$0xA000];
	v3 =	vadd.f32 v3, v4  }
0x2be: {  	v4 =	vld [tilespmem:s8+$0x0]  }
0x2bf: {  	v3 =	vmax.f32 v3, $0.0e+00;
	v2 =	vadd.f32 v5, v2  }
0x2c0: {  	[tilespmem:s28+$0xFFFFFF00] =	vst v3  }
0x2c1: {  	v3 =	vadd.f32 v6, v7;
	v5 =	vld [tilespmem:s8+$0xFFFFFF10];
	v2 =	vmax.f32 v2, $0.0e+00  }
0x2c2: {  	v6 =	vld [tilespmem:s19+$0xA010];
	[tilespmem:s28+$0x90] =	vst v2  }
0x2c3: {  	v3 =	vmax.f32 v3, $0.0e+00;
	v2 =	vadd.f32 v8, v4;
	v4 =	vld [tilespmem:s8+$0xA0]  }
0x2c4: {  	[tilespmem:s28+$0xFFFFFF80] =	vst v3;
	v3 =	vld [tilespmem:s9+$0xA020]  }
0x2c5: {  	v7 =	vld [tilespmem:s8+$0xFFFFFF90];
	v2 =	vmax.f32 v2, $0.0e+00  }
0x2c6: {  	[tilespmem:s28+$0x0] =	vst v2;
	v2 =	vld [tilespmem:s20+$0xA010]  }
0x2c7: {  	v5 =	vadd.f32 v6, v5;
	v6 =	vld [tilespmem:s8+$0x10]  }
0x2c8: {  	v8 =	vld [tilespmem:s0+$0xA010]  }
0x2c9: {  	s12 =	simm.s32 $0xAB06;
	v5 =	vmax.f32 v5, $0.0e+00;
	v3 =	vadd.f32 v3, v4  }
0x2ca: {  	v10 =	vld [tilespmem:s12+$0x1];
	[tilespmem:s28+$0xFFFFFF10] =	vst v5  }
0x2cb: {  	v4 =	vld [tilespmem:s8+$0xFFFFFF20];
	v2 =	vadd.f32 v2, v7;
	v3 =	vmax.f32 v3, $0.0e+00  }
0x2cc: {  	v5 =	vld [tilespmem:s19+$0xA020];
	[tilespmem:s28+$0xA0] =	vst v3  }
0x2cd: {  	v3 =	vadd.f32 v8, v6;
	v2 =	vmax.f32 v2, $0.0e+00;
	v6 =	vld [tilespmem:s8+$0xB0]  }
0x2ce: {  	[tilespmem:s28+$0xFFFFFF90] =	vst v2;
	v2 =	vld [tilespmem:s9+$0xA030]  }
0x2cf: {  	v3 =	vmax.f32 v3, $0.0e+00;
	v7 =	vld [tilespmem:s8+$0xFFFFFFA0]  }
0x2d0: {  	v8 =	vld [tilespmem:s20+$0xA020];
	[tilespmem:s28+$0x10] =	vst v3  }
0x2d1: {  	v3 =	vadd.f32 v5, v4;
	v4 =	vld [tilespmem:s8+$0x20]  }
0x2d2: {  	v5 =	vld [tilespmem:s0+$0xA020]  }
0x2d3: {  	(v2sf) =	vpush v10, $0x0;
	v3 =	vmax.f32 v3, $0.0e+00;
	v2 =	vadd.f32 v2, v6  }
0x2d4: {  	[tilespmem:s28+$0xFFFFFF20] =	vst v3  }
0x2d5: {  	v6 =	vld [tilespmem:s8+$0xFFFFFF30];
	v3 =	vadd.f32 v8, v7;
	v2 =	vmax.f32 v2, $0.0e+00  }
0x2d6: {  	v7 =	vld [tilespmem:s19+$0xA030];
	[tilespmem:s28+$0xB0] =	vst v2  }
0x2d7: {  	v2 =	vmax.f32 v3, $0.0e+00;
	v3 =	vadd.f32 v5, v4;
	v4 =	vld [tilespmem:s8+$0xC0]  }
0x2d8: {  	[tilespmem:s28+$0xFFFFFFA0] =	vst v2;
	v2 =	vld [tilespmem:s9+$0xA040];
	_ =	sdelay $0x1  }
0x2d9: {  	v11 =	vld [tilespmem:s12+$0xFFFFFFFE]  }
0x2da: {  	v5 =	vld [tilespmem:s8+$0xFFFFFFB0]  }
0x2db: {  	v8 =	vld [tilespmem:s20+$0xA030]  }
0x2dc: {  	v3 =	vmax.f32 v3, $0.0e+00;
	v6 =	vadd.f32 v7, v6;
	v7 =	vld [tilespmem:s12+$0x0];
	v2 =	vadd.f32 v2, v4  }
0x2dd: {  	[tilespmem:s28+$0x20] =	vst v3;
	v4 =	vld [tilespmem:s12+$0xFFFFFFFF]  }
0x2de: {  	v3 =	vld [tilespmem:s8+$0x30];
	v2 =	vmax.f32 v2, $0.0e+00  }
0x2df: {  	v9 =	vld [tilespmem:s0+$0xA030];
	[tilespmem:s28+$0xC0] =	vst v2  }
0x2e0: {  	v5 =	vadd.f32 v8, v5;
	v2 =	vmax.f32 v6, $0.0e+00;
	v6 =	vld [tilespmem:s8+$0xD0]  }
0x2e1: {  	s13 =	spop (v2sf);
	[tilespmem:s28+$0xFFFFFF30] =	vst v2;
	v2 =	vld [tilespmem:s9+$0xA050]  }
0x2e2: {  	s1 =	sshll.u32 s13, $0x9;
	v5 =	vmax.f32 v5, $0.0e+00;
	(v2sf) =	vpush v4, $0x0;
	v4 =	vld [tilespmem:s8+$0xFFFFFF40]  }
0x2e3: {  	s10 =	sshra.s32 s1, $0x2;
	[tilespmem:s28+$0xFFFFFFB0] =	vst v5;
	v5 =	vld [tilespmem:s19+$0xA040]  }
0x2e4: {  	s22 =	simm.s32 $0x300;
	v10 =	vld [tilespmem:s10+$0xA000];
	v3 =	vadd.f32 v9, v3  }
0x2e5: {  	v9 =	vld [tilespmem:s22+$0x80]  }
0x2e6: {  	v3 =	vmax.f32 v3, $0.0e+00;
	(v2sf) =	vpush v7, $0x0;
	v7 =	vld [tilespmem:s8+$0xFFFFFFC0];
	v2 =	vadd.f32 v2, v6  }
0x2e7: {  	[tilespmem:s28+$0x30] =	vst v3;
	v3 =	vld [tilespmem:s20+$0xA040]  }
0x2e8: {  	(v2sf) =	vpush v11, $0x0;
	v8 =	vld [tilespmem:s8+$0x40];
	v4 =	vadd.f32 v5, v4;
	v2 =	vmax.f32 v2, $0.0e+00  }
0x2e9: {  	v6 =	vld [tilespmem:s0+$0xA040];
	[tilespmem:s28+$0xD0] =	vst v2  }
0x2ea: {  	v2 =	vmax.f32 v4, $0.0e+00;
	v4 =	vld [tilespmem:s8+$0xE0]  }
0x2eb: {  	[tilespmem:s28+$0xFFFFFF40] =	vst v2;
	v2 =	vld [tilespmem:s9+$0xA060]  }
0x2ec: {  	v3 =	vadd.f32 v3, v7  }
0x2ed: {  	v5 =	vld [tilespmem:s8+$0xFFFFFF50]  }
0x2ee: {  	v3 =	vmax.f32 v3, $0.0e+00;
	v6 =	vadd.f32 v6, v8;
	v7 =	vld [tilespmem:s19+$0xA050]  }
0x2ef: {  	v9 =	vadd.f32 v10, v9;
	v10 =	vld [tilespmem:s22+$0xFFFFFF00];
	[tilespmem:s28+$0xFFFFFFC0] =	vst v3  }
0x2f0: {  	v3 =	vld [tilespmem:s8+$0xFFFFFFD0];
	v6 =	vmax.f32 v6, $0.0e+00;
	v2 =	vadd.f32 v2, v4  }
0x2f1: {  	v8 =	vld [tilespmem:s20+$0xA050];
	[tilespmem:s28+$0x40] =	vst v6  }
0x2f2: {  	v6 =	vld [tilespmem:s8+$0x50];
	s17 =	spop (v2sf);
	v2 =	vmax.f32 v2, $0.0e+00  }
0x2f3: {  	v5 =	vadd.f32 v7, v5;
	v7 =	vld [tilespmem:s22+$0xFFFFFF80];
	[tilespmem:s28+$0xE0] =	vst v2;
	s2 =	sshll.u32 s17, $0x9  }
0x2f4: {  	v11 =	vld [tilespmem:s9+$0xA070];
	s12 =	sshra.s32 s2, $0x2  }
0x2f5: {  	v9 =	vmax.f32 v9, $0.0e+00;
	s9 =	simm.s32 $0x5300;
	v13 =	vld [tilespmem:s12+$0xA000]  }
0x2f6: {  	s31 =	spop (v2sf);
	[tilespmem:s9+$0x80] =	vst v9;
	v9 =	vld [tilespmem:s22+$0x0]  }
0x2f7: {  	v3 =	vadd.f32 v8, v3;
	v5 =	vmax.f32 v5, $0.0e+00;
	s11 =	spop (v2sf);
	s1 =	sshll.u32 s31, $0x9;
	v8 =	vld [tilespmem:s22+$0x90]  }
0x2f8: {  	[tilespmem:s28+$0xFFFFFF50] =	vst v5;
	s11 =	sshll.u32 s11, $0x9;
	s17 =	sshra.s32 s1, $0x2;
	v5 =	vld [tilespmem:s10+$0xA010]  }
0x2f9: {  	s13 =	sshra.s32 s11, $0x2;
	v14 =	vld [tilespmem:s17+$0xA000]  }
0x2fa: {  	v57 =	vld [tilespmem:s13+$0xA000]  }
0x2fb: {  	v4 =	vld [tilespmem:s0+$0xA050];
	v7 =	vadd.f32 v13, v7;
	_ =	sdelay $0x1  }
0x2fc: {  	v5 =	vadd.f32 v5, v8;
	v7 =	vmax.f32 v7, $0.0e+00  }
0x2fd: {  	v2 =	vld [tilespmem:s8+$0xF0];
	v9 =	vadd.f32 v14, v9;
	[tilespmem:s9+$0xFFFFFF80] =	vst v7  }
0x2fe: {  	v10 =	vadd.f32 v57, v10;
	v5 =	vmax.f32 v5, $0.0e+00;
	v60 =	vld [tilespmem:s22+$0xFFFFFF90]  }
0x2ff: {  	v4 =	vadd.f32 v4, v6;
	v6 =	vmax.f32 v9, $0.0e+00;
	[tilespmem:s9+$0x90] =	vst v5;
	v5 =	vld [tilespmem:s12+$0xA010]  }
0x300: {  	v10 =	vmax.f32 v10, $0.0e+00;
	[tilespmem:s9+$0x0] =	vst v6;
	v9 =	vld [tilespmem:s22+$0xA0]  }
0x301: {  	[tilespmem:s9+$0xFFFFFF00] =	vst v10;
	v6 =	vld [tilespmem:s10+$0xA020]  }
0x302: {  	v8 =	vld [tilespmem:s22+$0xFFFFFF10]  }
0x303: {  	v7 =	vld [tilespmem:s13+$0xA010]  }
0x304: {  	v3 =	vmax.f32 v3, $0.0e+00;
	v58 =	vld [tilespmem:s8+$0xFFFFFF60]  }
0x305: {  	[tilespmem:s28+$0xFFFFFFD0] =	vst v3;
	v3 =	vld [tilespmem:s19+$0xA060];
	v4 =	vmax.f32 v4, $0.0e+00  }
0x306: {  	v59 =	vld [tilespmem:s8+$0xFFFFFFE0];
	[tilespmem:s28+$0x50] =	vst v4;
	v5 =	vadd.f32 v5, v60  }
0x307: {  	v61 =	vld [tilespmem:s8+$0x60];
	v6 =	vadd.f32 v6, v9  }
0x308: {  	v4 =	vld [tilespmem:s17+$0xA010];
	v7 =	vadd.f32 v7, v8;
	v5 =	vmax.f32 v5, $0.0e+00  }
0x309: {  	v8 =	vld [tilespmem:s22+$0x10];
	[tilespmem:s9+$0xFFFFFF90] =	vst v5;
	v6 =	vmax.f32 v6, $0.0e+00  }
0x30a: {  	v10 =	vld [tilespmem:s20+$0xA060];
	v7 =	vmax.f32 v7, $0.0e+00;
	[tilespmem:s9+$0xA0] =	vst v6  }
0x30b: {  	v6 =	vld [tilespmem:s12+$0xA020];
	[tilespmem:s9+$0xFFFFFF10] =	vst v7  }
0x30c: {  	v9 =	vld [tilespmem:s22+$0xFFFFFF20]  }
0x30d: {  	v5 =	vld [tilespmem:s13+$0xA020]  }
0x30e: {  	v7 =	vld [tilespmem:s0+$0xA060];
	v4 =	vadd.f32 v4, v8  }
0x30f: {  	v8 =	vld [tilespmem:s22+$0xFFFFFFA0]  }
0x310: {  	v3 =	vadd.f32 v3, v58;
	v62 =	vld [tilespmem:s22+$0xB0];
	v4 =	vmax.f32 v4, $0.0e+00  }
0x311: {  	[tilespmem:s9+$0x10] =	vst v4;
	v4 =	vld [tilespmem:s10+$0xA030]  }
0x312: {  	v3 =	vmax.f32 v3, $0.0e+00;
	v5 =	vadd.f32 v5, v9;
	v9 =	vld [tilespmem:s22+$0x20]  }
0x313: {  	[tilespmem:s28+$0xFFFFFF60] =	vst v3;
	v3 =	vld [tilespmem:s17+$0xA020]  }
0x314: {  	v6 =	vadd.f32 v6, v8;
	v8 =	vld [tilespmem:s8+$0xFFFFFF70];
	v5 =	vmax.f32 v5, $0.0e+00  }
0x315: {  	v2 =	vadd.f32 v11, v2;
	[tilespmem:s9+$0xFFFFFF20] =	vst v5;
	v5 =	vld [tilespmem:s19+$0xA070]  }
0x316: {  	v6 =	vmax.f32 v6, $0.0e+00;
	v4 =	vadd.f32 v4, v62;
	v63 =	vld [tilespmem:s22+$0xFFFFFF30]  }
0x317: {  	v2 =	vmax.f32 v2, $0.0e+00;
	[tilespmem:s9+$0xFFFFFFA0] =	vst v6;
	v6 =	vld [tilespmem:s13+$0xA030]  }
0x318: {  	[tilespmem:s28+$0xF0] =	vst v2;
	v3 =	vadd.f32 v3, v9;
	v9 =	vld [tilespmem:s22+$0xFFFFFFB0];
	v4 =	vmax.f32 v4, $0.0e+00  }
0x319: {  	v2 =	vadd.f32 v7, v61;
	v11 =	vld [tilespmem:s12+$0xA030];
	[tilespmem:s9+$0xB0] =	vst v4  }
0x31a: {  	v10 =	vadd.f32 v10, v59;
	v3 =	vmax.f32 v3, $0.0e+00;
	v4 =	vld [tilespmem:s22+$0xC0]  }
0x31b: {  	v2 =	vmax.f32 v2, $0.0e+00;
	v7 =	vadd.f32 v5, v8;
	[tilespmem:s9+$0x20] =	vst v3;
	v5 =	vld [tilespmem:s10+$0xA040]  }
0x31c: {  	[tilespmem:s28+$0x60] =	vst v2;
	v8 =	vmax.f32 v10, $0.0e+00;
	v3 =	vadd.f32 v6, v63;
	v6 =	vld [tilespmem:s22+$0x30]  }
0x31d: {  	[tilespmem:s28+$0xFFFFFFE0] =	vst v8;
	v2 =	vmax.f32 v7, $0.0e+00;
	v7 =	vld [tilespmem:s17+$0xA030]  }
0x31e: {  	v8 =	vadd.f32 v11, v9;
	[tilespmem:s28+$0xFFFFFF70] =	vst v2;
	v3 =	vmax.f32 v3, $0.0e+00;
	v2 =	vld [tilespmem:s8+$0xFFFFFFF0]  }
0x31f: {  	s19 =	simm.s32 $0x4;
	[tilespmem:s9+$0xFFFFFF30] =	vst v3;
	v3 =	vld [tilespmem:s20+$0xA070];
	s20 =	simm.s32 $0xAB0A  }
.LBB2_9:
0x320: {  	v9 =	vld [tilespmem:s20+$0x1];
	v8 =	vmax.f32 v8, $0.0e+00;
	v4 =	vadd.f32 v5, v4  }
0x321: {  	v5 =	vld [tilespmem:s20+$0xFFFFFFFF];
	[tilespmem:s9+$0xFFFFFFB0] =	vst v8  }
0x322: {  	v8 =	vld [tilespmem:s20+$0x0];
	v6 =	vadd.f32 v7, v6;
	v4 =	vmax.f32 v4, $0.0e+00  }
0x323: {  	v7 =	vld [tilespmem:s20+$0xFFFFFFFE];
	[tilespmem:s9+$0xC0] =	vst v4  }
0x324: {  	v4 =	vmax.f32 v6, $0.0e+00;
	v6 =	vld [tilespmem:s22+$0xD0];
	v2 =	vadd.f32 v3, v2  }
0x325: {  	(v2sf) =	vpush v9, $0x0;
	[tilespmem:s9+$0x30] =	vst v4;
	v3 =	vld [tilespmem:s10+$0xA050]  }
0x326: {  	(v2sf) =	vpush v5, $0x0;
	v4 =	vld [tilespmem:s22+$0xFFFFFF40];
	v2 =	vmax.f32 v2, $0.0e+00  }
0x327: {  	s19 =	sadd.s32 $0x4, s19;
	(v2sf) =	vpush v8, $0x0;
	v5 =	vld [tilespmem:s13+$0xA040];
	[tilespmem:s28+$0xFFFFFFF0] =	vst v2  }
0x328: {  	p1 =	slt.u32 s19, $0x4C;
	(v2sf) =	vpush v7, $0x0;
	v2 =	vld [tilespmem:s22+$0xFFFFFFC0]  }
0x329: {  	v7 =	vld [tilespmem:s12+$0xA040]  }
0x32a: {  	v8 =	vld [tilespmem:s22+$0x40];
	v3 =	vadd.f32 v3, v6  }
0x32b: {  	v6 =	vld [tilespmem:s17+$0xA040]  }
0x32c: {  	v4 =	vadd.f32 v5, v4;
	v3 =	vmax.f32 v3, $0.0e+00;
	v5 =	vld [tilespmem:s8+$0x70];
	s8 =	smov.u32 s22  }
0x32d: {  	[tilespmem:s9+$0xD0] =	vst v3;
	v3 =	vld [tilespmem:s0+$0xA070];
	s0 =	smov.u32 s17  }
0x32e: {  	v4 =	vmax.f32 v4, $0.0e+00;
	v2 =	vadd.f32 v7, v2;
	v7 =	vld [tilespmem:s22+$0xE0]  }
0x32f: {  	[tilespmem:s9+$0xFFFFFF40] =	vst v4;
	v4 =	vld [tilespmem:s10+$0xA060]  }
0x330: {  	v9 =	vld [tilespmem:s22+$0xFFFFFF50];
	v2 =	vmax.f32 v2, $0.0e+00;
	v6 =	vadd.f32 v6, v8  }
0x331: {  	v8 =	vld [tilespmem:s13+$0xA050];
	[tilespmem:s9+$0xFFFFFFC0] =	vst v2  }
0x332: {  	v2 =	vld [tilespmem:s22+$0xFFFFFFD0];
	v6 =	vmax.f32 v6, $0.0e+00;
	v3 =	vadd.f32 v3, v5  }
0x333: {  	v5 =	vld [tilespmem:s12+$0xA050];
	[tilespmem:s9+$0x40] =	vst v6  }
0x334: {  	s1 =	spop (v2sf);
	v6 =	vld [tilespmem:s22+$0x50];
	v4 =	vadd.f32 v4, v7;
	v3 =	vmax.f32 v3, $0.0e+00  }
0x335: {  	s22 =	sadd.s32 $0x200, s22;
	s1 =	sshll.u32 s1, $0x9;
	s2 =	spop (v2sf);
	v7 =	vld [tilespmem:s0+$0xA050];
	[tilespmem:s28+$0x70] =	vst v3  }
0x336: {  	s2 =	sshll.u32 s2, $0x9;
	v3 =	vld [tilespmem:s22+$0x80];
	s11 =	sshra.s32 s1, $0x2;
	s1 =	spop (v2sf);
	v8 =	vadd.f32 v8, v9;
	v4 =	vmax.f32 v4, $0.0e+00  }
0x337: {  	s31 =	sshra.s32 s2, $0x2;
	s1 =	sshll.u32 s1, $0x9;
	v9 =	vld [tilespmem:s11+$0xA000];
	s2 =	spop (v2sf);
	[tilespmem:s9+$0xE0] =	vst v4  }
0x338: {  	s28 =	smov.u32 s9;
	s2 =	sshll.u32 s2, $0x9;
	s17 =	sshra.s32 s1, $0x2;
	v4 =	vmax.f32 v8, $0.0e+00;
	v2 =	vadd.f32 v5, v2;
	v5 =	vld [tilespmem:s8+$0xF0]  }
0x339: {  	s1 =	sshra.s32 s2, $0x2;
	[tilespmem:s9+$0xFFFFFF50] =	vst v4;
	v4 =	vld [tilespmem:s10+$0xA070];
	s10 =	smov.u32 s11  }
0x33a: {  	v8 =	vld [tilespmem:s1+$0xA000];
	v2 =	vmax.f32 v2, $0.0e+00;
	v6 =	vadd.f32 v7, v6  }
0x33b: {  	v7 =	vld [tilespmem:s31+$0xA000];
	[tilespmem:s9+$0xFFFFFFD0] =	vst v2  }
0x33c: {  	v2 =	vld [tilespmem:s17+$0xA000];
	v3 =	vadd.f32 v9, v3;
	v6 =	vmax.f32 v6, $0.0e+00  }
0x33d: {  	v9 =	vld [tilespmem:s22+$0xFFFFFF00];
	[tilespmem:s9+$0x50] =	vst v6  }
0x33e: {  	s9 =	sadd.s32 $0x200, s9;
	v6 =	vld [tilespmem:s22+$0xFFFFFF80];
	v3 =	vmax.f32 v3, $0.0e+00;
	v4 =	vadd.f32 v4, v5  }
0x33f: {  	v5 =	vld [tilespmem:s22+$0x0];
	[tilespmem:s9+$0x80] =	vst v3  }
0x340: {  	v3 =	vld [tilespmem:s22+$0x90];
	v4 =	vmax.f32 v4, $0.0e+00  }
0x341: {  	v10 =	vld [tilespmem:s10+$0xA010];
	[tilespmem:s28+$0xF0] =	vst v4  }
0x342: {  	v4 =	vadd.f32 v8, v9;
	v8 =	vld [tilespmem:s8+$0xFFFFFF60]  }
0x343: {  	v6 =	vadd.f32 v7, v6;
	v7 =	vld [tilespmem:s13+$0xA060]  }
0x344: {  	v4 =	vmax.f32 v4, $0.0e+00;
	v2 =	vadd.f32 v2, v5;
	v5 =	vld [tilespmem:s8+$0xFFFFFFE0]  }
0x345: {  	[tilespmem:s9+$0xFFFFFF00] =	vst v4;
	v4 =	vmax.f32 v6, $0.0e+00;
	v6 =	vld [tilespmem:s12+$0xA060]  }
0x346: {  	v9 =	vld [tilespmem:s22+$0xFFFFFF10];
	[tilespmem:s9+$0xFFFFFF80] =	vst v4;
	v2 =	vmax.f32 v2, $0.0e+00;
	v3 =	vadd.f32 v10, v3  }
0x347: {  	v4 =	vld [tilespmem:s1+$0xA010];
	[tilespmem:s9+$0x0] =	vst v2  }
0x348: {  	v2 =	vld [tilespmem:s22+$0xFFFFFF90];
	v3 =	vmax.f32 v3, $0.0e+00;
	v7 =	vadd.f32 v7, v8  }
0x349: {  	v8 =	vld [tilespmem:s31+$0xA010];
	[tilespmem:s9+$0x90] =	vst v3  }
0x34a: {  	v3 =	vld [tilespmem:s22+$0xA0];
	v7 =	vmax.f32 v7, $0.0e+00;
	v5 =	vadd.f32 v6, v5  }
0x34b: {  	v6 =	vld [tilespmem:s10+$0xA020];
	[tilespmem:s28+$0xFFFFFF60] =	vst v7  }
0x34c: {  	v4 =	vadd.f32 v4, v9;
	v7 =	vld [tilespmem:s22+$0x10];
	v5 =	vmax.f32 v5, $0.0e+00  }
0x34d: {  	v9 =	vld [tilespmem:s17+$0xA010];
	[tilespmem:s28+$0xFFFFFFE0] =	vst v5  }
0x34e: {  	v4 =	vmax.f32 v4, $0.0e+00;
	v2 =	vadd.f32 v8, v2;
	v5 =	vld [tilespmem:s8+$0x60]  }
0x34f: {  	[tilespmem:s9+$0xFFFFFF10] =	vst v4;
	v4 =	vld [tilespmem:s0+$0xA060]  }
0x350: {  	v8 =	vld [tilespmem:s22+$0xFFFFFF20];
	v2 =	vmax.f32 v2, $0.0e+00;
	v3 =	vadd.f32 v6, v3  }
0x351: {  	v6 =	vld [tilespmem:s1+$0xA020];
	[tilespmem:s9+$0xFFFFFF90] =	vst v2  }
0x352: {  	v2 =	vld [tilespmem:s22+$0xFFFFFFA0];
	v7 =	vadd.f32 v9, v7;
	v3 =	vmax.f32 v3, $0.0e+00  }
0x353: {  	v9 =	vld [tilespmem:s31+$0xA020];
	[tilespmem:s9+$0xA0] =	vst v3  }
0x354: {  	v3 =	vmax.f32 v7, $0.0e+00;
	v7 =	vld [tilespmem:s22+$0xB0];
	v4 =	vadd.f32 v4, v5  }
0x355: {  	[tilespmem:s9+$0x10] =	vst v3;
	v3 =	vld [tilespmem:s10+$0xA030]  }
0x356: {  	v5 =	vadd.f32 v6, v8;
	v6 =	vld [tilespmem:s22+$0x20];
	v4 =	vmax.f32 v4, $0.0e+00  }
0x357: {  	v8 =	vld [tilespmem:s17+$0xA020];
	[tilespmem:s28+$0x60] =	vst v4  }
0x358: {  	v4 =	vmax.f32 v5, $0.0e+00;
	v2 =	vadd.f32 v9, v2;
	v5 =	vld [tilespmem:s8+$0xFFFFFF70]  }
0x359: {  	[tilespmem:s9+$0xFFFFFF20] =	vst v4;
	v9 =	vld [tilespmem:s13+$0xA070];
	s13 =	smov.u32 s1  }
0x35a: {  	v10 =	vld [tilespmem:s22+$0xFFFFFF30];
	v2 =	vmax.f32 v2, $0.0e+00;
	v3 =	vadd.f32 v3, v7  }
0x35b: {  	v7 =	vld [tilespmem:s13+$0xA030];
	[tilespmem:s9+$0xFFFFFFA0] =	vst v2  }
0x35c: {  	v2 =	vld [tilespmem:s22+$0xFFFFFFB0];
	v4 =	vadd.f32 v8, v6;
	v3 =	vmax.f32 v3, $0.0e+00  }
0x35d: {  	v8 =	vld [tilespmem:s31+$0xA030];
	[tilespmem:s9+$0xB0] =	vst v3  }
0x35e: {  	v3 =	vmax.f32 v4, $0.0e+00;
	v4 =	vld [tilespmem:s22+$0xC0];
	v9 =	vadd.f32 v9, v5  }
.Ltmp3:
0x35f: {  	[tilespmem:s9+$0x20] =	vst v3;
	v5 =	vld [tilespmem:s10+$0xA040];
	(pc) =	sbr.rel @p1 .LBB2_9-.Ltmp3, $4  }
0x360: {  	v3 =	vadd.f32 v7, v10;
	v6 =	vld [tilespmem:s22+$0x30];
	v9 =	vmax.f32 v9, $0.0e+00  }
0x361: {  	v7 =	vld [tilespmem:s17+$0xA030];
	[tilespmem:s28+$0xFFFFFF70] =	vst v9  }
0x362: {  	v3 =	vmax.f32 v3, $0.0e+00;
	v8 =	vadd.f32 v8, v2;
	v2 =	vld [tilespmem:s8+$0xFFFFFFF0]  }
0x363: {  	s20 =	sadd.s32 $0x4, s20;
	[tilespmem:s9+$0xFFFFFF30] =	vst v3;
	v3 =	vld [tilespmem:s12+$0xA070];
	s12 =	smov.u32 s31  }
0x364: {  	_ = 	snop  }
0x365: {  	v8 =	vmax.f32 v8, $0.0e+00  }
0x366: {  	[tilespmem:s9+$0xFFFFFFB0] =	vst v8;
	v8 =	vld [tilespmem:s13+$0xA040];
	v6 =	vadd.f32 v7, v6  }
0x367: {  	v7 =	vld [tilespmem:s22+$0xFFFFFF40]  }
0x368: {  	v9 =	vld [tilespmem:s22+$0xFFFFFFC0];
	v6 =	vmax.f32 v6, $0.0e+00  }
0x369: {  	v4 =	vadd.f32 v5, v4;
	[tilespmem:s9+$0x30] =	vst v6;
	v6 =	vld [tilespmem:s12+$0xA040]  }
0x36a: {  	v5 =	vld [tilespmem:s22+$0x40]  }
0x36b: {  	v4 =	vmax.f32 v4, $0.0e+00;
	v10 =	vld [tilespmem:s17+$0xA040]  }
0x36c: {  	[tilespmem:s9+$0xC0] =	vst v4;
	v7 =	vadd.f32 v8, v7  }
0x36d: {  	v4 =	vld [tilespmem:s22+$0xD0]  }
0x36e: {  	v8 =	vld [tilespmem:s10+$0xA050];
	v7 =	vmax.f32 v7, $0.0e+00;
	v6 =	vadd.f32 v6, v9  }
0x36f: {  	[tilespmem:s9+$0xFFFFFF40] =	vst v7  }
0x370: {  	v7 =	vld [tilespmem:s22+$0xFFFFFF50];
	v5 =	vadd.f32 v10, v5;
	v6 =	vmax.f32 v6, $0.0e+00  }
0x371: {  	v9 =	vld [tilespmem:s13+$0xA050];
	[tilespmem:s9+$0xFFFFFFC0] =	vst v6  }
0x372: {  	v5 =	vmax.f32 v5, $0.0e+00;
	v6 =	vld [tilespmem:s22+$0xFFFFFFD0]  }
0x373: {  	v4 =	vadd.f32 v8, v4;
	v10 =	vld [tilespmem:s12+$0xA050];
	[tilespmem:s9+$0x40] =	vst v5  }
0x374: {  	v5 =	vld [tilespmem:s22+$0x50]  }
0x375: {  	v4 =	vmax.f32 v4, $0.0e+00;
	v8 =	vld [tilespmem:s17+$0xA050]  }
0x376: {  	[tilespmem:s9+$0xD0] =	vst v4;
	v7 =	vadd.f32 v9, v7  }
0x377: {  	v4 =	vld [tilespmem:s22+$0xE0]  }
0x378: {  	v9 =	vld [tilespmem:s10+$0xA060];
	v7 =	vmax.f32 v7, $0.0e+00;
	v6 =	vadd.f32 v10, v6  }
0x379: {  	[tilespmem:s9+$0xFFFFFF50] =	vst v7  }
0x37a: {  	v5 =	vadd.f32 v8, v5;
	v7 =	vld [tilespmem:s22+$0xFFFFFF60];
	v6 =	vmax.f32 v6, $0.0e+00  }
0x37b: {  	[tilespmem:s9+$0xFFFFFFD0] =	vst v6;
	v6 =	vld [tilespmem:s13+$0xA060]  }
0x37c: {  	v5 =	vmax.f32 v5, $0.0e+00;
	v8 =	vld [tilespmem:s22+$0xFFFFFFE0]  }
0x37d: {  	v4 =	vadd.f32 v9, v4;
	[tilespmem:s9+$0x50] =	vst v5;
	v5 =	vld [tilespmem:s12+$0xA060]  }
0x37e: {  	v9 =	vld [tilespmem:s22+$0x60]  }
0x37f: {  	v4 =	vmax.f32 v4, $0.0e+00;
	v10 =	vld [tilespmem:s17+$0xA060]  }
0x380: {  	v11 =	vld [tilespmem:s8+$0x70];
	[tilespmem:s9+$0xE0] =	vst v4;
	v6 =	vadd.f32 v6, v7  }
0x381: {  	v4 =	vld [tilespmem:s22+$0xF0]  }
0x382: {  	v7 =	vld [tilespmem:s0+$0xA070];
	v5 =	vadd.f32 v5, v8;
	v6 =	vmax.f32 v6, $0.0e+00  }
0x383: {  	v8 =	vld [tilespmem:s10+$0xA070];
	[tilespmem:s9+$0xFFFFFF60] =	vst v6  }
0x384: {  	v5 =	vmax.f32 v5, $0.0e+00;
	v6 =	vadd.f32 v10, v9;
	v9 =	vld [tilespmem:s22+$0xFFFFFF70]  }
0x385: {  	[tilespmem:s9+$0xFFFFFFE0] =	vst v5;
	v5 =	vld [tilespmem:s13+$0xA070]  }
0x386: {  	v6 =	vmax.f32 v6, $0.0e+00;
	v10 =	vld [tilespmem:s22+$0xFFFFFFF0]  }
0x387: {  	[tilespmem:s9+$0x60] =	vst v6;
	v6 =	vld [tilespmem:s12+$0xA070]  }
0x388: {  	v12 =	vld [tilespmem:s22+$0x70]  }
0x389: {  	v2 =	vadd.f32 v3, v2;
	v3 =	vld [tilespmem:s17+$0xA070]  }
0x38a: {  	v7 =	vadd.f32 v7, v11  }
0x38b: {  	v2 =	vmax.f32 v2, $0.0e+00;
	v4 =	vadd.f32 v8, v4  }
0x38c: {  	[tilespmem:s28+$0xFFFFFFF0] =	vst v2;
	v2 =	vmax.f32 v7, $0.0e+00;
	v5 =	vadd.f32 v5, v9  }
0x38d: {  	[tilespmem:s28+$0x70] =	vst v2;
	v2 =	vmax.f32 v4, $0.0e+00;
	v4 =	vadd.f32 v6, v10  }
0x38e: {  	[tilespmem:s9+$0xF0] =	vst v2;
	v2 =	vmax.f32 v5, $0.0e+00;
	v3 =	vadd.f32 v3, v12  }
0x38f: {  	[tilespmem:s9+$0xFFFFFF70] =	vst v2;
	v2 =	vmax.f32 v4, $0.0e+00  }
0x390: {  	s8 =	rddreg [dreg:$0x2];
	[tilespmem:s9+$0xFFFFFFF0] =	vst v2;
	v2 =	vmax.f32 v3, $0.0e+00  }
0x391: {  	s1 =	simm.s32 $0x5000;
	s2 =	simm.s32 $0xAA00;
	[tilespmem:s9+$0x70] =	vst v2;
	s9 =	sadd.s32 $0x4, s15  }
0x392: {  	[spmem:s8] =	stream.indirect.scatter.add.f32 [tilespmem:s1], [sflag:$0x5], $0x80, s2, s16, $0xb8;
	[tilespmem:$0x1EC00] =	vst v63  }
0x393: {  	s0 =	sand.u32 $0x7C, s9  }
0x394: {  	s10 =	sor.u32 s18, s0  }
0x395: {  	s1 =	smul.u32 $0xA, s10  }
0x396: {  	s0 =	sor.u32 s30, s0  }
0x397: {  	s0 =	smul.u32 $0xA, s0;
	s1 =	sadd.s32 s5, s1  }
0x398: {  	[tilespmem:s4], [sflag:$0x3] =	stream.linear.gather [hbm4b:s1+s3], $0x50, $0x38;
	[tilespmem:$0x1EC00] =	vst v63  }
0x399: {  	s12 =	simm.s32 $0xA900;
	s11 =	sadd.s32 s6, s0  }
0x39a: {  	[tilespmem:s12], [sflag:$0x3] =	stream.linear.gather [hbm4b:s11+s3], $0x50, $0x38;
	[tilespmem:$0x1EC00] =	vst v63  }
0x39b: {  	s13 =	simm.s32 $0xAB00;
	s0 =	sadd.s32 s7, s0  }
0x39c: {  	[tilespmem:s13], [sflag:$0x3] =	stream.linear.gather [hbm4b:s0+s3], $0x50, $0x38;
	[tilespmem:$0x1EC00] =	vst v63  }
0x39d: {  	_ =	swait.ge [sflag:s14], $0x50  }
0x39e: {  	[sflag:s14] =	ssyncset.done $0x0  }
0x39f: {  	[sflag:s14] =	ssyncadd.s32 $0xFFFFFFB0  }
0x3a0: {  	_ =	swait.ge [sflag:s14], $0x50  }
0x3a1: {  	[sflag:s14] =	ssyncset.done $0x0  }
0x3a2: {  	[sflag:s14] =	ssyncadd.s32 $0xFFFFFFB0  }
0x3a3: {  	_ =	swait.ge [sflag:s14], $0x50  }
0x3a4: {  	[sflag:s14] =	ssyncset.done $0x0  }
0x3a5: {  	[sflag:s14] =	ssyncadd.s32 $0xFFFFFFB0  }
0x3a6: {  	s17 =	rddreg [dreg:$0x0]  }
0x3a7: {  	[tilespmem:s3], [sflag:$0x1] =	stream.indirect.gather [hbm4b:s17+s16], $0x80, s4, s16, $0xb8;
	[tilespmem:$0x1EC00] =	vst v63  }
0x3a8: {  	_ =	swait.ge [sflag:s25], $0x2800  }
0x3a9: {  	[sflag:s25] =	ssyncset.done $0x0  }
0x3aa: {  	[sflag:s25] =	ssyncadd.s32 $0xFFFFD800  }
0x3ab: {  	_ =	swait.ge [sflag:s26], $0x2800  }
0x3ac: {  	[sflag:s26] =	ssyncset.done $0x0  }
0x3ad: {  	s19 =	simm.s32 $0xAB82;
	[sflag:s26] =	ssyncadd.s32 $0xFFFFD800  }
0x3ae: {  	v2 =	vld [tilespmem:s19+$0x1];
	_ =	sdelay $0x4  }
0x3af: {  	(v2sf) =	vpush v2, $0x0  }
0x3b0: {  	v3 =	vld [tilespmem:s19+$0xFFFFFFFF]  }
0x3b1: {  	v2 =	vld [tilespmem:s19+$0x0]  }
0x3b2: {  	v4 =	vld [tilespmem:s19+$0xFFFFFFFE];
	_ =	sdelay $0x2  }
0x3b3: {  	(v2sf) =	vpush v3, $0x0  }
0x3b4: {  	(v2sf) =	vpush v2, $0x0  }
0x3b5: {  	(v2sf) =	vpush v4, $0x0;
	_ =	sdelay $0x6  }
0x3b6: {  	s20 =	spop (v2sf)  }
0x3b7: {  	s8 =	simm.s32 $0x2900;
	s0 =	sshll.u32 s20, $0x9  }
0x3b8: {  	v2 =	vld [tilespmem:s8+$0x80];
	s9 =	sshra.s32 s0, $0x2  }
0x3b9: {  	v3 =	vld [tilespmem:s9+$0xA000];
	_ =	sdelay $0x2  }
0x3ba: {  	s22 =	spop (v2sf)  }
0x3bb: {  	s31 =	spop (v2sf)  }
0x3bc: {  	s10 =	spop (v2sf);
	v2 =	vadd.f32 v3, v2  }
0x3bd: {  	s2 =	sshll.u32 s10, $0x9  }
0x3be: {  	s28 =	simm.s32 $0x7900;
	v4 =	vld [tilespmem:s8+$0xFFFFFF00];
	s19 =	sshra.s32 s2, $0x2;
	v2 =	vmax.f32 v2, $0.0e+00  }
0x3bf: {  	v3 =	vld [tilespmem:s19+$0xA000];
	[tilespmem:s28+$0x80] =	vst v2  }
0x3c0: {  	v2 =	vld [tilespmem:s8+$0x90]  }
0x3c1: {  	s0 =	sshll.u32 s22, $0x9;
	v5 =	vld [tilespmem:s9+$0xA010]  }
0x3c2: {  	v7 =	vld [tilespmem:s8+$0xFFFFFF80];
	s20 =	sshra.s32 s0, $0x2;
	s11 =	sshll.u32 s31, $0x9  }
0x3c3: {  	v6 =	vld [tilespmem:s20+$0xA000];
	s0 =	sshra.s32 s11, $0x2  }
0x3c4: {  	v8 =	vld [tilespmem:s0+$0xA000];
	v3 =	vadd.f32 v3, v4  }
0x3c5: {  	v4 =	vld [tilespmem:s8+$0x0]  }
0x3c6: {  	v3 =	vmax.f32 v3, $0.0e+00;
	v2 =	vadd.f32 v5, v2  }
0x3c7: {  	[tilespmem:s28+$0xFFFFFF00] =	vst v3  }
0x3c8: {  	v3 =	vadd.f32 v6, v7;
	v5 =	vld [tilespmem:s8+$0xFFFFFF10];
	v2 =	vmax.f32 v2, $0.0e+00  }
0x3c9: {  	v6 =	vld [tilespmem:s19+$0xA010];
	[tilespmem:s28+$0x90] =	vst v2  }
0x3ca: {  	v3 =	vmax.f32 v3, $0.0e+00;
	v2 =	vadd.f32 v8, v4;
	v4 =	vld [tilespmem:s8+$0xA0]  }
0x3cb: {  	[tilespmem:s28+$0xFFFFFF80] =	vst v3;
	v3 =	vld [tilespmem:s9+$0xA020]  }
0x3cc: {  	v7 =	vld [tilespmem:s8+$0xFFFFFF90];
	v2 =	vmax.f32 v2, $0.0e+00  }
0x3cd: {  	[tilespmem:s28+$0x0] =	vst v2;
	v2 =	vld [tilespmem:s20+$0xA010]  }
0x3ce: {  	v5 =	vadd.f32 v6, v5;
	v6 =	vld [tilespmem:s8+$0x10]  }
0x3cf: {  	v8 =	vld [tilespmem:s0+$0xA010]  }
0x3d0: {  	s12 =	simm.s32 $0xAB86;
	v5 =	vmax.f32 v5, $0.0e+00;
	v3 =	vadd.f32 v3, v4  }
0x3d1: {  	v10 =	vld [tilespmem:s12+$0x1];
	[tilespmem:s28+$0xFFFFFF10] =	vst v5  }
0x3d2: {  	v4 =	vld [tilespmem:s8+$0xFFFFFF20];
	v2 =	vadd.f32 v2, v7;
	v3 =	vmax.f32 v3, $0.0e+00  }
0x3d3: {  	v5 =	vld [tilespmem:s19+$0xA020];
	[tilespmem:s28+$0xA0] =	vst v3  }
0x3d4: {  	v3 =	vadd.f32 v8, v6;
	v2 =	vmax.f32 v2, $0.0e+00;
	v6 =	vld [tilespmem:s8+$0xB0]  }
0x3d5: {  	[tilespmem:s28+$0xFFFFFF90] =	vst v2;
	v2 =	vld [tilespmem:s9+$0xA030]  }
0x3d6: {  	v3 =	vmax.f32 v3, $0.0e+00;
	v7 =	vld [tilespmem:s8+$0xFFFFFFA0]  }
0x3d7: {  	v8 =	vld [tilespmem:s20+$0xA020];
	[tilespmem:s28+$0x10] =	vst v3  }
0x3d8: {  	v3 =	vadd.f32 v5, v4;
	v4 =	vld [tilespmem:s8+$0x20]  }
0x3d9: {  	v5 =	vld [tilespmem:s0+$0xA020]  }
0x3da: {  	(v2sf) =	vpush v10, $0x0;
	v3 =	vmax.f32 v3, $0.0e+00;
	v2 =	vadd.f32 v2, v6  }
0x3db: {  	[tilespmem:s28+$0xFFFFFF20] =	vst v3  }
0x3dc: {  	v6 =	vld [tilespmem:s8+$0xFFFFFF30];
	v3 =	vadd.f32 v8, v7;
	v2 =	vmax.f32 v2, $0.0e+00  }
0x3dd: {  	v7 =	vld [tilespmem:s19+$0xA030];
	[tilespmem:s28+$0xB0] =	vst v2  }
0x3de: {  	v2 =	vmax.f32 v3, $0.0e+00;
	v3 =	vadd.f32 v5, v4;
	v4 =	vld [tilespmem:s8+$0xC0]  }
0x3df: {  	[tilespmem:s28+$0xFFFFFFA0] =	vst v2;
	v2 =	vld [tilespmem:s9+$0xA040];
	_ =	sdelay $0x1  }
0x3e0: {  	v11 =	vld [tilespmem:s12+$0xFFFFFFFE]  }
0x3e1: {  	v5 =	vld [tilespmem:s8+$0xFFFFFFB0]  }
0x3e2: {  	v8 =	vld [tilespmem:s20+$0xA030]  }
0x3e3: {  	v3 =	vmax.f32 v3, $0.0e+00;
	v6 =	vadd.f32 v7, v6;
	v7 =	vld [tilespmem:s12+$0x0];
	v2 =	vadd.f32 v2, v4  }
0x3e4: {  	[tilespmem:s28+$0x20] =	vst v3;
	v4 =	vld [tilespmem:s12+$0xFFFFFFFF]  }
0x3e5: {  	v3 =	vld [tilespmem:s8+$0x30];
	v2 =	vmax.f32 v2, $0.0e+00  }
0x3e6: {  	v9 =	vld [tilespmem:s0+$0xA030];
	[tilespmem:s28+$0xC0] =	vst v2  }
0x3e7: {  	v5 =	vadd.f32 v8, v5;
	v2 =	vmax.f32 v6, $0.0e+00;
	v6 =	vld [tilespmem:s8+$0xD0]  }
0x3e8: {  	s13 =	spop (v2sf);
	[tilespmem:s28+$0xFFFFFF30] =	vst v2;
	v2 =	vld [tilespmem:s9+$0xA050]  }
0x3e9: {  	s1 =	sshll.u32 s13, $0x9;
	v5 =	vmax.f32 v5, $0.0e+00;
	(v2sf) =	vpush v4, $0x0;
	v4 =	vld [tilespmem:s8+$0xFFFFFF40]  }
0x3ea: {  	s10 =	sshra.s32 s1, $0x2;
	[tilespmem:s28+$0xFFFFFFB0] =	vst v5;
	v5 =	vld [tilespmem:s19+$0xA040]  }
0x3eb: {  	s22 =	simm.s32 $0x2B00;
	v10 =	vld [tilespmem:s10+$0xA000];
	v3 =	vadd.f32 v9, v3  }
0x3ec: {  	v9 =	vld [tilespmem:s22+$0x80]  }
0x3ed: {  	v3 =	vmax.f32 v3, $0.0e+00;
	(v2sf) =	vpush v7, $0x0;
	v7 =	vld [tilespmem:s8+$0xFFFFFFC0];
	v2 =	vadd.f32 v2, v6  }
0x3ee: {  	[tilespmem:s28+$0x30] =	vst v3;
	v3 =	vld [tilespmem:s20+$0xA040]  }
0x3ef: {  	(v2sf) =	vpush v11, $0x0;
	v8 =	vld [tilespmem:s8+$0x40];
	v4 =	vadd.f32 v5, v4;
	v2 =	vmax.f32 v2, $0.0e+00  }
0x3f0: {  	v6 =	vld [tilespmem:s0+$0xA040];
	[tilespmem:s28+$0xD0] =	vst v2  }
0x3f1: {  	v2 =	vmax.f32 v4, $0.0e+00;
	v4 =	vld [tilespmem:s8+$0xE0]  }
0x3f2: {  	[tilespmem:s28+$0xFFFFFF40] =	vst v2;
	v2 =	vld [tilespmem:s9+$0xA060]  }
0x3f3: {  	v3 =	vadd.f32 v3, v7  }
0x3f4: {  	v5 =	vld [tilespmem:s8+$0xFFFFFF50]  }
0x3f5: {  	v3 =	vmax.f32 v3, $0.0e+00;
	v6 =	vadd.f32 v6, v8;
	v7 =	vld [tilespmem:s19+$0xA050]  }
0x3f6: {  	v9 =	vadd.f32 v10, v9;
	v10 =	vld [tilespmem:s22+$0xFFFFFF00];
	[tilespmem:s28+$0xFFFFFFC0] =	vst v3  }
0x3f7: {  	v3 =	vld [tilespmem:s8+$0xFFFFFFD0];
	v6 =	vmax.f32 v6, $0.0e+00;
	v2 =	vadd.f32 v2, v4  }
0x3f8: {  	v8 =	vld [tilespmem:s20+$0xA050];
	[tilespmem:s28+$0x40] =	vst v6  }
0x3f9: {  	v6 =	vld [tilespmem:s8+$0x50];
	s17 =	spop (v2sf);
	v2 =	vmax.f32 v2, $0.0e+00  }
0x3fa: {  	v5 =	vadd.f32 v7, v5;
	v7 =	vld [tilespmem:s22+$0xFFFFFF80];
	[tilespmem:s28+$0xE0] =	vst v2;
	s2 =	sshll.u32 s17, $0x9  }
0x3fb: {  	v11 =	vld [tilespmem:s9+$0xA070];
	s12 =	sshra.s32 s2, $0x2  }
0x3fc: {  	v9 =	vmax.f32 v9, $0.0e+00;
	s9 =	simm.s32 $0x7B00;
	v13 =	vld [tilespmem:s12+$0xA000]  }
0x3fd: {  	s31 =	spop (v2sf);
	[tilespmem:s9+$0x80] =	vst v9;
	v9 =	vld [tilespmem:s22+$0x0]  }
0x3fe: {  	v3 =	vadd.f32 v8, v3;
	v5 =	vmax.f32 v5, $0.0e+00;
	s11 =	spop (v2sf);
	s1 =	sshll.u32 s31, $0x9;
	v8 =	vld [tilespmem:s22+$0x90]  }
0x3ff: {  	[tilespmem:s28+$0xFFFFFF50] =	vst v5;
	s11 =	sshll.u32 s11, $0x9;
	s17 =	sshra.s32 s1, $0x2;
	v5 =	vld [tilespmem:s10+$0xA010]  }
0x400: {  	s13 =	sshra.s32 s11, $0x2;
	v14 =	vld [tilespmem:s17+$0xA000]  }
0x401: {  	v57 =	vld [tilespmem:s13+$0xA000]  }
0x402: {  	v4 =	vld [tilespmem:s0+$0xA050];
	v7 =	vadd.f32 v13, v7;
	_ =	sdelay $0x1  }
0x403: {  	v5 =	vadd.f32 v5, v8;
	v7 =	vmax.f32 v7, $0.0e+00  }
0x404: {  	v2 =	vld [tilespmem:s8+$0xF0];
	v9 =	vadd.f32 v14, v9;
	[tilespmem:s9+$0xFFFFFF80] =	vst v7  }
0x405: {  	v10 =	vadd.f32 v57, v10;
	v5 =	vmax.f32 v5, $0.0e+00;
	v60 =	vld [tilespmem:s22+$0xFFFFFF90]  }
0x406: {  	v4 =	vadd.f32 v4, v6;
	v6 =	vmax.f32 v9, $0.0e+00;
	[tilespmem:s9+$0x90] =	vst v5;
	v5 =	vld [tilespmem:s12+$0xA010]  }
0x407: {  	v10 =	vmax.f32 v10, $0.0e+00;
	[tilespmem:s9+$0x0] =	vst v6;
	v9 =	vld [tilespmem:s22+$0xA0]  }
0x408: {  	[tilespmem:s9+$0xFFFFFF00] =	vst v10;
	v6 =	vld [tilespmem:s10+$0xA020]  }
0x409: {  	v8 =	vld [tilespmem:s22+$0xFFFFFF10]  }
0x40a: {  	v7 =	vld [tilespmem:s13+$0xA010]  }
0x40b: {  	v3 =	vmax.f32 v3, $0.0e+00;
	v58 =	vld [tilespmem:s8+$0xFFFFFF60]  }
0x40c: {  	[tilespmem:s28+$0xFFFFFFD0] =	vst v3;
	v3 =	vld [tilespmem:s19+$0xA060];
	v4 =	vmax.f32 v4, $0.0e+00  }
0x40d: {  	v59 =	vld [tilespmem:s8+$0xFFFFFFE0];
	[tilespmem:s28+$0x50] =	vst v4;
	v5 =	vadd.f32 v5, v60  }
0x40e: {  	v61 =	vld [tilespmem:s8+$0x60];
	v6 =	vadd.f32 v6, v9  }
0x40f: {  	v4 =	vld [tilespmem:s17+$0xA010];
	v7 =	vadd.f32 v7, v8;
	v5 =	vmax.f32 v5, $0.0e+00  }
0x410: {  	v8 =	vld [tilespmem:s22+$0x10];
	[tilespmem:s9+$0xFFFFFF90] =	vst v5;
	v6 =	vmax.f32 v6, $0.0e+00  }
0x411: {  	v10 =	vld [tilespmem:s20+$0xA060];
	v7 =	vmax.f32 v7, $0.0e+00;
	[tilespmem:s9+$0xA0] =	vst v6  }
0x412: {  	v6 =	vld [tilespmem:s12+$0xA020];
	[tilespmem:s9+$0xFFFFFF10] =	vst v7  }
0x413: {  	v9 =	vld [tilespmem:s22+$0xFFFFFF20]  }
0x414: {  	v5 =	vld [tilespmem:s13+$0xA020]  }
0x415: {  	v7 =	vld [tilespmem:s0+$0xA060];
	v4 =	vadd.f32 v4, v8  }
0x416: {  	v8 =	vld [tilespmem:s22+$0xFFFFFFA0]  }
0x417: {  	v3 =	vadd.f32 v3, v58;
	v62 =	vld [tilespmem:s22+$0xB0];
	v4 =	vmax.f32 v4, $0.0e+00  }
0x418: {  	[tilespmem:s9+$0x10] =	vst v4;
	v4 =	vld [tilespmem:s10+$0xA030]  }
0x419: {  	v3 =	vmax.f32 v3, $0.0e+00;
	v5 =	vadd.f32 v5, v9;
	v9 =	vld [tilespmem:s22+$0x20]  }
0x41a: {  	[tilespmem:s28+$0xFFFFFF60] =	vst v3;
	v3 =	vld [tilespmem:s17+$0xA020]  }
0x41b: {  	v6 =	vadd.f32 v6, v8;
	v8 =	vld [tilespmem:s8+$0xFFFFFF70];
	v5 =	vmax.f32 v5, $0.0e+00  }
0x41c: {  	v2 =	vadd.f32 v11, v2;
	[tilespmem:s9+$0xFFFFFF20] =	vst v5;
	v5 =	vld [tilespmem:s19+$0xA070]  }
0x41d: {  	v6 =	vmax.f32 v6, $0.0e+00;
	v4 =	vadd.f32 v4, v62;
	v63 =	vld [tilespmem:s22+$0xFFFFFF30]  }
0x41e: {  	v2 =	vmax.f32 v2, $0.0e+00;
	[tilespmem:s9+$0xFFFFFFA0] =	vst v6;
	v6 =	vld [tilespmem:s13+$0xA030]  }
0x41f: {  	[tilespmem:s28+$0xF0] =	vst v2;
	v3 =	vadd.f32 v3, v9;
	v9 =	vld [tilespmem:s22+$0xFFFFFFB0];
	v4 =	vmax.f32 v4, $0.0e+00  }
0x420: {  	v2 =	vadd.f32 v7, v61;
	v11 =	vld [tilespmem:s12+$0xA030];
	[tilespmem:s9+$0xB0] =	vst v4  }
0x421: {  	v10 =	vadd.f32 v10, v59;
	v3 =	vmax.f32 v3, $0.0e+00;
	v4 =	vld [tilespmem:s22+$0xC0]  }
0x422: {  	v2 =	vmax.f32 v2, $0.0e+00;
	v7 =	vadd.f32 v5, v8;
	[tilespmem:s9+$0x20] =	vst v3;
	v5 =	vld [tilespmem:s10+$0xA040]  }
0x423: {  	[tilespmem:s28+$0x60] =	vst v2;
	v8 =	vmax.f32 v10, $0.0e+00;
	v3 =	vadd.f32 v6, v63;
	v6 =	vld [tilespmem:s22+$0x30]  }
0x424: {  	[tilespmem:s28+$0xFFFFFFE0] =	vst v8;
	v2 =	vmax.f32 v7, $0.0e+00;
	v7 =	vld [tilespmem:s17+$0xA030]  }
0x425: {  	v8 =	vadd.f32 v11, v9;
	[tilespmem:s28+$0xFFFFFF70] =	vst v2;
	v3 =	vmax.f32 v3, $0.0e+00;
	v2 =	vld [tilespmem:s8+$0xFFFFFFF0]  }
0x426: {  	s19 =	simm.s32 $0x4;
	[tilespmem:s9+$0xFFFFFF30] =	vst v3;
	v3 =	vld [tilespmem:s20+$0xA070];
	s20 =	simm.s32 $0xAB8A  }
.LBB2_11:
0x427: {  	v9 =	vld [tilespmem:s20+$0x1];
	v8 =	vmax.f32 v8, $0.0e+00;
	v4 =	vadd.f32 v5, v4  }
0x428: {  	v5 =	vld [tilespmem:s20+$0xFFFFFFFF];
	[tilespmem:s9+$0xFFFFFFB0] =	vst v8  }
0x429: {  	v8 =	vld [tilespmem:s20+$0x0];
	v6 =	vadd.f32 v7, v6;
	v4 =	vmax.f32 v4, $0.0e+00  }
0x42a: {  	v7 =	vld [tilespmem:s20+$0xFFFFFFFE];
	[tilespmem:s9+$0xC0] =	vst v4  }
0x42b: {  	v4 =	vmax.f32 v6, $0.0e+00;
	v6 =	vld [tilespmem:s22+$0xD0];
	v2 =	vadd.f32 v3, v2  }
0x42c: {  	(v2sf) =	vpush v9, $0x0;
	[tilespmem:s9+$0x30] =	vst v4;
	v3 =	vld [tilespmem:s10+$0xA050]  }
0x42d: {  	(v2sf) =	vpush v5, $0x0;
	v4 =	vld [tilespmem:s22+$0xFFFFFF40];
	v2 =	vmax.f32 v2, $0.0e+00  }
0x42e: {  	s19 =	sadd.s32 $0x4, s19;
	(v2sf) =	vpush v8, $0x0;
	v5 =	vld [tilespmem:s13+$0xA040];
	[tilespmem:s28+$0xFFFFFFF0] =	vst v2  }
0x42f: {  	p1 =	slt.u32 s19, $0x4C;
	(v2sf) =	vpush v7, $0x0;
	v2 =	vld [tilespmem:s22+$0xFFFFFFC0]  }
0x430: {  	v7 =	vld [tilespmem:s12+$0xA040]  }
0x431: {  	v8 =	vld [tilespmem:s22+$0x40];
	v3 =	vadd.f32 v3, v6  }
0x432: {  	v6 =	vld [tilespmem:s17+$0xA040]  }
0x433: {  	v4 =	vadd.f32 v5, v4;
	v3 =	vmax.f32 v3, $0.0e+00;
	v5 =	vld [tilespmem:s8+$0x70];
	s8 =	smov.u32 s22  }
0x434: {  	[tilespmem:s9+$0xD0] =	vst v3;
	v3 =	vld [tilespmem:s0+$0xA070];
	s0 =	smov.u32 s17  }
0x435: {  	v4 =	vmax.f32 v4, $0.0e+00;
	v2 =	vadd.f32 v7, v2;
	v7 =	vld [tilespmem:s22+$0xE0]  }
0x436: {  	[tilespmem:s9+$0xFFFFFF40] =	vst v4;
	v4 =	vld [tilespmem:s10+$0xA060]  }
0x437: {  	v9 =	vld [tilespmem:s22+$0xFFFFFF50];
	v2 =	vmax.f32 v2, $0.0e+00;
	v6 =	vadd.f32 v6, v8  }
0x438: {  	v8 =	vld [tilespmem:s13+$0xA050];
	[tilespmem:s9+$0xFFFFFFC0] =	vst v2  }
0x439: {  	v2 =	vld [tilespmem:s22+$0xFFFFFFD0];
	v6 =	vmax.f32 v6, $0.0e+00;
	v3 =	vadd.f32 v3, v5  }
0x43a: {  	v5 =	vld [tilespmem:s12+$0xA050];
	[tilespmem:s9+$0x40] =	vst v6  }
0x43b: {  	s1 =	spop (v2sf);
	v6 =	vld [tilespmem:s22+$0x50];
	v4 =	vadd.f32 v4, v7;
	v3 =	vmax.f32 v3, $0.0e+00  }
0x43c: {  	s22 =	sadd.s32 $0x200, s22;
	s1 =	sshll.u32 s1, $0x9;
	s2 =	spop (v2sf);
	v7 =	vld [tilespmem:s0+$0xA050];
	[tilespmem:s28+$0x70] =	vst v3  }
0x43d: {  	s2 =	sshll.u32 s2, $0x9;
	v3 =	vld [tilespmem:s22+$0x80];
	s11 =	sshra.s32 s1, $0x2;
	s1 =	spop (v2sf);
	v8 =	vadd.f32 v8, v9;
	v4 =	vmax.f32 v4, $0.0e+00  }
0x43e: {  	s31 =	sshra.s32 s2, $0x2;
	s1 =	sshll.u32 s1, $0x9;
	v9 =	vld [tilespmem:s11+$0xA000];
	s2 =	spop (v2sf);
	[tilespmem:s9+$0xE0] =	vst v4  }
0x43f: {  	s28 =	smov.u32 s9;
	s2 =	sshll.u32 s2, $0x9;
	s17 =	sshra.s32 s1, $0x2;
	v4 =	vmax.f32 v8, $0.0e+00;
	v2 =	vadd.f32 v5, v2;
	v5 =	vld [tilespmem:s8+$0xF0]  }
0x440: {  	s1 =	sshra.s32 s2, $0x2;
	[tilespmem:s9+$0xFFFFFF50] =	vst v4;
	v4 =	vld [tilespmem:s10+$0xA070];
	s10 =	smov.u32 s11  }
0x441: {  	v8 =	vld [tilespmem:s1+$0xA000];
	v2 =	vmax.f32 v2, $0.0e+00;
	v6 =	vadd.f32 v7, v6  }
0x442: {  	v7 =	vld [tilespmem:s31+$0xA000];
	[tilespmem:s9+$0xFFFFFFD0] =	vst v2  }
0x443: {  	v2 =	vld [tilespmem:s17+$0xA000];
	v3 =	vadd.f32 v9, v3;
	v6 =	vmax.f32 v6, $0.0e+00  }
0x444: {  	v9 =	vld [tilespmem:s22+$0xFFFFFF00];
	[tilespmem:s9+$0x50] =	vst v6  }
0x445: {  	s9 =	sadd.s32 $0x200, s9;
	v6 =	vld [tilespmem:s22+$0xFFFFFF80];
	v3 =	vmax.f32 v3, $0.0e+00;
	v4 =	vadd.f32 v4, v5  }
0x446: {  	v5 =	vld [tilespmem:s22+$0x0];
	[tilespmem:s9+$0x80] =	vst v3  }
0x447: {  	v3 =	vld [tilespmem:s22+$0x90];
	v4 =	vmax.f32 v4, $0.0e+00  }
0x448: {  	v10 =	vld [tilespmem:s10+$0xA010];
	[tilespmem:s28+$0xF0] =	vst v4  }
0x449: {  	v4 =	vadd.f32 v8, v9;
	v8 =	vld [tilespmem:s8+$0xFFFFFF60]  }
0x44a: {  	v6 =	vadd.f32 v7, v6;
	v7 =	vld [tilespmem:s13+$0xA060]  }
0x44b: {  	v4 =	vmax.f32 v4, $0.0e+00;
	v2 =	vadd.f32 v2, v5;
	v5 =	vld [tilespmem:s8+$0xFFFFFFE0]  }
0x44c: {  	[tilespmem:s9+$0xFFFFFF00] =	vst v4;
	v4 =	vmax.f32 v6, $0.0e+00;
	v6 =	vld [tilespmem:s12+$0xA060]  }
0x44d: {  	v9 =	vld [tilespmem:s22+$0xFFFFFF10];
	[tilespmem:s9+$0xFFFFFF80] =	vst v4;
	v2 =	vmax.f32 v2, $0.0e+00;
	v3 =	vadd.f32 v10, v3  }
0x44e: {  	v4 =	vld [tilespmem:s1+$0xA010];
	[tilespmem:s9+$0x0] =	vst v2  }
0x44f: {  	v2 =	vld [tilespmem:s22+$0xFFFFFF90];
	v3 =	vmax.f32 v3, $0.0e+00;
	v7 =	vadd.f32 v7, v8  }
0x450: {  	v8 =	vld [tilespmem:s31+$0xA010];
	[tilespmem:s9+$0x90] =	vst v3  }
0x451: {  	v3 =	vld [tilespmem:s22+$0xA0];
	v7 =	vmax.f32 v7, $0.0e+00;
	v5 =	vadd.f32 v6, v5  }
0x452: {  	v6 =	vld [tilespmem:s10+$0xA020];
	[tilespmem:s28+$0xFFFFFF60] =	vst v7  }
0x453: {  	v4 =	vadd.f32 v4, v9;
	v7 =	vld [tilespmem:s22+$0x10];
	v5 =	vmax.f32 v5, $0.0e+00  }
0x454: {  	v9 =	vld [tilespmem:s17+$0xA010];
	[tilespmem:s28+$0xFFFFFFE0] =	vst v5  }
0x455: {  	v4 =	vmax.f32 v4, $0.0e+00;
	v2 =	vadd.f32 v8, v2;
	v5 =	vld [tilespmem:s8+$0x60]  }
0x456: {  	[tilespmem:s9+$0xFFFFFF10] =	vst v4;
	v4 =	vld [tilespmem:s0+$0xA060]  }
0x457: {  	v8 =	vld [tilespmem:s22+$0xFFFFFF20];
	v2 =	vmax.f32 v2, $0.0e+00;
	v3 =	vadd.f32 v6, v3  }
0x458: {  	v6 =	vld [tilespmem:s1+$0xA020];
	[tilespmem:s9+$0xFFFFFF90] =	vst v2  }
0x459: {  	v2 =	vld [tilespmem:s22+$0xFFFFFFA0];
	v7 =	vadd.f32 v9, v7;
	v3 =	vmax.f32 v3, $0.0e+00  }
0x45a: {  	v9 =	vld [tilespmem:s31+$0xA020];
	[tilespmem:s9+$0xA0] =	vst v3  }
0x45b: {  	v3 =	vmax.f32 v7, $0.0e+00;
	v7 =	vld [tilespmem:s22+$0xB0];
	v4 =	vadd.f32 v4, v5  }
0x45c: {  	[tilespmem:s9+$0x10] =	vst v3;
	v3 =	vld [tilespmem:s10+$0xA030]  }
0x45d: {  	v5 =	vadd.f32 v6, v8;
	v6 =	vld [tilespmem:s22+$0x20];
	v4 =	vmax.f32 v4, $0.0e+00  }
0x45e: {  	v8 =	vld [tilespmem:s17+$0xA020];
	[tilespmem:s28+$0x60] =	vst v4  }
0x45f: {  	v4 =	vmax.f32 v5, $0.0e+00;
	v2 =	vadd.f32 v9, v2;
	v5 =	vld [tilespmem:s8+$0xFFFFFF70]  }
0x460: {  	[tilespmem:s9+$0xFFFFFF20] =	vst v4;
	v9 =	vld [tilespmem:s13+$0xA070];
	s13 =	smov.u32 s1  }
0x461: {  	v10 =	vld [tilespmem:s22+$0xFFFFFF30];
	v2 =	vmax.f32 v2, $0.0e+00;
	v3 =	vadd.f32 v3, v7  }
0x462: {  	v7 =	vld [tilespmem:s13+$0xA030];
	[tilespmem:s9+$0xFFFFFFA0] =	vst v2  }
0x463: {  	v2 =	vld [tilespmem:s22+$0xFFFFFFB0];
	v4 =	vadd.f32 v8, v6;
	v3 =	vmax.f32 v3, $0.0e+00  }
0x464: {  	v8 =	vld [tilespmem:s31+$0xA030];
	[tilespmem:s9+$0xB0] =	vst v3  }
0x465: {  	v3 =	vmax.f32 v4, $0.0e+00;
	v4 =	vld [tilespmem:s22+$0xC0];
	v9 =	vadd.f32 v9, v5  }
.Ltmp4:
0x466: {  	[tilespmem:s9+$0x20] =	vst v3;
	v5 =	vld [tilespmem:s10+$0xA040];
	(pc) =	sbr.rel @p1 .LBB2_11-.Ltmp4, $4  }
0x467: {  	v3 =	vadd.f32 v7, v10;
	v6 =	vld [tilespmem:s22+$0x30];
	v9 =	vmax.f32 v9, $0.0e+00  }
0x468: {  	v7 =	vld [tilespmem:s17+$0xA030];
	[tilespmem:s28+$0xFFFFFF70] =	vst v9  }
0x469: {  	v3 =	vmax.f32 v3, $0.0e+00;
	v8 =	vadd.f32 v8, v2;
	v2 =	vld [tilespmem:s8+$0xFFFFFFF0]  }
0x46a: {  	s20 =	sadd.s32 $0x4, s20;
	[tilespmem:s9+$0xFFFFFF30] =	vst v3;
	v3 =	vld [tilespmem:s12+$0xA070];
	s12 =	smov.u32 s31  }
0x46b: {  	_ =	sdelay $0x1  }
0x46c: {  	v8 =	vmax.f32 v8, $0.0e+00;
	v42 =	vld [tilespmem:s22+$0xFFFFFF40];
	v6 =	vadd.f32 v7, v6  }
0x46d: {  	v43 =	vld [tilespmem:s13+$0xA040];
	[tilespmem:s9+$0xFFFFFFB0] =	vst v8  }
0x46e: {  	v9 =	vld [tilespmem:s22+$0xFFFFFFC0];
	v6 =	vmax.f32 v6, $0.0e+00  }
0x46f: {  	v44 =	vld [tilespmem:s12+$0xA040];
	[tilespmem:s9+$0x30] =	vst v6  }
0x470: {  	v4 =	vadd.f32 v5, v4;
	v45 =	vld [tilespmem:s22+$0x40]  }
0x471: {  	v10 =	vld [tilespmem:s17+$0xA040]  }
0x472: {  	v4 =	vmax.f32 v4, $0.0e+00;
	v7 =	vadd.f32 v43, v42  }
0x473: {  	[tilespmem:s9+$0xC0] =	vst v4  }
0x474: {  	v4 =	vld [tilespmem:s22+$0xD0];
	v7 =	vmax.f32 v7, $0.0e+00;
	v6 =	vadd.f32 v44, v9  }
0x475: {  	v46 =	vld [tilespmem:s10+$0xA050];
	[tilespmem:s9+$0xFFFFFF40] =	vst v7  }
0x476: {  	v7 =	vld [tilespmem:s22+$0xFFFFFF50];
	v6 =	vmax.f32 v6, $0.0e+00;
	v5 =	vadd.f32 v10, v45  }
0x477: {  	v47 =	vld [tilespmem:s13+$0xA050];
	[tilespmem:s9+$0xFFFFFFC0] =	vst v6  }
0x478: {  	v6 =	vld [tilespmem:s22+$0xFFFFFFD0];
	v5 =	vmax.f32 v5, $0.0e+00  }
0x479: {  	v48 =	vld [tilespmem:s12+$0xA050];
	[tilespmem:s9+$0x40] =	vst v5  }
0x47a: {  	v4 =	vadd.f32 v46, v4;
	v5 =	vld [tilespmem:s22+$0x50]  }
0x47b: {  	v49 =	vld [tilespmem:s17+$0xA050]  }
0x47c: {  	v4 =	vmax.f32 v4, $0.0e+00;
	v7 =	vadd.f32 v47, v7  }
0x47d: {  	[tilespmem:s9+$0xD0] =	vst v4  }
0x47e: {  	v4 =	vld [tilespmem:s22+$0xE0];
	v7 =	vmax.f32 v7, $0.0e+00;
	v6 =	vadd.f32 v48, v6  }
0x47f: {  	v50 =	vld [tilespmem:s10+$0xA060];
	[tilespmem:s9+$0xFFFFFF50] =	vst v7  }
0x480: {  	v6 =	vmax.f32 v6, $0.0e+00;
	v7 =	vld [tilespmem:s22+$0xFFFFFF60];
	v5 =	vadd.f32 v49, v5  }
0x481: {  	v51 =	vld [tilespmem:s13+$0xA060];
	[tilespmem:s9+$0xFFFFFFD0] =	vst v6  }
0x482: {  	v52 =	vld [tilespmem:s22+$0xFFFFFFE0];
	v5 =	vmax.f32 v5, $0.0e+00  }
0x483: {  	v53 =	vld [tilespmem:s12+$0xA060];
	[tilespmem:s9+$0x50] =	vst v5  }
0x484: {  	v4 =	vadd.f32 v50, v4;
	v54 =	vld [tilespmem:s22+$0x60]  }
0x485: {  	v55 =	vld [tilespmem:s17+$0xA060]  }
0x486: {  	v11 =	vld [tilespmem:s8+$0x70];
	v4 =	vmax.f32 v4, $0.0e+00;
	v6 =	vadd.f32 v51, v7  }
0x487: {  	v56 =	vld [tilespmem:s0+$0xA070];
	[tilespmem:s9+$0xE0] =	vst v4  }
0x488: {  	v4 =	vld [tilespmem:s22+$0xF0];
	v6 =	vmax.f32 v6, $0.0e+00;
	v5 =	vadd.f32 v53, v52  }
0x489: {  	v57 =	vld [tilespmem:s10+$0xA070];
	[tilespmem:s9+$0xFFFFFF60] =	vst v6  }
0x48a: {  	v5 =	vmax.f32 v5, $0.0e+00;
	v59 =	vld [tilespmem:s22+$0xFFFFFF70];
	v58 =	vadd.f32 v55, v54  }
0x48b: {  	v60 =	vld [tilespmem:s13+$0xA070];
	[tilespmem:s9+$0xFFFFFFE0] =	vst v5  }
0x48c: {  	v61 =	vld [tilespmem:s22+$0xFFFFFFF0];
	v6 =	vmax.f32 v58, $0.0e+00  }
0x48d: {  	v62 =	vld [tilespmem:s12+$0xA070];
	[tilespmem:s9+$0x60] =	vst v6  }
0x48e: {  	v12 =	vld [tilespmem:s22+$0x70]  }
0x48f: {  	v2 =	vadd.f32 v3, v2;
	v3 =	vld [tilespmem:s17+$0xA070]  }
0x490: {  	v7 =	vadd.f32 v56, v11  }
0x491: {  	v2 =	vmax.f32 v2, $0.0e+00;
	v4 =	vadd.f32 v57, v4  }
0x492: {  	[tilespmem:s28+$0xFFFFFFF0] =	vst v2;
	v2 =	vmax.f32 v7, $0.0e+00;
	v5 =	vadd.f32 v60, v59  }
0x493: {  	[tilespmem:s28+$0x70] =	vst v2;
	v2 =	vmax.f32 v4, $0.0e+00;
	v63 =	vadd.f32 v62, v61  }
0x494: {  	[tilespmem:s9+$0xF0] =	vst v2;
	v2 =	vmax.f32 v5, $0.0e+00;
	v3 =	vadd.f32 v3, v12  }
0x495: {  	s19 =	sadd.s32 $0x5, s15;
	[tilespmem:s9+$0xFFFFFF70] =	vst v2;
	v2 =	vmax.f32 v63, $0.0e+00  }
0x496: {  	s1 =	simm.s32 $0xAA80;
	s0 =	sand.u32 $0x7D, s19;
	[tilespmem:s9+$0xFFFFFFF0] =	vst v2;
	v2 =	vmax.f32 v3, $0.0e+00  }
0x497: {  	s2 =	simm.s32 $0x7800;
	s20 =	sor.u32 s18, s0;
	s17 =	rddreg [dreg:$0x2];
	[tilespmem:s9+$0x70] =	vst v2  }
0x498: {  	[spmem:s17] =	stream.indirect.scatter.add.f32 [tilespmem:s2], [sflag:$0x6], $0x80, s1, s16, $0xb8;
	[tilespmem:$0x1EC00] =	vst v63  }
0x499: {  	s29 =	sadd.s32 $0x1, s29;
	s1 =	smul.u32 $0xA, s20  }
0x49a: {  	p1 =	sne.s32 s29, $0x20;
	s0 =	sor.u32 s30, s0  }
0x49b: {  	s0 =	smul.u32 $0xA, s0;
	s9 =	simm.s32 $0xA880;
	s1 =	sadd.s32 s5, s1  }
0x49c: {  	[tilespmem:s9], [sflag:$0x4] =	stream.linear.gather [hbm4b:s1+s3], $0x50, $0x38;
	[tilespmem:$0x1EC00] =	vst v63  }
.Ltmp5:
0x49d: {  	_ = 	snop;
	(pc) =	sbr.rel @p1 .LBB2_4-.Ltmp5, $4  }
0x49e: {  	s28 =	simm.s32 $0xA980;
	s22 =	sadd.s32 s6, s0  }
0x49f: {  	[tilespmem:s28], [sflag:$0x4] =	stream.linear.gather [hbm4b:s22+s3], $0x50, $0x38;
	[tilespmem:$0x1EC00] =	vst v63  }
0x4a0: {  	s31 =	simm.s32 $0xAB80;
	s0 =	sadd.s32 s7, s0  }
0x4a1: {  	[tilespmem:s31], [sflag:$0x4] =	stream.linear.gather [hbm4b:s0+s3], $0x50, $0x38;
	[tilespmem:$0x1EC00] =	vst v63  }
0x4a2: {  	_ =	swait.ge [sflag:s23], $0x2800  }
0x4a3: {  	[sflag:s23] =	ssyncset.done $0x0  }
0x4a4: {  	[sflag:s23] =	ssyncadd.s32 $0xFFFFD800  }
0x4a5: {  	_ =	swait.ge [sflag:s21], $0x50  }
0x4a6: {  	[sflag:s21] =	ssyncset.done $0x0  }
0x4a7: {  	[sflag:s21] =	ssyncadd.s32 $0xFFFFFFB0  }
0x4a8: {  	_ =	swait.ge [sflag:s21], $0x50  }
0x4a9: {  	[sflag:s21] =	ssyncset.done $0x0  }
0x4aa: {  	[sflag:s21] =	ssyncadd.s32 $0xFFFFFFB0  }
0x4ab: {  	_ =	swait.ge [sflag:s21], $0x50  }
0x4ac: {  	[sflag:s21] =	ssyncset.done $0x0  }
0x4ad: {  	[sflag:s21] =	ssyncadd.s32 $0xFFFFFFB0  }
0x4ae: {  	_ =	swait.ge [sflag:s24], $0x2800  }
0x4af: {  	[sflag:s24] =	ssyncset.done $0x0  }
0x4b0: {  	[sflag:s24] =	ssyncadd.s32 $0xFFFFD800  }
0x4b1: {  	_ =	swait.ge [sflag:s26], $0x2800  }
0x4b2: {  	[sflag:s26] =	ssyncset.done $0x0  }
0x4b3: {  	[sflag:s26] =	ssyncadd.s32 $0xFFFFD800  }
0x4b4: {  	s0 =	stileid.u32;
	[bflag:$0x0] =	sbarrier.arrive $0xFFFF  }
0x4b5: {  	s0 =	sshll.u32 s0, $0x6;
	s1 =	rddreg [dreg:$0x10]  }
0x4b6: {  	s8 =	simm.s32 $0x7;
	s0 =	sor.u32 $0x1C07, s0;
	s2 =	rddreg [dreg:$0x13]  }
0x4b7: {  	[hbm:s1], [sflag:s0] =	dma.local [spmem:s2], $0x2700  }
0x4b8: {  	_ =	swait.ge [sflag:s8], $0x2700  }
0x4b9: {  	[sflag:s8] =	ssyncset.done $0x0;
	s1 =	rddreg [dreg:$0x11]  }
0x4ba: {  	s2 =	rddreg [dreg:$0x14];
	[sflag:s8] =	ssyncadd.s32 $0xFFFFD900  }
0x4bb: {  	[hbm:s1], [sflag:s0] =	dma.local @!p0 [spmem:s2], $0x100  }
0x4bc: {  	s0 =	simm.s32 @!p0 $0x7  }
0x4bd: {  	_ =	swait.ge @!p0 [sflag:s0], $0x100  }
0x4be: {  	s29 =	rddreg [dreg:$0x18]  }
0x4bf: {  	s31 =	rddreg [dreg:$0x12];
	s2 =	sadd.s32 $0x1, s29  }
0x4c0: {  	p1 =	sne.s32 s2, s31  }
.Ltmp6:
0x4c1: {  	_ = 	snop;
	(pc) =	sbr.rel @p1 .LBB2_1-.Ltmp6, $3  }
0x4c2: {  	_ =	sdelay $0x1  }
0x4c3: {  	[sflag:s0] =	ssyncset.done @!p0 $0x0  }
0x4c4: {  	[sflag:s0] =	ssyncadd.s32 @!p0 $0xFFFFFF00  }
0x4c5: {  	_ =	sfence.sel $0x180000  }
0x4c6: {  	[bflag:$0x0] =	sbarrier.arrive $0xFFFF  }
0x4c7: {  	_ =	strace $0x90000047  }
0x4c8: {  	s0 =	stileid.u32;
	[bflag:$0x2] =	sbarrier.arrive $0xFFFF  }
0x4c9: {  	p0 =	sne.s32 s0, $0x0;
	s0 =	rddreg [dreg:$0x3]  }
0x4ca: {  	s0 =	sadd.s32 @!p0 $0x100000, s0  }
0x4cb: {  	[sflag:s0] =	ssyncadd.tile.s32 @!p0 $0x1;
	_ =	shalt  }
.Lfunc_end2:
_tile_overlayer_lowered:
.L_overlay_start_2:
0x4cc: {  	(tag) =	ssettag $0x2  }
0x4cd: {  	s0 =	rddreg [dreg:$0x0];
	s2 =	stileid.u32  }
0x4ce: {  	s1 =	rddreg [dreg:$0x1];
	p0 =	sne.s32 s2, $0x0  }
0x4cf: {  	s3 =	rddreg [dreg:$0x2];
	[bflag:$0x3] =	sbarrier.arrive $0xFFFF;
	s2 =	simm.s32 @!p0 $0x1C07  }
0x4d0: {  	[timem:s3], [sflag:s2] =	dma.local @!p0 [hbm:s0], s1  }
0x4d1: {  	s0 =	simm.s32 @!p0 $0x7  }
0x4d2: {  	_ =	swait.ge @!p0 [sflag:s0], s1  }
0x4d3: {  	s1 =	ssub.s32 @!p0 $0x0, s1;
	[sflag:s0] =	ssyncset.done @!p0 $0x0  }
0x4d4: {  	[sflag:s0] =	ssyncadd.s32 @!p0 s1  }
0x4d5: {  	[bflag:$0x3] =	sbarrier.arrive $0xFFFF  }
0x4d6: {  	_ =	shalt  }

</sc_bundles>
